<compile_context>
chip_gen: v7x
topology: tpu7x:2x2x1
jax: 0.10.2.dev20260603
libtpu: 0.0.44.dev20260713+nightly
codegen_flags: <defaults>
</compile_context>

<pallas_src>
import functools

import jax
import jax.numpy as jnp
from jax import lax
from jax.experimental import pallas as pl
from jax.experimental.pallas import tpu as pltpu
from jax.experimental.pallas import tpu_sc as plsc

D = 128
LEVELS = 8
CHUNK = 256
ZROWS = 64
NB = 1024
NUM_CORES = 2
NUM_SUBCORES = 16
NUM_TILES = NUM_CORES * NUM_SUBCORES


def _round_up(x, m):
    return (x + m - 1) // m * m



def _tab_body(xs_ref, ys_ref,
              aW1_ref, ab1_ref, aW2_ref, ab2_ref,
              bW1x_ref, bW1y_ref, bb1_ref, bW2_ref, bb2_ref,
              ta_ref, tb_ref):
    xs = xs_ref[...]
    ys = ys_ref[...]
    ha = jnp.maximum(
        jnp.dot(xs, aW1_ref[...], preferred_element_type=jnp.float32)
        + ab1_ref[...], 0.0)
    ta_ref[...] = (
        jnp.dot(ha, aW2_ref[...], preferred_element_type=jnp.float32)
        + ab2_ref[...])
    hb = jnp.maximum(
        jnp.dot(xs, bW1x_ref[...], preferred_element_type=jnp.float32)
        + jnp.dot(ys, bW1y_ref[...], preferred_element_type=jnp.float32)
        + bb1_ref[...], 0.0)
    tb_ref[...] = (
        jnp.dot(hb, bW2_ref[...], preferred_element_type=jnp.float32)
        + bb2_ref[...])


def _tables(xs, ys, aW1, ab1, aW2, ab2, bW1x, bW1y, bb1, bW2, bb2):
    np_, _ = xs.shape
    grid = (np_ // NB,)
    blk = pl.BlockSpec((NB, D), lambda i: (i, 0))
    full = lambda s: pl.BlockSpec(s, lambda i: tuple(0 for _ in s))
    return pl.pallas_call(
        _tab_body,
        grid=grid,
        in_specs=[blk, blk,
                  full((D, D)), full((1, D)), full((D, D)), full((1, D)),
                  full((D, D)), full((D, D)), full((1, D)), full((D, D)),
                  full((1, D))],
        out_specs=[blk, blk],
        out_shape=[jax.ShapeDtypeStruct((np_, D), jnp.float32)] * 2,
    )(xs, ys, aW1, ab1, aW2, ab2, bW1x, bW1y, bb1, bW2, bb2)



def _gru_one(msg, h, WihT_ref, WhhT_ref, bih_ref, bhh_ref):
    gi = jnp.dot(msg, WihT_ref[...], preferred_element_type=jnp.float32) \
        + bih_ref[...]
    gh = jnp.dot(h, WhhT_ref[...], preferred_element_type=jnp.float32) \
        + bhh_ref[...]
    i_r, i_z, i_n = gi[:, :D], gi[:, D:2 * D], gi[:, 2 * D:]
    h_r, h_z, h_n = gh[:, :D], gh[:, D:2 * D], gh[:, 2 * D:]
    r = jax.nn.sigmoid(i_r + h_r)
    z = jax.nn.sigmoid(i_z + h_z)
    n = jnp.tanh(i_n + r * h_n)
    return (1.0 - z) * n + z * h


def _gru_body(ma_ref, mb_ref, hs_ref, hf_ref, mask_ref,
              aWihT_ref, aWhhT_ref, abih_ref, abhh_ref,
              bWihT_ref, bWhhT_ref, bbih_ref, bbhh_ref,
              hso_ref, hfo_ref):
    msga = ma_ref[0] + ma_ref[1]
    msgb = mb_ref[0] + mb_ref[1]
    hs = hs_ref[...]
    hf = hf_ref[...]
    mask = mask_ref[...]
    new_s = _gru_one(msga, hs, aWihT_ref, aWhhT_ref, abih_ref, abhh_ref)
    new_f = _gru_one(msgb, hf, bWihT_ref, bWhhT_ref, bbih_ref, bbhh_ref)
    hso_ref[...] = mask * new_s + (1.0 - mask) * hs
    hfo_ref[...] = mask * new_f + (1.0 - mask) * hf


def _gru_update(ma, mb, hs, hf, mask,
                aWihT, aWhhT, abih, abhh, bWihT, bWhhT, bbih, bbhh):
    np_, _ = hs.shape
    grid = (np_ // NB,)
    blk = pl.BlockSpec((NB, D), lambda i: (i, 0))
    blk2 = pl.BlockSpec((2, NB, D), lambda i: (0, i, 0))
    full = lambda s: pl.BlockSpec(s, lambda i: tuple(0 for _ in s))
    return pl.pallas_call(
        _gru_body,
        grid=grid,
        in_specs=[blk2, blk2, blk, blk, blk,
                  full((D, 3 * D)), full((D, 3 * D)), full((1, 3 * D)),
                  full((1, 3 * D)),
                  full((D, 3 * D)), full((D, 3 * D)), full((1, 3 * D)),
                  full((1, 3 * D))],
        out_specs=[blk, blk],
        out_shape=[jax.ShapeDtypeStruct((np_, D), jnp.float32)] * 2,
    )(ma, mb, hs, hf, mask,
      aWihT, aWhhT, abih, abhh, bWihT, bWhhT, bbih, bbhh)



def _pre_body(W1_ref, b1_ref, W2_ref, b2_ref,
              WihT_ref, bih_ref, bhh_ref, out_ref):
    x = jnp.zeros((8, D), jnp.float32)

    def mlp(v):
        h = jnp.maximum(
            jnp.dot(v, W1_ref[...], preferred_element_type=jnp.float32)
            + b1_ref[...], 0.0)
        return jnp.dot(h, W2_ref[...], preferred_element_type=jnp.float32) \
            + b2_ref[...]

    def gru0(m):
        gi = jnp.dot(m, WihT_ref[...], preferred_element_type=jnp.float32) \
            + bih_ref[...]
        gh = bhh_ref[...]
        r = jax.nn.sigmoid(gi[:, :D] + gh[:, :D])
        z = jax.nn.sigmoid(gi[:, D:2 * D] + gh[:, D:2 * D])
        n = jnp.tanh(gi[:, 2 * D:] + r * gh[:, 2 * D:])
        return (1.0 - z) * n

    v1 = gru0(mlp(x))
    out_ref[...] = gru0(mlp(v1))


def _preamble_row(W1, b1, W2, b2, WihT, bih, bhh):
    out = pl.pallas_call(
        _pre_body,
        out_shape=jax.ShapeDtypeStruct((8, D), jnp.float32),
    )(W1, b1, W2, b2, WihT, bih, bhh)
    return out[0:1]



def _make_sc_scatter(np_, ep):
    rows_per_sub = np_ // NUM_SUBCORES
    mesh = plsc.VectorSubcoreMesh(
        core_axis_name="c", subcore_axis_name="s",
        num_cores=NUM_CORES, num_subcores=NUM_SUBCORES)

    @functools.partial(
        pl.kernel,
        mesh=mesh,
        out_type=[jax.ShapeDtypeStruct((NUM_CORES, np_, D), jnp.float32)] * 2,
        scratch_types=[
            pltpu.VMEM((16,), jnp.int32),
            pltpu.VMEM((CHUNK,), jnp.int32),
            pltpu.VMEM((CHUNK,), jnp.int32),
            pltpu.VMEM((CHUNK, D), jnp.float32),
            pltpu.VMEM((ZROWS, D), jnp.float32),
            pltpu.VMEM_SHARED((np_, D), jnp.float32),
            pltpu.SemaphoreType.DMA,
        ],
    )
    def sc_scatter(ta_hbm, tb_hbm, srcp_hbm, dstp_hbm, meta_hbm,
                   oa_hbm, ob_hbm,
                   meta_v, sidx_v, didx_v, rows_v, zero_v, acc_sh, sem):
        cid = lax.axis_index("c")
        sid = lax.axis_index("s")
        gid = sid * NUM_CORES + cid

        pltpu.sync_copy(meta_hbm, meta_v)
        zvec = jnp.zeros((16,), jnp.float32)
        def zrow(i, _):
            for j in range(D // 16):
                zero_v[i, pl.ds(j * 16, 16)] = zvec
            return 0
        lax.fori_loop(0, ZROWS, zrow, 0)

        mv = meta_v[...]
        base = mv[0]
        nch = mv[1]
        nmine = jnp.maximum(0, (nch - gid + NUM_TILES - 1) // NUM_TILES)
        my_rows = pl.ds(sid * rows_per_sub, rows_per_sub)

        for t_hbm, o_hbm in ((ta_hbm, oa_hbm), (tb_hbm, ob_hbm)):
            for k in range(rows_per_sub // ZROWS):
                pltpu.sync_copy(
                    zero_v,
                    acc_sh.at[pl.ds(sid * rows_per_sub + k * ZROWS, ZROWS)])
            plsc.subcore_barrier()

            def chunk(i, _):
                e0 = pl.multiple_of(base + (gid + i * NUM_TILES) * CHUNK,
                                    CHUNK)
                pltpu.sync_copy(srcp_hbm.at[pl.ds(e0, CHUNK)], sidx_v)
                pltpu.sync_copy(dstp_hbm.at[pl.ds(e0, CHUNK)], didx_v)
                pltpu.async_copy(t_hbm.at[sidx_v], rows_v, sem).wait()
                pltpu.sync_copy(rows_v, acc_sh.at[didx_v], add=True)
                return 0

            lax.fori_loop(0, nmine, chunk, 0)
            plsc.subcore_barrier()
            pltpu.sync_copy(acc_sh.at[my_rows], o_hbm.at[cid, my_rows])
            plsc.subcore_barrier()

    return sc_scatter



def kernel(gate, edge_index, forward_level, forward_index,
           as_W1, as_b1, as_W2, as_b2,
           ns_W1, ns_b1, ns_W2, ns_b2,
           af_W1, af_b1, af_W2, af_b2,
           nf_W1, nf_b1, nf_W2, nf_b2,
           gas_Wih, gas_Whh, gas_bih, gas_bhh,
           gaf_Wih, gaf_Whh, gaf_bih, gaf_bhh,
           gns_Wih, gns_Whh, gns_bih, gns_bhh,
           gnf_Wih, gnf_Whh, gnf_bih, gnf_bhh):
    n = gate.shape[0]
    e = edge_index.shape[1]
    np_ = _round_up(n + 1, NUM_SUBCORES * NB // 128)
    np_ = _round_up(np_, NB)
    ep = _round_up(e, CHUNK) + LEVELS * CHUNK

    src = edge_index[0].astype(jnp.int32)
    dst = edge_index[1].astype(jnp.int32)
    flev = forward_level.astype(jnp.int32)

    key = flev[dst]
    counts = jnp.bincount(key, length=LEVELS)
    pcounts = (counts + CHUNK - 1) // CHUNK * CHUNK
    coff = jnp.concatenate([jnp.zeros((1,), counts.dtype),
                            jnp.cumsum(pcounts)])
    off = jnp.concatenate([jnp.zeros((1,), counts.dtype),
                           jnp.cumsum(counts)])
    order = jnp.argsort(key, stable=True)
    skey = key[order]
    rank = jnp.arange(e) - off[skey]
    pos = (coff[skey] + rank).astype(jnp.int32)
    srcp = jnp.full((ep,), n, jnp.int32).at[pos].set(src[order])
    dstp = jnp.full((ep,), n, jnp.int32).at[pos].set(dst[order])
    nchunks = (pcounts // CHUNK).astype(jnp.int32)
    metas = jnp.zeros((LEVELS, 16), jnp.int32)
    metas = metas.at[:, 0].set(coff[:LEVELS].astype(jnp.int32))
    metas = metas.at[:, 1].set(nchunks)

    pad_n = np_ - n
    gate_p = jnp.pad(gate.astype(jnp.int32), (0, pad_n))
    flev_p = jnp.pad(flev, (0, pad_n), constant_values=-1)
    and_node = (gate_p == 1)
    not_node = (gate_p == 2)

    r2 = lambda b: b.reshape(1, -1)
    gasT = (gas_Wih.T, gas_Whh.T, r2(gas_bih), r2(gas_bhh))
    gafT = (gaf_Wih.T, gaf_Whh.T, r2(gaf_bih), r2(gaf_bhh))
    gnsT = (gns_Wih.T, gns_Whh.T, r2(gns_bih), r2(gns_bhh))
    gnfT = (gnf_Wih.T, gnf_Whh.T, r2(gnf_bih), r2(gnf_bhh))

    hs = jnp.zeros((np_, D), jnp.float32)
    pi_row = _preamble_row(nf_W1, r2(nf_b1), nf_W2, r2(nf_b2),
                           gnf_Wih.T, r2(gnf_bih), r2(gnf_bhh))
    pi_mask = ((flev_p == 0).astype(jnp.float32))[:, None]
    hf = pi_mask * pi_row

    sc_scatter = _make_sc_scatter(np_, ep)

    af_W1x, af_W1y = af_W1[:D], af_W1[D:]

    ones_row = jnp.ones((1, D), jnp.float32)

    def level_body(l, carry):
        hs, hf = carry
        meta = lax.dynamic_index_in_dim(metas, l, keepdims=False)
        lmask = flev_p == l
        amask = (and_node & lmask).astype(jnp.float32)[:, None] * ones_row
        nmask = (not_node & lmask).astype(jnp.float32)[:, None] * ones_row

        t_as, t_af = _tables(hs, hf,
                             as_W1, r2(as_b1), as_W2, r2(as_b2),
                             af_W1x, af_W1y, r2(af_b1), af_W2, r2(af_b2))
        ma, mb = sc_scatter(t_as, t_af, srcp, dstp, meta)
        hs, hf = _gru_update(ma, mb, hs, hf, amask, *gasT, *gafT)

        t_ns, t_nf = _tables(hs, hf,
                             ns_W1, r2(ns_b1), ns_W2, r2(ns_b2),
                             jnp.zeros_like(nf_W1), nf_W1, r2(nf_b1),
                             nf_W2, r2(nf_b2))
        ma, mb = sc_scatter(t_ns, t_nf, srcp, dstp, meta)
        hs, hf = _gru_update(ma, mb, hs, hf, nmask, *gnsT, *gnfT)
        return hs, hf

    hs, hf = lax.fori_loop(0, LEVELS, level_body, (hs, hf))
    return hs[:n], hf[:n]

# --- scband reference (transcript-rebuilt; emitter-appended) ---
"""Pipeline reference for scband-deep-gate2-77867757076821 (READ-ONLY COPY).

The authoritative reference and input builder live on the scoring server;
editing this copy changes nothing except your own understanding.
"""

import jax, jax.numpy as jnp
import numpy as np

D = 128

def mlp(x, W1, b1, W2, b2):
    return jnp.maximum(x @ W1 + b1, 0.0) @ W2 + b2

def gru_cell(x, h, Wih, Whh, bih, bhh):
    gi = x @ Wih.T + bih
    gh = h @ Whh.T + bhh
    i_r, i_z, i_n = jnp.split(gi, 3, axis=-1)
    h_r, h_z, h_n = jnp.split(gh, 3, axis=-1)
    r = jax.nn.sigmoid(i_r + h_r)
    z = jax.nn.sigmoid(i_z + h_z)
    n = jnp.tanh(i_n + r * h_n)
    return (1.0 - z) * n + z * h

def aggr(x, src, dst, emask, W1, b1, W2, b2, N):
    m = mlp(x[src], W1, b1, W2, b2)
    m = jnp.where(emask[:, None], m, 0.0)
    return jax.ops.segment_sum(m, dst, num_segments=N)

def setup_inputs(seed: int = 0):
    key = jax.random.key(seed)
    ks = jax.random.split(key, 40)
    N = 10000
    E = 320000
    L = 8
    inp = {}
    inp["gate"] = jax.random.randint(ks[0], (N,), 0, 3)
    inp["edge_index"] = jax.random.randint(ks[1], (2, E), 0, N)
    inp["forward_level"] = jax.random.randint(ks[2], (N,), 0, L)
    inp["forward_index"] = jnp.arange(N)
    def lin(k, fan_in, shape):
        return jax.random.normal(k, shape, dtype=jnp.float32) * (1.0 / np.sqrt(fan_in))
    i = 3
    for name, din in [("as", D), ("ns", D), ("af", 2 * D), ("nf", D)]:
        inp[name + "_W1"] = lin(ks[i], din, (din, D)); i += 1
        inp[name + "_b1"] = jnp.zeros((D,), jnp.float32)
        inp[name + "_W2"] = lin(ks[i], D, (D, D)); i += 1
        inp[name + "_b2"] = jnp.zeros((D,), jnp.float32)
    for name in ["gas", "gaf", "gns", "gnf"]:
        inp[name + "_Wih"] = lin(ks[i], D, (3 * D, D)); i += 1
        inp[name + "_Whh"] = lin(ks[i], D, (3 * D, D)); i += 1
        inp[name + "_bih"] = jnp.zeros((3 * D,), jnp.float32)
        inp[name + "_bhh"] = jnp.zeros((3 * D,), jnp.float32)
    return inp

def reference(gate, edge_index, forward_level, forward_index,
              as_W1, as_b1, as_W2, as_b2,
              ns_W1, ns_b1, ns_W2, ns_b2,
              af_W1, af_b1, af_W2, af_b2,
              nf_W1, nf_b1, nf_W2, nf_b2,
              gas_Wih, gas_Whh, gas_bih, gas_bhh,
              gaf_Wih, gaf_Whh, gaf_bih, gaf_bhh,
              gns_Wih, gns_Whh, gns_bih, gns_bhh,
              gnf_Wih, gnf_Whh, gnf_bih, gnf_bhh):
    N = gate.shape[0]
    src = edge_index[0]
    dst = edge_index[1]
    levels = 8
    hs = jnp.zeros((N, D), jnp.float32)
    hf = jnp.zeros((N, D), jnp.float32)
    and_node = gate == 1
    not_node = gate == 2
    pi_mask = forward_level == 0
    # PI double-negation through two virtual NOT nodes (single-fanin edges ->
    # aggregation over one edge = mlp of source feature; GRU hidden init zeros)
    m1 = mlp(hf, nf_W1, nf_b1, nf_W2, nf_b2)
    v1 = gru_cell(m1, jnp.zeros_like(hf), gnf_Wih, gnf_Whh, gnf_bih, gnf_bhh)
    m2 = mlp(v1, nf_W1, nf_b1, nf_W2, nf_b2)
    v2 = gru_cell(m2, jnp.zeros_like(hf), gnf_Wih, gnf_Whh, gnf_bih, gnf_bhh)
    hf = jnp.where(pi_mask[:, None], v2, hf)
    node_state = jnp.concatenate([hs, hf], axis=-1)
    for level in range(levels):
        emask = forward_level[dst] == level
        a_mask = (and_node & (forward_level == level))[:, None]
        n_mask = (not_node & (forward_level == level))[:, None]
        msg = aggr(hs, src, dst, emask, as_W1, as_b1, as_W2, as_b2, N)
        hs = jnp.where(a_mask, gru_cell(msg, hs, gas_Wih, gas_Whh, gas_bih, gas_bhh), hs)
        msg = aggr(node_state, src, dst, emask, af_W1, af_b1, af_W2, af_b2, N)
        hf = jnp.where(a_mask, gru_cell(msg, hf, gaf_Wih, gaf_Whh, gaf_bih, gaf_bhh), hf)
        msg = aggr(hs, src, dst, emask, ns_W1, ns_b1, ns_W2, ns_b2, N)
        hs = jnp.where(n_mask, gru_cell(msg, hs, gns_Wih, gns_Whh, gns_bih, gns_bhh), hs)
        msg = aggr(hf, src, dst, emask, nf_W1, nf_b1, nf_W2, nf_b2, N)
        hf = jnp.where(n_mask, gru_cell(msg, hf, gnf_Wih, gnf_Whh, gnf_bih, gnf_bhh), hf)
        node_state = jnp.concatenate([hs, hf], axis=-1)
    return hs, hf

if __name__ == "__main__":
    import jax
    _d = setup_inputs()
    print(jax.jit(kernel)(*tuple(_d.values())))

</pallas_src>

<mosaic_0001>
#map = affine_map<(d0, d1) -> (0, 0)>
#map1 = affine_map<(d0, d1) -> (0)>
#map2 = affine_map<(d0, d1) -> (0, 0, 0)>
module attributes {stable_mosaic.version = 14 : i64} {
  func.func @sc_scatter(%arg0: i32, %arg1: i32, %arg2: memref<10240x128xf32, #tpu.memory_space<hbm>>, %arg3: memref<10240x128xf32, #tpu.memory_space<hbm>>, %arg4: memref<322048xi32, #tpu.memory_space<hbm>>, %arg5: memref<322048xi32, #tpu.memory_space<hbm>>, %arg6: memref<16xi32, #tpu.memory_space<hbm>>, %arg7: memref<2x10240x128xf32, #tpu.memory_space<hbm>>, %arg8: memref<2x10240x128xf32, #tpu.memory_space<hbm>>, %arg9: memref<16xi32, #tpu.memory_space<vmem>>, %arg10: memref<256xi32, #tpu.memory_space<vmem>>, %arg11: memref<256xi32, #tpu.memory_space<vmem>>, %arg12: memref<256x128xf32, #tpu.memory_space<vmem>>, %arg13: memref<64x128xf32, #tpu.memory_space<vmem>>, %arg14: memref<10240x128xf32, #tpu.memory_space<vmem_shared>>, %arg15: memref<!tpu.dma_semaphore, #tpu.memory_space<semaphore_mem>>) attributes {dimension_semantics = [#tpu.dimension_semantics<core_parallel>, #tpu.dimension_semantics<subcore_parallel>], iteration_bounds = array<i64: 2, 16>, scalar_prefetch = 0 : i64, scratch_operands = 7 : i64, tpu.core_type = #tpu.core_type<sc_vector_subcore>, window_params = [{transform_indices = #map}, {transform_indices = #map}, {transform_indices = #map1}, {transform_indices = #map1}, {transform_indices = #map1}, {transform_indices = #map2}, {transform_indices = #map2}]} {
    %mul3A = arith.constant 2 : i32
    %mul3A_0 = arith.muli %arg1, %mul3A : i32
    %add3A = arith.addi %mul3A_0, %arg0 : i32
    "tpu.region"() ({
      %run_scoped3A = tpu.sem_alloc : memref<!tpu.dma_semaphore, #tpu.memory_space<semaphore_mem>>
      tpu.enqueue_dma source(%arg6 : memref<16xi32, #tpu.memory_space<hbm>>) target(%arg9 : memref<16xi32, #tpu.memory_space<vmem>>) target_semaphore(%run_scoped3A : memref<!tpu.dma_semaphore, #tpu.memory_space<semaphore_mem>>)
      tpu.wait_dma2 semaphore(%run_scoped3A : memref<!tpu.dma_semaphore, #tpu.memory_space<semaphore_mem>>) src(%arg6 : memref<16xi32, #tpu.memory_space<hbm>>) dst(%arg9 : memref<16xi32, #tpu.memory_space<vmem>>)
      tpu.yield
    }) : () -> ()
    %broadcast_in_dim3A = arith.constant 0.000000e+00 : f32
    %broadcast_in_dim3A_1 = vector.broadcast %broadcast_in_dim3A : f32 to vector<16xf32>
    %scan3A = arith.constant 0 : i32
    %scan3A_2 = arith.constant 0 : i32
    %scan3A_3 = arith.constant 64 : i32
    %scan3A_4 = arith.addi %scan3A_2, %scan3A_3 : i32
    %scan3A_5 = arith.constant 1 : i32
    %scan3A_6 = scf.for %scan3A_144 = %scan3A_2 to %scan3A_4 step %scan3A_5 iter_args(%scan3A_145 = %scan3A) -> (i32)  : i32 {
      %swap3A = arith.index_cast %scan3A_144 : i32 to index
      %swap3A_146 = arith.constant 0 : index
      %swap3A_147 = tpu.vector_load %arg13[%swap3A, %swap3A_146] {strides = array<i32>} : memref<64x128xf32, #tpu.memory_space<vmem>>, vector<1x16xf32>,
      %swap3A_148 = vector.shape_cast %swap3A_147 : vector<1x16xf32> to vector<16xf32>
      %swap3A_149 = vector.shape_cast %broadcast_in_dim3A_1 : vector<16xf32> to vector<1x16xf32>
      tpu.vector_store %arg13[%swap3A, %swap3A_146], %swap3A_149 {strides = array<i32>} : memref<64x128xf32, #tpu.memory_space<vmem>>, vector<1x16xf32>,
      %swap3A_150 = arith.index_cast %scan3A_144 : i32 to index
      %swap3A_151 = arith.constant 16 : index
      %swap3A_152 = tpu.vector_load %arg13[%swap3A_150, %swap3A_151] {strides = array<i32>} : memref<64x128xf32, #tpu.memory_space<vmem>>, vector<1x16xf32>,
      %swap3A_153 = vector.shape_cast %swap3A_152 : vector<1x16xf32> to vector<16xf32>
      %swap3A_154 = vector.shape_cast %broadcast_in_dim3A_1 : vector<16xf32> to vector<1x16xf32>
      tpu.vector_store %arg13[%swap3A_150, %swap3A_151], %swap3A_154 {strides = array<i32>} : memref<64x128xf32, #tpu.memory_space<vmem>>, vector<1x16xf32>,
      %swap3A_155 = arith.index_cast %scan3A_144 : i32 to index
      %swap3A_156 = arith.constant 32 : index
      %swap3A_157 = tpu.vector_load %arg13[%swap3A_155, %swap3A_156] {strides = array<i32>} : memref<64x128xf32, #tpu.memory_space<vmem>>, vector<1x16xf32>,
      %swap3A_158 = vector.shape_cast %swap3A_157 : vector<1x16xf32> to vector<16xf32>
      %swap3A_159 = vector.shape_cast %broadcast_in_dim3A_1 : vector<16xf32> to vector<1x16xf32>
      tpu.vector_store %arg13[%swap3A_155, %swap3A_156], %swap3A_159 {strides = array<i32>} : memref<64x128xf32, #tpu.memory_space<vmem>>, vector<1x16xf32>,
      %swap3A_160 = arith.index_cast %scan3A_144 : i32 to index
      %swap3A_161 = arith.constant 48 : index
      %swap3A_162 = tpu.vector_load %arg13[%swap3A_160, %swap3A_161] {strides = array<i32>} : memref<64x128xf32, #tpu.memory_space<vmem>>, vector<1x16xf32>,
      %swap3A_163 = vector.shape_cast %swap3A_162 : vector<1x16xf32> to vector<16xf32>
      %swap3A_164 = vector.shape_cast %broadcast_in_dim3A_1 : vector<16xf32> to vector<1x16xf32>
      tpu.vector_store %arg13[%swap3A_160, %swap3A_161], %swap3A_164 {strides = array<i32>} : memref<64x128xf32, #tpu.memory_space<vmem>>, vector<1x16xf32>,
      %swap3A_165 = arith.index_cast %scan3A_144 : i32 to index
      %swap3A_166 = arith.constant 64 : index
      %swap3A_167 = tpu.vector_load %arg13[%swap3A_165, %swap3A_166] {strides = array<i32>} : memref<64x128xf32, #tpu.memory_space<vmem>>, vector<1x16xf32>,
      %swap3A_168 = vector.shape_cast %swap3A_167 : vector<1x16xf32> to vector<16xf32>
      %swap3A_169 = vector.shape_cast %broadcast_in_dim3A_1 : vector<16xf32> to vector<1x16xf32>
      tpu.vector_store %arg13[%swap3A_165, %swap3A_166], %swap3A_169 {strides = array<i32>} : memref<64x128xf32, #tpu.memory_space<vmem>>, vector<1x16xf32>,
      %swap3A_170 = arith.index_cast %scan3A_144 : i32 to index
      %swap3A_171 = arith.constant 80 : index
      %swap3A_172 = tpu.vector_load %arg13[%swap3A_170, %swap3A_171] {strides = array<i32>} : memref<64x128xf32, #tpu.memory_space<vmem>>, vector<1x16xf32>,
      %swap3A_173 = vector.shape_cast %swap3A_172 : vector<1x16xf32> to vector<16xf32>
      %swap3A_174 = vector.shape_cast %broadcast_in_dim3A_1 : vector<16xf32> to vector<1x16xf32>
      tpu.vector_store %arg13[%swap3A_170, %swap3A_171], %swap3A_174 {strides = array<i32>} : memref<64x128xf32, #tpu.memory_space<vmem>>, vector<1x16xf32>,
      %swap3A_175 = arith.index_cast %scan3A_144 : i32 to index
      %swap3A_176 = arith.constant 96 : index
      %swap3A_177 = tpu.vector_load %arg13[%swap3A_175, %swap3A_176] {strides = array<i32>} : memref<64x128xf32, #tpu.memory_space<vmem>>, vector<1x16xf32>,
      %swap3A_178 = vector.shape_cast %swap3A_177 : vector<1x16xf32> to vector<16xf32>
      %swap3A_179 = vector.shape_cast %broadcast_in_dim3A_1 : vector<16xf32> to vector<1x16xf32>
      tpu.vector_store %arg13[%swap3A_175, %swap3A_176], %swap3A_179 {strides = array<i32>} : memref<64x128xf32, #tpu.memory_space<vmem>>, vector<1x16xf32>,
      %swap3A_180 = arith.index_cast %scan3A_144 : i32 to index
      %swap3A_181 = arith.constant 112 : index
      %swap3A_182 = tpu.vector_load %arg13[%swap3A_180, %swap3A_181] {strides = array<i32>} : memref<64x128xf32, #tpu.memory_space<vmem>>, vector<1x16xf32>,
      %swap3A_183 = vector.shape_cast %swap3A_182 : vector<1x16xf32> to vector<16xf32>
      %swap3A_184 = vector.shape_cast %broadcast_in_dim3A_1 : vector<16xf32> to vector<1x16xf32>
      tpu.vector_store %arg13[%swap3A_180, %swap3A_181], %swap3A_184 {strides = array<i32>} : memref<64x128xf32, #tpu.memory_space<vmem>>, vector<1x16xf32>,
      %scan3A_185 = arith.constant 0 : i32
      scf.yield %scan3A_185 : i32
    }
    %scan3A_7 = arith.constant 64 : i32
    %get3A = arith.constant 0 : index
    %get3A_8 = tpu.vector_load %arg9[%get3A] {strides = array<i32>} : memref<16xi32, #tpu.memory_space<vmem>>, vector<16xi32>,
    %get3A_9 = vector.shape_cast %get3A_8 : vector<16xi32> to vector<16xi32>
    %slice3A = vector.extract_strided_slice %get3A_9 {offsets = [0], sizes = [1], strides = [1]} : vector<16xi32> to vector<1xi32>
    %squeeze3A = vector.extract %slice3A[0] : i32 from vector<1xi32>
    %slice3A_10 = vector.extract_strided_slice %get3A_9 {offsets = [1], sizes = [1], strides = [1]} : vector<16xi32> to vector<1xi32>
    %squeeze3A_11 = vector.extract %slice3A_10[0] : i32 from vector<1xi32>
    %sub3A = arith.subi %squeeze3A_11, %add3A : i32
    %add3A_12 = arith.constant 32 : i32
    %add3A_13 = arith.addi %sub3A, %add3A_12 : i32
    %sub3A_14 = arith.constant 1 : i32
    %sub3A_15 = arith.subi %add3A_13, %sub3A_14 : i32
    %jit3A = arith.constant 32 : i32
    %div3A = arith.divsi %sub3A_15, %jit3A : i32
    %sign3A = arith.constant 0 : i32
    %sign3A_16 = arith.cmpi sgt, %sub3A_15, %sign3A : i32
    %sign3A_17 = arith.extui %sign3A_16 : i1 to i32
    %sign3A_18 = arith.constant 0 : i32
    %sign3A_19 = arith.cmpi slt, %sub3A_15, %sign3A_18 : i32
    %sign3A_20 = arith.extui %sign3A_19 : i1 to i32
    %sign3A_21 = arith.subi %sign3A_17, %sign3A_20 : i32
    %sign3A_22 = arith.constant 0 : i32
    %sign3A_23 = arith.cmpi sgt, %jit3A, %sign3A_22 : i32
    %sign3A_24 = arith.extui %sign3A_23 : i1 to i32
    %sign3A_25 = arith.constant 0 : i32
    %sign3A_26 = arith.cmpi slt, %jit3A, %sign3A_25 : i32
    %sign3A_27 = arith.extui %sign3A_26 : i1 to i32
    %sign3A_28 = arith.subi %sign3A_24, %sign3A_27 : i32
    %ne3A = arith.cmpi ne, %sign3A_21, %sign3A_28 : i32
    %rem3A = arith.remsi %sub3A_15, %jit3A : i32
    %ne3A_29 = arith.constant 0 : i32
    %ne3A_30 = arith.cmpi ne, %rem3A, %ne3A_29 : i32
    %and3A = arith.andi %ne3A, %ne3A_30 : i1
    %sub3A_31 = arith.constant 1 : i32
    %sub3A_32 = arith.subi %div3A, %sub3A_31 : i32
    %select_n3A = arith.select %and3A, %sub3A_32, %div3A : i32
    %max3A = arith.constant 0 : i32
    %max3A_33 = arith.maxsi %max3A, %select_n3A : i32
    %mul3A_34 = arith.constant 640 : i32
    %mul3A_35 = arith.muli %arg1, %mul3A_34 : i32
    %mul3A_36 = arith.constant 640 : i32
    %mul3A_37 = arith.muli %arg1, %mul3A_36 : i32
    %add3A_38 = arith.constant 0 : i32
    %add3A_39 = arith.addi %mul3A_37, %add3A_38 : i32
    "tpu.region"() ({
      %run_scoped3A = tpu.sem_alloc : memref<!tpu.dma_semaphore, #tpu.memory_space<semaphore_mem>>
      %dma_start3A = arith.constant 0 : i32
      %dma_start3A_144 = tpu.memref_slice %arg14[%add3A_39, %dma_start3A] : memref<10240x128xf32, #tpu.memory_space<vmem_shared>> -> memref<64x128xf32, #tpu.memory_space<vmem_shared>>
      %dma_start3A_145 = arith.constant 0 : i32
      %dma_start3A_146 = tpu.memref_slice %arg14[%add3A_39, %dma_start3A_145] : memref<10240x128xf32, #tpu.memory_space<vmem_shared>> -> memref<64x128xf32, #tpu.memory_space<vmem_shared>>
      tpu.enqueue_dma source(%arg13 : memref<64x128xf32, #tpu.memory_space<vmem>>) target(%dma_start3A_146 : memref<64x128xf32, #tpu.memory_space<vmem_shared>>) target_semaphore(%run_scoped3A : memref<!tpu.dma_semaphore, #tpu.memory_space<semaphore_mem>>)
      %dma_wait3A = arith.constant 0 : i32
      %dma_wait3A_147 = tpu.memref_slice %arg14[%add3A_39, %dma_wait3A] : memref<10240x128xf32, #tpu.memory_space<vmem_shared>> -> memref<64x128xf32, #tpu.memory_space<vmem_shared>>
      %dma_wait3A_148 = arith.constant 0 : i32
      %dma_wait3A_149 = tpu.memref_slice %arg14[%add3A_39, %dma_wait3A_148] : memref<10240x128xf32, #tpu.memory_space<vmem_shared>> -> memref<64x128xf32, #tpu.memory_space<vmem_shared>>
      tpu.wait_dma2 semaphore(%run_scoped3A : memref<!tpu.dma_semaphore, #tpu.memory_space<semaphore_mem>>) src(%arg13 : memref<64x128xf32, #tpu.memory_space<vmem>>) dst(%dma_wait3A_149 : memref<64x128xf32, #tpu.memory_space<vmem_shared>>)
      tpu.yield
    }) : () -> ()
    %mul3A_40 = arith.constant 640 : i32
    %mul3A_41 = arith.muli %arg1, %mul3A_40 : i32
    %add3A_42 = arith.constant 64 : i32
    %add3A_43 = arith.addi %mul3A_41, %add3A_42 : i32
    "tpu.region"() ({
      %run_scoped3A = tpu.sem_alloc : memref<!tpu.dma_semaphore, #tpu.memory_space<semaphore_mem>>
      %dma_start3A = arith.constant 0 : i32
      %dma_start3A_144 = tpu.memref_slice %arg14[%add3A_43, %dma_start3A] : memref<10240x128xf32, #tpu.memory_space<vmem_shared>> -> memref<64x128xf32, #tpu.memory_space<vmem_shared>>
      %dma_start3A_145 = arith.constant 0 : i32
      %dma_start3A_146 = tpu.memref_slice %arg14[%add3A_43, %dma_start3A_145] : memref<10240x128xf32, #tpu.memory_space<vmem_shared>> -> memref<64x128xf32, #tpu.memory_space<vmem_shared>>
      tpu.enqueue_dma source(%arg13 : memref<64x128xf32, #tpu.memory_space<vmem>>) target(%dma_start3A_146 : memref<64x128xf32, #tpu.memory_space<vmem_shared>>) target_semaphore(%run_scoped3A : memref<!tpu.dma_semaphore, #tpu.memory_space<semaphore_mem>>)
      %dma_wait3A = arith.constant 0 : i32
      %dma_wait3A_147 = tpu.memref_slice %arg14[%add3A_43, %dma_wait3A] : memref<10240x128xf32, #tpu.memory_space<vmem_shared>> -> memref<64x128xf32, #tpu.memory_space<vmem_shared>>
      %dma_wait3A_148 = arith.constant 0 : i32
      %dma_wait3A_149 = tpu.memref_slice %arg14[%add3A_43, %dma_wait3A_148] : memref<10240x128xf32, #tpu.memory_space<vmem_shared>> -> memref<64x128xf32, #tpu.memory_space<vmem_shared>>
      tpu.wait_dma2 semaphore(%run_scoped3A : memref<!tpu.dma_semaphore, #tpu.memory_space<semaphore_mem>>) src(%arg13 : memref<64x128xf32, #tpu.memory_space<vmem>>) dst(%dma_wait3A_149 : memref<64x128xf32, #tpu.memory_space<vmem_shared>>)
      tpu.yield
    }) : () -> ()
    %mul3A_44 = arith.constant 640 : i32
    %mul3A_45 = arith.muli %arg1, %mul3A_44 : i32
    %add3A_46 = arith.constant 128 : i32
    %add3A_47 = arith.addi %mul3A_45, %add3A_46 : i32
    "tpu.region"() ({
      %run_scoped3A = tpu.sem_alloc : memref<!tpu.dma_semaphore, #tpu.memory_space<semaphore_mem>>
      %dma_start3A = arith.constant 0 : i32
      %dma_start3A_144 = tpu.memref_slice %arg14[%add3A_47, %dma_start3A] : memref<10240x128xf32, #tpu.memory_space<vmem_shared>> -> memref<64x128xf32, #tpu.memory_space<vmem_shared>>
      %dma_start3A_145 = arith.constant 0 : i32
      %dma_start3A_146 = tpu.memref_slice %arg14[%add3A_47, %dma_start3A_145] : memref<10240x128xf32, #tpu.memory_space<vmem_shared>> -> memref<64x128xf32, #tpu.memory_space<vmem_shared>>
      tpu.enqueue_dma source(%arg13 : memref<64x128xf32, #tpu.memory_space<vmem>>) target(%dma_start3A_146 : memref<64x128xf32, #tpu.memory_space<vmem_shared>>) target_semaphore(%run_scoped3A : memref<!tpu.dma_semaphore, #tpu.memory_space<semaphore_mem>>)
      %dma_wait3A = arith.constant 0 : i32
      %dma_wait3A_147 = tpu.memref_slice %arg14[%add3A_47, %dma_wait3A] : memref<10240x128xf32, #tpu.memory_space<vmem_shared>> -> memref<64x128xf32, #tpu.memory_space<vmem_shared>>
      %dma_wait3A_148 = arith.constant 0 : i32
      %dma_wait3A_149 = tpu.memref_slice %arg14[%add3A_47, %dma_wait3A_148] : memref<10240x128xf32, #tpu.memory_space<vmem_shared>> -> memref<64x128xf32, #tpu.memory_space<vmem_shared>>
      tpu.wait_dma2 semaphore(%run_scoped3A : memref<!tpu.dma_semaphore, #tpu.memory_space<semaphore_mem>>) src(%arg13 : memref<64x128xf32, #tpu.memory_space<vmem>>) dst(%dma_wait3A_149 : memref<64x128xf32, #tpu.memory_space<vmem_shared>>)
      tpu.yield
    }) : () -> ()
    %mul3A_48 = arith.constant 640 : i32
    %mul3A_49 = arith.muli %arg1, %mul3A_48 : i32
    %add3A_50 = arith.constant 192 : i32
    %add3A_51 = arith.addi %mul3A_49, %add3A_50 : i32
    "tpu.region"() ({
      %run_scoped3A = tpu.sem_alloc : memref<!tpu.dma_semaphore, #tpu.memory_space<semaphore_mem>>
      %dma_start3A = arith.constant 0 : i32
      %dma_start3A_144 = tpu.memref_slice %arg14[%add3A_51, %dma_start3A] : memref<10240x128xf32, #tpu.memory_space<vmem_shared>> -> memref<64x128xf32, #tpu.memory_space<vmem_shared>>
      %dma_start3A_145 = arith.constant 0 : i32
      %dma_start3A_146 = tpu.memref_slice %arg14[%add3A_51, %dma_start3A_145] : memref<10240x128xf32, #tpu.memory_space<vmem_shared>> -> memref<64x128xf32, #tpu.memory_space<vmem_shared>>
      tpu.enqueue_dma source(%arg13 : memref<64x128xf32, #tpu.memory_space<vmem>>) target(%dma_start3A_146 : memref<64x128xf32, #tpu.memory_space<vmem_shared>>) target_semaphore(%run_scoped3A : memref<!tpu.dma_semaphore, #tpu.memory_space<semaphore_mem>>)
      %dma_wait3A = arith.constant 0 : i32
      %dma_wait3A_147 = tpu.memref_slice %arg14[%add3A_51, %dma_wait3A] : memref<10240x128xf32, #tpu.memory_space<vmem_shared>> -> memref<64x128xf32, #tpu.memory_space<vmem_shared>>
      %dma_wait3A_148 = arith.constant 0 : i32
      %dma_wait3A_149 = tpu.memref_slice %arg14[%add3A_51, %dma_wait3A_148] : memref<10240x128xf32, #tpu.memory_space<vmem_shared>> -> memref<64x128xf32, #tpu.memory_space<vmem_shared>>
      tpu.wait_dma2 semaphore(%run_scoped3A : memref<!tpu.dma_semaphore, #tpu.memory_space<semaphore_mem>>) src(%arg13 : memref<64x128xf32, #tpu.memory_space<vmem>>) dst(%dma_wait3A_149 : memref<64x128xf32, #tpu.memory_space<vmem_shared>>)
      tpu.yield
    }) : () -> ()
    %mul3A_52 = arith.constant 640 : i32
    %mul3A_53 = arith.muli %arg1, %mul3A_52 : i32
    %add3A_54 = arith.constant 256 : i32
    %add3A_55 = arith.addi %mul3A_53, %add3A_54 : i32
    "tpu.region"() ({
      %run_scoped3A = tpu.sem_alloc : memref<!tpu.dma_semaphore, #tpu.memory_space<semaphore_mem>>
      %dma_start3A = arith.constant 0 : i32
      %dma_start3A_144 = tpu.memref_slice %arg14[%add3A_55, %dma_start3A] : memref<10240x128xf32, #tpu.memory_space<vmem_shared>> -> memref<64x128xf32, #tpu.memory_space<vmem_shared>>
      %dma_start3A_145 = arith.constant 0 : i32
      %dma_start3A_146 = tpu.memref_slice %arg14[%add3A_55, %dma_start3A_145] : memref<10240x128xf32, #tpu.memory_space<vmem_shared>> -> memref<64x128xf32, #tpu.memory_space<vmem_shared>>
      tpu.enqueue_dma source(%arg13 : memref<64x128xf32, #tpu.memory_space<vmem>>) target(%dma_start3A_146 : memref<64x128xf32, #tpu.memory_space<vmem_shared>>) target_semaphore(%run_scoped3A : memref<!tpu.dma_semaphore, #tpu.memory_space<semaphore_mem>>)
      %dma_wait3A = arith.constant 0 : i32
      %dma_wait3A_147 = tpu.memref_slice %arg14[%add3A_55, %dma_wait3A] : memref<10240x128xf32, #tpu.memory_space<vmem_shared>> -> memref<64x128xf32, #tpu.memory_space<vmem_shared>>
      %dma_wait3A_148 = arith.constant 0 : i32
      %dma_wait3A_149 = tpu.memref_slice %arg14[%add3A_55, %dma_wait3A_148] : memref<10240x128xf32, #tpu.memory_space<vmem_shared>> -> memref<64x128xf32, #tpu.memory_space<vmem_shared>>
      tpu.wait_dma2 semaphore(%run_scoped3A : memref<!tpu.dma_semaphore, #tpu.memory_space<semaphore_mem>>) src(%arg13 : memref<64x128xf32, #tpu.memory_space<vmem>>) dst(%dma_wait3A_149 : memref<64x128xf32, #tpu.memory_space<vmem_shared>>)
      tpu.yield
    }) : () -> ()
    %mul3A_56 = arith.constant 640 : i32
    %mul3A_57 = arith.muli %arg1, %mul3A_56 : i32
    %add3A_58 = arith.constant 320 : i32
    %add3A_59 = arith.addi %mul3A_57, %add3A_58 : i32
    "tpu.region"() ({
      %run_scoped3A = tpu.sem_alloc : memref<!tpu.dma_semaphore, #tpu.memory_space<semaphore_mem>>
      %dma_start3A = arith.constant 0 : i32
      %dma_start3A_144 = tpu.memref_slice %arg14[%add3A_59, %dma_start3A] : memref<10240x128xf32, #tpu.memory_space<vmem_shared>> -> memref<64x128xf32, #tpu.memory_space<vmem_shared>>
      %dma_start3A_145 = arith.constant 0 : i32
      %dma_start3A_146 = tpu.memref_slice %arg14[%add3A_59, %dma_start3A_145] : memref<10240x128xf32, #tpu.memory_space<vmem_shared>> -> memref<64x128xf32, #tpu.memory_space<vmem_shared>>
      tpu.enqueue_dma source(%arg13 : memref<64x128xf32, #tpu.memory_space<vmem>>) target(%dma_start3A_146 : memref<64x128xf32, #tpu.memory_space<vmem_shared>>) target_semaphore(%run_scoped3A : memref<!tpu.dma_semaphore, #tpu.memory_space<semaphore_mem>>)
      %dma_wait3A = arith.constant 0 : i32
      %dma_wait3A_147 = tpu.memref_slice %arg14[%add3A_59, %dma_wait3A] : memref<10240x128xf32, #tpu.memory_space<vmem_shared>> -> memref<64x128xf32, #tpu.memory_space<vmem_shared>>
      %dma_wait3A_148 = arith.constant 0 : i32
      %dma_wait3A_149 = tpu.memref_slice %arg14[%add3A_59, %dma_wait3A_148] : memref<10240x128xf32, #tpu.memory_space<vmem_shared>> -> memref<64x128xf32, #tpu.memory_space<vmem_shared>>
      tpu.wait_dma2 semaphore(%run_scoped3A : memref<!tpu.dma_semaphore, #tpu.memory_space<semaphore_mem>>) src(%arg13 : memref<64x128xf32, #tpu.memory_space<vmem>>) dst(%dma_wait3A_149 : memref<64x128xf32, #tpu.memory_space<vmem_shared>>)
      tpu.yield
    }) : () -> ()
    %mul3A_60 = arith.constant 640 : i32
    %mul3A_61 = arith.muli %arg1, %mul3A_60 : i32
    %add3A_62 = arith.constant 384 : i32
    %add3A_63 = arith.addi %mul3A_61, %add3A_62 : i32
    "tpu.region"() ({
      %run_scoped3A = tpu.sem_alloc : memref<!tpu.dma_semaphore, #tpu.memory_space<semaphore_mem>>
      %dma_start3A = arith.constant 0 : i32
      %dma_start3A_144 = tpu.memref_slice %arg14[%add3A_63, %dma_start3A] : memref<10240x128xf32, #tpu.memory_space<vmem_shared>> -> memref<64x128xf32, #tpu.memory_space<vmem_shared>>
      %dma_start3A_145 = arith.constant 0 : i32
      %dma_start3A_146 = tpu.memref_slice %arg14[%add3A_63, %dma_start3A_145] : memref<10240x128xf32, #tpu.memory_space<vmem_shared>> -> memref<64x128xf32, #tpu.memory_space<vmem_shared>>
      tpu.enqueue_dma source(%arg13 : memref<64x128xf32, #tpu.memory_space<vmem>>) target(%dma_start3A_146 : memref<64x128xf32, #tpu.memory_space<vmem_shared>>) target_semaphore(%run_scoped3A : memref<!tpu.dma_semaphore, #tpu.memory_space<semaphore_mem>>)
      %dma_wait3A = arith.constant 0 : i32
      %dma_wait3A_147 = tpu.memref_slice %arg14[%add3A_63, %dma_wait3A] : memref<10240x128xf32, #tpu.memory_space<vmem_shared>> -> memref<64x128xf32, #tpu.memory_space<vmem_shared>>
      %dma_wait3A_148 = arith.constant 0 : i32
      %dma_wait3A_149 = tpu.memref_slice %arg14[%add3A_63, %dma_wait3A_148] : memref<10240x128xf32, #tpu.memory_space<vmem_shared>> -> memref<64x128xf32, #tpu.memory_space<vmem_shared>>
      tpu.wait_dma2 semaphore(%run_scoped3A : memref<!tpu.dma_semaphore, #tpu.memory_space<semaphore_mem>>) src(%arg13 : memref<64x128xf32, #tpu.memory_space<vmem>>) dst(%dma_wait3A_149 : memref<64x128xf32, #tpu.memory_space<vmem_shared>>)
      tpu.yield
    }) : () -> ()
    %mul3A_64 = arith.constant 640 : i32
    %mul3A_65 = arith.muli %arg1, %mul3A_64 : i32
    %add3A_66 = arith.constant 448 : i32
    %add3A_67 = arith.addi %mul3A_65, %add3A_66 : i32
    "tpu.region"() ({
      %run_scoped3A = tpu.sem_alloc : memref<!tpu.dma_semaphore, #tpu.memory_space<semaphore_mem>>
      %dma_start3A = arith.constant 0 : i32
      %dma_start3A_144 = tpu.memref_slice %arg14[%add3A_67, %dma_start3A] : memref<10240x128xf32, #tpu.memory_space<vmem_shared>> -> memref<64x128xf32, #tpu.memory_space<vmem_shared>>
      %dma_start3A_145 = arith.constant 0 : i32
      %dma_start3A_146 = tpu.memref_slice %arg14[%add3A_67, %dma_start3A_145] : memref<10240x128xf32, #tpu.memory_space<vmem_shared>> -> memref<64x128xf32, #tpu.memory_space<vmem_shared>>
      tpu.enqueue_dma source(%arg13 : memref<64x128xf32, #tpu.memory_space<vmem>>) target(%dma_start3A_146 : memref<64x128xf32, #tpu.memory_space<vmem_shared>>) target_semaphore(%run_scoped3A : memref<!tpu.dma_semaphore, #tpu.memory_space<semaphore_mem>>)
      %dma_wait3A = arith.constant 0 : i32
      %dma_wait3A_147 = tpu.memref_slice %arg14[%add3A_67, %dma_wait3A] : memref<10240x128xf32, #tpu.memory_space<vmem_shared>> -> memref<64x128xf32, #tpu.memory_space<vmem_shared>>
      %dma_wait3A_148 = arith.constant 0 : i32
      %dma_wait3A_149 = tpu.memref_slice %arg14[%add3A_67, %dma_wait3A_148] : memref<10240x128xf32, #tpu.memory_space<vmem_shared>> -> memref<64x128xf32, #tpu.memory_space<vmem_shared>>
      tpu.wait_dma2 semaphore(%run_scoped3A : memref<!tpu.dma_semaphore, #tpu.memory_space<semaphore_mem>>) src(%arg13 : memref<64x128xf32, #tpu.memory_space<vmem>>) dst(%dma_wait3A_149 : memref<64x128xf32, #tpu.memory_space<vmem_shared>>)
      tpu.yield
    }) : () -> ()
    %mul3A_68 = arith.constant 640 : i32
    %mul3A_69 = arith.muli %arg1, %mul3A_68 : i32
    %add3A_70 = arith.constant 512 : i32
    %add3A_71 = arith.addi %mul3A_69, %add3A_70 : i32
    "tpu.region"() ({
      %run_scoped3A = tpu.sem_alloc : memref<!tpu.dma_semaphore, #tpu.memory_space<semaphore_mem>>
      %dma_start3A = arith.constant 0 : i32
      %dma_start3A_144 = tpu.memref_slice %arg14[%add3A_71, %dma_start3A] : memref<10240x128xf32, #tpu.memory_space<vmem_shared>> -> memref<64x128xf32, #tpu.memory_space<vmem_shared>>
      %dma_start3A_145 = arith.constant 0 : i32
      %dma_start3A_146 = tpu.memref_slice %arg14[%add3A_71, %dma_start3A_145] : memref<10240x128xf32, #tpu.memory_space<vmem_shared>> -> memref<64x128xf32, #tpu.memory_space<vmem_shared>>
      tpu.enqueue_dma source(%arg13 : memref<64x128xf32, #tpu.memory_space<vmem>>) target(%dma_start3A_146 : memref<64x128xf32, #tpu.memory_space<vmem_shared>>) target_semaphore(%run_scoped3A : memref<!tpu.dma_semaphore, #tpu.memory_space<semaphore_mem>>)
      %dma_wait3A = arith.constant 0 : i32
      %dma_wait3A_147 = tpu.memref_slice %arg14[%add3A_71, %dma_wait3A] : memref<10240x128xf32, #tpu.memory_space<vmem_shared>> -> memref<64x128xf32, #tpu.memory_space<vmem_shared>>
      %dma_wait3A_148 = arith.constant 0 : i32
      %dma_wait3A_149 = tpu.memref_slice %arg14[%add3A_71, %dma_wait3A_148] : memref<10240x128xf32, #tpu.memory_space<vmem_shared>> -> memref<64x128xf32, #tpu.memory_space<vmem_shared>>
      tpu.wait_dma2 semaphore(%run_scoped3A : memref<!tpu.dma_semaphore, #tpu.memory_space<semaphore_mem>>) src(%arg13 : memref<64x128xf32, #tpu.memory_space<vmem>>) dst(%dma_wait3A_149 : memref<64x128xf32, #tpu.memory_space<vmem_shared>>)
      tpu.yield
    }) : () -> ()
    %mul3A_72 = arith.constant 640 : i32
    %mul3A_73 = arith.muli %arg1, %mul3A_72 : i32
    %add3A_74 = arith.constant 576 : i32
    %add3A_75 = arith.addi %mul3A_73, %add3A_74 : i32
    "tpu.region"() ({
      %run_scoped3A = tpu.sem_alloc : memref<!tpu.dma_semaphore, #tpu.memory_space<semaphore_mem>>
      %dma_start3A = arith.constant 0 : i32
      %dma_start3A_144 = tpu.memref_slice %arg14[%add3A_75, %dma_start3A] : memref<10240x128xf32, #tpu.memory_space<vmem_shared>> -> memref<64x128xf32, #tpu.memory_space<vmem_shared>>
      %dma_start3A_145 = arith.constant 0 : i32
      %dma_start3A_146 = tpu.memref_slice %arg14[%add3A_75, %dma_start3A_145] : memref<10240x128xf32, #tpu.memory_space<vmem_shared>> -> memref<64x128xf32, #tpu.memory_space<vmem_shared>>
      tpu.enqueue_dma source(%arg13 : memref<64x128xf32, #tpu.memory_space<vmem>>) target(%dma_start3A_146 : memref<64x128xf32, #tpu.memory_space<vmem_shared>>) target_semaphore(%run_scoped3A : memref<!tpu.dma_semaphore, #tpu.memory_space<semaphore_mem>>)
      %dma_wait3A = arith.constant 0 : i32
      %dma_wait3A_147 = tpu.memref_slice %arg14[%add3A_75, %dma_wait3A] : memref<10240x128xf32, #tpu.memory_space<vmem_shared>> -> memref<64x128xf32, #tpu.memory_space<vmem_shared>>
      %dma_wait3A_148 = arith.constant 0 : i32
      %dma_wait3A_149 = tpu.memref_slice %arg14[%add3A_75, %dma_wait3A_148] : memref<10240x128xf32, #tpu.memory_space<vmem_shared>> -> memref<64x128xf32, #tpu.memory_space<vmem_shared>>
      tpu.wait_dma2 semaphore(%run_scoped3A : memref<!tpu.dma_semaphore, #tpu.memory_space<semaphore_mem>>) src(%arg13 : memref<64x128xf32, #tpu.memory_space<vmem>>) dst(%dma_wait3A_149 : memref<64x128xf32, #tpu.memory_space<vmem_shared>>)
      tpu.yield
    }) : () -> ()
    %barrier3A = arith.constant 0 : index
    tpu.barrier barrier_id(%barrier3A)
    %while3A = arith.constant 0 : i32
    %while3A_76 = arith.constant 0 : i32
    %while3A_77 = arith.subi %max3A_33, %while3A : i32
    %while3A_78 = arith.addi %while3A, %while3A_77 : i32
    %while3A_79 = arith.constant 1 : i32
    %while3A_80 = arith.divsi %while3A_77, %while3A_79 : i32
    %while3A_81 = arith.muli %while3A_80, %while3A_79 : i32
    %while3A_82 = arith.addi %while3A, %while3A_81 : i32
    %while3A_83 = arith.constant 1 : i32
    %while3A_84 = scf.for %while3A_144 = %while3A to %while3A_82 step %while3A_83 iter_args(%while3A_145 = %while3A_76) -> (i32)  : i32 {
      %mul3A_146 = arith.constant 32 : i32
      %mul3A_147 = arith.muli %while3A_144, %mul3A_146 : i32
      %add3A_148 = arith.addi %add3A, %mul3A_147 : i32
      %mul3A_149 = arith.constant 256 : i32
      %mul3A_150 = arith.muli %add3A_148, %mul3A_149 : i32
      %add3A_151 = arith.addi %squeeze3A, %mul3A_150 : i32
      %multiple_of3A = tpu.assume_multiple %add3A_151, 256 : i32
      "tpu.region"() ({
        %run_scoped3A = tpu.sem_alloc : memref<!tpu.dma_semaphore, #tpu.memory_space<semaphore_mem>>
        %dma_start3A_157 = tpu.memref_slice %arg4[%multiple_of3A] : memref<322048xi32, #tpu.memory_space<hbm>> -> memref<256xi32, #tpu.memory_space<hbm>>
        %dma_start3A_158 = tpu.memref_slice %arg4[%multiple_of3A] : memref<322048xi32, #tpu.memory_space<hbm>> -> memref<256xi32, #tpu.memory_space<hbm>>
        tpu.enqueue_dma source(%dma_start3A_158 : memref<256xi32, #tpu.memory_space<hbm>>) target(%arg10 : memref<256xi32, #tpu.memory_space<vmem>>) target_semaphore(%run_scoped3A : memref<!tpu.dma_semaphore, #tpu.memory_space<semaphore_mem>>)
        %dma_wait3A_159 = tpu.memref_slice %arg4[%multiple_of3A] : memref<322048xi32, #tpu.memory_space<hbm>> -> memref<256xi32, #tpu.memory_space<hbm>>
        %dma_wait3A_160 = tpu.memref_slice %arg4[%multiple_of3A] : memref<322048xi32, #tpu.memory_space<hbm>> -> memref<256xi32, #tpu.memory_space<hbm>>
        tpu.wait_dma2 semaphore(%run_scoped3A : memref<!tpu.dma_semaphore, #tpu.memory_space<semaphore_mem>>) src(%dma_wait3A_160 : memref<256xi32, #tpu.memory_space<hbm>>) dst(%arg10 : memref<256xi32, #tpu.memory_space<vmem>>)
        tpu.yield
      }) : () -> ()
      "tpu.region"() ({
        %run_scoped3A = tpu.sem_alloc : memref<!tpu.dma_semaphore, #tpu.memory_space<semaphore_mem>>
        %dma_start3A_157 = tpu.memref_slice %arg5[%multiple_of3A] : memref<322048xi32, #tpu.memory_space<hbm>> -> memref<256xi32, #tpu.memory_space<hbm>>
        %dma_start3A_158 = tpu.memref_slice %arg5[%multiple_of3A] : memref<322048xi32, #tpu.memory_space<hbm>> -> memref<256xi32, #tpu.memory_space<hbm>>
        tpu.enqueue_dma source(%dma_start3A_158 : memref<256xi32, #tpu.memory_space<hbm>>) target(%arg11 : memref<256xi32, #tpu.memory_space<vmem>>) target_semaphore(%run_scoped3A : memref<!tpu.dma_semaphore, #tpu.memory_space<semaphore_mem>>)
        %dma_wait3A_159 = tpu.memref_slice %arg5[%multiple_of3A] : memref<322048xi32, #tpu.memory_space<hbm>> -> memref<256xi32, #tpu.memory_space<hbm>>
        %dma_wait3A_160 = tpu.memref_slice %arg5[%multiple_of3A] : memref<322048xi32, #tpu.memory_space<hbm>> -> memref<256xi32, #tpu.memory_space<hbm>>
        tpu.wait_dma2 semaphore(%run_scoped3A : memref<!tpu.dma_semaphore, #tpu.memory_space<semaphore_mem>>) src(%dma_wait3A_160 : memref<256xi32, #tpu.memory_space<hbm>>) dst(%arg11 : memref<256xi32, #tpu.memory_space<vmem>>)
        tpu.yield
      }) : () -> ()
      %dma_start3A = arith.constant 0 : i32
      %dma_start3A_152 = arith.constant 0 : i32
      %dma_start3A_153 = tpu.memref_slice %arg2[%dma_start3A, %dma_start3A_152] : memref<10240x128xf32, #tpu.memory_space<hbm>> -> memref<10240x128xf32, #tpu.memory_space<hbm>>
      tpu.enqueue_indirect_dma source(%dma_start3A_153 : memref<10240x128xf32, #tpu.memory_space<hbm>>) target(%arg12 : memref<256x128xf32, #tpu.memory_space<vmem>>) offsets(%arg10 : memref<256xi32, #tpu.memory_space<vmem>>) semaphore(%arg15 : memref<!tpu.dma_semaphore, #tpu.memory_space<semaphore_mem>>)
      %dma_wait3A = arith.constant 0 : i32
      %dma_wait3A_154 = arith.constant 0 : i32
      %dma_wait3A_155 = tpu.memref_slice %arg2[%dma_wait3A, %dma_wait3A_154] : memref<10240x128xf32, #tpu.memory_space<hbm>> -> memref<10240x128xf32, #tpu.memory_space<hbm>>
      tpu.wait_indirect_dma semaphore(%arg15 : memref<!tpu.dma_semaphore, #tpu.memory_space<semaphore_mem>>) src(%dma_wait3A_155 : memref<10240x128xf32, #tpu.memory_space<hbm>>) dst(%arg12 : memref<256x128xf32, #tpu.memory_space<vmem>>)
      "tpu.region"() ({
        %run_scoped3A = tpu.sem_alloc : memref<!tpu.dma_semaphore, #tpu.memory_space<semaphore_mem>>
        %dma_start3A_157 = arith.constant 0 : i32
        %dma_start3A_158 = arith.constant 0 : i32
        %dma_start3A_159 = tpu.memref_slice %arg14[%dma_start3A_157, %dma_start3A_158] : memref<10240x128xf32, #tpu.memory_space<vmem_shared>> -> memref<10240x128xf32, #tpu.memory_space<vmem_shared>>
        tpu.enqueue_indirect_dma source(%arg12 : memref<256x128xf32, #tpu.memory_space<vmem>>) target(%dma_start3A_159 : memref<10240x128xf32, #tpu.memory_space<vmem_shared>>) offsets(%arg11 : memref<256xi32, #tpu.memory_space<vmem>>) semaphore(%run_scoped3A : memref<!tpu.dma_semaphore, #tpu.memory_space<semaphore_mem>>) {add = true}
        %dma_wait3A_160 = arith.constant 0 : i32
        %dma_wait3A_161 = arith.constant 0 : i32
        %dma_wait3A_162 = tpu.memref_slice %arg14[%dma_wait3A_160, %dma_wait3A_161] : memref<10240x128xf32, #tpu.memory_space<vmem_shared>> -> memref<10240x128xf32, #tpu.memory_space<vmem_shared>>
        tpu.wait_indirect_dma semaphore(%run_scoped3A : memref<!tpu.dma_semaphore, #tpu.memory_space<semaphore_mem>>) src(%arg12 : memref<256x128xf32, #tpu.memory_space<vmem>>) dst(%dma_wait3A_162 : memref<10240x128xf32, #tpu.memory_space<vmem_shared>>)
        tpu.yield
      }) : () -> ()
      %while3A_156 = arith.constant 0 : i32
      scf.yield %while3A_156 : i32
    }
    %while3A_85 = arith.constant 1 : i32
    %while3A_86 = scf.for %while3A_144 = %while3A_82 to %while3A_78 step %while3A_85 iter_args(%while3A_145 = %while3A_84) -> (i32)  : i32 {
      %mul3A_146 = arith.constant 32 : i32
      %mul3A_147 = arith.muli %while3A_144, %mul3A_146 : i32
      %add3A_148 = arith.addi %add3A, %mul3A_147 : i32
      %mul3A_149 = arith.constant 256 : i32
      %mul3A_150 = arith.muli %add3A_148, %mul3A_149 : i32
      %add3A_151 = arith.addi %squeeze3A, %mul3A_150 : i32
      %multiple_of3A = tpu.assume_multiple %add3A_151, 256 : i32
      "tpu.region"() ({
        %run_scoped3A = tpu.sem_alloc : memref<!tpu.dma_semaphore, #tpu.memory_space<semaphore_mem>>
        %dma_start3A_157 = tpu.memref_slice %arg4[%multiple_of3A] : memref<322048xi32, #tpu.memory_space<hbm>> -> memref<256xi32, #tpu.memory_space<hbm>>
        %dma_start3A_158 = tpu.memref_slice %arg4[%multiple_of3A] : memref<322048xi32, #tpu.memory_space<hbm>> -> memref<256xi32, #tpu.memory_space<hbm>>
        tpu.enqueue_dma source(%dma_start3A_158 : memref<256xi32, #tpu.memory_space<hbm>>) target(%arg10 : memref<256xi32, #tpu.memory_space<vmem>>) target_semaphore(%run_scoped3A : memref<!tpu.dma_semaphore, #tpu.memory_space<semaphore_mem>>)
        %dma_wait3A_159 = tpu.memref_slice %arg4[%multiple_of3A] : memref<322048xi32, #tpu.memory_space<hbm>> -> memref<256xi32, #tpu.memory_space<hbm>>
        %dma_wait3A_160 = tpu.memref_slice %arg4[%multiple_of3A] : memref<322048xi32, #tpu.memory_space<hbm>> -> memref<256xi32, #tpu.memory_space<hbm>>
        tpu.wait_dma2 semaphore(%run_scoped3A : memref<!tpu.dma_semaphore, #tpu.memory_space<semaphore_mem>>) src(%dma_wait3A_160 : memref<256xi32, #tpu.memory_space<hbm>>) dst(%arg10 : memref<256xi32, #tpu.memory_space<vmem>>)
        tpu.yield
      }) : () -> ()
      "tpu.region"() ({
        %run_scoped3A = tpu.sem_alloc : memref<!tpu.dma_semaphore, #tpu.memory_space<semaphore_mem>>
        %dma_start3A_157 = tpu.memref_slice %arg5[%multiple_of3A] : memref<322048xi32, #tpu.memory_space<hbm>> -> memref<256xi32, #tpu.memory_space<hbm>>
        %dma_start3A_158 = tpu.memref_slice %arg5[%multiple_of3A] : memref<322048xi32, #tpu.memory_space<hbm>> -> memref<256xi32, #tpu.memory_space<hbm>>
        tpu.enqueue_dma source(%dma_start3A_158 : memref<256xi32, #tpu.memory_space<hbm>>) target(%arg11 : memref<256xi32, #tpu.memory_space<vmem>>) target_semaphore(%run_scoped3A : memref<!tpu.dma_semaphore, #tpu.memory_space<semaphore_mem>>)
        %dma_wait3A_159 = tpu.memref_slice %arg5[%multiple_of3A] : memref<322048xi32, #tpu.memory_space<hbm>> -> memref<256xi32, #tpu.memory_space<hbm>>
        %dma_wait3A_160 = tpu.memref_slice %arg5[%multiple_of3A] : memref<322048xi32, #tpu.memory_space<hbm>> -> memref<256xi32, #tpu.memory_space<hbm>>
        tpu.wait_dma2 semaphore(%run_scoped3A : memref<!tpu.dma_semaphore, #tpu.memory_space<semaphore_mem>>) src(%dma_wait3A_160 : memref<256xi32, #tpu.memory_space<hbm>>) dst(%arg11 : memref<256xi32, #tpu.memory_space<vmem>>)
        tpu.yield
      }) : () -> ()
      %dma_start3A = arith.constant 0 : i32
      %dma_start3A_152 = arith.constant 0 : i32
      %dma_start3A_153 = tpu.memref_slice %arg2[%dma_start3A, %dma_start3A_152] : memref<10240x128xf32, #tpu.memory_space<hbm>> -> memref<10240x128xf32, #tpu.memory_space<hbm>>
      tpu.enqueue_indirect_dma source(%dma_start3A_153 : memref<10240x128xf32, #tpu.memory_space<hbm>>) target(%arg12 : memref<256x128xf32, #tpu.memory_space<vmem>>) offsets(%arg10 : memref<256xi32, #tpu.memory_space<vmem>>) semaphore(%arg15 : memref<!tpu.dma_semaphore, #tpu.memory_space<semaphore_mem>>)
      %dma_wait3A = arith.constant 0 : i32
      %dma_wait3A_154 = arith.constant 0 : i32
      %dma_wait3A_155 = tpu.memref_slice %arg2[%dma_wait3A, %dma_wait3A_154] : memref<10240x128xf32, #tpu.memory_space<hbm>> -> memref<10240x128xf32, #tpu.memory_space<hbm>>
      tpu.wait_indirect_dma semaphore(%arg15 : memref<!tpu.dma_semaphore, #tpu.memory_space<semaphore_mem>>) src(%dma_wait3A_155 : memref<10240x128xf32, #tpu.memory_space<hbm>>) dst(%arg12 : memref<256x128xf32, #tpu.memory_space<vmem>>)
      "tpu.region"() ({
        %run_scoped3A = tpu.sem_alloc : memref<!tpu.dma_semaphore, #tpu.memory_space<semaphore_mem>>
        %dma_start3A_157 = arith.constant 0 : i32
        %dma_start3A_158 = arith.constant 0 : i32
        %dma_start3A_159 = tpu.memref_slice %arg14[%dma_start3A_157, %dma_start3A_158] : memref<10240x128xf32, #tpu.memory_space<vmem_shared>> -> memref<10240x128xf32, #tpu.memory_space<vmem_shared>>
        tpu.enqueue_indirect_dma source(%arg12 : memref<256x128xf32, #tpu.memory_space<vmem>>) target(%dma_start3A_159 : memref<10240x128xf32, #tpu.memory_space<vmem_shared>>) offsets(%arg11 : memref<256xi32, #tpu.memory_space<vmem>>) semaphore(%run_scoped3A : memref<!tpu.dma_semaphore, #tpu.memory_space<semaphore_mem>>) {add = true}
        %dma_wait3A_160 = arith.constant 0 : i32
        %dma_wait3A_161 = arith.constant 0 : i32
        %dma_wait3A_162 = tpu.memref_slice %arg14[%dma_wait3A_160, %dma_wait3A_161] : memref<10240x128xf32, #tpu.memory_space<vmem_shared>> -> memref<10240x128xf32, #tpu.memory_space<vmem_shared>>
        tpu.wait_indirect_dma semaphore(%run_scoped3A : memref<!tpu.dma_semaphore, #tpu.memory_space<semaphore_mem>>) src(%arg12 : memref<256x128xf32, #tpu.memory_space<vmem>>) dst(%dma_wait3A_162 : memref<10240x128xf32, #tpu.memory_space<vmem_shared>>)
        tpu.yield
      }) : () -> ()
      %while3A_156 = arith.constant 0 : i32
      scf.yield %while3A_156 : i32
    }
    %barrier3A_87 = arith.constant 0 : index
    tpu.barrier barrier_id(%barrier3A_87)
    "tpu.region"() ({
      %run_scoped3A = tpu.sem_alloc : memref<!tpu.dma_semaphore, #tpu.memory_space<semaphore_mem>>
      %dma_start3A = arith.constant 0 : i32
      %dma_start3A_144 = tpu.memref_slice %arg7[%arg0, %mul3A_35, %dma_start3A] : memref<2x10240x128xf32, #tpu.memory_space<hbm>> -> memref<1x640x128xf32, #tpu.memory_space<hbm>>
      %dma_start3A_145 = tpu.memref_squeeze %dma_start3A_144 : memref<1x640x128xf32, #tpu.memory_space<hbm>> -> memref<640x128xf32, #tpu.memory_space<hbm>>
      %dma_start3A_146 = arith.constant 0 : i32
      %dma_start3A_147 = tpu.memref_slice %arg14[%mul3A_35, %dma_start3A_146] : memref<10240x128xf32, #tpu.memory_space<vmem_shared>> -> memref<640x128xf32, #tpu.memory_space<vmem_shared>>
      tpu.enqueue_dma source(%dma_start3A_147 : memref<640x128xf32, #tpu.memory_space<vmem_shared>>) target(%dma_start3A_145 : memref<640x128xf32, #tpu.memory_space<hbm>>) target_semaphore(%run_scoped3A : memref<!tpu.dma_semaphore, #tpu.memory_space<semaphore_mem>>)
      %dma_wait3A = arith.constant 0 : i32
      %dma_wait3A_148 = tpu.memref_slice %arg7[%arg0, %mul3A_35, %dma_wait3A] : memref<2x10240x128xf32, #tpu.memory_space<hbm>> -> memref<1x640x128xf32, #tpu.memory_space<hbm>>
      %dma_wait3A_149 = tpu.memref_squeeze %dma_wait3A_148 : memref<1x640x128xf32, #tpu.memory_space<hbm>> -> memref<640x128xf32, #tpu.memory_space<hbm>>
      %dma_wait3A_150 = arith.constant 0 : i32
      %dma_wait3A_151 = tpu.memref_slice %arg14[%mul3A_35, %dma_wait3A_150] : memref<10240x128xf32, #tpu.memory_space<vmem_shared>> -> memref<640x128xf32, #tpu.memory_space<vmem_shared>>
      tpu.wait_dma2 semaphore(%run_scoped3A : memref<!tpu.dma_semaphore, #tpu.memory_space<semaphore_mem>>) src(%dma_wait3A_151 : memref<640x128xf32, #tpu.memory_space<vmem_shared>>) dst(%dma_wait3A_149 : memref<640x128xf32, #tpu.memory_space<hbm>>)
      tpu.yield
    }) : () -> ()
    %barrier3A_88 = arith.constant 0 : index
    tpu.barrier barrier_id(%barrier3A_88)
    %mul3A_89 = arith.constant 640 : i32
    %mul3A_90 = arith.muli %arg1, %mul3A_89 : i32
    %add3A_91 = arith.constant 0 : i32
    %add3A_92 = arith.addi %mul3A_90, %add3A_91 : i32
    "tpu.region"() ({
      %run_scoped3A = tpu.sem_alloc : memref<!tpu.dma_semaphore, #tpu.memory_space<semaphore_mem>>
      %dma_start3A = arith.constant 0 : i32
      %dma_start3A_144 = tpu.memref_slice %arg14[%add3A_92, %dma_start3A] : memref<10240x128xf32, #tpu.memory_space<vmem_shared>> -> memref<64x128xf32, #tpu.memory_space<vmem_shared>>
      %dma_start3A_145 = arith.constant 0 : i32
      %dma_start3A_146 = tpu.memref_slice %arg14[%add3A_92, %dma_start3A_145] : memref<10240x128xf32, #tpu.memory_space<vmem_shared>> -> memref<64x128xf32, #tpu.memory_space<vmem_shared>>
      tpu.enqueue_dma source(%arg13 : memref<64x128xf32, #tpu.memory_space<vmem>>) target(%dma_start3A_146 : memref<64x128xf32, #tpu.memory_space<vmem_shared>>) target_semaphore(%run_scoped3A : memref<!tpu.dma_semaphore, #tpu.memory_space<semaphore_mem>>)
      %dma_wait3A = arith.constant 0 : i32
      %dma_wait3A_147 = tpu.memref_slice %arg14[%add3A_92, %dma_wait3A] : memref<10240x128xf32, #tpu.memory_space<vmem_shared>> -> memref<64x128xf32, #tpu.memory_space<vmem_shared>>
      %dma_wait3A_148 = arith.constant 0 : i32
      %dma_wait3A_149 = tpu.memref_slice %arg14[%add3A_92, %dma_wait3A_148] : memref<10240x128xf32, #tpu.memory_space<vmem_shared>> -> memref<64x128xf32, #tpu.memory_space<vmem_shared>>
      tpu.wait_dma2 semaphore(%run_scoped3A : memref<!tpu.dma_semaphore, #tpu.memory_space<semaphore_mem>>) src(%arg13 : memref<64x128xf32, #tpu.memory_space<vmem>>) dst(%dma_wait3A_149 : memref<64x128xf32, #tpu.memory_space<vmem_shared>>)
      tpu.yield
    }) : () -> ()
    %mul3A_93 = arith.constant 640 : i32
    %mul3A_94 = arith.muli %arg1, %mul3A_93 : i32
    %add3A_95 = arith.constant 64 : i32
    %add3A_96 = arith.addi %mul3A_94, %add3A_95 : i32
    "tpu.region"() ({
      %run_scoped3A = tpu.sem_alloc : memref<!tpu.dma_semaphore, #tpu.memory_space<semaphore_mem>>
      %dma_start3A = arith.constant 0 : i32
      %dma_start3A_144 = tpu.memref_slice %arg14[%add3A_96, %dma_start3A] : memref<10240x128xf32, #tpu.memory_space<vmem_shared>> -> memref<64x128xf32, #tpu.memory_space<vmem_shared>>
      %dma_start3A_145 = arith.constant 0 : i32
      %dma_start3A_146 = tpu.memref_slice %arg14[%add3A_96, %dma_start3A_145] : memref<10240x128xf32, #tpu.memory_space<vmem_shared>> -> memref<64x128xf32, #tpu.memory_space<vmem_shared>>
      tpu.enqueue_dma source(%arg13 : memref<64x128xf32, #tpu.memory_space<vmem>>) target(%dma_start3A_146 : memref<64x128xf32, #tpu.memory_space<vmem_shared>>) target_semaphore(%run_scoped3A : memref<!tpu.dma_semaphore, #tpu.memory_space<semaphore_mem>>)
      %dma_wait3A = arith.constant 0 : i32
      %dma_wait3A_147 = tpu.memref_slice %arg14[%add3A_96, %dma_wait3A] : memref<10240x128xf32, #tpu.memory_space<vmem_shared>> -> memref<64x128xf32, #tpu.memory_space<vmem_shared>>
      %dma_wait3A_148 = arith.constant 0 : i32
      %dma_wait3A_149 = tpu.memref_slice %arg14[%add3A_96, %dma_wait3A_148] : memref<10240x128xf32, #tpu.memory_space<vmem_shared>> -> memref<64x128xf32, #tpu.memory_space<vmem_shared>>
      tpu.wait_dma2 semaphore(%run_scoped3A : memref<!tpu.dma_semaphore, #tpu.memory_space<semaphore_mem>>) src(%arg13 : memref<64x128xf32, #tpu.memory_space<vmem>>) dst(%dma_wait3A_149 : memref<64x128xf32, #tpu.memory_space<vmem_shared>>)
      tpu.yield
    }) : () -> ()
    %mul3A_97 = arith.constant 640 : i32
    %mul3A_98 = arith.muli %arg1, %mul3A_97 : i32
    %add3A_99 = arith.constant 128 : i32
    %add3A_100 = arith.addi %mul3A_98, %add3A_99 : i32
    "tpu.region"() ({
      %run_scoped3A = tpu.sem_alloc : memref<!tpu.dma_semaphore, #tpu.memory_space<semaphore_mem>>
      %dma_start3A = arith.constant 0 : i32
      %dma_start3A_144 = tpu.memref_slice %arg14[%add3A_100, %dma_start3A] : memref<10240x128xf32, #tpu.memory_space<vmem_shared>> -> memref<64x128xf32, #tpu.memory_space<vmem_shared>>
      %dma_start3A_145 = arith.constant 0 : i32
      %dma_start3A_146 = tpu.memref_slice %arg14[%add3A_100, %dma_start3A_145] : memref<10240x128xf32, #tpu.memory_space<vmem_shared>> -> memref<64x128xf32, #tpu.memory_space<vmem_shared>>
      tpu.enqueue_dma source(%arg13 : memref<64x128xf32, #tpu.memory_space<vmem>>) target(%dma_start3A_146 : memref<64x128xf32, #tpu.memory_space<vmem_shared>>) target_semaphore(%run_scoped3A : memref<!tpu.dma_semaphore, #tpu.memory_space<semaphore_mem>>)
      %dma_wait3A = arith.constant 0 : i32
      %dma_wait3A_147 = tpu.memref_slice %arg14[%add3A_100, %dma_wait3A] : memref<10240x128xf32, #tpu.memory_space<vmem_shared>> -> memref<64x128xf32, #tpu.memory_space<vmem_shared>>
      %dma_wait3A_148 = arith.constant 0 : i32
      %dma_wait3A_149 = tpu.memref_slice %arg14[%add3A_100, %dma_wait3A_148] : memref<10240x128xf32, #tpu.memory_space<vmem_shared>> -> memref<64x128xf32, #tpu.memory_space<vmem_shared>>
      tpu.wait_dma2 semaphore(%run_scoped3A : memref<!tpu.dma_semaphore, #tpu.memory_space<semaphore_mem>>) src(%arg13 : memref<64x128xf32, #tpu.memory_space<vmem>>) dst(%dma_wait3A_149 : memref<64x128xf32, #tpu.memory_space<vmem_shared>>)
      tpu.yield
    }) : () -> ()
    %mul3A_101 = arith.constant 640 : i32
    %mul3A_102 = arith.muli %arg1, %mul3A_101 : i32
    %add3A_103 = arith.constant 192 : i32
    %add3A_104 = arith.addi %mul3A_102, %add3A_103 : i32
    "tpu.region"() ({
      %run_scoped3A = tpu.sem_alloc : memref<!tpu.dma_semaphore, #tpu.memory_space<semaphore_mem>>
      %dma_start3A = arith.constant 0 : i32
      %dma_start3A_144 = tpu.memref_slice %arg14[%add3A_104, %dma_start3A] : memref<10240x128xf32, #tpu.memory_space<vmem_shared>> -> memref<64x128xf32, #tpu.memory_space<vmem_shared>>
      %dma_start3A_145 = arith.constant 0 : i32
      %dma_start3A_146 = tpu.memref_slice %arg14[%add3A_104, %dma_start3A_145] : memref<10240x128xf32, #tpu.memory_space<vmem_shared>> -> memref<64x128xf32, #tpu.memory_space<vmem_shared>>
      tpu.enqueue_dma source(%arg13 : memref<64x128xf32, #tpu.memory_space<vmem>>) target(%dma_start3A_146 : memref<64x128xf32, #tpu.memory_space<vmem_shared>>) target_semaphore(%run_scoped3A : memref<!tpu.dma_semaphore, #tpu.memory_space<semaphore_mem>>)
      %dma_wait3A = arith.constant 0 : i32
      %dma_wait3A_147 = tpu.memref_slice %arg14[%add3A_104, %dma_wait3A] : memref<10240x128xf32, #tpu.memory_space<vmem_shared>> -> memref<64x128xf32, #tpu.memory_space<vmem_shared>>
      %dma_wait3A_148 = arith.constant 0 : i32
      %dma_wait3A_149 = tpu.memref_slice %arg14[%add3A_104, %dma_wait3A_148] : memref<10240x128xf32, #tpu.memory_space<vmem_shared>> -> memref<64x128xf32, #tpu.memory_space<vmem_shared>>
      tpu.wait_dma2 semaphore(%run_scoped3A : memref<!tpu.dma_semaphore, #tpu.memory_space<semaphore_mem>>) src(%arg13 : memref<64x128xf32, #tpu.memory_space<vmem>>) dst(%dma_wait3A_149 : memref<64x128xf32, #tpu.memory_space<vmem_shared>>)
      tpu.yield
    }) : () -> ()
    %mul3A_105 = arith.constant 640 : i32
    %mul3A_106 = arith.muli %arg1, %mul3A_105 : i32
    %add3A_107 = arith.constant 256 : i32
    %add3A_108 = arith.addi %mul3A_106, %add3A_107 : i32
    "tpu.region"() ({
      %run_scoped3A = tpu.sem_alloc : memref<!tpu.dma_semaphore, #tpu.memory_space<semaphore_mem>>
      %dma_start3A = arith.constant 0 : i32
      %dma_start3A_144 = tpu.memref_slice %arg14[%add3A_108, %dma_start3A] : memref<10240x128xf32, #tpu.memory_space<vmem_shared>> -> memref<64x128xf32, #tpu.memory_space<vmem_shared>>
      %dma_start3A_145 = arith.constant 0 : i32
      %dma_start3A_146 = tpu.memref_slice %arg14[%add3A_108, %dma_start3A_145] : memref<10240x128xf32, #tpu.memory_space<vmem_shared>> -> memref<64x128xf32, #tpu.memory_space<vmem_shared>>
      tpu.enqueue_dma source(%arg13 : memref<64x128xf32, #tpu.memory_space<vmem>>) target(%dma_start3A_146 : memref<64x128xf32, #tpu.memory_space<vmem_shared>>) target_semaphore(%run_scoped3A : memref<!tpu.dma_semaphore, #tpu.memory_space<semaphore_mem>>)
      %dma_wait3A = arith.constant 0 : i32
      %dma_wait3A_147 = tpu.memref_slice %arg14[%add3A_108, %dma_wait3A] : memref<10240x128xf32, #tpu.memory_space<vmem_shared>> -> memref<64x128xf32, #tpu.memory_space<vmem_shared>>
      %dma_wait3A_148 = arith.constant 0 : i32
      %dma_wait3A_149 = tpu.memref_slice %arg14[%add3A_108, %dma_wait3A_148] : memref<10240x128xf32, #tpu.memory_space<vmem_shared>> -> memref<64x128xf32, #tpu.memory_space<vmem_shared>>
      tpu.wait_dma2 semaphore(%run_scoped3A : memref<!tpu.dma_semaphore, #tpu.memory_space<semaphore_mem>>) src(%arg13 : memref<64x128xf32, #tpu.memory_space<vmem>>) dst(%dma_wait3A_149 : memref<64x128xf32, #tpu.memory_space<vmem_shared>>)
      tpu.yield
    }) : () -> ()
    %mul3A_109 = arith.constant 640 : i32
    %mul3A_110 = arith.muli %arg1, %mul3A_109 : i32
    %add3A_111 = arith.constant 320 : i32
    %add3A_112 = arith.addi %mul3A_110, %add3A_111 : i32
    "tpu.region"() ({
      %run_scoped3A = tpu.sem_alloc : memref<!tpu.dma_semaphore, #tpu.memory_space<semaphore_mem>>
      %dma_start3A = arith.constant 0 : i32
      %dma_start3A_144 = tpu.memref_slice %arg14[%add3A_112, %dma_start3A] : memref<10240x128xf32, #tpu.memory_space<vmem_shared>> -> memref<64x128xf32, #tpu.memory_space<vmem_shared>>
      %dma_start3A_145 = arith.constant 0 : i32
      %dma_start3A_146 = tpu.memref_slice %arg14[%add3A_112, %dma_start3A_145] : memref<10240x128xf32, #tpu.memory_space<vmem_shared>> -> memref<64x128xf32, #tpu.memory_space<vmem_shared>>
      tpu.enqueue_dma source(%arg13 : memref<64x128xf32, #tpu.memory_space<vmem>>) target(%dma_start3A_146 : memref<64x128xf32, #tpu.memory_space<vmem_shared>>) target_semaphore(%run_scoped3A : memref<!tpu.dma_semaphore, #tpu.memory_space<semaphore_mem>>)
      %dma_wait3A = arith.constant 0 : i32
      %dma_wait3A_147 = tpu.memref_slice %arg14[%add3A_112, %dma_wait3A] : memref<10240x128xf32, #tpu.memory_space<vmem_shared>> -> memref<64x128xf32, #tpu.memory_space<vmem_shared>>
      %dma_wait3A_148 = arith.constant 0 : i32
      %dma_wait3A_149 = tpu.memref_slice %arg14[%add3A_112, %dma_wait3A_148] : memref<10240x128xf32, #tpu.memory_space<vmem_shared>> -> memref<64x128xf32, #tpu.memory_space<vmem_shared>>
      tpu.wait_dma2 semaphore(%run_scoped3A : memref<!tpu.dma_semaphore, #tpu.memory_space<semaphore_mem>>) src(%arg13 : memref<64x128xf32, #tpu.memory_space<vmem>>) dst(%dma_wait3A_149 : memref<64x128xf32, #tpu.memory_space<vmem_shared>>)
      tpu.yield
    }) : () -> ()
    %mul3A_113 = arith.constant 640 : i32
    %mul3A_114 = arith.muli %arg1, %mul3A_113 : i32
    %add3A_115 = arith.constant 384 : i32
    %add3A_116 = arith.addi %mul3A_114, %add3A_115 : i32
    "tpu.region"() ({
      %run_scoped3A = tpu.sem_alloc : memref<!tpu.dma_semaphore, #tpu.memory_space<semaphore_mem>>
      %dma_start3A = arith.constant 0 : i32
      %dma_start3A_144 = tpu.memref_slice %arg14[%add3A_116, %dma_start3A] : memref<10240x128xf32, #tpu.memory_space<vmem_shared>> -> memref<64x128xf32, #tpu.memory_space<vmem_shared>>
      %dma_start3A_145 = arith.constant 0 : i32
      %dma_start3A_146 = tpu.memref_slice %arg14[%add3A_116, %dma_start3A_145] : memref<10240x128xf32, #tpu.memory_space<vmem_shared>> -> memref<64x128xf32, #tpu.memory_space<vmem_shared>>
      tpu.enqueue_dma source(%arg13 : memref<64x128xf32, #tpu.memory_space<vmem>>) target(%dma_start3A_146 : memref<64x128xf32, #tpu.memory_space<vmem_shared>>) target_semaphore(%run_scoped3A : memref<!tpu.dma_semaphore, #tpu.memory_space<semaphore_mem>>)
      %dma_wait3A = arith.constant 0 : i32
      %dma_wait3A_147 = tpu.memref_slice %arg14[%add3A_116, %dma_wait3A] : memref<10240x128xf32, #tpu.memory_space<vmem_shared>> -> memref<64x128xf32, #tpu.memory_space<vmem_shared>>
      %dma_wait3A_148 = arith.constant 0 : i32
      %dma_wait3A_149 = tpu.memref_slice %arg14[%add3A_116, %dma_wait3A_148] : memref<10240x128xf32, #tpu.memory_space<vmem_shared>> -> memref<64x128xf32, #tpu.memory_space<vmem_shared>>
      tpu.wait_dma2 semaphore(%run_scoped3A : memref<!tpu.dma_semaphore, #tpu.memory_space<semaphore_mem>>) src(%arg13 : memref<64x128xf32, #tpu.memory_space<vmem>>) dst(%dma_wait3A_149 : memref<64x128xf32, #tpu.memory_space<vmem_shared>>)
      tpu.yield
    }) : () -> ()
    %mul3A_117 = arith.constant 640 : i32
    %mul3A_118 = arith.muli %arg1, %mul3A_117 : i32
    %add3A_119 = arith.constant 448 : i32
    %add3A_120 = arith.addi %mul3A_118, %add3A_119 : i32
    "tpu.region"() ({
      %run_scoped3A = tpu.sem_alloc : memref<!tpu.dma_semaphore, #tpu.memory_space<semaphore_mem>>
      %dma_start3A = arith.constant 0 : i32
      %dma_start3A_144 = tpu.memref_slice %arg14[%add3A_120, %dma_start3A] : memref<10240x128xf32, #tpu.memory_space<vmem_shared>> -> memref<64x128xf32, #tpu.memory_space<vmem_shared>>
      %dma_start3A_145 = arith.constant 0 : i32
      %dma_start3A_146 = tpu.memref_slice %arg14[%add3A_120, %dma_start3A_145] : memref<10240x128xf32, #tpu.memory_space<vmem_shared>> -> memref<64x128xf32, #tpu.memory_space<vmem_shared>>
      tpu.enqueue_dma source(%arg13 : memref<64x128xf32, #tpu.memory_space<vmem>>) target(%dma_start3A_146 : memref<64x128xf32, #tpu.memory_space<vmem_shared>>) target_semaphore(%run_scoped3A : memref<!tpu.dma_semaphore, #tpu.memory_space<semaphore_mem>>)
      %dma_wait3A = arith.constant 0 : i32
      %dma_wait3A_147 = tpu.memref_slice %arg14[%add3A_120, %dma_wait3A] : memref<10240x128xf32, #tpu.memory_space<vmem_shared>> -> memref<64x128xf32, #tpu.memory_space<vmem_shared>>
      %dma_wait3A_148 = arith.constant 0 : i32
      %dma_wait3A_149 = tpu.memref_slice %arg14[%add3A_120, %dma_wait3A_148] : memref<10240x128xf32, #tpu.memory_space<vmem_shared>> -> memref<64x128xf32, #tpu.memory_space<vmem_shared>>
      tpu.wait_dma2 semaphore(%run_scoped3A : memref<!tpu.dma_semaphore, #tpu.memory_space<semaphore_mem>>) src(%arg13 : memref<64x128xf32, #tpu.memory_space<vmem>>) dst(%dma_wait3A_149 : memref<64x128xf32, #tpu.memory_space<vmem_shared>>)
      tpu.yield
    }) : () -> ()
    %mul3A_121 = arith.constant 640 : i32
    %mul3A_122 = arith.muli %arg1, %mul3A_121 : i32
    %add3A_123 = arith.constant 512 : i32
    %add3A_124 = arith.addi %mul3A_122, %add3A_123 : i32
    "tpu.region"() ({
      %run_scoped3A = tpu.sem_alloc : memref<!tpu.dma_semaphore, #tpu.memory_space<semaphore_mem>>
      %dma_start3A = arith.constant 0 : i32
      %dma_start3A_144 = tpu.memref_slice %arg14[%add3A_124, %dma_start3A] : memref<10240x128xf32, #tpu.memory_space<vmem_shared>> -> memref<64x128xf32, #tpu.memory_space<vmem_shared>>
      %dma_start3A_145 = arith.constant 0 : i32
      %dma_start3A_146 = tpu.memref_slice %arg14[%add3A_124, %dma_start3A_145] : memref<10240x128xf32, #tpu.memory_space<vmem_shared>> -> memref<64x128xf32, #tpu.memory_space<vmem_shared>>
      tpu.enqueue_dma source(%arg13 : memref<64x128xf32, #tpu.memory_space<vmem>>) target(%dma_start3A_146 : memref<64x128xf32, #tpu.memory_space<vmem_shared>>) target_semaphore(%run_scoped3A : memref<!tpu.dma_semaphore, #tpu.memory_space<semaphore_mem>>)
      %dma_wait3A = arith.constant 0 : i32
      %dma_wait3A_147 = tpu.memref_slice %arg14[%add3A_124, %dma_wait3A] : memref<10240x128xf32, #tpu.memory_space<vmem_shared>> -> memref<64x128xf32, #tpu.memory_space<vmem_shared>>
      %dma_wait3A_148 = arith.constant 0 : i32
      %dma_wait3A_149 = tpu.memref_slice %arg14[%add3A_124, %dma_wait3A_148] : memref<10240x128xf32, #tpu.memory_space<vmem_shared>> -> memref<64x128xf32, #tpu.memory_space<vmem_shared>>
      tpu.wait_dma2 semaphore(%run_scoped3A : memref<!tpu.dma_semaphore, #tpu.memory_space<semaphore_mem>>) src(%arg13 : memref<64x128xf32, #tpu.memory_space<vmem>>) dst(%dma_wait3A_149 : memref<64x128xf32, #tpu.memory_space<vmem_shared>>)
      tpu.yield
    }) : () -> ()
    %mul3A_125 = arith.constant 640 : i32
    %mul3A_126 = arith.muli %arg1, %mul3A_125 : i32
    %add3A_127 = arith.constant 576 : i32
    %add3A_128 = arith.addi %mul3A_126, %add3A_127 : i32
    "tpu.region"() ({
      %run_scoped3A = tpu.sem_alloc : memref<!tpu.dma_semaphore, #tpu.memory_space<semaphore_mem>>
      %dma_start3A = arith.constant 0 : i32
      %dma_start3A_144 = tpu.memref_slice %arg14[%add3A_128, %dma_start3A] : memref<10240x128xf32, #tpu.memory_space<vmem_shared>> -> memref<64x128xf32, #tpu.memory_space<vmem_shared>>
      %dma_start3A_145 = arith.constant 0 : i32
      %dma_start3A_146 = tpu.memref_slice %arg14[%add3A_128, %dma_start3A_145] : memref<10240x128xf32, #tpu.memory_space<vmem_shared>> -> memref<64x128xf32, #tpu.memory_space<vmem_shared>>
      tpu.enqueue_dma source(%arg13 : memref<64x128xf32, #tpu.memory_space<vmem>>) target(%dma_start3A_146 : memref<64x128xf32, #tpu.memory_space<vmem_shared>>) target_semaphore(%run_scoped3A : memref<!tpu.dma_semaphore, #tpu.memory_space<semaphore_mem>>)
      %dma_wait3A = arith.constant 0 : i32
      %dma_wait3A_147 = tpu.memref_slice %arg14[%add3A_128, %dma_wait3A] : memref<10240x128xf32, #tpu.memory_space<vmem_shared>> -> memref<64x128xf32, #tpu.memory_space<vmem_shared>>
      %dma_wait3A_148 = arith.constant 0 : i32
      %dma_wait3A_149 = tpu.memref_slice %arg14[%add3A_128, %dma_wait3A_148] : memref<10240x128xf32, #tpu.memory_space<vmem_shared>> -> memref<64x128xf32, #tpu.memory_space<vmem_shared>>
      tpu.wait_dma2 semaphore(%run_scoped3A : memref<!tpu.dma_semaphore, #tpu.memory_space<semaphore_mem>>) src(%arg13 : memref<64x128xf32, #tpu.memory_space<vmem>>) dst(%dma_wait3A_149 : memref<64x128xf32, #tpu.memory_space<vmem_shared>>)
      tpu.yield
    }) : () -> ()
    %barrier3A_129 = arith.constant 0 : index
    tpu.barrier barrier_id(%barrier3A_129)
    %while3A_130 = arith.constant 0 : i32
    %while3A_131 = arith.constant 0 : i32
    %while3A_132 = arith.subi %max3A_33, %while3A_130 : i32
    %while3A_133 = arith.addi %while3A_130, %while3A_132 : i32
    %while3A_134 = arith.constant 1 : i32
    %while3A_135 = arith.divsi %while3A_132, %while3A_134 : i32
    %while3A_136 = arith.muli %while3A_135, %while3A_134 : i32
    %while3A_137 = arith.addi %while3A_130, %while3A_136 : i32
    %while3A_138 = arith.constant 1 : i32
    %while3A_139 = scf.for %while3A_144 = %while3A_130 to %while3A_137 step %while3A_138 iter_args(%while3A_145 = %while3A_131) -> (i32)  : i32 {
      %mul3A_146 = arith.constant 32 : i32
      %mul3A_147 = arith.muli %while3A_144, %mul3A_146 : i32
      %add3A_148 = arith.addi %add3A, %mul3A_147 : i32
      %mul3A_149 = arith.constant 256 : i32
      %mul3A_150 = arith.muli %add3A_148, %mul3A_149 : i32
      %add3A_151 = arith.addi %squeeze3A, %mul3A_150 : i32
      %multiple_of3A = tpu.assume_multiple %add3A_151, 256 : i32
      "tpu.region"() ({
        %run_scoped3A = tpu.sem_alloc : memref<!tpu.dma_semaphore, #tpu.memory_space<semaphore_mem>>
        %dma_start3A_157 = tpu.memref_slice %arg4[%multiple_of3A] : memref<322048xi32, #tpu.memory_space<hbm>> -> memref<256xi32, #tpu.memory_space<hbm>>
        %dma_start3A_158 = tpu.memref_slice %arg4[%multiple_of3A] : memref<322048xi32, #tpu.memory_space<hbm>> -> memref<256xi32, #tpu.memory_space<hbm>>
        tpu.enqueue_dma source(%dma_start3A_158 : memref<256xi32, #tpu.memory_space<hbm>>) target(%arg10 : memref<256xi32, #tpu.memory_space<vmem>>) target_semaphore(%run_scoped3A : memref<!tpu.dma_semaphore, #tpu.memory_space<semaphore_mem>>)
        %dma_wait3A_159 = tpu.memref_slice %arg4[%multiple_of3A] : memref<322048xi32, #tpu.memory_space<hbm>> -> memref<256xi32, #tpu.memory_space<hbm>>
        %dma_wait3A_160 = tpu.memref_slice %arg4[%multiple_of3A] : memref<322048xi32, #tpu.memory_space<hbm>> -> memref<256xi32, #tpu.memory_space<hbm>>
        tpu.wait_dma2 semaphore(%run_scoped3A : memref<!tpu.dma_semaphore, #tpu.memory_space<semaphore_mem>>) src(%dma_wait3A_160 : memref<256xi32, #tpu.memory_space<hbm>>) dst(%arg10 : memref<256xi32, #tpu.memory_space<vmem>>)
        tpu.yield
      }) : () -> ()
      "tpu.region"() ({
        %run_scoped3A = tpu.sem_alloc : memref<!tpu.dma_semaphore, #tpu.memory_space<semaphore_mem>>
        %dma_start3A_157 = tpu.memref_slice %arg5[%multiple_of3A] : memref<322048xi32, #tpu.memory_space<hbm>> -> memref<256xi32, #tpu.memory_space<hbm>>
        %dma_start3A_158 = tpu.memref_slice %arg5[%multiple_of3A] : memref<322048xi32, #tpu.memory_space<hbm>> -> memref<256xi32, #tpu.memory_space<hbm>>
        tpu.enqueue_dma source(%dma_start3A_158 : memref<256xi32, #tpu.memory_space<hbm>>) target(%arg11 : memref<256xi32, #tpu.memory_space<vmem>>) target_semaphore(%run_scoped3A : memref<!tpu.dma_semaphore, #tpu.memory_space<semaphore_mem>>)
        %dma_wait3A_159 = tpu.memref_slice %arg5[%multiple_of3A] : memref<322048xi32, #tpu.memory_space<hbm>> -> memref<256xi32, #tpu.memory_space<hbm>>
        %dma_wait3A_160 = tpu.memref_slice %arg5[%multiple_of3A] : memref<322048xi32, #tpu.memory_space<hbm>> -> memref<256xi32, #tpu.memory_space<hbm>>
        tpu.wait_dma2 semaphore(%run_scoped3A : memref<!tpu.dma_semaphore, #tpu.memory_space<semaphore_mem>>) src(%dma_wait3A_160 : memref<256xi32, #tpu.memory_space<hbm>>) dst(%arg11 : memref<256xi32, #tpu.memory_space<vmem>>)
        tpu.yield
      }) : () -> ()
      %dma_start3A = arith.constant 0 : i32
      %dma_start3A_152 = arith.constant 0 : i32
      %dma_start3A_153 = tpu.memref_slice %arg3[%dma_start3A, %dma_start3A_152] : memref<10240x128xf32, #tpu.memory_space<hbm>> -> memref<10240x128xf32, #tpu.memory_space<hbm>>
      tpu.enqueue_indirect_dma source(%dma_start3A_153 : memref<10240x128xf32, #tpu.memory_space<hbm>>) target(%arg12 : memref<256x128xf32, #tpu.memory_space<vmem>>) offsets(%arg10 : memref<256xi32, #tpu.memory_space<vmem>>) semaphore(%arg15 : memref<!tpu.dma_semaphore, #tpu.memory_space<semaphore_mem>>)
      %dma_wait3A = arith.constant 0 : i32
      %dma_wait3A_154 = arith.constant 0 : i32
      %dma_wait3A_155 = tpu.memref_slice %arg3[%dma_wait3A, %dma_wait3A_154] : memref<10240x128xf32, #tpu.memory_space<hbm>> -> memref<10240x128xf32, #tpu.memory_space<hbm>>
      tpu.wait_indirect_dma semaphore(%arg15 : memref<!tpu.dma_semaphore, #tpu.memory_space<semaphore_mem>>) src(%dma_wait3A_155 : memref<10240x128xf32, #tpu.memory_space<hbm>>) dst(%arg12 : memref<256x128xf32, #tpu.memory_space<vmem>>)
      "tpu.region"() ({
        %run_scoped3A = tpu.sem_alloc : memref<!tpu.dma_semaphore, #tpu.memory_space<semaphore_mem>>
        %dma_start3A_157 = arith.constant 0 : i32
        %dma_start3A_158 = arith.constant 0 : i32
        %dma_start3A_159 = tpu.memref_slice %arg14[%dma_start3A_157, %dma_start3A_158] : memref<10240x128xf32, #tpu.memory_space<vmem_shared>> -> memref<10240x128xf32, #tpu.memory_space<vmem_shared>>
        tpu.enqueue_indirect_dma source(%arg12 : memref<256x128xf32, #tpu.memory_space<vmem>>) target(%dma_start3A_159 : memref<10240x128xf32, #tpu.memory_space<vmem_shared>>) offsets(%arg11 : memref<256xi32, #tpu.memory_space<vmem>>) semaphore(%run_scoped3A : memref<!tpu.dma_semaphore, #tpu.memory_space<semaphore_mem>>) {add = true}
        %dma_wait3A_160 = arith.constant 0 : i32
        %dma_wait3A_161 = arith.constant 0 : i32
        %dma_wait3A_162 = tpu.memref_slice %arg14[%dma_wait3A_160, %dma_wait3A_161] : memref<10240x128xf32, #tpu.memory_space<vmem_shared>> -> memref<10240x128xf32, #tpu.memory_space<vmem_shared>>
        tpu.wait_indirect_dma semaphore(%run_scoped3A : memref<!tpu.dma_semaphore, #tpu.memory_space<semaphore_mem>>) src(%arg12 : memref<256x128xf32, #tpu.memory_space<vmem>>) dst(%dma_wait3A_162 : memref<10240x128xf32, #tpu.memory_space<vmem_shared>>)
        tpu.yield
      }) : () -> ()
      %while3A_156 = arith.constant 0 : i32
      scf.yield %while3A_156 : i32
    }
    %while3A_140 = arith.constant 1 : i32
    %while3A_141 = scf.for %while3A_144 = %while3A_137 to %while3A_133 step %while3A_140 iter_args(%while3A_145 = %while3A_139) -> (i32)  : i32 {
      %mul3A_146 = arith.constant 32 : i32
      %mul3A_147 = arith.muli %while3A_144, %mul3A_146 : i32
      %add3A_148 = arith.addi %add3A, %mul3A_147 : i32
      %mul3A_149 = arith.constant 256 : i32
      %mul3A_150 = arith.muli %add3A_148, %mul3A_149 : i32
      %add3A_151 = arith.addi %squeeze3A, %mul3A_150 : i32
      %multiple_of3A = tpu.assume_multiple %add3A_151, 256 : i32
      "tpu.region"() ({
        %run_scoped3A = tpu.sem_alloc : memref<!tpu.dma_semaphore, #tpu.memory_space<semaphore_mem>>
        %dma_start3A_157 = tpu.memref_slice %arg4[%multiple_of3A] : memref<322048xi32, #tpu.memory_space<hbm>> -> memref<256xi32, #tpu.memory_space<hbm>>
        %dma_start3A_158 = tpu.memref_slice %arg4[%multiple_of3A] : memref<322048xi32, #tpu.memory_space<hbm>> -> memref<256xi32, #tpu.memory_space<hbm>>
        tpu.enqueue_dma source(%dma_start3A_158 : memref<256xi32, #tpu.memory_space<hbm>>) target(%arg10 : memref<256xi32, #tpu.memory_space<vmem>>) target_semaphore(%run_scoped3A : memref<!tpu.dma_semaphore, #tpu.memory_space<semaphore_mem>>)
        %dma_wait3A_159 = tpu.memref_slice %arg4[%multiple_of3A] : memref<322048xi32, #tpu.memory_space<hbm>> -> memref<256xi32, #tpu.memory_space<hbm>>
        %dma_wait3A_160 = tpu.memref_slice %arg4[%multiple_of3A] : memref<322048xi32, #tpu.memory_space<hbm>> -> memref<256xi32, #tpu.memory_space<hbm>>
        tpu.wait_dma2 semaphore(%run_scoped3A : memref<!tpu.dma_semaphore, #tpu.memory_space<semaphore_mem>>) src(%dma_wait3A_160 : memref<256xi32, #tpu.memory_space<hbm>>) dst(%arg10 : memref<256xi32, #tpu.memory_space<vmem>>)
        tpu.yield
      }) : () -> ()
      "tpu.region"() ({
        %run_scoped3A = tpu.sem_alloc : memref<!tpu.dma_semaphore, #tpu.memory_space<semaphore_mem>>
        %dma_start3A_157 = tpu.memref_slice %arg5[%multiple_of3A] : memref<322048xi32, #tpu.memory_space<hbm>> -> memref<256xi32, #tpu.memory_space<hbm>>
        %dma_start3A_158 = tpu.memref_slice %arg5[%multiple_of3A] : memref<322048xi32, #tpu.memory_space<hbm>> -> memref<256xi32, #tpu.memory_space<hbm>>
        tpu.enqueue_dma source(%dma_start3A_158 : memref<256xi32, #tpu.memory_space<hbm>>) target(%arg11 : memref<256xi32, #tpu.memory_space<vmem>>) target_semaphore(%run_scoped3A : memref<!tpu.dma_semaphore, #tpu.memory_space<semaphore_mem>>)
        %dma_wait3A_159 = tpu.memref_slice %arg5[%multiple_of3A] : memref<322048xi32, #tpu.memory_space<hbm>> -> memref<256xi32, #tpu.memory_space<hbm>>
        %dma_wait3A_160 = tpu.memref_slice %arg5[%multiple_of3A] : memref<322048xi32, #tpu.memory_space<hbm>> -> memref<256xi32, #tpu.memory_space<hbm>>
        tpu.wait_dma2 semaphore(%run_scoped3A : memref<!tpu.dma_semaphore, #tpu.memory_space<semaphore_mem>>) src(%dma_wait3A_160 : memref<256xi32, #tpu.memory_space<hbm>>) dst(%arg11 : memref<256xi32, #tpu.memory_space<vmem>>)
        tpu.yield
      }) : () -> ()
      %dma_start3A = arith.constant 0 : i32
      %dma_start3A_152 = arith.constant 0 : i32
      %dma_start3A_153 = tpu.memref_slice %arg3[%dma_start3A, %dma_start3A_152] : memref<10240x128xf32, #tpu.memory_space<hbm>> -> memref<10240x128xf32, #tpu.memory_space<hbm>>
      tpu.enqueue_indirect_dma source(%dma_start3A_153 : memref<10240x128xf32, #tpu.memory_space<hbm>>) target(%arg12 : memref<256x128xf32, #tpu.memory_space<vmem>>) offsets(%arg10 : memref<256xi32, #tpu.memory_space<vmem>>) semaphore(%arg15 : memref<!tpu.dma_semaphore, #tpu.memory_space<semaphore_mem>>)
      %dma_wait3A = arith.constant 0 : i32
      %dma_wait3A_154 = arith.constant 0 : i32
      %dma_wait3A_155 = tpu.memref_slice %arg3[%dma_wait3A, %dma_wait3A_154] : memref<10240x128xf32, #tpu.memory_space<hbm>> -> memref<10240x128xf32, #tpu.memory_space<hbm>>
      tpu.wait_indirect_dma semaphore(%arg15 : memref<!tpu.dma_semaphore, #tpu.memory_space<semaphore_mem>>) src(%dma_wait3A_155 : memref<10240x128xf32, #tpu.memory_space<hbm>>) dst(%arg12 : memref<256x128xf32, #tpu.memory_space<vmem>>)
      "tpu.region"() ({
        %run_scoped3A = tpu.sem_alloc : memref<!tpu.dma_semaphore, #tpu.memory_space<semaphore_mem>>
        %dma_start3A_157 = arith.constant 0 : i32
        %dma_start3A_158 = arith.constant 0 : i32
        %dma_start3A_159 = tpu.memref_slice %arg14[%dma_start3A_157, %dma_start3A_158] : memref<10240x128xf32, #tpu.memory_space<vmem_shared>> -> memref<10240x128xf32, #tpu.memory_space<vmem_shared>>
        tpu.enqueue_indirect_dma source(%arg12 : memref<256x128xf32, #tpu.memory_space<vmem>>) target(%dma_start3A_159 : memref<10240x128xf32, #tpu.memory_space<vmem_shared>>) offsets(%arg11 : memref<256xi32, #tpu.memory_space<vmem>>) semaphore(%run_scoped3A : memref<!tpu.dma_semaphore, #tpu.memory_space<semaphore_mem>>) {add = true}
        %dma_wait3A_160 = arith.constant 0 : i32
        %dma_wait3A_161 = arith.constant 0 : i32
        %dma_wait3A_162 = tpu.memref_slice %arg14[%dma_wait3A_160, %dma_wait3A_161] : memref<10240x128xf32, #tpu.memory_space<vmem_shared>> -> memref<10240x128xf32, #tpu.memory_space<vmem_shared>>
        tpu.wait_indirect_dma semaphore(%run_scoped3A : memref<!tpu.dma_semaphore, #tpu.memory_space<semaphore_mem>>) src(%arg12 : memref<256x128xf32, #tpu.memory_space<vmem>>) dst(%dma_wait3A_162 : memref<10240x128xf32, #tpu.memory_space<vmem_shared>>)
        tpu.yield
      }) : () -> ()
      %while3A_156 = arith.constant 0 : i32
      scf.yield %while3A_156 : i32
    }
    %barrier3A_142 = arith.constant 0 : index
    tpu.barrier barrier_id(%barrier3A_142)
    "tpu.region"() ({
      %run_scoped3A = tpu.sem_alloc : memref<!tpu.dma_semaphore, #tpu.memory_space<semaphore_mem>>
      %dma_start3A = arith.constant 0 : i32
      %dma_start3A_144 = tpu.memref_slice %arg8[%arg0, %mul3A_35, %dma_start3A] : memref<2x10240x128xf32, #tpu.memory_space<hbm>> -> memref<1x640x128xf32, #tpu.memory_space<hbm>>
      %dma_start3A_145 = tpu.memref_squeeze %dma_start3A_144 : memref<1x640x128xf32, #tpu.memory_space<hbm>> -> memref<640x128xf32, #tpu.memory_space<hbm>>
      %dma_start3A_146 = arith.constant 0 : i32
      %dma_start3A_147 = tpu.memref_slice %arg14[%mul3A_35, %dma_start3A_146] : memref<10240x128xf32, #tpu.memory_space<vmem_shared>> -> memref<640x128xf32, #tpu.memory_space<vmem_shared>>
      tpu.enqueue_dma source(%dma_start3A_147 : memref<640x128xf32, #tpu.memory_space<vmem_shared>>) target(%dma_start3A_145 : memref<640x128xf32, #tpu.memory_space<hbm>>) target_semaphore(%run_scoped3A : memref<!tpu.dma_semaphore, #tpu.memory_space<semaphore_mem>>)
      %dma_wait3A = arith.constant 0 : i32
      %dma_wait3A_148 = tpu.memref_slice %arg8[%arg0, %mul3A_35, %dma_wait3A] : memref<2x10240x128xf32, #tpu.memory_space<hbm>> -> memref<1x640x128xf32, #tpu.memory_space<hbm>>
      %dma_wait3A_149 = tpu.memref_squeeze %dma_wait3A_148 : memref<1x640x128xf32, #tpu.memory_space<hbm>> -> memref<640x128xf32, #tpu.memory_space<hbm>>
      %dma_wait3A_150 = arith.constant 0 : i32
      %dma_wait3A_151 = tpu.memref_slice %arg14[%mul3A_35, %dma_wait3A_150] : memref<10240x128xf32, #tpu.memory_space<vmem_shared>> -> memref<640x128xf32, #tpu.memory_space<vmem_shared>>
      tpu.wait_dma2 semaphore(%run_scoped3A : memref<!tpu.dma_semaphore, #tpu.memory_space<semaphore_mem>>) src(%dma_wait3A_151 : memref<640x128xf32, #tpu.memory_space<vmem_shared>>) dst(%dma_wait3A_149 : memref<640x128xf32, #tpu.memory_space<hbm>>)
      tpu.yield
    }) : () -> ()
    %barrier3A_143 = arith.constant 0 : index
    tpu.barrier barrier_id(%barrier3A_143)
    return
  }
}

#map = affine_map<(d0, d1) -> (0, 0)>
#map1 = affine_map<(d0, d1) -> (0)>
#map2 = affine_map<(d0, d1) -> (0, 0, 0)>
module attributes {stable_mosaic.version = 14 : i64} {
  func.func @sc_scatter(%arg0: i32, %arg1: i32, %arg2: memref<10240x128xf32, #tpu.memory_space<hbm>>, %arg3: memref<10240x128xf32, #tpu.memory_space<hbm>>, %arg4: memref<322048xi32, #tpu.memory_space<hbm>>, %arg5: memref<322048xi32, #tpu.memory_space<hbm>>, %arg6: memref<16xi32, #tpu.memory_space<hbm>>, %arg7: memref<2x10240x128xf32, #tpu.memory_space<hbm>>, %arg8: memref<2x10240x128xf32, #tpu.memory_space<hbm>>, %arg9: memref<16xi32, #tpu.memory_space<vmem>>, %arg10: memref<256xi32, #tpu.memory_space<vmem>>, %arg11: memref<256xi32, #tpu.memory_space<vmem>>, %arg12: memref<256x128xf32, #tpu.memory_space<vmem>>, %arg13: memref<64x128xf32, #tpu.memory_space<vmem>>, %arg14: memref<10240x128xf32, #tpu.memory_space<vmem_shared>>, %arg15: memref<!tpu.dma_semaphore, #tpu.memory_space<semaphore_mem>>) attributes {dimension_semantics = [#tpu.dimension_semantics<core_parallel>, #tpu.dimension_semantics<subcore_parallel>], iteration_bounds = array<i64: 2, 16>, scalar_prefetch = 0 : i64, scratch_operands = 7 : i64, tpu.core_type = #tpu.core_type<sc_vector_subcore>, window_params = [{transform_indices = #map}, {transform_indices = #map}, {transform_indices = #map1}, {transform_indices = #map1}, {transform_indices = #map1}, {transform_indices = #map2}, {transform_indices = #map2}]} {
    %mul3A = arith.constant 2 : i32
    %mul3A_0 = arith.muli %arg1, %mul3A : i32
    %add3A = arith.addi %mul3A_0, %arg0 : i32
    "tpu.region"() ({
      %run_scoped3A = tpu.sem_alloc : memref<!tpu.dma_semaphore, #tpu.memory_space<semaphore_mem>>
      tpu.enqueue_dma source(%arg6 : memref<16xi32, #tpu.memory_space<hbm>>) target(%arg9 : memref<16xi32, #tpu.memory_space<vmem>>) target_semaphore(%run_scoped3A : memref<!tpu.dma_semaphore, #tpu.memory_space<semaphore_mem>>)
      tpu.wait_dma2 semaphore(%run_scoped3A : memref<!tpu.dma_semaphore, #tpu.memory_space<semaphore_mem>>) src(%arg6 : memref<16xi32, #tpu.memory_space<hbm>>) dst(%arg9 : memref<16xi32, #tpu.memory_space<vmem>>)
      tpu.yield
    }) : () -> ()
    %broadcast_in_dim3A = arith.constant 0.000000e+00 : f32
    %broadcast_in_dim3A_1 = vector.broadcast %broadcast_in_dim3A : f32 to vector<16xf32>
    %scan3A = arith.constant 0 : i32
    %scan3A_2 = arith.constant 0 : i32
    %scan3A_3 = arith.constant 64 : i32
    %scan3A_4 = arith.addi %scan3A_2, %scan3A_3 : i32
    %scan3A_5 = arith.constant 1 : i32
    %scan3A_6 = scf.for %scan3A_144 = %scan3A_2 to %scan3A_4 step %scan3A_5 iter_args(%scan3A_145 = %scan3A) -> (i32)  : i32 {
      %swap3A = arith.index_cast %scan3A_144 : i32 to index
      %swap3A_146 = arith.constant 0 : index
      %swap3A_147 = tpu.vector_load %arg13[%swap3A, %swap3A_146] {strides = array<i32>} : memref<64x128xf32, #tpu.memory_space<vmem>>, vector<1x16xf32>,
      %swap3A_148 = vector.shape_cast %swap3A_147 : vector<1x16xf32> to vector<16xf32>
      %swap3A_149 = vector.shape_cast %broadcast_in_dim3A_1 : vector<16xf32> to vector<1x16xf32>
      tpu.vector_store %arg13[%swap3A, %swap3A_146], %swap3A_149 {strides = array<i32>} : memref<64x128xf32, #tpu.memory_space<vmem>>, vector<1x16xf32>,
      %swap3A_150 = arith.index_cast %scan3A_144 : i32 to index
      %swap3A_151 = arith.constant 16 : index
      %swap3A_152 = tpu.vector_load %arg13[%swap3A_150, %swap3A_151] {strides = array<i32>} : memref<64x128xf32, #tpu.memory_space<vmem>>, vector<1x16xf32>,
      %swap3A_153 = vector.shape_cast %swap3A_152 : vector<1x16xf32> to vector<16xf32>
      %swap3A_154 = vector.shape_cast %broadcast_in_dim3A_1 : vector<16xf32> to vector<1x16xf32>
      tpu.vector_store %arg13[%swap3A_150, %swap3A_151], %swap3A_154 {strides = array<i32>} : memref<64x128xf32, #tpu.memory_space<vmem>>, vector<1x16xf32>,
      %swap3A_155 = arith.index_cast %scan3A_144 : i32 to index
      %swap3A_156 = arith.constant 32 : index
      %swap3A_157 = tpu.vector_load %arg13[%swap3A_155, %swap3A_156] {strides = array<i32>} : memref<64x128xf32, #tpu.memory_space<vmem>>, vector<1x16xf32>,
      %swap3A_158 = vector.shape_cast %swap3A_157 : vector<1x16xf32> to vector<16xf32>
      %swap3A_159 = vector.shape_cast %broadcast_in_dim3A_1 : vector<16xf32> to vector<1x16xf32>
      tpu.vector_store %arg13[%swap3A_155, %swap3A_156], %swap3A_159 {strides = array<i32>} : memref<64x128xf32, #tpu.memory_space<vmem>>, vector<1x16xf32>,
      %swap3A_160 = arith.index_cast %scan3A_144 : i32 to index
      %swap3A_161 = arith.constant 48 : index
      %swap3A_162 = tpu.vector_load %arg13[%swap3A_160, %swap3A_161] {strides = array<i32>} : memref<64x128xf32, #tpu.memory_space<vmem>>, vector<1x16xf32>,
      %swap3A_163 = vector.shape_cast %swap3A_162 : vector<1x16xf32> to vector<16xf32>
      %swap3A_164 = vector.shape_cast %broadcast_in_dim3A_1 : vector<16xf32> to vector<1x16xf32>
      tpu.vector_store %arg13[%swap3A_160, %swap3A_161], %swap3A_164 {strides = array<i32>} : memref<64x128xf32, #tpu.memory_space<vmem>>, vector<1x16xf32>,
      %swap3A_165 = arith.index_cast %scan3A_144 : i32 to index
      %swap3A_166 = arith.constant 64 : index
      %swap3A_167 = tpu.vector_load %arg13[%swap3A_165, %swap3A_166] {strides = array<i32>} : memref<64x128xf32, #tpu.memory_space<vmem>>, vector<1x16xf32>,
      %swap3A_168 = vector.shape_cast %swap3A_167 : vector<1x16xf32> to vector<16xf32>
      %swap3A_169 = vector.shape_cast %broadcast_in_dim3A_1 : vector<16xf32> to vector<1x16xf32>
      tpu.vector_store %arg13[%swap3A_165, %swap3A_166], %swap3A_169 {strides = array<i32>} : memref<64x128xf32, #tpu.memory_space<vmem>>, vector<1x16xf32>,
      %swap3A_170 = arith.index_cast %scan3A_144 : i32 to index
      %swap3A_171 = arith.constant 80 : index
      %swap3A_172 = tpu.vector_load %arg13[%swap3A_170, %swap3A_171] {strides = array<i32>} : memref<64x128xf32, #tpu.memory_space<vmem>>, vector<1x16xf32>,
      %swap3A_173 = vector.shape_cast %swap3A_172 : vector<1x16xf32> to vector<16xf32>
      %swap3A_174 = vector.shape_cast %broadcast_in_dim3A_1 : vector<16xf32> to vector<1x16xf32>
      tpu.vector_store %arg13[%swap3A_170, %swap3A_171], %swap3A_174 {strides = array<i32>} : memref<64x128xf32, #tpu.memory_space<vmem>>, vector<1x16xf32>,
      %swap3A_175 = arith.index_cast %scan3A_144 : i32 to index
      %swap3A_176 = arith.constant 96 : index
      %swap3A_177 = tpu.vector_load %arg13[%swap3A_175, %swap3A_176] {strides = array<i32>} : memref<64x128xf32, #tpu.memory_space<vmem>>, vector<1x16xf32>,
      %swap3A_178 = vector.shape_cast %swap3A_177 : vector<1x16xf32> to vector<16xf32>
      %swap3A_179 = vector.shape_cast %broadcast_in_dim3A_1 : vector<16xf32> to vector<1x16xf32>
      tpu.vector_store %arg13[%swap3A_175, %swap3A_176], %swap3A_179 {strides = array<i32>} : memref<64x128xf32, #tpu.memory_space<vmem>>, vector<1x16xf32>,
      %swap3A_180 = arith.index_cast %scan3A_144 : i32 to index
      %swap3A_181 = arith.constant 112 : index
      %swap3A_182 = tpu.vector_load %arg13[%swap3A_180, %swap3A_181] {strides = array<i32>} : memref<64x128xf32, #tpu.memory_space<vmem>>, vector<1x16xf32>,
      %swap3A_183 = vector.shape_cast %swap3A_182 : vector<1x16xf32> to vector<16xf32>
      %swap3A_184 = vector.shape_cast %broadcast_in_dim3A_1 : vector<16xf32> to vector<1x16xf32>
      tpu.vector_store %arg13[%swap3A_180, %swap3A_181], %swap3A_184 {strides = array<i32>} : memref<64x128xf32, #tpu.memory_space<vmem>>, vector<1x16xf32>,
      %scan3A_185 = arith.constant 0 : i32
      scf.yield %scan3A_185 : i32
    }
    %scan3A_7 = arith.constant 64 : i32
    %get3A = arith.constant 0 : index
    %get3A_8 = tpu.vector_load %arg9[%get3A] {strides = array<i32>} : memref<16xi32, #tpu.memory_space<vmem>>, vector<16xi32>,
    %get3A_9 = vector.shape_cast %get3A_8 : vector<16xi32> to vector<16xi32>
    %slice3A = vector.extract_strided_slice %get3A_9 {offsets = [0], sizes = [1], strides = [1]} : vector<16xi32> to vector<1xi32>
    %squeeze3A = vector.extract %slice3A[0] : i32 from vector<1xi32>
    %slice3A_10 = vector.extract_strided_slice %get3A_9 {offsets = [1], sizes = [1], strides = [1]} : vector<16xi32> to vector<1xi32>
    %squeeze3A_11 = vector.extract %slice3A_10[0] : i32 from vector<1xi32>
    %sub3A = arith.subi %squeeze3A_11, %add3A : i32
    %add3A_12 = arith.constant 32 : i32
    %add3A_13 = arith.addi %sub3A, %add3A_12 : i32
    %sub3A_14 = arith.constant 1 : i32
    %sub3A_15 = arith.subi %add3A_13, %sub3A_14 : i32
    %jit3A = arith.constant 32 : i32
    %div3A = arith.divsi %sub3A_15, %jit3A : i32
    %sign3A = arith.constant 0 : i32
    %sign3A_16 = arith.cmpi sgt, %sub3A_15, %sign3A : i32
    %sign3A_17 = arith.extui %sign3A_16 : i1 to i32
    %sign3A_18 = arith.constant 0 : i32
    %sign3A_19 = arith.cmpi slt, %sub3A_15, %sign3A_18 : i32
    %sign3A_20 = arith.extui %sign3A_19 : i1 to i32
    %sign3A_21 = arith.subi %sign3A_17, %sign3A_20 : i32
    %sign3A_22 = arith.constant 0 : i32
    %sign3A_23 = arith.cmpi sgt, %jit3A, %sign3A_22 : i32
    %sign3A_24 = arith.extui %sign3A_23 : i1 to i32
    %sign3A_25 = arith.constant 0 : i32
    %sign3A_26 = arith.cmpi slt, %jit3A, %sign3A_25 : i32
    %sign3A_27 = arith.extui %sign3A_26 : i1 to i32
    %sign3A_28 = arith.subi %sign3A_24, %sign3A_27 : i32
    %ne3A = arith.cmpi ne, %sign3A_21, %sign3A_28 : i32
    %rem3A = arith.remsi %sub3A_15, %jit3A : i32
    %ne3A_29 = arith.constant 0 : i32
    %ne3A_30 = arith.cmpi ne, %rem3A, %ne3A_29 : i32
    %and3A = arith.andi %ne3A, %ne3A_30 : i1
    %sub3A_31 = arith.constant 1 : i32
    %sub3A_32 = arith.subi %div3A, %sub3A_31 : i32
    %select_n3A = arith.select %and3A, %sub3A_32, %div3A : i32
    %max3A = arith.constant 0 : i32
    %max3A_33 = arith.maxsi %max3A, %select_n3A : i32
    %mul3A_34 = arith.constant 640 : i32
    %mul3A_35 = arith.muli %arg1, %mul3A_34 : i32
    %mul3A_36 = arith.constant 640 : i32
    %mul3A_37 = arith.muli %arg1, %mul3A_36 : i32
    %add3A_38 = arith.constant 0 : i32
    %add3A_39 = arith.addi %mul3A_37, %add3A_38 : i32
    "tpu.region"() ({
      %run_scoped3A = tpu.sem_alloc : memref<!tpu.dma_semaphore, #tpu.memory_space<semaphore_mem>>
      %dma_start3A = arith.constant 0 : i32
      %dma_start3A_144 = tpu.memref_slice %arg14[%add3A_39, %dma_start3A] : memref<10240x128xf32, #tpu.memory_space<vmem_shared>> -> memref<64x128xf32, #tpu.memory_space<vmem_shared>>
      %dma_start3A_145 = arith.constant 0 : i32
      %dma_start3A_146 = tpu.memref_slice %arg14[%add3A_39, %dma_start3A_145] : memref<10240x128xf32, #tpu.memory_space<vmem_shared>> -> memref<64x128xf32, #tpu.memory_space<vmem_shared>>
      tpu.enqueue_dma source(%arg13 : memref<64x128xf32, #tpu.memory_space<vmem>>) target(%dma_start3A_146 : memref<64x128xf32, #tpu.memory_space<vmem_shared>>) target_semaphore(%run_scoped3A : memref<!tpu.dma_semaphore, #tpu.memory_space<semaphore_mem>>)
      %dma_wait3A = arith.constant 0 : i32
      %dma_wait3A_147 = tpu.memref_slice %arg14[%add3A_39, %dma_wait3A] : memref<10240x128xf32, #tpu.memory_space<vmem_shared>> -> memref<64x128xf32, #tpu.memory_space<vmem_shared>>
      %dma_wait3A_148 = arith.constant 0 : i32
      %dma_wait3A_149 = tpu.memref_slice %arg14[%add3A_39, %dma_wait3A_148] : memref<10240x128xf32, #tpu.memory_space<vmem_shared>> -> memref<64x128xf32, #tpu.memory_space<vmem_shared>>
      tpu.wait_dma2 semaphore(%run_scoped3A : memref<!tpu.dma_semaphore, #tpu.memory_space<semaphore_mem>>) src(%arg13 : memref<64x128xf32, #tpu.memory_space<vmem>>) dst(%dma_wait3A_149 : memref<64x128xf32, #tpu.memory_space<vmem_shared>>)
      tpu.yield
    }) : () -> ()
    %mul3A_40 = arith.constant 640 : i32
    %mul3A_41 = arith.muli %arg1, %mul3A_40 : i32
    %add3A_42 = arith.constant 64 : i32
    %add3A_43 = arith.addi %mul3A_41, %add3A_42 : i32
    "tpu.region"() ({
      %run_scoped3A = tpu.sem_alloc : memref<!tpu.dma_semaphore, #tpu.memory_space<semaphore_mem>>
      %dma_start3A = arith.constant 0 : i32
      %dma_start3A_144 = tpu.memref_slice %arg14[%add3A_43, %dma_start3A] : memref<10240x128xf32, #tpu.memory_space<vmem_shared>> -> memref<64x128xf32, #tpu.memory_space<vmem_shared>>
      %dma_start3A_145 = arith.constant 0 : i32
      %dma_start3A_146 = tpu.memref_slice %arg14[%add3A_43, %dma_start3A_145] : memref<10240x128xf32, #tpu.memory_space<vmem_shared>> -> memref<64x128xf32, #tpu.memory_space<vmem_shared>>
      tpu.enqueue_dma source(%arg13 : memref<64x128xf32, #tpu.memory_space<vmem>>) target(%dma_start3A_146 : memref<64x128xf32, #tpu.memory_space<vmem_shared>>) target_semaphore(%run_scoped3A : memref<!tpu.dma_semaphore, #tpu.memory_space<semaphore_mem>>)
      %dma_wait3A = arith.constant 0 : i32
      %dma_wait3A_147 = tpu.memref_slice %arg14[%add3A_43, %dma_wait3A] : memref<10240x128xf32, #tpu.memory_space<vmem_shared>> -> memref<64x128xf32, #tpu.memory_space<vmem_shared>>
      %dma_wait3A_148 = arith.constant 0 : i32
      %dma_wait3A_149 = tpu.memref_slice %arg14[%add3A_43, %dma_wait3A_148] : memref<10240x128xf32, #tpu.memory_space<vmem_shared>> -> memref<64x128xf32, #tpu.memory_space<vmem_shared>>
      tpu.wait_dma2 semaphore(%run_scoped3A : memref<!tpu.dma_semaphore, #tpu.memory_space<semaphore_mem>>) src(%arg13 : memref<64x128xf32, #tpu.memory_space<vmem>>) dst(%dma_wait3A_149 : memref<64x128xf32, #tpu.memory_space<vmem_shared>>)
      tpu.yield
    }) : () -> ()
    %mul3A_44 = arith.constant 640 : i32
    %mul3A_45 = arith.muli %arg1, %mul3A_44 : i32
    %add3A_46 = arith.constant 128 : i32
    %add3A_47 = arith.addi %mul3A_45, %add3A_46 : i32
    "tpu.region"() ({
      %run_scoped3A = tpu.sem_alloc : memref<!tpu.dma_semaphore, #tpu.memory_space<semaphore_mem>>
      %dma_start3A = arith.constant 0 : i32
      %dma_start3A_144 = tpu.memref_slice %arg14[%add3A_47, %dma_start3A] : memref<10240x128xf32, #tpu.memory_space<vmem_shared>> -> memref<64x128xf32, #tpu.memory_space<vmem_shared>>
      %dma_start3A_145 = arith.constant 0 : i32
      %dma_start3A_146 = tpu.memref_slice %arg14[%add3A_47, %dma_start3A_145] : memref<10240x128xf32, #tpu.memory_space<vmem_shared>> -> memref<64x128xf32, #tpu.memory_space<vmem_shared>>
      tpu.enqueue_dma source(%arg13 : memref<64x128xf32, #tpu.memory_space<vmem>>) target(%dma_start3A_146 : memref<64x128xf32, #tpu.memory_space<vmem_shared>>) target_semaphore(%run_scoped3A : memref<!tpu.dma_semaphore, #tpu.memory_space<semaphore_mem>>)
      %dma_wait3A = arith.constant 0 : i32
      %dma_wait3A_147 = tpu.memref_slice %arg14[%add3A_47, %dma_wait3A] : memref<10240x128xf32, #tpu.memory_space<vmem_shared>> -> memref<64x128xf32, #tpu.memory_space<vmem_shared>>
      %dma_wait3A_148 = arith.constant 0 : i32
      %dma_wait3A_149 = tpu.memref_slice %arg14[%add3A_47, %dma_wait3A_148] : memref<10240x128xf32, #tpu.memory_space<vmem_shared>> -> memref<64x128xf32, #tpu.memory_space<vmem_shared>>
      tpu.wait_dma2 semaphore(%run_scoped3A : memref<!tpu.dma_semaphore, #tpu.memory_space<semaphore_mem>>) src(%arg13 : memref<64x128xf32, #tpu.memory_space<vmem>>) dst(%dma_wait3A_149 : memref<64x128xf32, #tpu.memory_space<vmem_shared>>)
      tpu.yield
    }) : () -> ()
    %mul3A_48 = arith.constant 640 : i32
    %mul3A_49 = arith.muli %arg1, %mul3A_48 : i32
    %add3A_50 = arith.constant 192 : i32
    %add3A_51 = arith.addi %mul3A_49, %add3A_50 : i32
    "tpu.region"() ({
      %run_scoped3A = tpu.sem_alloc : memref<!tpu.dma_semaphore, #tpu.memory_space<semaphore_mem>>
      %dma_start3A = arith.constant 0 : i32
      %dma_start3A_144 = tpu.memref_slice %arg14[%add3A_51, %dma_start3A] : memref<10240x128xf32, #tpu.memory_space<vmem_shared>> -> memref<64x128xf32, #tpu.memory_space<vmem_shared>>
      %dma_start3A_145 = arith.constant 0 : i32
      %dma_start3A_146 = tpu.memref_slice %arg14[%add3A_51, %dma_start3A_145] : memref<10240x128xf32, #tpu.memory_space<vmem_shared>> -> memref<64x128xf32, #tpu.memory_space<vmem_shared>>
      tpu.enqueue_dma source(%arg13 : memref<64x128xf32, #tpu.memory_space<vmem>>) target(%dma_start3A_146 : memref<64x128xf32, #tpu.memory_space<vmem_shared>>) target_semaphore(%run_scoped3A : memref<!tpu.dma_semaphore, #tpu.memory_space<semaphore_mem>>)
      %dma_wait3A = arith.constant 0 : i32
      %dma_wait3A_147 = tpu.memref_slice %arg14[%add3A_51, %dma_wait3A] : memref<10240x128xf32, #tpu.memory_space<vmem_shared>> -> memref<64x128xf32, #tpu.memory_space<vmem_shared>>
      %dma_wait3A_148 = arith.constant 0 : i32
      %dma_wait3A_149 = tpu.memref_slice %arg14[%add3A_51, %dma_wait3A_148] : memref<10240x128xf32, #tpu.memory_space<vmem_shared>> -> memref<64x128xf32, #tpu.memory_space<vmem_shared>>
      tpu.wait_dma2 semaphore(%run_scoped3A : memref<!tpu.dma_semaphore, #tpu.memory_space<semaphore_mem>>) src(%arg13 : memref<64x128xf32, #tpu.memory_space<vmem>>) dst(%dma_wait3A_149 : memref<64x128xf32, #tpu.memory_space<vmem_shared>>)
      tpu.yield
    }) : () -> ()
    %mul3A_52 = arith.constant 640 : i32
    %mul3A_53 = arith.muli %arg1, %mul3A_52 : i32
    %add3A_54 = arith.constant 256 : i32
    %add3A_55 = arith.addi %mul3A_53, %add3A_54 : i32
    "tpu.region"() ({
      %run_scoped3A = tpu.sem_alloc : memref<!tpu.dma_semaphore, #tpu.memory_space<semaphore_mem>>
      %dma_start3A = arith.constant 0 : i32
      %dma_start3A_144 = tpu.memref_slice %arg14[%add3A_55, %dma_start3A] : memref<10240x128xf32, #tpu.memory_space<vmem_shared>> -> memref<64x128xf32, #tpu.memory_space<vmem_shared>>
      %dma_start3A_145 = arith.constant 0 : i32
      %dma_start3A_146 = tpu.memref_slice %arg14[%add3A_55, %dma_start3A_145] : memref<10240x128xf32, #tpu.memory_space<vmem_shared>> -> memref<64x128xf32, #tpu.memory_space<vmem_shared>>
      tpu.enqueue_dma source(%arg13 : memref<64x128xf32, #tpu.memory_space<vmem>>) target(%dma_start3A_146 : memref<64x128xf32, #tpu.memory_space<vmem_shared>>) target_semaphore(%run_scoped3A : memref<!tpu.dma_semaphore, #tpu.memory_space<semaphore_mem>>)
      %dma_wait3A = arith.constant 0 : i32
      %dma_wait3A_147 = tpu.memref_slice %arg14[%add3A_55, %dma_wait3A] : memref<10240x128xf32, #tpu.memory_space<vmem_shared>> -> memref<64x128xf32, #tpu.memory_space<vmem_shared>>
      %dma_wait3A_148 = arith.constant 0 : i32
      %dma_wait3A_149 = tpu.memref_slice %arg14[%add3A_55, %dma_wait3A_148] : memref<10240x128xf32, #tpu.memory_space<vmem_shared>> -> memref<64x128xf32, #tpu.memory_space<vmem_shared>>
      tpu.wait_dma2 semaphore(%run_scoped3A : memref<!tpu.dma_semaphore, #tpu.memory_space<semaphore_mem>>) src(%arg13 : memref<64x128xf32, #tpu.memory_space<vmem>>) dst(%dma_wait3A_149 : memref<64x128xf32, #tpu.memory_space<vmem_shared>>)
      tpu.yield
    }) : () -> ()
    %mul3A_56 = arith.constant 640 : i32
    %mul3A_57 = arith.muli %arg1, %mul3A_56 : i32
    %add3A_58 = arith.constant 320 : i32
    %add3A_59 = arith.addi %mul3A_57, %add3A_58 : i32
    "tpu.region"() ({
      %run_scoped3A = tpu.sem_alloc : memref<!tpu.dma_semaphore, #tpu.memory_space<semaphore_mem>>
      %dma_start3A = arith.constant 0 : i32
      %dma_start3A_144 = tpu.memref_slice %arg14[%add3A_59, %dma_start3A] : memref<10240x128xf32, #tpu.memory_space<vmem_shared>> -> memref<64x128xf32, #tpu.memory_space<vmem_shared>>
      %dma_start3A_145 = arith.constant 0 : i32
      %dma_start3A_146 = tpu.memref_slice %arg14[%add3A_59, %dma_start3A_145] : memref<10240x128xf32, #tpu.memory_space<vmem_shared>> -> memref<64x128xf32, #tpu.memory_space<vmem_shared>>
      tpu.enqueue_dma source(%arg13 : memref<64x128xf32, #tpu.memory_space<vmem>>) target(%dma_start3A_146 : memref<64x128xf32, #tpu.memory_space<vmem_shared>>) target_semaphore(%run_scoped3A : memref<!tpu.dma_semaphore, #tpu.memory_space<semaphore_mem>>)
      %dma_wait3A = arith.constant 0 : i32
      %dma_wait3A_147 = tpu.memref_slice %arg14[%add3A_59, %dma_wait3A] : memref<10240x128xf32, #tpu.memory_space<vmem_shared>> -> memref<64x128xf32, #tpu.memory_space<vmem_shared>>
      %dma_wait3A_148 = arith.constant 0 : i32
      %dma_wait3A_149 = tpu.memref_slice %arg14[%add3A_59, %dma_wait3A_148] : memref<10240x128xf32, #tpu.memory_space<vmem_shared>> -> memref<64x128xf32, #tpu.memory_space<vmem_shared>>
      tpu.wait_dma2 semaphore(%run_scoped3A : memref<!tpu.dma_semaphore, #tpu.memory_space<semaphore_mem>>) src(%arg13 : memref<64x128xf32, #tpu.memory_space<vmem>>) dst(%dma_wait3A_149 : memref<64x128xf32, #tpu.memory_space<vmem_shared>>)
      tpu.yield
    }) : () -> ()
    %mul3A_60 = arith.constant 640 : i32
    %mul3A_61 = arith.muli %arg1, %mul3A_60 : i32
    %add3A_62 = arith.constant 384 : i32
    %add3A_63 = arith.addi %mul3A_61, %add3A_62 : i32
    "tpu.region"() ({
      %run_scoped3A = tpu.sem_alloc : memref<!tpu.dma_semaphore, #tpu.memory_space<semaphore_mem>>
      %dma_start3A = arith.constant 0 : i32
      %dma_start3A_144 = tpu.memref_slice %arg14[%add3A_63, %dma_start3A] : memref<10240x128xf32, #tpu.memory_space<vmem_shared>> -> memref<64x128xf32, #tpu.memory_space<vmem_shared>>
      %dma_start3A_145 = arith.constant 0 : i32
      %dma_start3A_146 = tpu.memref_slice %arg14[%add3A_63, %dma_start3A_145] : memref<10240x128xf32, #tpu.memory_space<vmem_shared>> -> memref<64x128xf32, #tpu.memory_space<vmem_shared>>
      tpu.enqueue_dma source(%arg13 : memref<64x128xf32, #tpu.memory_space<vmem>>) target(%dma_start3A_146 : memref<64x128xf32, #tpu.memory_space<vmem_shared>>) target_semaphore(%run_scoped3A : memref<!tpu.dma_semaphore, #tpu.memory_space<semaphore_mem>>)
      %dma_wait3A = arith.constant 0 : i32
      %dma_wait3A_147 = tpu.memref_slice %arg14[%add3A_63, %dma_wait3A] : memref<10240x128xf32, #tpu.memory_space<vmem_shared>> -> memref<64x128xf32, #tpu.memory_space<vmem_shared>>
      %dma_wait3A_148 = arith.constant 0 : i32
      %dma_wait3A_149 = tpu.memref_slice %arg14[%add3A_63, %dma_wait3A_148] : memref<10240x128xf32, #tpu.memory_space<vmem_shared>> -> memref<64x128xf32, #tpu.memory_space<vmem_shared>>
      tpu.wait_dma2 semaphore(%run_scoped3A : memref<!tpu.dma_semaphore, #tpu.memory_space<semaphore_mem>>) src(%arg13 : memref<64x128xf32, #tpu.memory_space<vmem>>) dst(%dma_wait3A_149 : memref<64x128xf32, #tpu.memory_space<vmem_shared>>)
      tpu.yield
    }) : () -> ()
    %mul3A_64 = arith.constant 640 : i32
    %mul3A_65 = arith.muli %arg1, %mul3A_64 : i32
    %add3A_66 = arith.constant 448 : i32
    %add3A_67 = arith.addi %mul3A_65, %add3A_66 : i32
    "tpu.region"() ({
      %run_scoped3A = tpu.sem_alloc : memref<!tpu.dma_semaphore, #tpu.memory_space<semaphore_mem>>
      %dma_start3A = arith.constant 0 : i32
      %dma_start3A_144 = tpu.memref_slice %arg14[%add3A_67, %dma_start3A] : memref<10240x128xf32, #tpu.memory_space<vmem_shared>> -> memref<64x128xf32, #tpu.memory_space<vmem_shared>>
      %dma_start3A_145 = arith.constant 0 : i32
      %dma_start3A_146 = tpu.memref_slice %arg14[%add3A_67, %dma_start3A_145] : memref<10240x128xf32, #tpu.memory_space<vmem_shared>> -> memref<64x128xf32, #tpu.memory_space<vmem_shared>>
      tpu.enqueue_dma source(%arg13 : memref<64x128xf32, #tpu.memory_space<vmem>>) target(%dma_start3A_146 : memref<64x128xf32, #tpu.memory_space<vmem_shared>>) target_semaphore(%run_scoped3A : memref<!tpu.dma_semaphore, #tpu.memory_space<semaphore_mem>>)
      %dma_wait3A = arith.constant 0 : i32
      %dma_wait3A_147 = tpu.memref_slice %arg14[%add3A_67, %dma_wait3A] : memref<10240x128xf32, #tpu.memory_space<vmem_shared>> -> memref<64x128xf32, #tpu.memory_space<vmem_shared>>
      %dma_wait3A_148 = arith.constant 0 : i32
      %dma_wait3A_149 = tpu.memref_slice %arg14[%add3A_67, %dma_wait3A_148] : memref<10240x128xf32, #tpu.memory_space<vmem_shared>> -> memref<64x128xf32, #tpu.memory_space<vmem_shared>>
      tpu.wait_dma2 semaphore(%run_scoped3A : memref<!tpu.dma_semaphore, #tpu.memory_space<semaphore_mem>>) src(%arg13 : memref<64x128xf32, #tpu.memory_space<vmem>>) dst(%dma_wait3A_149 : memref<64x128xf32, #tpu.memory_space<vmem_shared>>)
      tpu.yield
    }) : () -> ()
    %mul3A_68 = arith.constant 640 : i32
    %mul3A_69 = arith.muli %arg1, %mul3A_68 : i32
    %add3A_70 = arith.constant 512 : i32
    %add3A_71 = arith.addi %mul3A_69, %add3A_70 : i32
    "tpu.region"() ({
      %run_scoped3A = tpu.sem_alloc : memref<!tpu.dma_semaphore, #tpu.memory_space<semaphore_mem>>
      %dma_start3A = arith.constant 0 : i32
      %dma_start3A_144 = tpu.memref_slice %arg14[%add3A_71, %dma_start3A] : memref<10240x128xf32, #tpu.memory_space<vmem_shared>> -> memref<64x128xf32, #tpu.memory_space<vmem_shared>>
      %dma_start3A_145 = arith.constant 0 : i32
      %dma_start3A_146 = tpu.memref_slice %arg14[%add3A_71, %dma_start3A_145] : memref<10240x128xf32, #tpu.memory_space<vmem_shared>> -> memref<64x128xf32, #tpu.memory_space<vmem_shared>>
      tpu.enqueue_dma source(%arg13 : memref<64x128xf32, #tpu.memory_space<vmem>>) target(%dma_start3A_146 : memref<64x128xf32, #tpu.memory_space<vmem_shared>>) target_semaphore(%run_scoped3A : memref<!tpu.dma_semaphore, #tpu.memory_space<semaphore_mem>>)
      %dma_wait3A = arith.constant 0 : i32
      %dma_wait3A_147 = tpu.memref_slice %arg14[%add3A_71, %dma_wait3A] : memref<10240x128xf32, #tpu.memory_space<vmem_shared>> -> memref<64x128xf32, #tpu.memory_space<vmem_shared>>
      %dma_wait3A_148 = arith.constant 0 : i32
      %dma_wait3A_149 = tpu.memref_slice %arg14[%add3A_71, %dma_wait3A_148] : memref<10240x128xf32, #tpu.memory_space<vmem_shared>> -> memref<64x128xf32, #tpu.memory_space<vmem_shared>>
      tpu.wait_dma2 semaphore(%run_scoped3A : memref<!tpu.dma_semaphore, #tpu.memory_space<semaphore_mem>>) src(%arg13 : memref<64x128xf32, #tpu.memory_space<vmem>>) dst(%dma_wait3A_149 : memref<64x128xf32, #tpu.memory_space<vmem_shared>>)
      tpu.yield
    }) : () -> ()
    %mul3A_72 = arith.constant 640 : i32
    %mul3A_73 = arith.muli %arg1, %mul3A_72 : i32
    %add3A_74 = arith.constant 576 : i32
    %add3A_75 = arith.addi %mul3A_73, %add3A_74 : i32
    "tpu.region"() ({
      %run_scoped3A = tpu.sem_alloc : memref<!tpu.dma_semaphore, #tpu.memory_space<semaphore_mem>>
      %dma_start3A = arith.constant 0 : i32
      %dma_start3A_144 = tpu.memref_slice %arg14[%add3A_75, %dma_start3A] : memref<10240x128xf32, #tpu.memory_space<vmem_shared>> -> memref<64x128xf32, #tpu.memory_space<vmem_shared>>
      %dma_start3A_145 = arith.constant 0 : i32
      %dma_start3A_146 = tpu.memref_slice %arg14[%add3A_75, %dma_start3A_145] : memref<10240x128xf32, #tpu.memory_space<vmem_shared>> -> memref<64x128xf32, #tpu.memory_space<vmem_shared>>
      tpu.enqueue_dma source(%arg13 : memref<64x128xf32, #tpu.memory_space<vmem>>) target(%dma_start3A_146 : memref<64x128xf32, #tpu.memory_space<vmem_shared>>) target_semaphore(%run_scoped3A : memref<!tpu.dma_semaphore, #tpu.memory_space<semaphore_mem>>)
      %dma_wait3A = arith.constant 0 : i32
      %dma_wait3A_147 = tpu.memref_slice %arg14[%add3A_75, %dma_wait3A] : memref<10240x128xf32, #tpu.memory_space<vmem_shared>> -> memref<64x128xf32, #tpu.memory_space<vmem_shared>>
      %dma_wait3A_148 = arith.constant 0 : i32
      %dma_wait3A_149 = tpu.memref_slice %arg14[%add3A_75, %dma_wait3A_148] : memref<10240x128xf32, #tpu.memory_space<vmem_shared>> -> memref<64x128xf32, #tpu.memory_space<vmem_shared>>
      tpu.wait_dma2 semaphore(%run_scoped3A : memref<!tpu.dma_semaphore, #tpu.memory_space<semaphore_mem>>) src(%arg13 : memref<64x128xf32, #tpu.memory_space<vmem>>) dst(%dma_wait3A_149 : memref<64x128xf32, #tpu.memory_space<vmem_shared>>)
      tpu.yield
    }) : () -> ()
    %barrier3A = arith.constant 0 : index
    tpu.barrier barrier_id(%barrier3A)
    %while3A = arith.constant 0 : i32
    %while3A_76 = arith.constant 0 : i32
    %while3A_77 = arith.subi %max3A_33, %while3A : i32
    %while3A_78 = arith.addi %while3A, %while3A_77 : i32
    %while3A_79 = arith.constant 1 : i32
    %while3A_80 = arith.divsi %while3A_77, %while3A_79 : i32
    %while3A_81 = arith.muli %while3A_80, %while3A_79 : i32
    %while3A_82 = arith.addi %while3A, %while3A_81 : i32
    %while3A_83 = arith.constant 1 : i32
    %while3A_84 = scf.for %while3A_144 = %while3A to %while3A_82 step %while3A_83 iter_args(%while3A_145 = %while3A_76) -> (i32)  : i32 {
      %mul3A_146 = arith.constant 32 : i32
      %mul3A_147 = arith.muli %while3A_144, %mul3A_146 : i32
      %add3A_148 = arith.addi %add3A, %mul3A_147 : i32
      %mul3A_149 = arith.constant 256 : i32
      %mul3A_150 = arith.muli %add3A_148, %mul3A_149 : i32
      %add3A_151 = arith.addi %squeeze3A, %mul3A_150 : i32
      %multiple_of3A = tpu.assume_multiple %add3A_151, 256 : i32
      "tpu.region"() ({
        %run_scoped3A = tpu.sem_alloc : memref<!tpu.dma_semaphore, #tpu.memory_space<semaphore_mem>>
        %dma_start3A_157 = tpu.memref_slice %arg4[%multiple_of3A] : memref<322048xi32, #tpu.memory_space<hbm>> -> memref<256xi32, #tpu.memory_space<hbm>>
        %dma_start3A_158 = tpu.memref_slice %arg4[%multiple_of3A] : memref<322048xi32, #tpu.memory_space<hbm>> -> memref<256xi32, #tpu.memory_space<hbm>>
        tpu.enqueue_dma source(%dma_start3A_158 : memref<256xi32, #tpu.memory_space<hbm>>) target(%arg10 : memref<256xi32, #tpu.memory_space<vmem>>) target_semaphore(%run_scoped3A : memref<!tpu.dma_semaphore, #tpu.memory_space<semaphore_mem>>)
        %dma_wait3A_159 = tpu.memref_slice %arg4[%multiple_of3A] : memref<322048xi32, #tpu.memory_space<hbm>> -> memref<256xi32, #tpu.memory_space<hbm>>
        %dma_wait3A_160 = tpu.memref_slice %arg4[%multiple_of3A] : memref<322048xi32, #tpu.memory_space<hbm>> -> memref<256xi32, #tpu.memory_space<hbm>>
        tpu.wait_dma2 semaphore(%run_scoped3A : memref<!tpu.dma_semaphore, #tpu.memory_space<semaphore_mem>>) src(%dma_wait3A_160 : memref<256xi32, #tpu.memory_space<hbm>>) dst(%arg10 : memref<256xi32, #tpu.memory_space<vmem>>)
        tpu.yield
      }) : () -> ()
      "tpu.region"() ({
        %run_scoped3A = tpu.sem_alloc : memref<!tpu.dma_semaphore, #tpu.memory_space<semaphore_mem>>
        %dma_start3A_157 = tpu.memref_slice %arg5[%multiple_of3A] : memref<322048xi32, #tpu.memory_space<hbm>> -> memref<256xi32, #tpu.memory_space<hbm>>
        %dma_start3A_158 = tpu.memref_slice %arg5[%multiple_of3A] : memref<322048xi32, #tpu.memory_space<hbm>> -> memref<256xi32, #tpu.memory_space<hbm>>
        tpu.enqueue_dma source(%dma_start3A_158 : memref<256xi32, #tpu.memory_space<hbm>>) target(%arg11 : memref<256xi32, #tpu.memory_space<vmem>>) target_semaphore(%run_scoped3A : memref<!tpu.dma_semaphore, #tpu.memory_space<semaphore_mem>>)
        %dma_wait3A_159 = tpu.memref_slice %arg5[%multiple_of3A] : memref<322048xi32, #tpu.memory_space<hbm>> -> memref<256xi32, #tpu.memory_space<hbm>>
        %dma_wait3A_160 = tpu.memref_slice %arg5[%multiple_of3A] : memref<322048xi32, #tpu.memory_space<hbm>> -> memref<256xi32, #tpu.memory_space<hbm>>
        tpu.wait_dma2 semaphore(%run_scoped3A : memref<!tpu.dma_semaphore, #tpu.memory_space<semaphore_mem>>) src(%dma_wait3A_160 : memref<256xi32, #tpu.memory_space<hbm>>) dst(%arg11 : memref<256xi32, #tpu.memory_space<vmem>>)
        tpu.yield
      }) : () -> ()
      %dma_start3A = arith.constant 0 : i32
      %dma_start3A_152 = arith.constant 0 : i32
      %dma_start3A_153 = tpu.memref_slice %arg2[%dma_start3A, %dma_start3A_152] : memref<10240x128xf32, #tpu.memory_space<hbm>> -> memref<10240x128xf32, #tpu.memory_space<hbm>>
      tpu.enqueue_indirect_dma source(%dma_start3A_153 : memref<10240x128xf32, #tpu.memory_space<hbm>>) target(%arg12 : memref<256x128xf32, #tpu.memory_space<vmem>>) offsets(%arg10 : memref<256xi32, #tpu.memory_space<vmem>>) semaphore(%arg15 : memref<!tpu.dma_semaphore, #tpu.memory_space<semaphore_mem>>)
      %dma_wait3A = arith.constant 0 : i32
      %dma_wait3A_154 = arith.constant 0 : i32
      %dma_wait3A_155 = tpu.memref_slice %arg2[%dma_wait3A, %dma_wait3A_154] : memref<10240x128xf32, #tpu.memory_space<hbm>> -> memref<10240x128xf32, #tpu.memory_space<hbm>>
      tpu.wait_indirect_dma semaphore(%arg15 : memref<!tpu.dma_semaphore, #tpu.memory_space<semaphore_mem>>) src(%dma_wait3A_155 : memref<10240x128xf32, #tpu.memory_space<hbm>>) dst(%arg12 : memref<256x128xf32, #tpu.memory_space<vmem>>)
      "tpu.region"() ({
        %run_scoped3A = tpu.sem_alloc : memref<!tpu.dma_semaphore, #tpu.memory_space<semaphore_mem>>
        %dma_start3A_157 = arith.constant 0 : i32
        %dma_start3A_158 = arith.constant 0 : i32
        %dma_start3A_159 = tpu.memref_slice %arg14[%dma_start3A_157, %dma_start3A_158] : memref<10240x128xf32, #tpu.memory_space<vmem_shared>> -> memref<10240x128xf32, #tpu.memory_space<vmem_shared>>
        tpu.enqueue_indirect_dma source(%arg12 : memref<256x128xf32, #tpu.memory_space<vmem>>) target(%dma_start3A_159 : memref<10240x128xf32, #tpu.memory_space<vmem_shared>>) offsets(%arg11 : memref<256xi32, #tpu.memory_space<vmem>>) semaphore(%run_scoped3A : memref<!tpu.dma_semaphore, #tpu.memory_space<semaphore_mem>>) {add = true}
        %dma_wait3A_160 = arith.constant 0 : i32
        %dma_wait3A_161 = arith.constant 0 : i32
        %dma_wait3A_162 = tpu.memref_slice %arg14[%dma_wait3A_160, %dma_wait3A_161] : memref<10240x128xf32, #tpu.memory_space<vmem_shared>> -> memref<10240x128xf32, #tpu.memory_space<vmem_shared>>
        tpu.wait_indirect_dma semaphore(%run_scoped3A : memref<!tpu.dma_semaphore, #tpu.memory_space<semaphore_mem>>) src(%arg12 : memref<256x128xf32, #tpu.memory_space<vmem>>) dst(%dma_wait3A_162 : memref<10240x128xf32, #tpu.memory_space<vmem_shared>>)
        tpu.yield
      }) : () -> ()
      %while3A_156 = arith.constant 0 : i32
      scf.yield %while3A_156 : i32
    }
    %while3A_85 = arith.constant 1 : i32
    %while3A_86 = scf.for %while3A_144 = %while3A_82 to %while3A_78 step %while3A_85 iter_args(%while3A_145 = %while3A_84) -> (i32)  : i32 {
      %mul3A_146 = arith.constant 32 : i32
      %mul3A_147 = arith.muli %while3A_144, %mul3A_146 : i32
      %add3A_148 = arith.addi %add3A, %mul3A_147 : i32
      %mul3A_149 = arith.constant 256 : i32
      %mul3A_150 = arith.muli %add3A_148, %mul3A_149 : i32
      %add3A_151 = arith.addi %squeeze3A, %mul3A_150 : i32
      %multiple_of3A = tpu.assume_multiple %add3A_151, 256 : i32
      "tpu.region"() ({
        %run_scoped3A = tpu.sem_alloc : memref<!tpu.dma_semaphore, #tpu.memory_space<semaphore_mem>>
        %dma_start3A_157 = tpu.memref_slice %arg4[%multiple_of3A] : memref<322048xi32, #tpu.memory_space<hbm>> -> memref<256xi32, #tpu.memory_space<hbm>>
        %dma_start3A_158 = tpu.memref_slice %arg4[%multiple_of3A] : memref<322048xi32, #tpu.memory_space<hbm>> -> memref<256xi32, #tpu.memory_space<hbm>>
        tpu.enqueue_dma source(%dma_start3A_158 : memref<256xi32, #tpu.memory_space<hbm>>) target(%arg10 : memref<256xi32, #tpu.memory_space<vmem>>) target_semaphore(%run_scoped3A : memref<!tpu.dma_semaphore, #tpu.memory_space<semaphore_mem>>)
        %dma_wait3A_159 = tpu.memref_slice %arg4[%multiple_of3A] : memref<322048xi32, #tpu.memory_space<hbm>> -> memref<256xi32, #tpu.memory_space<hbm>>
        %dma_wait3A_160 = tpu.memref_slice %arg4[%multiple_of3A] : memref<322048xi32, #tpu.memory_space<hbm>> -> memref<256xi32, #tpu.memory_space<hbm>>
        tpu.wait_dma2 semaphore(%run_scoped3A : memref<!tpu.dma_semaphore, #tpu.memory_space<semaphore_mem>>) src(%dma_wait3A_160 : memref<256xi32, #tpu.memory_space<hbm>>) dst(%arg10 : memref<256xi32, #tpu.memory_space<vmem>>)
        tpu.yield
      }) : () -> ()
      "tpu.region"() ({
        %run_scoped3A = tpu.sem_alloc : memref<!tpu.dma_semaphore, #tpu.memory_space<semaphore_mem>>
        %dma_start3A_157 = tpu.memref_slice %arg5[%multiple_of3A] : memref<322048xi32, #tpu.memory_space<hbm>> -> memref<256xi32, #tpu.memory_space<hbm>>
        %dma_start3A_158 = tpu.memref_slice %arg5[%multiple_of3A] : memref<322048xi32, #tpu.memory_space<hbm>> -> memref<256xi32, #tpu.memory_space<hbm>>
        tpu.enqueue_dma source(%dma_start3A_158 : memref<256xi32, #tpu.memory_space<hbm>>) target(%arg11 : memref<256xi32, #tpu.memory_space<vmem>>) target_semaphore(%run_scoped3A : memref<!tpu.dma_semaphore, #tpu.memory_space<semaphore_mem>>)
        %dma_wait3A_159 = tpu.memref_slice %arg5[%multiple_of3A] : memref<322048xi32, #tpu.memory_space<hbm>> -> memref<256xi32, #tpu.memory_space<hbm>>
        %dma_wait3A_160 = tpu.memref_slice %arg5[%multiple_of3A] : memref<322048xi32, #tpu.memory_space<hbm>> -> memref<256xi32, #tpu.memory_space<hbm>>
        tpu.wait_dma2 semaphore(%run_scoped3A : memref<!tpu.dma_semaphore, #tpu.memory_space<semaphore_mem>>) src(%dma_wait3A_160 : memref<256xi32, #tpu.memory_space<hbm>>) dst(%arg11 : memref<256xi32, #tpu.memory_space<vmem>>)
        tpu.yield
      }) : () -> ()
      %dma_start3A = arith.constant 0 : i32
      %dma_start3A_152 = arith.constant 0 : i32
      %dma_start3A_153 = tpu.memref_slice %arg2[%dma_start3A, %dma_start3A_152] : memref<10240x128xf32, #tpu.memory_space<hbm>> -> memref<10240x128xf32, #tpu.memory_space<hbm>>
      tpu.enqueue_indirect_dma source(%dma_start3A_153 : memref<10240x128xf32, #tpu.memory_space<hbm>>) target(%arg12 : memref<256x128xf32, #tpu.memory_space<vmem>>) offsets(%arg10 : memref<256xi32, #tpu.memory_space<vmem>>) semaphore(%arg15 : memref<!tpu.dma_semaphore, #tpu.memory_space<semaphore_mem>>)
      %dma_wait3A = arith.constant 0 : i32
      %dma_wait3A_154 = arith.constant 0 : i32
      %dma_wait3A_155 = tpu.memref_slice %arg2[%dma_wait3A, %dma_wait3A_154] : memref<10240x128xf32, #tpu.memory_space<hbm>> -> memref<10240x128xf32, #tpu.memory_space<hbm>>
      tpu.wait_indirect_dma semaphore(%arg15 : memref<!tpu.dma_semaphore, #tpu.memory_space<semaphore_mem>>) src(%dma_wait3A_155 : memref<10240x128xf32, #tpu.memory_space<hbm>>) dst(%arg12 : memref<256x128xf32, #tpu.memory_space<vmem>>)
      "tpu.region"() ({
        %run_scoped3A = tpu.sem_alloc : memref<!tpu.dma_semaphore, #tpu.memory_space<semaphore_mem>>
        %dma_start3A_157 = arith.constant 0 : i32
        %dma_start3A_158 = arith.constant 0 : i32
        %dma_start3A_159 = tpu.memref_slice %arg14[%dma_start3A_157, %dma_start3A_158] : memref<10240x128xf32, #tpu.memory_space<vmem_shared>> -> memref<10240x128xf32, #tpu.memory_space<vmem_shared>>
        tpu.enqueue_indirect_dma source(%arg12 : memref<256x128xf32, #tpu.memory_space<vmem>>) target(%dma_start3A_159 : memref<10240x128xf32, #tpu.memory_space<vmem_shared>>) offsets(%arg11 : memref<256xi32, #tpu.memory_space<vmem>>) semaphore(%run_scoped3A : memref<!tpu.dma_semaphore, #tpu.memory_space<semaphore_mem>>) {add = true}
        %dma_wait3A_160 = arith.constant 0 : i32
        %dma_wait3A_161 = arith.constant 0 : i32
        %dma_wait3A_162 = tpu.memref_slice %arg14[%dma_wait3A_160, %dma_wait3A_161] : memref<10240x128xf32, #tpu.memory_space<vmem_shared>> -> memref<10240x128xf32, #tpu.memory_space<vmem_shared>>
        tpu.wait_indirect_dma semaphore(%run_scoped3A : memref<!tpu.dma_semaphore, #tpu.memory_space<semaphore_mem>>) src(%arg12 : memref<256x128xf32, #tpu.memory_space<vmem>>) dst(%dma_wait3A_162 : memref<10240x128xf32, #tpu.memory_space<vmem_shared>>)
        tpu.yield
      }) : () -> ()
      %while3A_156 = arith.constant 0 : i32
      scf.yield %while3A_156 : i32
    }
    %barrier3A_87 = arith.constant 0 : index
    tpu.barrier barrier_id(%barrier3A_87)
    "tpu.region"() ({
      %run_scoped3A = tpu.sem_alloc : memref<!tpu.dma_semaphore, #tpu.memory_space<semaphore_mem>>
      %dma_start3A = arith.constant 0 : i32
      %dma_start3A_144 = tpu.memref_slice %arg7[%arg0, %mul3A_35, %dma_start3A] : memref<2x10240x128xf32, #tpu.memory_space<hbm>> -> memref<1x640x128xf32, #tpu.memory_space<hbm>>
      %dma_start3A_145 = tpu.memref_squeeze %dma_start3A_144 : memref<1x640x128xf32, #tpu.memory_space<hbm>> -> memref<640x128xf32, #tpu.memory_space<hbm>>
      %dma_start3A_146 = arith.constant 0 : i32
      %dma_start3A_147 = tpu.memref_slice %arg14[%mul3A_35, %dma_start3A_146] : memref<10240x128xf32, #tpu.memory_space<vmem_shared>> -> memref<640x128xf32, #tpu.memory_space<vmem_shared>>
      tpu.enqueue_dma source(%dma_start3A_147 : memref<640x128xf32, #tpu.memory_space<vmem_shared>>) target(%dma_start3A_145 : memref<640x128xf32, #tpu.memory_space<hbm>>) target_semaphore(%run_scoped3A : memref<!tpu.dma_semaphore, #tpu.memory_space<semaphore_mem>>)
      %dma_wait3A = arith.constant 0 : i32
      %dma_wait3A_148 = tpu.memref_slice %arg7[%arg0, %mul3A_35, %dma_wait3A] : memref<2x10240x128xf32, #tpu.memory_space<hbm>> -> memref<1x640x128xf32, #tpu.memory_space<hbm>>
      %dma_wait3A_149 = tpu.memref_squeeze %dma_wait3A_148 : memref<1x640x128xf32, #tpu.memory_space<hbm>> -> memref<640x128xf32, #tpu.memory_space<hbm>>
      %dma_wait3A_150 = arith.constant 0 : i32
      %dma_wait3A_151 = tpu.memref_slice %arg14[%mul3A_35, %dma_wait3A_150] : memref<10240x128xf32, #tpu.memory_space<vmem_shared>> -> memref<640x128xf32, #tpu.memory_space<vmem_shared>>
      tpu.wait_dma2 semaphore(%run_scoped3A : memref<!tpu.dma_semaphore, #tpu.memory_space<semaphore_mem>>) src(%dma_wait3A_151 : memref<640x128xf32, #tpu.memory_space<vmem_shared>>) dst(%dma_wait3A_149 : memref<640x128xf32, #tpu.memory_space<hbm>>)
      tpu.yield
    }) : () -> ()
    %barrier3A_88 = arith.constant 0 : index
    tpu.barrier barrier_id(%barrier3A_88)
    %mul3A_89 = arith.constant 640 : i32
    %mul3A_90 = arith.muli %arg1, %mul3A_89 : i32
    %add3A_91 = arith.constant 0 : i32
    %add3A_92 = arith.addi %mul3A_90, %add3A_91 : i32
    "tpu.region"() ({
      %run_scoped3A = tpu.sem_alloc : memref<!tpu.dma_semaphore, #tpu.memory_space<semaphore_mem>>
      %dma_start3A = arith.constant 0 : i32
      %dma_start3A_144 = tpu.memref_slice %arg14[%add3A_92, %dma_start3A] : memref<10240x128xf32, #tpu.memory_space<vmem_shared>> -> memref<64x128xf32, #tpu.memory_space<vmem_shared>>
      %dma_start3A_145 = arith.constant 0 : i32
      %dma_start3A_146 = tpu.memref_slice %arg14[%add3A_92, %dma_start3A_145] : memref<10240x128xf32, #tpu.memory_space<vmem_shared>> -> memref<64x128xf32, #tpu.memory_space<vmem_shared>>
      tpu.enqueue_dma source(%arg13 : memref<64x128xf32, #tpu.memory_space<vmem>>) target(%dma_start3A_146 : memref<64x128xf32, #tpu.memory_space<vmem_shared>>) target_semaphore(%run_scoped3A : memref<!tpu.dma_semaphore, #tpu.memory_space<semaphore_mem>>)
      %dma_wait3A = arith.constant 0 : i32
      %dma_wait3A_147 = tpu.memref_slice %arg14[%add3A_92, %dma_wait3A] : memref<10240x128xf32, #tpu.memory_space<vmem_shared>> -> memref<64x128xf32, #tpu.memory_space<vmem_shared>>
      %dma_wait3A_148 = arith.constant 0 : i32
      %dma_wait3A_149 = tpu.memref_slice %arg14[%add3A_92, %dma_wait3A_148] : memref<10240x128xf32, #tpu.memory_space<vmem_shared>> -> memref<64x128xf32, #tpu.memory_space<vmem_shared>>
      tpu.wait_dma2 semaphore(%run_scoped3A : memref<!tpu.dma_semaphore, #tpu.memory_space<semaphore_mem>>) src(%arg13 : memref<64x128xf32, #tpu.memory_space<vmem>>) dst(%dma_wait3A_149 : memref<64x128xf32, #tpu.memory_space<vmem_shared>>)
      tpu.yield
    }) : () -> ()
    %mul3A_93 = arith.constant 640 : i32
    %mul3A_94 = arith.muli %arg1, %mul3A_93 : i32
    %add3A_95 = arith.constant 64 : i32
    %add3A_96 = arith.addi %mul3A_94, %add3A_95 : i32
    "tpu.region"() ({
      %run_scoped3A = tpu.sem_alloc : memref<!tpu.dma_semaphore, #tpu.memory_space<semaphore_mem>>
      %dma_start3A = arith.constant 0 : i32
      %dma_start3A_144 = tpu.memref_slice %arg14[%add3A_96, %dma_start3A] : memref<10240x128xf32, #tpu.memory_space<vmem_shared>> -> memref<64x128xf32, #tpu.memory_space<vmem_shared>>
      %dma_start3A_145 = arith.constant 0 : i32
      %dma_start3A_146 = tpu.memref_slice %arg14[%add3A_96, %dma_start3A_145] : memref<10240x128xf32, #tpu.memory_space<vmem_shared>> -> memref<64x128xf32, #tpu.memory_space<vmem_shared>>
      tpu.enqueue_dma source(%arg13 : memref<64x128xf32, #tpu.memory_space<vmem>>) target(%dma_start3A_146 : memref<64x128xf32, #tpu.memory_space<vmem_shared>>) target_semaphore(%run_scoped3A : memref<!tpu.dma_semaphore, #tpu.memory_space<semaphore_mem>>)
      %dma_wait3A = arith.constant 0 : i32
      %dma_wait3A_147 = tpu.memref_slice %arg14[%add3A_96, %dma_wait3A] : memref<10240x128xf32, #tpu.memory_space<vmem_shared>> -> memref<64x128xf32, #tpu.memory_space<vmem_shared>>
      %dma_wait3A_148 = arith.constant 0 : i32
      %dma_wait3A_149 = tpu.memref_slice %arg14[%add3A_96, %dma_wait3A_148] : memref<10240x128xf32, #tpu.memory_space<vmem_shared>> -> memref<64x128xf32, #tpu.memory_space<vmem_shared>>
      tpu.wait_dma2 semaphore(%run_scoped3A : memref<!tpu.dma_semaphore, #tpu.memory_space<semaphore_mem>>) src(%arg13 : memref<64x128xf32, #tpu.memory_space<vmem>>) dst(%dma_wait3A_149 : memref<64x128xf32, #tpu.memory_space<vmem_shared>>)
      tpu.yield
    }) : () -> ()
    %mul3A_97 = arith.constant 640 : i32
    %mul3A_98 = arith.muli %arg1, %mul3A_97 : i32
    %add3A_99 = arith.constant 128 : i32
    %add3A_100 = arith.addi %mul3A_98, %add3A_99 : i32
    "tpu.region"() ({
      %run_scoped3A = tpu.sem_alloc : memref<!tpu.dma_semaphore, #tpu.memory_space<semaphore_mem>>
      %dma_start3A = arith.constant 0 : i32
      %dma_start3A_144 = tpu.memref_slice %arg14[%add3A_100, %dma_start3A] : memref<10240x128xf32, #tpu.memory_space<vmem_shared>> -> memref<64x128xf32, #tpu.memory_space<vmem_shared>>
      %dma_start3A_145 = arith.constant 0 : i32
      %dma_start3A_146 = tpu.memref_slice %arg14[%add3A_100, %dma_start3A_145] : memref<10240x128xf32, #tpu.memory_space<vmem_shared>> -> memref<64x128xf32, #tpu.memory_space<vmem_shared>>
      tpu.enqueue_dma source(%arg13 : memref<64x128xf32, #tpu.memory_space<vmem>>) target(%dma_start3A_146 : memref<64x128xf32, #tpu.memory_space<vmem_shared>>) target_semaphore(%run_scoped3A : memref<!tpu.dma_semaphore, #tpu.memory_space<semaphore_mem>>)
      %dma_wait3A = arith.constant 0 : i32
      %dma_wait3A_147 = tpu.memref_slice %arg14[%add3A_100, %dma_wait3A] : memref<10240x128xf32, #tpu.memory_space<vmem_shared>> -> memref<64x128xf32, #tpu.memory_space<vmem_shared>>
      %dma_wait3A_148 = arith.constant 0 : i32
      %dma_wait3A_149 = tpu.memref_slice %arg14[%add3A_100, %dma_wait3A_148] : memref<10240x128xf32, #tpu.memory_space<vmem_shared>> -> memref<64x128xf32, #tpu.memory_space<vmem_shared>>
      tpu.wait_dma2 semaphore(%run_scoped3A : memref<!tpu.dma_semaphore, #tpu.memory_space<semaphore_mem>>) src(%arg13 : memref<64x128xf32, #tpu.memory_space<vmem>>) dst(%dma_wait3A_149 : memref<64x128xf32, #tpu.memory_space<vmem_shared>>)
      tpu.yield
    }) : () -> ()
    %mul3A_101 = arith.constant 640 : i32
    %mul3A_102 = arith.muli %arg1, %mul3A_101 : i32
    %add3A_103 = arith.constant 192 : i32
    %add3A_104 = arith.addi %mul3A_102, %add3A_103 : i32
    "tpu.region"() ({
      %run_scoped3A = tpu.sem_alloc : memref<!tpu.dma_semaphore, #tpu.memory_space<semaphore_mem>>
      %dma_start3A = arith.constant 0 : i32
      %dma_start3A_144 = tpu.memref_slice %arg14[%add3A_104, %dma_start3A] : memref<10240x128xf32, #tpu.memory_space<vmem_shared>> -> memref<64x128xf32, #tpu.memory_space<vmem_shared>>
      %dma_start3A_145 = arith.constant 0 : i32
      %dma_start3A_146 = tpu.memref_slice %arg14[%add3A_104, %dma_start3A_145] : memref<10240x128xf32, #tpu.memory_space<vmem_shared>> -> memref<64x128xf32, #tpu.memory_space<vmem_shared>>
      tpu.enqueue_dma source(%arg13 : memref<64x128xf32, #tpu.memory_space<vmem>>) target(%dma_start3A_146 : memref<64x128xf32, #tpu.memory_space<vmem_shared>>) target_semaphore(%run_scoped3A : memref<!tpu.dma_semaphore, #tpu.memory_space<semaphore_mem>>)
      %dma_wait3A = arith.constant 0 : i32
      %dma_wait3A_147 = tpu.memref_slice %arg14[%add3A_104, %dma_wait3A] : memref<10240x128xf32, #tpu.memory_space<vmem_shared>> -> memref<64x128xf32, #tpu.memory_space<vmem_shared>>
      %dma_wait3A_148 = arith.constant 0 : i32
      %dma_wait3A_149 = tpu.memref_slice %arg14[%add3A_104, %dma_wait3A_148] : memref<10240x128xf32, #tpu.memory_space<vmem_shared>> -> memref<64x128xf32, #tpu.memory_space<vmem_shared>>
      tpu.wait_dma2 semaphore(%run_scoped3A : memref<!tpu.dma_semaphore, #tpu.memory_space<semaphore_mem>>) src(%arg13 : memref<64x128xf32, #tpu.memory_space<vmem>>) dst(%dma_wait3A_149 : memref<64x128xf32, #tpu.memory_space<vmem_shared>>)
      tpu.yield
    }) : () -> ()
    %mul3A_105 = arith.constant 640 : i32
    %mul3A_106 = arith.muli %arg1, %mul3A_105 : i32
    %add3A_107 = arith.constant 256 : i32
    %add3A_108 = arith.addi %mul3A_106, %add3A_107 : i32
    "tpu.region"() ({
      %run_scoped3A = tpu.sem_alloc : memref<!tpu.dma_semaphore, #tpu.memory_space<semaphore_mem>>
      %dma_start3A = arith.constant 0 : i32
      %dma_start3A_144 = tpu.memref_slice %arg14[%add3A_108, %dma_start3A] : memref<10240x128xf32, #tpu.memory_space<vmem_shared>> -> memref<64x128xf32, #tpu.memory_space<vmem_shared>>
      %dma_start3A_145 = arith.constant 0 : i32
      %dma_start3A_146 = tpu.memref_slice %arg14[%add3A_108, %dma_start3A_145] : memref<10240x128xf32, #tpu.memory_space<vmem_shared>> -> memref<64x128xf32, #tpu.memory_space<vmem_shared>>
      tpu.enqueue_dma source(%arg13 : memref<64x128xf32, #tpu.memory_space<vmem>>) target(%dma_start3A_146 : memref<64x128xf32, #tpu.memory_space<vmem_shared>>) target_semaphore(%run_scoped3A : memref<!tpu.dma_semaphore, #tpu.memory_space<semaphore_mem>>)
      %dma_wait3A = arith.constant 0 : i32
      %dma_wait3A_147 = tpu.memref_slice %arg14[%add3A_108, %dma_wait3A] : memref<10240x128xf32, #tpu.memory_space<vmem_shared>> -> memref<64x128xf32, #tpu.memory_space<vmem_shared>>
      %dma_wait3A_148 = arith.constant 0 : i32
      %dma_wait3A_149 = tpu.memref_slice %arg14[%add3A_108, %dma_wait3A_148] : memref<10240x128xf32, #tpu.memory_space<vmem_shared>> -> memref<64x128xf32, #tpu.memory_space<vmem_shared>>
      tpu.wait_dma2 semaphore(%run_scoped3A : memref<!tpu.dma_semaphore, #tpu.memory_space<semaphore_mem>>) src(%arg13 : memref<64x128xf32, #tpu.memory_space<vmem>>) dst(%dma_wait3A_149 : memref<64x128xf32, #tpu.memory_space<vmem_shared>>)
      tpu.yield
    }) : () -> ()
    %mul3A_109 = arith.constant 640 : i32
    %mul3A_110 = arith.muli %arg1, %mul3A_109 : i32
    %add3A_111 = arith.constant 320 : i32
    %add3A_112 = arith.addi %mul3A_110, %add3A_111 : i32
    "tpu.region"() ({
      %run_scoped3A = tpu.sem_alloc : memref<!tpu.dma_semaphore, #tpu.memory_space<semaphore_mem>>
      %dma_start3A = arith.constant 0 : i32
      %dma_start3A_144 = tpu.memref_slice %arg14[%add3A_112, %dma_start3A] : memref<10240x128xf32, #tpu.memory_space<vmem_shared>> -> memref<64x128xf32, #tpu.memory_space<vmem_shared>>
      %dma_start3A_145 = arith.constant 0 : i32
      %dma_start3A_146 = tpu.memref_slice %arg14[%add3A_112, %dma_start3A_145] : memref<10240x128xf32, #tpu.memory_space<vmem_shared>> -> memref<64x128xf32, #tpu.memory_space<vmem_shared>>
      tpu.enqueue_dma source(%arg13 : memref<64x128xf32, #tpu.memory_space<vmem>>) target(%dma_start3A_146 : memref<64x128xf32, #tpu.memory_space<vmem_shared>>) target_semaphore(%run_scoped3A : memref<!tpu.dma_semaphore, #tpu.memory_space<semaphore_mem>>)
      %dma_wait3A = arith.constant 0 : i32
      %dma_wait3A_147 = tpu.memref_slice %arg14[%add3A_112, %dma_wait3A] : memref<10240x128xf32, #tpu.memory_space<vmem_shared>> -> memref<64x128xf32, #tpu.memory_space<vmem_shared>>
      %dma_wait3A_148 = arith.constant 0 : i32
      %dma_wait3A_149 = tpu.memref_slice %arg14[%add3A_112, %dma_wait3A_148] : memref<10240x128xf32, #tpu.memory_space<vmem_shared>> -> memref<64x128xf32, #tpu.memory_space<vmem_shared>>
      tpu.wait_dma2 semaphore(%run_scoped3A : memref<!tpu.dma_semaphore, #tpu.memory_space<semaphore_mem>>) src(%arg13 : memref<64x128xf32, #tpu.memory_space<vmem>>) dst(%dma_wait3A_149 : memref<64x128xf32, #tpu.memory_space<vmem_shared>>)
      tpu.yield
    }) : () -> ()
    %mul3A_113 = arith.constant 640 : i32
    %mul3A_114 = arith.muli %arg1, %mul3A_113 : i32
    %add3A_115 = arith.constant 384 : i32
    %add3A_116 = arith.addi %mul3A_114, %add3A_115 : i32
    "tpu.region"() ({
      %run_scoped3A = tpu.sem_alloc : memref<!tpu.dma_semaphore, #tpu.memory_space<semaphore_mem>>
      %dma_start3A = arith.constant 0 : i32
      %dma_start3A_144 = tpu.memref_slice %arg14[%add3A_116, %dma_start3A] : memref<10240x128xf32, #tpu.memory_space<vmem_shared>> -> memref<64x128xf32, #tpu.memory_space<vmem_shared>>
      %dma_start3A_145 = arith.constant 0 : i32
      %dma_start3A_146 = tpu.memref_slice %arg14[%add3A_116, %dma_start3A_145] : memref<10240x128xf32, #tpu.memory_space<vmem_shared>> -> memref<64x128xf32, #tpu.memory_space<vmem_shared>>
      tpu.enqueue_dma source(%arg13 : memref<64x128xf32, #tpu.memory_space<vmem>>) target(%dma_start3A_146 : memref<64x128xf32, #tpu.memory_space<vmem_shared>>) target_semaphore(%run_scoped3A : memref<!tpu.dma_semaphore, #tpu.memory_space<semaphore_mem>>)
      %dma_wait3A = arith.constant 0 : i32
      %dma_wait3A_147 = tpu.memref_slice %arg14[%add3A_116, %dma_wait3A] : memref<10240x128xf32, #tpu.memory_space<vmem_shared>> -> memref<64x128xf32, #tpu.memory_space<vmem_shared>>
      %dma_wait3A_148 = arith.constant 0 : i32
      %dma_wait3A_149 = tpu.memref_slice %arg14[%add3A_116, %dma_wait3A_148] : memref<10240x128xf32, #tpu.memory_space<vmem_shared>> -> memref<64x128xf32, #tpu.memory_space<vmem_shared>>
      tpu.wait_dma2 semaphore(%run_scoped3A : memref<!tpu.dma_semaphore, #tpu.memory_space<semaphore_mem>>) src(%arg13 : memref<64x128xf32, #tpu.memory_space<vmem>>) dst(%dma_wait3A_149 : memref<64x128xf32, #tpu.memory_space<vmem_shared>>)
      tpu.yield
    }) : () -> ()
    %mul3A_117 = arith.constant 640 : i32
    %mul3A_118 = arith.muli %arg1, %mul3A_117 : i32
    %add3A_119 = arith.constant 448 : i32
    %add3A_120 = arith.addi %mul3A_118, %add3A_119 : i32
    "tpu.region"() ({
      %run_scoped3A = tpu.sem_alloc : memref<!tpu.dma_semaphore, #tpu.memory_space<semaphore_mem>>
      %dma_start3A = arith.constant 0 : i32
      %dma_start3A_144 = tpu.memref_slice %arg14[%add3A_120, %dma_start3A] : memref<10240x128xf32, #tpu.memory_space<vmem_shared>> -> memref<64x128xf32, #tpu.memory_space<vmem_shared>>
      %dma_start3A_145 = arith.constant 0 : i32
      %dma_start3A_146 = tpu.memref_slice %arg14[%add3A_120, %dma_start3A_145] : memref<10240x128xf32, #tpu.memory_space<vmem_shared>> -> memref<64x128xf32, #tpu.memory_space<vmem_shared>>
      tpu.enqueue_dma source(%arg13 : memref<64x128xf32, #tpu.memory_space<vmem>>) target(%dma_start3A_146 : memref<64x128xf32, #tpu.memory_space<vmem_shared>>) target_semaphore(%run_scoped3A : memref<!tpu.dma_semaphore, #tpu.memory_space<semaphore_mem>>)
      %dma_wait3A = arith.constant 0 : i32
      %dma_wait3A_147 = tpu.memref_slice %arg14[%add3A_120, %dma_wait3A] : memref<10240x128xf32, #tpu.memory_space<vmem_shared>> -> memref<64x128xf32, #tpu.memory_space<vmem_shared>>
      %dma_wait3A_148 = arith.constant 0 : i32
      %dma_wait3A_149 = tpu.memref_slice %arg14[%add3A_120, %dma_wait3A_148] : memref<10240x128xf32, #tpu.memory_space<vmem_shared>> -> memref<64x128xf32, #tpu.memory_space<vmem_shared>>
      tpu.wait_dma2 semaphore(%run_scoped3A : memref<!tpu.dma_semaphore, #tpu.memory_space<semaphore_mem>>) src(%arg13 : memref<64x128xf32, #tpu.memory_space<vmem>>) dst(%dma_wait3A_149 : memref<64x128xf32, #tpu.memory_space<vmem_shared>>)
      tpu.yield
    }) : () -> ()
    %mul3A_121 = arith.constant 640 : i32
    %mul3A_122 = arith.muli %arg1, %mul3A_121 : i32
    %add3A_123 = arith.constant 512 : i32
    %add3A_124 = arith.addi %mul3A_122, %add3A_123 : i32
    "tpu.region"() ({
      %run_scoped3A = tpu.sem_alloc : memref<!tpu.dma_semaphore, #tpu.memory_space<semaphore_mem>>
      %dma_start3A = arith.constant 0 : i32
      %dma_start3A_144 = tpu.memref_slice %arg14[%add3A_124, %dma_start3A] : memref<10240x128xf32, #tpu.memory_space<vmem_shared>> -> memref<64x128xf32, #tpu.memory_space<vmem_shared>>
      %dma_start3A_145 = arith.constant 0 : i32
      %dma_start3A_146 = tpu.memref_slice %arg14[%add3A_124, %dma_start3A_145] : memref<10240x128xf32, #tpu.memory_space<vmem_shared>> -> memref<64x128xf32, #tpu.memory_space<vmem_shared>>
      tpu.enqueue_dma source(%arg13 : memref<64x128xf32, #tpu.memory_space<vmem>>) target(%dma_start3A_146 : memref<64x128xf32, #tpu.memory_space<vmem_shared>>) target_semaphore(%run_scoped3A : memref<!tpu.dma_semaphore, #tpu.memory_space<semaphore_mem>>)
      %dma_wait3A = arith.constant 0 : i32
      %dma_wait3A_147 = tpu.memref_slice %arg14[%add3A_124, %dma_wait3A] : memref<10240x128xf32, #tpu.memory_space<vmem_shared>> -> memref<64x128xf32, #tpu.memory_space<vmem_shared>>
      %dma_wait3A_148 = arith.constant 0 : i32
      %dma_wait3A_149 = tpu.memref_slice %arg14[%add3A_124, %dma_wait3A_148] : memref<10240x128xf32, #tpu.memory_space<vmem_shared>> -> memref<64x128xf32, #tpu.memory_space<vmem_shared>>
      tpu.wait_dma2 semaphore(%run_scoped3A : memref<!tpu.dma_semaphore, #tpu.memory_space<semaphore_mem>>) src(%arg13 : memref<64x128xf32, #tpu.memory_space<vmem>>) dst(%dma_wait3A_149 : memref<64x128xf32, #tpu.memory_space<vmem_shared>>)
      tpu.yield
    }) : () -> ()
    %mul3A_125 = arith.constant 640 : i32
    %mul3A_126 = arith.muli %arg1, %mul3A_125 : i32
    %add3A_127 = arith.constant 576 : i32
    %add3A_128 = arith.addi %mul3A_126, %add3A_127 : i32
    "tpu.region"() ({
      %run_scoped3A = tpu.sem_alloc : memref<!tpu.dma_semaphore, #tpu.memory_space<semaphore_mem>>
      %dma_start3A = arith.constant 0 : i32
      %dma_start3A_144 = tpu.memref_slice %arg14[%add3A_128, %dma_start3A] : memref<10240x128xf32, #tpu.memory_space<vmem_shared>> -> memref<64x128xf32, #tpu.memory_space<vmem_shared>>
      %dma_start3A_145 = arith.constant 0 : i32
      %dma_start3A_146 = tpu.memref_slice %arg14[%add3A_128, %dma_start3A_145] : memref<10240x128xf32, #tpu.memory_space<vmem_shared>> -> memref<64x128xf32, #tpu.memory_space<vmem_shared>>
      tpu.enqueue_dma source(%arg13 : memref<64x128xf32, #tpu.memory_space<vmem>>) target(%dma_start3A_146 : memref<64x128xf32, #tpu.memory_space<vmem_shared>>) target_semaphore(%run_scoped3A : memref<!tpu.dma_semaphore, #tpu.memory_space<semaphore_mem>>)
      %dma_wait3A = arith.constant 0 : i32
      %dma_wait3A_147 = tpu.memref_slice %arg14[%add3A_128, %dma_wait3A] : memref<10240x128xf32, #tpu.memory_space<vmem_shared>> -> memref<64x128xf32, #tpu.memory_space<vmem_shared>>
      %dma_wait3A_148 = arith.constant 0 : i32
      %dma_wait3A_149 = tpu.memref_slice %arg14[%add3A_128, %dma_wait3A_148] : memref<10240x128xf32, #tpu.memory_space<vmem_shared>> -> memref<64x128xf32, #tpu.memory_space<vmem_shared>>
      tpu.wait_dma2 semaphore(%run_scoped3A : memref<!tpu.dma_semaphore, #tpu.memory_space<semaphore_mem>>) src(%arg13 : memref<64x128xf32, #tpu.memory_space<vmem>>) dst(%dma_wait3A_149 : memref<64x128xf32, #tpu.memory_space<vmem_shared>>)
      tpu.yield
    }) : () -> ()
    %barrier3A_129 = arith.constant 0 : index
    tpu.barrier barrier_id(%barrier3A_129)
    %while3A_130 = arith.constant 0 : i32
    %while3A_131 = arith.constant 0 : i32
    %while3A_132 = arith.subi %max3A_33, %while3A_130 : i32
    %while3A_133 = arith.addi %while3A_130, %while3A_132 : i32
    %while3A_134 = arith.constant 1 : i32
    %while3A_135 = arith.divsi %while3A_132, %while3A_134 : i32
    %while3A_136 = arith.muli %while3A_135, %while3A_134 : i32
    %while3A_137 = arith.addi %while3A_130, %while3A_136 : i32
    %while3A_138 = arith.constant 1 : i32
    %while3A_139 = scf.for %while3A_144 = %while3A_130 to %while3A_137 step %while3A_138 iter_args(%while3A_145 = %while3A_131) -> (i32)  : i32 {
      %mul3A_146 = arith.constant 32 : i32
      %mul3A_147 = arith.muli %while3A_144, %mul3A_146 : i32
      %add3A_148 = arith.addi %add3A, %mul3A_147 : i32
      %mul3A_149 = arith.constant 256 : i32
      %mul3A_150 = arith.muli %add3A_148, %mul3A_149 : i32
      %add3A_151 = arith.addi %squeeze3A, %mul3A_150 : i32
      %multiple_of3A = tpu.assume_multiple %add3A_151, 256 : i32
      "tpu.region"() ({
        %run_scoped3A = tpu.sem_alloc : memref<!tpu.dma_semaphore, #tpu.memory_space<semaphore_mem>>
        %dma_start3A_157 = tpu.memref_slice %arg4[%multiple_of3A] : memref<322048xi32, #tpu.memory_space<hbm>> -> memref<256xi32, #tpu.memory_space<hbm>>
        %dma_start3A_158 = tpu.memref_slice %arg4[%multiple_of3A] : memref<322048xi32, #tpu.memory_space<hbm>> -> memref<256xi32, #tpu.memory_space<hbm>>
        tpu.enqueue_dma source(%dma_start3A_158 : memref<256xi32, #tpu.memory_space<hbm>>) target(%arg10 : memref<256xi32, #tpu.memory_space<vmem>>) target_semaphore(%run_scoped3A : memref<!tpu.dma_semaphore, #tpu.memory_space<semaphore_mem>>)
        %dma_wait3A_159 = tpu.memref_slice %arg4[%multiple_of3A] : memref<322048xi32, #tpu.memory_space<hbm>> -> memref<256xi32, #tpu.memory_space<hbm>>
        %dma_wait3A_160 = tpu.memref_slice %arg4[%multiple_of3A] : memref<322048xi32, #tpu.memory_space<hbm>> -> memref<256xi32, #tpu.memory_space<hbm>>
        tpu.wait_dma2 semaphore(%run_scoped3A : memref<!tpu.dma_semaphore, #tpu.memory_space<semaphore_mem>>) src(%dma_wait3A_160 : memref<256xi32, #tpu.memory_space<hbm>>) dst(%arg10 : memref<256xi32, #tpu.memory_space<vmem>>)
        tpu.yield
      }) : () -> ()
      "tpu.region"() ({
        %run_scoped3A = tpu.sem_alloc : memref<!tpu.dma_semaphore, #tpu.memory_space<semaphore_mem>>
        %dma_start3A_157 = tpu.memref_slice %arg5[%multiple_of3A] : memref<322048xi32, #tpu.memory_space<hbm>> -> memref<256xi32, #tpu.memory_space<hbm>>
        %dma_start3A_158 = tpu.memref_slice %arg5[%multiple_of3A] : memref<322048xi32, #tpu.memory_space<hbm>> -> memref<256xi32, #tpu.memory_space<hbm>>
        tpu.enqueue_dma source(%dma_start3A_158 : memref<256xi32, #tpu.memory_space<hbm>>) target(%arg11 : memref<256xi32, #tpu.memory_space<vmem>>) target_semaphore(%run_scoped3A : memref<!tpu.dma_semaphore, #tpu.memory_space<semaphore_mem>>)
        %dma_wait3A_159 = tpu.memref_slice %arg5[%multiple_of3A] : memref<322048xi32, #tpu.memory_space<hbm>> -> memref<256xi32, #tpu.memory_space<hbm>>
        %dma_wait3A_160 = tpu.memref_slice %arg5[%multiple_of3A] : memref<322048xi32, #tpu.memory_space<hbm>> -> memref<256xi32, #tpu.memory_space<hbm>>
        tpu.wait_dma2 semaphore(%run_scoped3A : memref<!tpu.dma_semaphore, #tpu.memory_space<semaphore_mem>>) src(%dma_wait3A_160 : memref<256xi32, #tpu.memory_space<hbm>>) dst(%arg11 : memref<256xi32, #tpu.memory_space<vmem>>)
        tpu.yield
      }) : () -> ()
      %dma_start3A = arith.constant 0 : i32
      %dma_start3A_152 = arith.constant 0 : i32
      %dma_start3A_153 = tpu.memref_slice %arg3[%dma_start3A, %dma_start3A_152] : memref<10240x128xf32, #tpu.memory_space<hbm>> -> memref<10240x128xf32, #tpu.memory_space<hbm>>
      tpu.enqueue_indirect_dma source(%dma_start3A_153 : memref<10240x128xf32, #tpu.memory_space<hbm>>) target(%arg12 : memref<256x128xf32, #tpu.memory_space<vmem>>) offsets(%arg10 : memref<256xi32, #tpu.memory_space<vmem>>) semaphore(%arg15 : memref<!tpu.dma_semaphore, #tpu.memory_space<semaphore_mem>>)
      %dma_wait3A = arith.constant 0 : i32
      %dma_wait3A_154 = arith.constant 0 : i32
      %dma_wait3A_155 = tpu.memref_slice %arg3[%dma_wait3A, %dma_wait3A_154] : memref<10240x128xf32, #tpu.memory_space<hbm>> -> memref<10240x128xf32, #tpu.memory_space<hbm>>
      tpu.wait_indirect_dma semaphore(%arg15 : memref<!tpu.dma_semaphore, #tpu.memory_space<semaphore_mem>>) src(%dma_wait3A_155 : memref<10240x128xf32, #tpu.memory_space<hbm>>) dst(%arg12 : memref<256x128xf32, #tpu.memory_space<vmem>>)
      "tpu.region"() ({
        %run_scoped3A = tpu.sem_alloc : memref<!tpu.dma_semaphore, #tpu.memory_space<semaphore_mem>>
        %dma_start3A_157 = arith.constant 0 : i32
        %dma_start3A_158 = arith.constant 0 : i32
        %dma_start3A_159 = tpu.memref_slice %arg14[%dma_start3A_157, %dma_start3A_158] : memref<10240x128xf32, #tpu.memory_space<vmem_shared>> -> memref<10240x128xf32, #tpu.memory_space<vmem_shared>>
        tpu.enqueue_indirect_dma source(%arg12 : memref<256x128xf32, #tpu.memory_space<vmem>>) target(%dma_start3A_159 : memref<10240x128xf32, #tpu.memory_space<vmem_shared>>) offsets(%arg11 : memref<256xi32, #tpu.memory_space<vmem>>) semaphore(%run_scoped3A : memref<!tpu.dma_semaphore, #tpu.memory_space<semaphore_mem>>) {add = true}
        %dma_wait3A_160 = arith.constant 0 : i32
        %dma_wait3A_161 = arith.constant 0 : i32
        %dma_wait3A_162 = tpu.memref_slice %arg14[%dma_wait3A_160, %dma_wait3A_161] : memref<10240x128xf32, #tpu.memory_space<vmem_shared>> -> memref<10240x128xf32, #tpu.memory_space<vmem_shared>>
        tpu.wait_indirect_dma semaphore(%run_scoped3A : memref<!tpu.dma_semaphore, #tpu.memory_space<semaphore_mem>>) src(%arg12 : memref<256x128xf32, #tpu.memory_space<vmem>>) dst(%dma_wait3A_162 : memref<10240x128xf32, #tpu.memory_space<vmem_shared>>)
        tpu.yield
      }) : () -> ()
      %while3A_156 = arith.constant 0 : i32
      scf.yield %while3A_156 : i32
    }
    %while3A_140 = arith.constant 1 : i32
    %while3A_141 = scf.for %while3A_144 = %while3A_137 to %while3A_133 step %while3A_140 iter_args(%while3A_145 = %while3A_139) -> (i32)  : i32 {
      %mul3A_146 = arith.constant 32 : i32
      %mul3A_147 = arith.muli %while3A_144, %mul3A_146 : i32
      %add3A_148 = arith.addi %add3A, %mul3A_147 : i32
      %mul3A_149 = arith.constant 256 : i32
      %mul3A_150 = arith.muli %add3A_148, %mul3A_149 : i32
      %add3A_151 = arith.addi %squeeze3A, %mul3A_150 : i32
      %multiple_of3A = tpu.assume_multiple %add3A_151, 256 : i32
      "tpu.region"() ({
        %run_scoped3A = tpu.sem_alloc : memref<!tpu.dma_semaphore, #tpu.memory_space<semaphore_mem>>
        %dma_start3A_157 = tpu.memref_slice %arg4[%multiple_of3A] : memref<322048xi32, #tpu.memory_space<hbm>> -> memref<256xi32, #tpu.memory_space<hbm>>
        %dma_start3A_158 = tpu.memref_slice %arg4[%multiple_of3A] : memref<322048xi32, #tpu.memory_space<hbm>> -> memref<256xi32, #tpu.memory_space<hbm>>
        tpu.enqueue_dma source(%dma_start3A_158 : memref<256xi32, #tpu.memory_space<hbm>>) target(%arg10 : memref<256xi32, #tpu.memory_space<vmem>>) target_semaphore(%run_scoped3A : memref<!tpu.dma_semaphore, #tpu.memory_space<semaphore_mem>>)
        %dma_wait3A_159 = tpu.memref_slice %arg4[%multiple_of3A] : memref<322048xi32, #tpu.memory_space<hbm>> -> memref<256xi32, #tpu.memory_space<hbm>>
        %dma_wait3A_160 = tpu.memref_slice %arg4[%multiple_of3A] : memref<322048xi32, #tpu.memory_space<hbm>> -> memref<256xi32, #tpu.memory_space<hbm>>
        tpu.wait_dma2 semaphore(%run_scoped3A : memref<!tpu.dma_semaphore, #tpu.memory_space<semaphore_mem>>) src(%dma_wait3A_160 : memref<256xi32, #tpu.memory_space<hbm>>) dst(%arg10 : memref<256xi32, #tpu.memory_space<vmem>>)
        tpu.yield
      }) : () -> ()
      "tpu.region"() ({
        %run_scoped3A = tpu.sem_alloc : memref<!tpu.dma_semaphore, #tpu.memory_space<semaphore_mem>>
        %dma_start3A_157 = tpu.memref_slice %arg5[%multiple_of3A] : memref<322048xi32, #tpu.memory_space<hbm>> -> memref<256xi32, #tpu.memory_space<hbm>>
        %dma_start3A_158 = tpu.memref_slice %arg5[%multiple_of3A] : memref<322048xi32, #tpu.memory_space<hbm>> -> memref<256xi32, #tpu.memory_space<hbm>>
        tpu.enqueue_dma source(%dma_start3A_158 : memref<256xi32, #tpu.memory_space<hbm>>) target(%arg11 : memref<256xi32, #tpu.memory_space<vmem>>) target_semaphore(%run_scoped3A : memref<!tpu.dma_semaphore, #tpu.memory_space<semaphore_mem>>)
        %dma_wait3A_159 = tpu.memref_slice %arg5[%multiple_of3A] : memref<322048xi32, #tpu.memory_space<hbm>> -> memref<256xi32, #tpu.memory_space<hbm>>
        %dma_wait3A_160 = tpu.memref_slice %arg5[%multiple_of3A] : memref<322048xi32, #tpu.memory_space<hbm>> -> memref<256xi32, #tpu.memory_space<hbm>>
        tpu.wait_dma2 semaphore(%run_scoped3A : memref<!tpu.dma_semaphore, #tpu.memory_space<semaphore_mem>>) src(%dma_wait3A_160 : memref<256xi32, #tpu.memory_space<hbm>>) dst(%arg11 : memref<256xi32, #tpu.memory_space<vmem>>)
        tpu.yield
      }) : () -> ()
      %dma_start3A = arith.constant 0 : i32
      %dma_start3A_152 = arith.constant 0 : i32
      %dma_start3A_153 = tpu.memref_slice %arg3[%dma_start3A, %dma_start3A_152] : memref<10240x128xf32, #tpu.memory_space<hbm>> -> memref<10240x128xf32, #tpu.memory_space<hbm>>
      tpu.enqueue_indirect_dma source(%dma_start3A_153 : memref<10240x128xf32, #tpu.memory_space<hbm>>) target(%arg12 : memref<256x128xf32, #tpu.memory_space<vmem>>) offsets(%arg10 : memref<256xi32, #tpu.memory_space<vmem>>) semaphore(%arg15 : memref<!tpu.dma_semaphore, #tpu.memory_space<semaphore_mem>>)
      %dma_wait3A = arith.constant 0 : i32
      %dma_wait3A_154 = arith.constant 0 : i32
      %dma_wait3A_155 = tpu.memref_slice %arg3[%dma_wait3A, %dma_wait3A_154] : memref<10240x128xf32, #tpu.memory_space<hbm>> -> memref<10240x128xf32, #tpu.memory_space<hbm>>
      tpu.wait_indirect_dma semaphore(%arg15 : memref<!tpu.dma_semaphore, #tpu.memory_space<semaphore_mem>>) src(%dma_wait3A_155 : memref<10240x128xf32, #tpu.memory_space<hbm>>) dst(%arg12 : memref<256x128xf32, #tpu.memory_space<vmem>>)
      "tpu.region"() ({
        %run_scoped3A = tpu.sem_alloc : memref<!tpu.dma_semaphore, #tpu.memory_space<semaphore_mem>>
        %dma_start3A_157 = arith.constant 0 : i32
        %dma_start3A_158 = arith.constant 0 : i32
        %dma_start3A_159 = tpu.memref_slice %arg14[%dma_start3A_157, %dma_start3A_158] : memref<10240x128xf32, #tpu.memory_space<vmem_shared>> -> memref<10240x128xf32, #tpu.memory_space<vmem_shared>>
        tpu.enqueue_indirect_dma source(%arg12 : memref<256x128xf32, #tpu.memory_space<vmem>>) target(%dma_start3A_159 : memref<10240x128xf32, #tpu.memory_space<vmem_shared>>) offsets(%arg11 : memref<256xi32, #tpu.memory_space<vmem>>) semaphore(%run_scoped3A : memref<!tpu.dma_semaphore, #tpu.memory_space<semaphore_mem>>) {add = true}
        %dma_wait3A_160 = arith.constant 0 : i32
        %dma_wait3A_161 = arith.constant 0 : i32
        %dma_wait3A_162 = tpu.memref_slice %arg14[%dma_wait3A_160, %dma_wait3A_161] : memref<10240x128xf32, #tpu.memory_space<vmem_shared>> -> memref<10240x128xf32, #tpu.memory_space<vmem_shared>>
        tpu.wait_indirect_dma semaphore(%run_scoped3A : memref<!tpu.dma_semaphore, #tpu.memory_space<semaphore_mem>>) src(%arg12 : memref<256x128xf32, #tpu.memory_space<vmem>>) dst(%dma_wait3A_162 : memref<10240x128xf32, #tpu.memory_space<vmem_shared>>)
        tpu.yield
      }) : () -> ()
      %while3A_156 = arith.constant 0 : i32
      scf.yield %while3A_156 : i32
    }
    %barrier3A_142 = arith.constant 0 : index
    tpu.barrier barrier_id(%barrier3A_142)
    "tpu.region"() ({
      %run_scoped3A = tpu.sem_alloc : memref<!tpu.dma_semaphore, #tpu.memory_space<semaphore_mem>>
      %dma_start3A = arith.constant 0 : i32
      %dma_start3A_144 = tpu.memref_slice %arg8[%arg0, %mul3A_35, %dma_start3A] : memref<2x10240x128xf32, #tpu.memory_space<hbm>> -> memref<1x640x128xf32, #tpu.memory_space<hbm>>
      %dma_start3A_145 = tpu.memref_squeeze %dma_start3A_144 : memref<1x640x128xf32, #tpu.memory_space<hbm>> -> memref<640x128xf32, #tpu.memory_space<hbm>>
      %dma_start3A_146 = arith.constant 0 : i32
      %dma_start3A_147 = tpu.memref_slice %arg14[%mul3A_35, %dma_start3A_146] : memref<10240x128xf32, #tpu.memory_space<vmem_shared>> -> memref<640x128xf32, #tpu.memory_space<vmem_shared>>
      tpu.enqueue_dma source(%dma_start3A_147 : memref<640x128xf32, #tpu.memory_space<vmem_shared>>) target(%dma_start3A_145 : memref<640x128xf32, #tpu.memory_space<hbm>>) target_semaphore(%run_scoped3A : memref<!tpu.dma_semaphore, #tpu.memory_space<semaphore_mem>>)
      %dma_wait3A = arith.constant 0 : i32
      %dma_wait3A_148 = tpu.memref_slice %arg8[%arg0, %mul3A_35, %dma_wait3A] : memref<2x10240x128xf32, #tpu.memory_space<hbm>> -> memref<1x640x128xf32, #tpu.memory_space<hbm>>
      %dma_wait3A_149 = tpu.memref_squeeze %dma_wait3A_148 : memref<1x640x128xf32, #tpu.memory_space<hbm>> -> memref<640x128xf32, #tpu.memory_space<hbm>>
      %dma_wait3A_150 = arith.constant 0 : i32
      %dma_wait3A_151 = tpu.memref_slice %arg14[%mul3A_35, %dma_wait3A_150] : memref<10240x128xf32, #tpu.memory_space<vmem_shared>> -> memref<640x128xf32, #tpu.memory_space<vmem_shared>>
      tpu.wait_dma2 semaphore(%run_scoped3A : memref<!tpu.dma_semaphore, #tpu.memory_space<semaphore_mem>>) src(%dma_wait3A_151 : memref<640x128xf32, #tpu.memory_space<vmem_shared>>) dst(%dma_wait3A_149 : memref<640x128xf32, #tpu.memory_space<hbm>>)
      tpu.yield
    }) : () -> ()
    %barrier3A_143 = arith.constant 0 : index
    tpu.barrier barrier_id(%barrier3A_143)
    return
  }
}

module attributes {stable_mosaic.version = 14 : i64} {
  func.func @_pre_body(%arg0: memref<128x128xf32, #tpu.memory_space<vmem>>, %arg1: memref<1x128xf32, #tpu.memory_space<vmem>>, %arg2: memref<128x128xf32, #tpu.memory_space<vmem>>, %arg3: memref<1x128xf32, #tpu.memory_space<vmem>>, %arg4: memref<128x384xf32, #tpu.memory_space<vmem>>, %arg5: memref<1x384xf32, #tpu.memory_space<vmem>>, %arg6: memref<1x384xf32, #tpu.memory_space<vmem>>, %arg7: memref<8x128xf32, #tpu.memory_space<vmem>>) attributes {dimension_semantics = [], scalar_prefetch = 0 : i64, scratch_operands = 0 : i64, tpu.core_type = #tpu.core_type<tc>} {
    %broadcast_in_dim3A = arith.constant 0.000000e+00 : f32
    %broadcast_in_dim3A_0 = vector.broadcast %broadcast_in_dim3A : f32 to vector<8x128xf32>
    %get3A = arith.constant 0 : index
    %get3A_1 = arith.constant 0 : index
    %get3A_2 = vector.load %arg0[%get3A, %get3A_1] : memref<128x128xf32, #tpu.memory_space<vmem>>, vector<128x128xf32>
    %dot_general3A = arith.constant dense<0.000000e+00> : vector<8x128xf32>
    %dot_general3A_3 = tpu.matmul %broadcast_in_dim3A_0, %get3A_2, %dot_general3A {dimension_numbers = #tpu.dot_dimension_numbers<[1], [0], [0], [1], [0, 0, 1, 1], [], []>, transpose_lhs_hint = false} : vector<8x128xf32>, vector<128x128xf32>, vector<8x128xf32> -> vector<8x128xf32>
    %get3A_4 = arith.constant 0 : index
    %get3A_5 = arith.constant 0 : index
    %get3A_6 = vector.load %arg1[%get3A_4, %get3A_5] : memref<1x128xf32, #tpu.memory_space<vmem>>, vector<1x128xf32>
    %add3A = vector.broadcast %get3A_6 : vector<1x128xf32> to vector<8x128xf32>
    %add3A_7 = arith.addf %dot_general3A_3, %add3A : vector<8x128xf32>
    %max3A = arith.constant 0.000000e+00 : f32
    %max3A_8 = vector.broadcast %max3A : f32 to vector<8x128xf32>
    %max3A_9 = arith.maximumf %add3A_7, %max3A_8 : vector<8x128xf32>
    %get3A_10 = arith.constant 0 : index
    %get3A_11 = arith.constant 0 : index
    %get3A_12 = vector.load %arg2[%get3A_10, %get3A_11] : memref<128x128xf32, #tpu.memory_space<vmem>>, vector<128x128xf32>
    %dot_general3A_13 = arith.constant dense<0.000000e+00> : vector<8x128xf32>
    %dot_general3A_14 = tpu.matmul %max3A_9, %get3A_12, %dot_general3A_13 {dimension_numbers = #tpu.dot_dimension_numbers<[1], [0], [0], [1], [0, 0, 1, 1], [], []>, transpose_lhs_hint = false} : vector<8x128xf32>, vector<128x128xf32>, vector<8x128xf32> -> vector<8x128xf32>
    %get3A_15 = arith.constant 0 : index
    %get3A_16 = arith.constant 0 : index
    %get3A_17 = vector.load %arg3[%get3A_15, %get3A_16] : memref<1x128xf32, #tpu.memory_space<vmem>>, vector<1x128xf32>
    %add3A_18 = vector.broadcast %get3A_17 : vector<1x128xf32> to vector<8x128xf32>
    %add3A_19 = arith.addf %dot_general3A_14, %add3A_18 : vector<8x128xf32>
    %get3A_20 = arith.constant 0 : index
    %get3A_21 = arith.constant 0 : index
    %get3A_22 = vector.load %arg4[%get3A_20, %get3A_21] : memref<128x384xf32, #tpu.memory_space<vmem>>, vector<128x384xf32>
    %dot_general3A_23 = arith.constant dense<0.000000e+00> : vector<8x384xf32>
    %dot_general3A_24 = tpu.matmul %add3A_19, %get3A_22, %dot_general3A_23 {dimension_numbers = #tpu.dot_dimension_numbers<[1], [0], [0], [1], [0, 0, 1, 1], [], []>, transpose_lhs_hint = false} : vector<8x128xf32>, vector<128x384xf32>, vector<8x384xf32> -> vector<8x384xf32>
    %get3A_25 = arith.constant 0 : index
    %get3A_26 = arith.constant 0 : index
    %get3A_27 = vector.load %arg5[%get3A_25, %get3A_26] : memref<1x384xf32, #tpu.memory_space<vmem>>, vector<1x384xf32>
    %add3A_28 = vector.broadcast %get3A_27 : vector<1x384xf32> to vector<8x384xf32>
    %add3A_29 = arith.addf %dot_general3A_24, %add3A_28 : vector<8x384xf32>
    %get3A_30 = arith.constant 0 : index
    %get3A_31 = arith.constant 0 : index
    %get3A_32 = vector.load %arg6[%get3A_30, %get3A_31] : memref<1x384xf32, #tpu.memory_space<vmem>>, vector<1x384xf32>
    %slice3A = vector.extract_strided_slice %add3A_29 {offsets = [0, 0], sizes = [8, 128], strides = [1, 1]} : vector<8x384xf32> to vector<8x128xf32>
    %slice3A_33 = vector.extract_strided_slice %get3A_32 {offsets = [0, 0], sizes = [1, 128], strides = [1, 1]} : vector<1x384xf32> to vector<1x128xf32>
    %add3A_34 = vector.broadcast %slice3A_33 : vector<1x128xf32> to vector<8x128xf32>
    %add3A_35 = arith.addf %slice3A, %add3A_34 : vector<8x128xf32>
    %logistic3A = arith.negf %add3A_35 : vector<8x128xf32>
    %logistic3A_36 = math.exp %logistic3A : vector<8x128xf32>
    %logistic3A_37 = arith.constant 1.000000e+00 : f32
    %logistic3A_38 = vector.broadcast %logistic3A_37 : f32 to vector<8x128xf32>
    %logistic3A_39 = arith.addf %logistic3A_38, %logistic3A_36 : vector<8x128xf32>
    %logistic3A_40 = arith.divf %logistic3A_38, %logistic3A_39 : vector<8x128xf32>
    %slice3A_41 = vector.extract_strided_slice %add3A_29 {offsets = [0, 128], sizes = [8, 128], strides = [1, 1]} : vector<8x384xf32> to vector<8x128xf32>
    %slice3A_42 = vector.extract_strided_slice %get3A_32 {offsets = [0, 128], sizes = [1, 128], strides = [1, 1]} : vector<1x384xf32> to vector<1x128xf32>
    %add3A_43 = vector.broadcast %slice3A_42 : vector<1x128xf32> to vector<8x128xf32>
    %add3A_44 = arith.addf %slice3A_41, %add3A_43 : vector<8x128xf32>
    %logistic3A_45 = arith.negf %add3A_44 : vector<8x128xf32>
    %logistic3A_46 = math.exp %logistic3A_45 : vector<8x128xf32>
    %logistic3A_47 = arith.constant 1.000000e+00 : f32
    %logistic3A_48 = vector.broadcast %logistic3A_47 : f32 to vector<8x128xf32>
    %logistic3A_49 = arith.addf %logistic3A_48, %logistic3A_46 : vector<8x128xf32>
    %logistic3A_50 = arith.divf %logistic3A_48, %logistic3A_49 : vector<8x128xf32>
    %slice3A_51 = vector.extract_strided_slice %add3A_29 {offsets = [0, 256], sizes = [8, 128], strides = [1, 1]} : vector<8x384xf32> to vector<8x128xf32>
    %slice3A_52 = vector.extract_strided_slice %get3A_32 {offsets = [0, 256], sizes = [1, 128], strides = [1, 1]} : vector<1x384xf32> to vector<1x128xf32>
    %mul3A = vector.broadcast %slice3A_52 : vector<1x128xf32> to vector<8x128xf32>
    %mul3A_53 = arith.mulf %logistic3A_40, %mul3A : vector<8x128xf32>
    %add3A_54 = arith.addf %slice3A_51, %mul3A_53 : vector<8x128xf32>
    %tanh3A = math.tanh %add3A_54 : vector<8x128xf32>
    %sub3A = arith.constant 1.000000e+00 : f32
    %sub3A_55 = vector.broadcast %sub3A : f32 to vector<8x128xf32>
    %sub3A_56 = arith.subf %sub3A_55, %logistic3A_50 : vector<8x128xf32>
    %mul3A_57 = arith.mulf %sub3A_56, %tanh3A : vector<8x128xf32>
    %get3A_58 = arith.constant 0 : index
    %get3A_59 = arith.constant 0 : index
    %get3A_60 = vector.load %arg0[%get3A_58, %get3A_59] : memref<128x128xf32, #tpu.memory_space<vmem>>, vector<128x128xf32>
    %dot_general3A_61 = arith.constant dense<0.000000e+00> : vector<8x128xf32>
    %dot_general3A_62 = tpu.matmul %mul3A_57, %get3A_60, %dot_general3A_61 {dimension_numbers = #tpu.dot_dimension_numbers<[1], [0], [0], [1], [0, 0, 1, 1], [], []>, transpose_lhs_hint = false} : vector<8x128xf32>, vector<128x128xf32>, vector<8x128xf32> -> vector<8x128xf32>
    %get3A_63 = arith.constant 0 : index
    %get3A_64 = arith.constant 0 : index
    %get3A_65 = vector.load %arg1[%get3A_63, %get3A_64] : memref<1x128xf32, #tpu.memory_space<vmem>>, vector<1x128xf32>
    %add3A_66 = vector.broadcast %get3A_65 : vector<1x128xf32> to vector<8x128xf32>
    %add3A_67 = arith.addf %dot_general3A_62, %add3A_66 : vector<8x128xf32>
    %max3A_68 = arith.constant 0.000000e+00 : f32
    %max3A_69 = vector.broadcast %max3A_68 : f32 to vector<8x128xf32>
    %max3A_70 = arith.maximumf %add3A_67, %max3A_69 : vector<8x128xf32>
    %get3A_71 = arith.constant 0 : index
    %get3A_72 = arith.constant 0 : index
    %get3A_73 = vector.load %arg2[%get3A_71, %get3A_72] : memref<128x128xf32, #tpu.memory_space<vmem>>, vector<128x128xf32>
    %dot_general3A_74 = arith.constant dense<0.000000e+00> : vector<8x128xf32>
    %dot_general3A_75 = tpu.matmul %max3A_70, %get3A_73, %dot_general3A_74 {dimension_numbers = #tpu.dot_dimension_numbers<[1], [0], [0], [1], [0, 0, 1, 1], [], []>, transpose_lhs_hint = false} : vector<8x128xf32>, vector<128x128xf32>, vector<8x128xf32> -> vector<8x128xf32>
    %get3A_76 = arith.constant 0 : index
    %get3A_77 = arith.constant 0 : index
    %get3A_78 = vector.load %arg3[%get3A_76, %get3A_77] : memref<1x128xf32, #tpu.memory_space<vmem>>, vector<1x128xf32>
    %add3A_79 = vector.broadcast %get3A_78 : vector<1x128xf32> to vector<8x128xf32>
    %add3A_80 = arith.addf %dot_general3A_75, %add3A_79 : vector<8x128xf32>
    %get3A_81 = arith.constant 0 : index
    %get3A_82 = arith.constant 0 : index
    %get3A_83 = vector.load %arg4[%get3A_81, %get3A_82] : memref<128x384xf32, #tpu.memory_space<vmem>>, vector<128x384xf32>
    %dot_general3A_84 = arith.constant dense<0.000000e+00> : vector<8x384xf32>
    %dot_general3A_85 = tpu.matmul %add3A_80, %get3A_83, %dot_general3A_84 {dimension_numbers = #tpu.dot_dimension_numbers<[1], [0], [0], [1], [0, 0, 1, 1], [], []>, transpose_lhs_hint = false} : vector<8x128xf32>, vector<128x384xf32>, vector<8x384xf32> -> vector<8x384xf32>
    %get3A_86 = arith.constant 0 : index
    %get3A_87 = arith.constant 0 : index
    %get3A_88 = vector.load %arg5[%get3A_86, %get3A_87] : memref<1x384xf32, #tpu.memory_space<vmem>>, vector<1x384xf32>
    %add3A_89 = vector.broadcast %get3A_88 : vector<1x384xf32> to vector<8x384xf32>
    %add3A_90 = arith.addf %dot_general3A_85, %add3A_89 : vector<8x384xf32>
    %get3A_91 = arith.constant 0 : index
    %get3A_92 = arith.constant 0 : index
    %get3A_93 = vector.load %arg6[%get3A_91, %get3A_92] : memref<1x384xf32, #tpu.memory_space<vmem>>, vector<1x384xf32>
    %slice3A_94 = vector.extract_strided_slice %add3A_90 {offsets = [0, 0], sizes = [8, 128], strides = [1, 1]} : vector<8x384xf32> to vector<8x128xf32>
    %slice3A_95 = vector.extract_strided_slice %get3A_93 {offsets = [0, 0], sizes = [1, 128], strides = [1, 1]} : vector<1x384xf32> to vector<1x128xf32>
    %add3A_96 = vector.broadcast %slice3A_95 : vector<1x128xf32> to vector<8x128xf32>
    %add3A_97 = arith.addf %slice3A_94, %add3A_96 : vector<8x128xf32>
    %logistic3A_98 = arith.negf %add3A_97 : vector<8x128xf32>
    %logistic3A_99 = math.exp %logistic3A_98 : vector<8x128xf32>
    %logistic3A_100 = arith.constant 1.000000e+00 : f32
    %logistic3A_101 = vector.broadcast %logistic3A_100 : f32 to vector<8x128xf32>
    %logistic3A_102 = arith.addf %logistic3A_101, %logistic3A_99 : vector<8x128xf32>
    %logistic3A_103 = arith.divf %logistic3A_101, %logistic3A_102 : vector<8x128xf32>
    %slice3A_104 = vector.extract_strided_slice %add3A_90 {offsets = [0, 128], sizes = [8, 128], strides = [1, 1]} : vector<8x384xf32> to vector<8x128xf32>
    %slice3A_105 = vector.extract_strided_slice %get3A_93 {offsets = [0, 128], sizes = [1, 128], strides = [1, 1]} : vector<1x384xf32> to vector<1x128xf32>
    %add3A_106 = vector.broadcast %slice3A_105 : vector<1x128xf32> to vector<8x128xf32>
    %add3A_107 = arith.addf %slice3A_104, %add3A_106 : vector<8x128xf32>
    %logistic3A_108 = arith.negf %add3A_107 : vector<8x128xf32>
    %logistic3A_109 = math.exp %logistic3A_108 : vector<8x128xf32>
    %logistic3A_110 = arith.constant 1.000000e+00 : f32
    %logistic3A_111 = vector.broadcast %logistic3A_110 : f32 to vector<8x128xf32>
    %logistic3A_112 = arith.addf %logistic3A_111, %logistic3A_109 : vector<8x128xf32>
    %logistic3A_113 = arith.divf %logistic3A_111, %logistic3A_112 : vector<8x128xf32>
    %slice3A_114 = vector.extract_strided_slice %add3A_90 {offsets = [0, 256], sizes = [8, 128], strides = [1, 1]} : vector<8x384xf32> to vector<8x128xf32>
    %slice3A_115 = vector.extract_strided_slice %get3A_93 {offsets = [0, 256], sizes = [1, 128], strides = [1, 1]} : vector<1x384xf32> to vector<1x128xf32>
    %mul3A_116 = vector.broadcast %slice3A_115 : vector<1x128xf32> to vector<8x128xf32>
    %mul3A_117 = arith.mulf %logistic3A_103, %mul3A_116 : vector<8x128xf32>
    %add3A_118 = arith.addf %slice3A_114, %mul3A_117 : vector<8x128xf32>
    %tanh3A_119 = math.tanh %add3A_118 : vector<8x128xf32>
    %sub3A_120 = arith.constant 1.000000e+00 : f32
    %sub3A_121 = vector.broadcast %sub3A_120 : f32 to vector<8x128xf32>
    %sub3A_122 = arith.subf %sub3A_121, %logistic3A_113 : vector<8x128xf32>
    %mul3A_123 = arith.mulf %sub3A_122, %tanh3A_119 : vector<8x128xf32>
    %swap3A = arith.constant 0 : index
    %swap3A_124 = arith.constant 0 : index
    %swap3A_125 = vector.load %arg7[%swap3A, %swap3A_124] : memref<8x128xf32, #tpu.memory_space<vmem>>, vector<8x128xf32>
    tpu.vector_store %arg7[%swap3A, %swap3A_124], %mul3A_123 {strides = array<i32>} : memref<8x128xf32, #tpu.memory_space<vmem>>, vector<8x128xf32>,
    return
  }
}

module attributes {stable_mosaic.version = 14 : i64} {
  func.func @_tab_body(%arg0: i32, %arg1: memref<1024x128xf32, #tpu.memory_space<vmem>>, %arg2: memref<1024x128xf32, #tpu.memory_space<vmem>>, %arg3: memref<128x128xf32, #tpu.memory_space<vmem>>, %arg4: memref<1x128xf32, #tpu.memory_space<vmem>>, %arg5: memref<128x128xf32, #tpu.memory_space<vmem>>, %arg6: memref<1x128xf32, #tpu.memory_space<vmem>>, %arg7: memref<128x128xf32, #tpu.memory_space<vmem>>, %arg8: memref<128x128xf32, #tpu.memory_space<vmem>>, %arg9: memref<1x128xf32, #tpu.memory_space<vmem>>, %arg10: memref<128x128xf32, #tpu.memory_space<vmem>>, %arg11: memref<1x128xf32, #tpu.memory_space<vmem>>, %arg12: memref<1024x128xf32, #tpu.memory_space<vmem>>, %arg13: memref<1024x128xf32, #tpu.memory_space<vmem>>) attributes {dimension_semantics = [#tpu.dimension_semantics<arbitrary>], iteration_bounds = array<i64: 10>, scalar_prefetch = 0 : i64, scratch_operands = 0 : i64, tpu.core_type = #tpu.core_type<tc>, window_params = [{transform_indices = @transform_0, window_bounds = array<i64: 1024, 128>}, {transform_indices = @transform_1, window_bounds = array<i64: 1024, 128>}, {pipeline_mode = #tpu.pipeline_mode<synchronous>, transform_indices = @transform_2, window_bounds = array<i64: 128, 128>}, {pipeline_mode = #tpu.pipeline_mode<synchronous>, transform_indices = @transform_3, window_bounds = array<i64: 1, 128>}, {pipeline_mode = #tpu.pipeline_mode<synchronous>, transform_indices = @transform_4, window_bounds = array<i64: 128, 128>}, {pipeline_mode = #tpu.pipeline_mode<synchronous>, transform_indices = @transform_5, window_bounds = array<i64: 1, 128>}, {pipeline_mode = #tpu.pipeline_mode<synchronous>, transform_indices = @transform_6, window_bounds = array<i64: 128, 128>}, {pipeline_mode = #tpu.pipeline_mode<synchronous>, transform_indices = @transform_7, window_bounds = array<i64: 128, 128>}, {pipeline_mode = #tpu.pipeline_mode<synchronous>, transform_indices = @transform_8, window_bounds = array<i64: 1, 128>}, {pipeline_mode = #tpu.pipeline_mode<synchronous>, transform_indices = @transform_9, window_bounds = array<i64: 128, 128>}, {pipeline_mode = #tpu.pipeline_mode<synchronous>, transform_indices = @transform_10, window_bounds = array<i64: 1, 128>}, {transform_indices = @transform_11, window_bounds = array<i64: 1024, 128>}, {transform_indices = @transform_12, window_bounds = array<i64: 1024, 128>}]} {
    %get3A = arith.constant 0 : index
    %get3A_0 = arith.constant 0 : index
    %get3A_1 = vector.load %arg1[%get3A, %get3A_0] : memref<1024x128xf32, #tpu.memory_space<vmem>>, vector<1024x128xf32>
    %get3A_2 = arith.constant 0 : index
    %get3A_3 = arith.constant 0 : index
    %get3A_4 = vector.load %arg2[%get3A_2, %get3A_3] : memref<1024x128xf32, #tpu.memory_space<vmem>>, vector<1024x128xf32>
    %get3A_5 = arith.constant 0 : index
    %get3A_6 = arith.constant 0 : index
    %get3A_7 = vector.load %arg3[%get3A_5, %get3A_6] : memref<128x128xf32, #tpu.memory_space<vmem>>, vector<128x128xf32>
    %dot_general3A = arith.constant dense<0.000000e+00> : vector<1024x128xf32>
    %dot_general3A_8 = tpu.matmul %get3A_1, %get3A_7, %dot_general3A {dimension_numbers = #tpu.dot_dimension_numbers<[1], [0], [0], [1], [0, 0, 1, 1], [], []>, transpose_lhs_hint = false} : vector<1024x128xf32>, vector<128x128xf32>, vector<1024x128xf32> -> vector<1024x128xf32>
    %get3A_9 = arith.constant 0 : index
    %get3A_10 = arith.constant 0 : index
    %get3A_11 = vector.load %arg4[%get3A_9, %get3A_10] : memref<1x128xf32, #tpu.memory_space<vmem>>, vector<1x128xf32>
    %add3A = vector.broadcast %get3A_11 : vector<1x128xf32> to vector<1024x128xf32>
    %add3A_12 = arith.addf %dot_general3A_8, %add3A : vector<1024x128xf32>
    %max3A = arith.constant 0.000000e+00 : f32
    %max3A_13 = vector.broadcast %max3A : f32 to vector<1024x128xf32>
    %max3A_14 = arith.maximumf %add3A_12, %max3A_13 : vector<1024x128xf32>
    %get3A_15 = arith.constant 0 : index
    %get3A_16 = arith.constant 0 : index
    %get3A_17 = vector.load %arg5[%get3A_15, %get3A_16] : memref<128x128xf32, #tpu.memory_space<vmem>>, vector<128x128xf32>
    %dot_general3A_18 = arith.constant dense<0.000000e+00> : vector<1024x128xf32>
    %dot_general3A_19 = tpu.matmul %max3A_14, %get3A_17, %dot_general3A_18 {dimension_numbers = #tpu.dot_dimension_numbers<[1], [0], [0], [1], [0, 0, 1, 1], [], []>, transpose_lhs_hint = false} : vector<1024x128xf32>, vector<128x128xf32>, vector<1024x128xf32> -> vector<1024x128xf32>
    %get3A_20 = arith.constant 0 : index
    %get3A_21 = arith.constant 0 : index
    %get3A_22 = vector.load %arg6[%get3A_20, %get3A_21] : memref<1x128xf32, #tpu.memory_space<vmem>>, vector<1x128xf32>
    %add3A_23 = vector.broadcast %get3A_22 : vector<1x128xf32> to vector<1024x128xf32>
    %add3A_24 = arith.addf %dot_general3A_19, %add3A_23 : vector<1024x128xf32>
    %swap3A = arith.constant 0 : index
    %swap3A_25 = arith.constant 0 : index
    %swap3A_26 = vector.load %arg12[%swap3A, %swap3A_25] : memref<1024x128xf32, #tpu.memory_space<vmem>>, vector<1024x128xf32>
    tpu.vector_store %arg12[%swap3A, %swap3A_25], %add3A_24 {strides = array<i32>} : memref<1024x128xf32, #tpu.memory_space<vmem>>, vector<1024x128xf32>,
    %get3A_27 = arith.constant 0 : index
    %get3A_28 = arith.constant 0 : index
    %get3A_29 = vector.load %arg7[%get3A_27, %get3A_28] : memref<128x128xf32, #tpu.memory_space<vmem>>, vector<128x128xf32>
    %dot_general3A_30 = arith.constant dense<0.000000e+00> : vector<1024x128xf32>
    %dot_general3A_31 = tpu.matmul %get3A_1, %get3A_29, %dot_general3A_30 {dimension_numbers = #tpu.dot_dimension_numbers<[1], [0], [0], [1], [0, 0, 1, 1], [], []>, transpose_lhs_hint = false} : vector<1024x128xf32>, vector<128x128xf32>, vector<1024x128xf32> -> vector<1024x128xf32>
    %get3A_32 = arith.constant 0 : index
    %get3A_33 = arith.constant 0 : index
    %get3A_34 = vector.load %arg8[%get3A_32, %get3A_33] : memref<128x128xf32, #tpu.memory_space<vmem>>, vector<128x128xf32>
    %dot_general3A_35 = arith.constant dense<0.000000e+00> : vector<1024x128xf32>
    %dot_general3A_36 = tpu.matmul %get3A_4, %get3A_34, %dot_general3A_35 {dimension_numbers = #tpu.dot_dimension_numbers<[1], [0], [0], [1], [0, 0, 1, 1], [], []>, transpose_lhs_hint = false} : vector<1024x128xf32>, vector<128x128xf32>, vector<1024x128xf32> -> vector<1024x128xf32>
    %add3A_37 = arith.addf %dot_general3A_31, %dot_general3A_36 : vector<1024x128xf32>
    %get3A_38 = arith.constant 0 : index
    %get3A_39 = arith.constant 0 : index
    %get3A_40 = vector.load %arg9[%get3A_38, %get3A_39] : memref<1x128xf32, #tpu.memory_space<vmem>>, vector<1x128xf32>
    %add3A_41 = vector.broadcast %get3A_40 : vector<1x128xf32> to vector<1024x128xf32>
    %add3A_42 = arith.addf %add3A_37, %add3A_41 : vector<1024x128xf32>
    %max3A_43 = arith.constant 0.000000e+00 : f32
    %max3A_44 = vector.broadcast %max3A_43 : f32 to vector<1024x128xf32>
    %max3A_45 = arith.maximumf %add3A_42, %max3A_44 : vector<1024x128xf32>
    %get3A_46 = arith.constant 0 : index
    %get3A_47 = arith.constant 0 : index
    %get3A_48 = vector.load %arg10[%get3A_46, %get3A_47] : memref<128x128xf32, #tpu.memory_space<vmem>>, vector<128x128xf32>
    %dot_general3A_49 = arith.constant dense<0.000000e+00> : vector<1024x128xf32>
    %dot_general3A_50 = tpu.matmul %max3A_45, %get3A_48, %dot_general3A_49 {dimension_numbers = #tpu.dot_dimension_numbers<[1], [0], [0], [1], [0, 0, 1, 1], [], []>, transpose_lhs_hint = false} : vector<1024x128xf32>, vector<128x128xf32>, vector<1024x128xf32> -> vector<1024x128xf32>
    %get3A_51 = arith.constant 0 : index
    %get3A_52 = arith.constant 0 : index
    %get3A_53 = vector.load %arg11[%get3A_51, %get3A_52] : memref<1x128xf32, #tpu.memory_space<vmem>>, vector<1x128xf32>
    %add3A_54 = vector.broadcast %get3A_53 : vector<1x128xf32> to vector<1024x128xf32>
    %add3A_55 = arith.addf %dot_general3A_50, %add3A_54 : vector<1024x128xf32>
    %swap3A_56 = arith.constant 0 : index
    %swap3A_57 = arith.constant 0 : index
    %swap3A_58 = vector.load %arg13[%swap3A_56, %swap3A_57] : memref<1024x128xf32, #tpu.memory_space<vmem>>, vector<1024x128xf32>
    tpu.vector_store %arg13[%swap3A_56, %swap3A_57], %add3A_55 {strides = array<i32>} : memref<1024x128xf32, #tpu.memory_space<vmem>>, vector<1024x128xf32>,
    return
  }
  func.func @transform_0(%arg0: i32) -> (i32, i32) {
    %c0_i32 = arith.constant 0 : i32
    %c0_i32_0 = arith.constant 0 : i32
    return %arg0, %c0_i32 : i32, i32
  }
  func.func @transform_1(%arg0: i32) -> (i32, i32) {
    %c0_i32 = arith.constant 0 : i32
    %c0_i32_0 = arith.constant 0 : i32
    return %arg0, %c0_i32 : i32, i32
  }
  func.func @transform_2(%arg0: i32) -> (i32, i32) {
    %c0_i32 = arith.constant 0 : i32
    %c0_i32_0 = arith.constant 0 : i32
    %c0_i32_1 = arith.constant 0 : i32
    return %c0_i32, %c0_i32_0 : i32, i32
  }
  func.func @transform_3(%arg0: i32) -> (i32, i32) {
    %c0_i32 = arith.constant 0 : i32
    %c0_i32_0 = arith.constant 0 : i32
    %c0_i32_1 = arith.constant 0 : i32
    return %c0_i32, %c0_i32_0 : i32, i32
  }
  func.func @transform_4(%arg0: i32) -> (i32, i32) {
    %c0_i32 = arith.constant 0 : i32
    %c0_i32_0 = arith.constant 0 : i32
    %c0_i32_1 = arith.constant 0 : i32
    return %c0_i32, %c0_i32_0 : i32, i32
  }
  func.func @transform_5(%arg0: i32) -> (i32, i32) {
    %c0_i32 = arith.constant 0 : i32
    %c0_i32_0 = arith.constant 0 : i32
    %c0_i32_1 = arith.constant 0 : i32
    return %c0_i32, %c0_i32_0 : i32, i32
  }
  func.func @transform_6(%arg0: i32) -> (i32, i32) {
    %c0_i32 = arith.constant 0 : i32
    %c0_i32_0 = arith.constant 0 : i32
    %c0_i32_1 = arith.constant 0 : i32
    return %c0_i32, %c0_i32_0 : i32, i32
  }
  func.func @transform_7(%arg0: i32) -> (i32, i32) {
    %c0_i32 = arith.constant 0 : i32
    %c0_i32_0 = arith.constant 0 : i32
    %c0_i32_1 = arith.constant 0 : i32
    return %c0_i32, %c0_i32_0 : i32, i32
  }
  func.func @transform_8(%arg0: i32) -> (i32, i32) {
    %c0_i32 = arith.constant 0 : i32
    %c0_i32_0 = arith.constant 0 : i32
    %c0_i32_1 = arith.constant 0 : i32
    return %c0_i32, %c0_i32_0 : i32, i32
  }
  func.func @transform_9(%arg0: i32) -> (i32, i32) {
    %c0_i32 = arith.constant 0 : i32
    %c0_i32_0 = arith.constant 0 : i32
    %c0_i32_1 = arith.constant 0 : i32
    return %c0_i32, %c0_i32_0 : i32, i32
  }
  func.func @transform_10(%arg0: i32) -> (i32, i32) {
    %c0_i32 = arith.constant 0 : i32
    %c0_i32_0 = arith.constant 0 : i32
    %c0_i32_1 = arith.constant 0 : i32
    return %c0_i32, %c0_i32_0 : i32, i32
  }
  func.func @transform_11(%arg0: i32) -> (i32, i32) {
    %c0_i32 = arith.constant 0 : i32
    %c0_i32_0 = arith.constant 0 : i32
    return %arg0, %c0_i32 : i32, i32
  }
  func.func @transform_12(%arg0: i32) -> (i32, i32) {
    %c0_i32 = arith.constant 0 : i32
    %c0_i32_0 = arith.constant 0 : i32
    return %arg0, %c0_i32 : i32, i32
  }
}

module attributes {stable_mosaic.version = 14 : i64} {
  func.func @_gru_body(%arg0: i32, %arg1: memref<2x1024x128xf32, #tpu.memory_space<vmem>>, %arg2: memref<2x1024x128xf32, #tpu.memory_space<vmem>>, %arg3: memref<1024x128xf32, #tpu.memory_space<vmem>>, %arg4: memref<1024x128xf32, #tpu.memory_space<vmem>>, %arg5: memref<1024x128xf32, #tpu.memory_space<vmem>>, %arg6: memref<128x384xf32, #tpu.memory_space<vmem>>, %arg7: memref<128x384xf32, #tpu.memory_space<vmem>>, %arg8: memref<1x384xf32, #tpu.memory_space<vmem>>, %arg9: memref<1x384xf32, #tpu.memory_space<vmem>>, %arg10: memref<128x384xf32, #tpu.memory_space<vmem>>, %arg11: memref<128x384xf32, #tpu.memory_space<vmem>>, %arg12: memref<1x384xf32, #tpu.memory_space<vmem>>, %arg13: memref<1x384xf32, #tpu.memory_space<vmem>>, %arg14: memref<1024x128xf32, #tpu.memory_space<vmem>>, %arg15: memref<1024x128xf32, #tpu.memory_space<vmem>>) attributes {dimension_semantics = [#tpu.dimension_semantics<arbitrary>], iteration_bounds = array<i64: 10>, scalar_prefetch = 0 : i64, scratch_operands = 0 : i64, tpu.core_type = #tpu.core_type<tc>, window_params = [{transform_indices = @transform_0, window_bounds = array<i64: 2, 1024, 128>}, {transform_indices = @transform_1, window_bounds = array<i64: 2, 1024, 128>}, {transform_indices = @transform_2, window_bounds = array<i64: 1024, 128>}, {transform_indices = @transform_3, window_bounds = array<i64: 1024, 128>}, {transform_indices = @transform_4, window_bounds = array<i64: 1024, 128>}, {pipeline_mode = #tpu.pipeline_mode<synchronous>, transform_indices = @transform_5, window_bounds = array<i64: 128, 384>}, {pipeline_mode = #tpu.pipeline_mode<synchronous>, transform_indices = @transform_6, window_bounds = array<i64: 128, 384>}, {pipeline_mode = #tpu.pipeline_mode<synchronous>, transform_indices = @transform_7, window_bounds = array<i64: 1, 384>}, {pipeline_mode = #tpu.pipeline_mode<synchronous>, transform_indices = @transform_8, window_bounds = array<i64: 1, 384>}, {pipeline_mode = #tpu.pipeline_mode<synchronous>, transform_indices = @transform_9, window_bounds = array<i64: 128, 384>}, {pipeline_mode = #tpu.pipeline_mode<synchronous>, transform_indices = @transform_10, window_bounds = array<i64: 128, 384>}, {pipeline_mode = #tpu.pipeline_mode<synchronous>, transform_indices = @transform_11, window_bounds = array<i64: 1, 384>}, {pipeline_mode = #tpu.pipeline_mode<synchronous>, transform_indices = @transform_12, window_bounds = array<i64: 1, 384>}, {transform_indices = @transform_13, window_bounds = array<i64: 1024, 128>}, {transform_indices = @transform_14, window_bounds = array<i64: 1024, 128>}]} {
    %get3A = arith.constant 0 : index
    %get3A_0 = arith.constant 0 : index
    %get3A_1 = arith.constant 0 : index
    %get3A_2 = vector.load %arg1[%get3A, %get3A_0, %get3A_1] : memref<2x1024x128xf32, #tpu.memory_space<vmem>>, vector<1x1024x128xf32>
    %get3A_3 = vector.shape_cast %get3A_2 : vector<1x1024x128xf32> to vector<1024x128xf32>
    %get3A_4 = arith.constant 1 : index
    %get3A_5 = arith.constant 0 : index
    %get3A_6 = arith.constant 0 : index
    %get3A_7 = vector.load %arg1[%get3A_4, %get3A_5, %get3A_6] : memref<2x1024x128xf32, #tpu.memory_space<vmem>>, vector<1x1024x128xf32>
    %get3A_8 = vector.shape_cast %get3A_7 : vector<1x1024x128xf32> to vector<1024x128xf32>
    %add3A = arith.addf %get3A_3, %get3A_8 : vector<1024x128xf32>
    %get3A_9 = arith.constant 0 : index
    %get3A_10 = arith.constant 0 : index
    %get3A_11 = arith.constant 0 : index
    %get3A_12 = vector.load %arg2[%get3A_9, %get3A_10, %get3A_11] : memref<2x1024x128xf32, #tpu.memory_space<vmem>>, vector<1x1024x128xf32>
    %get3A_13 = vector.shape_cast %get3A_12 : vector<1x1024x128xf32> to vector<1024x128xf32>
    %get3A_14 = arith.constant 1 : index
    %get3A_15 = arith.constant 0 : index
    %get3A_16 = arith.constant 0 : index
    %get3A_17 = vector.load %arg2[%get3A_14, %get3A_15, %get3A_16] : memref<2x1024x128xf32, #tpu.memory_space<vmem>>, vector<1x1024x128xf32>
    %get3A_18 = vector.shape_cast %get3A_17 : vector<1x1024x128xf32> to vector<1024x128xf32>
    %add3A_19 = arith.addf %get3A_13, %get3A_18 : vector<1024x128xf32>
    %get3A_20 = arith.constant 0 : index
    %get3A_21 = arith.constant 0 : index
    %get3A_22 = vector.load %arg3[%get3A_20, %get3A_21] : memref<1024x128xf32, #tpu.memory_space<vmem>>, vector<1024x128xf32>
    %get3A_23 = arith.constant 0 : index
    %get3A_24 = arith.constant 0 : index
    %get3A_25 = vector.load %arg4[%get3A_23, %get3A_24] : memref<1024x128xf32, #tpu.memory_space<vmem>>, vector<1024x128xf32>
    %get3A_26 = arith.constant 0 : index
    %get3A_27 = arith.constant 0 : index
    %get3A_28 = vector.load %arg5[%get3A_26, %get3A_27] : memref<1024x128xf32, #tpu.memory_space<vmem>>, vector<1024x128xf32>
    %get3A_29 = arith.constant 0 : index
    %get3A_30 = arith.constant 0 : index
    %get3A_31 = vector.load %arg6[%get3A_29, %get3A_30] : memref<128x384xf32, #tpu.memory_space<vmem>>, vector<128x384xf32>
    %dot_general3A = arith.constant dense<0.000000e+00> : vector<1024x384xf32>
    %dot_general3A_32 = tpu.matmul %add3A, %get3A_31, %dot_general3A {dimension_numbers = #tpu.dot_dimension_numbers<[1], [0], [0], [1], [0, 0, 1, 1], [], []>, transpose_lhs_hint = false} : vector<1024x128xf32>, vector<128x384xf32>, vector<1024x384xf32> -> vector<1024x384xf32>
    %get3A_33 = arith.constant 0 : index
    %get3A_34 = arith.constant 0 : index
    %get3A_35 = vector.load %arg8[%get3A_33, %get3A_34] : memref<1x384xf32, #tpu.memory_space<vmem>>, vector<1x384xf32>
    %add3A_36 = vector.broadcast %get3A_35 : vector<1x384xf32> to vector<1024x384xf32>
    %add3A_37 = arith.addf %dot_general3A_32, %add3A_36 : vector<1024x384xf32>
    %get3A_38 = arith.constant 0 : index
    %get3A_39 = arith.constant 0 : index
    %get3A_40 = vector.load %arg7[%get3A_38, %get3A_39] : memref<128x384xf32, #tpu.memory_space<vmem>>, vector<128x384xf32>
    %dot_general3A_41 = arith.constant dense<0.000000e+00> : vector<1024x384xf32>
    %dot_general3A_42 = tpu.matmul %get3A_22, %get3A_40, %dot_general3A_41 {dimension_numbers = #tpu.dot_dimension_numbers<[1], [0], [0], [1], [0, 0, 1, 1], [], []>, transpose_lhs_hint = false} : vector<1024x128xf32>, vector<128x384xf32>, vector<1024x384xf32> -> vector<1024x384xf32>
    %get3A_43 = arith.constant 0 : index
    %get3A_44 = arith.constant 0 : index
    %get3A_45 = vector.load %arg9[%get3A_43, %get3A_44] : memref<1x384xf32, #tpu.memory_space<vmem>>, vector<1x384xf32>
    %add3A_46 = vector.broadcast %get3A_45 : vector<1x384xf32> to vector<1024x384xf32>
    %add3A_47 = arith.addf %dot_general3A_42, %add3A_46 : vector<1024x384xf32>
    %slice3A = vector.extract_strided_slice %add3A_37 {offsets = [0, 0], sizes = [1024, 128], strides = [1, 1]} : vector<1024x384xf32> to vector<1024x128xf32>
    %slice3A_48 = vector.extract_strided_slice %add3A_37 {offsets = [0, 128], sizes = [1024, 128], strides = [1, 1]} : vector<1024x384xf32> to vector<1024x128xf32>
    %slice3A_49 = vector.extract_strided_slice %add3A_37 {offsets = [0, 256], sizes = [1024, 128], strides = [1, 1]} : vector<1024x384xf32> to vector<1024x128xf32>
    %slice3A_50 = vector.extract_strided_slice %add3A_47 {offsets = [0, 0], sizes = [1024, 128], strides = [1, 1]} : vector<1024x384xf32> to vector<1024x128xf32>
    %slice3A_51 = vector.extract_strided_slice %add3A_47 {offsets = [0, 128], sizes = [1024, 128], strides = [1, 1]} : vector<1024x384xf32> to vector<1024x128xf32>
    %slice3A_52 = vector.extract_strided_slice %add3A_47 {offsets = [0, 256], sizes = [1024, 128], strides = [1, 1]} : vector<1024x384xf32> to vector<1024x128xf32>
    %add3A_53 = arith.addf %slice3A, %slice3A_50 : vector<1024x128xf32>
    %logistic3A = arith.negf %add3A_53 : vector<1024x128xf32>
    %logistic3A_54 = math.exp %logistic3A : vector<1024x128xf32>
    %logistic3A_55 = arith.constant 1.000000e+00 : f32
    %logistic3A_56 = vector.broadcast %logistic3A_55 : f32 to vector<1024x128xf32>
    %logistic3A_57 = arith.addf %logistic3A_56, %logistic3A_54 : vector<1024x128xf32>
    %logistic3A_58 = arith.divf %logistic3A_56, %logistic3A_57 : vector<1024x128xf32>
    %add3A_59 = arith.addf %slice3A_48, %slice3A_51 : vector<1024x128xf32>
    %logistic3A_60 = arith.negf %add3A_59 : vector<1024x128xf32>
    %logistic3A_61 = math.exp %logistic3A_60 : vector<1024x128xf32>
    %logistic3A_62 = arith.constant 1.000000e+00 : f32
    %logistic3A_63 = vector.broadcast %logistic3A_62 : f32 to vector<1024x128xf32>
    %logistic3A_64 = arith.addf %logistic3A_63, %logistic3A_61 : vector<1024x128xf32>
    %logistic3A_65 = arith.divf %logistic3A_63, %logistic3A_64 : vector<1024x128xf32>
    %mul3A = arith.mulf %logistic3A_58, %slice3A_52 : vector<1024x128xf32>
    %add3A_66 = arith.addf %slice3A_49, %mul3A : vector<1024x128xf32>
    %tanh3A = math.tanh %add3A_66 : vector<1024x128xf32>
    %sub3A = arith.constant 1.000000e+00 : f32
    %sub3A_67 = vector.broadcast %sub3A : f32 to vector<1024x128xf32>
    %sub3A_68 = arith.subf %sub3A_67, %logistic3A_65 : vector<1024x128xf32>
    %mul3A_69 = arith.mulf %sub3A_68, %tanh3A : vector<1024x128xf32>
    %mul3A_70 = arith.mulf %logistic3A_65, %get3A_22 : vector<1024x128xf32>
    %add3A_71 = arith.addf %mul3A_69, %mul3A_70 : vector<1024x128xf32>
    %get3A_72 = arith.constant 0 : index
    %get3A_73 = arith.constant 0 : index
    %get3A_74 = vector.load %arg10[%get3A_72, %get3A_73] : memref<128x384xf32, #tpu.memory_space<vmem>>, vector<128x384xf32>
    %dot_general3A_75 = arith.constant dense<0.000000e+00> : vector<1024x384xf32>
    %dot_general3A_76 = tpu.matmul %add3A_19, %get3A_74, %dot_general3A_75 {dimension_numbers = #tpu.dot_dimension_numbers<[1], [0], [0], [1], [0, 0, 1, 1], [], []>, transpose_lhs_hint = false} : vector<1024x128xf32>, vector<128x384xf32>, vector<1024x384xf32> -> vector<1024x384xf32>
    %get3A_77 = arith.constant 0 : index
    %get3A_78 = arith.constant 0 : index
    %get3A_79 = vector.load %arg12[%get3A_77, %get3A_78] : memref<1x384xf32, #tpu.memory_space<vmem>>, vector<1x384xf32>
    %add3A_80 = vector.broadcast %get3A_79 : vector<1x384xf32> to vector<1024x384xf32>
    %add3A_81 = arith.addf %dot_general3A_76, %add3A_80 : vector<1024x384xf32>
    %get3A_82 = arith.constant 0 : index
    %get3A_83 = arith.constant 0 : index
    %get3A_84 = vector.load %arg11[%get3A_82, %get3A_83] : memref<128x384xf32, #tpu.memory_space<vmem>>, vector<128x384xf32>
    %dot_general3A_85 = arith.constant dense<0.000000e+00> : vector<1024x384xf32>
    %dot_general3A_86 = tpu.matmul %get3A_25, %get3A_84, %dot_general3A_85 {dimension_numbers = #tpu.dot_dimension_numbers<[1], [0], [0], [1], [0, 0, 1, 1], [], []>, transpose_lhs_hint = false} : vector<1024x128xf32>, vector<128x384xf32>, vector<1024x384xf32> -> vector<1024x384xf32>
    %get3A_87 = arith.constant 0 : index
    %get3A_88 = arith.constant 0 : index
    %get3A_89 = vector.load %arg13[%get3A_87, %get3A_88] : memref<1x384xf32, #tpu.memory_space<vmem>>, vector<1x384xf32>
    %add3A_90 = vector.broadcast %get3A_89 : vector<1x384xf32> to vector<1024x384xf32>
    %add3A_91 = arith.addf %dot_general3A_86, %add3A_90 : vector<1024x384xf32>
    %slice3A_92 = vector.extract_strided_slice %add3A_81 {offsets = [0, 0], sizes = [1024, 128], strides = [1, 1]} : vector<1024x384xf32> to vector<1024x128xf32>
    %slice3A_93 = vector.extract_strided_slice %add3A_81 {offsets = [0, 128], sizes = [1024, 128], strides = [1, 1]} : vector<1024x384xf32> to vector<1024x128xf32>
    %slice3A_94 = vector.extract_strided_slice %add3A_81 {offsets = [0, 256], sizes = [1024, 128], strides = [1, 1]} : vector<1024x384xf32> to vector<1024x128xf32>
    %slice3A_95 = vector.extract_strided_slice %add3A_91 {offsets = [0, 0], sizes = [1024, 128], strides = [1, 1]} : vector<1024x384xf32> to vector<1024x128xf32>
    %slice3A_96 = vector.extract_strided_slice %add3A_91 {offsets = [0, 128], sizes = [1024, 128], strides = [1, 1]} : vector<1024x384xf32> to vector<1024x128xf32>
    %slice3A_97 = vector.extract_strided_slice %add3A_91 {offsets = [0, 256], sizes = [1024, 128], strides = [1, 1]} : vector<1024x384xf32> to vector<1024x128xf32>
    %add3A_98 = arith.addf %slice3A_92, %slice3A_95 : vector<1024x128xf32>
    %logistic3A_99 = arith.negf %add3A_98 : vector<1024x128xf32>
    %logistic3A_100 = math.exp %logistic3A_99 : vector<1024x128xf32>
    %logistic3A_101 = arith.constant 1.000000e+00 : f32
    %logistic3A_102 = vector.broadcast %logistic3A_101 : f32 to vector<1024x128xf32>
    %logistic3A_103 = arith.addf %logistic3A_102, %logistic3A_100 : vector<1024x128xf32>
    %logistic3A_104 = arith.divf %logistic3A_102, %logistic3A_103 : vector<1024x128xf32>
    %add3A_105 = arith.addf %slice3A_93, %slice3A_96 : vector<1024x128xf32>
    %logistic3A_106 = arith.negf %add3A_105 : vector<1024x128xf32>
    %logistic3A_107 = math.exp %logistic3A_106 : vector<1024x128xf32>
    %logistic3A_108 = arith.constant 1.000000e+00 : f32
    %logistic3A_109 = vector.broadcast %logistic3A_108 : f32 to vector<1024x128xf32>
    %logistic3A_110 = arith.addf %logistic3A_109, %logistic3A_107 : vector<1024x128xf32>
    %logistic3A_111 = arith.divf %logistic3A_109, %logistic3A_110 : vector<1024x128xf32>
    %mul3A_112 = arith.mulf %logistic3A_104, %slice3A_97 : vector<1024x128xf32>
    %add3A_113 = arith.addf %slice3A_94, %mul3A_112 : vector<1024x128xf32>
    %tanh3A_114 = math.tanh %add3A_113 : vector<1024x128xf32>
    %sub3A_115 = arith.constant 1.000000e+00 : f32
    %sub3A_116 = vector.broadcast %sub3A_115 : f32 to vector<1024x128xf32>
    %sub3A_117 = arith.subf %sub3A_116, %logistic3A_111 : vector<1024x128xf32>
    %mul3A_118 = arith.mulf %sub3A_117, %tanh3A_114 : vector<1024x128xf32>
    %mul3A_119 = arith.mulf %logistic3A_111, %get3A_25 : vector<1024x128xf32>
    %add3A_120 = arith.addf %mul3A_118, %mul3A_119 : vector<1024x128xf32>
    %mul3A_121 = arith.mulf %get3A_28, %add3A_71 : vector<1024x128xf32>
    %sub3A_122 = arith.constant 1.000000e+00 : f32
    %sub3A_123 = vector.broadcast %sub3A_122 : f32 to vector<1024x128xf32>
    %sub3A_124 = arith.subf %sub3A_123, %get3A_28 : vector<1024x128xf32>
    %mul3A_125 = arith.mulf %sub3A_124, %get3A_22 : vector<1024x128xf32>
    %add3A_126 = arith.addf %mul3A_121, %mul3A_125 : vector<1024x128xf32>
    %swap3A = arith.constant 0 : index
    %swap3A_127 = arith.constant 0 : index
    %swap3A_128 = vector.load %arg14[%swap3A, %swap3A_127] : memref<1024x128xf32, #tpu.memory_space<vmem>>, vector<1024x128xf32>
    tpu.vector_store %arg14[%swap3A, %swap3A_127], %add3A_126 {strides = array<i32>} : memref<1024x128xf32, #tpu.memory_space<vmem>>, vector<1024x128xf32>,
    %mul3A_129 = arith.mulf %get3A_28, %add3A_120 : vector<1024x128xf32>
    %sub3A_130 = arith.constant 1.000000e+00 : f32
    %sub3A_131 = vector.broadcast %sub3A_130 : f32 to vector<1024x128xf32>
    %sub3A_132 = arith.subf %sub3A_131, %get3A_28 : vector<1024x128xf32>
    %mul3A_133 = arith.mulf %sub3A_132, %get3A_25 : vector<1024x128xf32>
    %add3A_134 = arith.addf %mul3A_129, %mul3A_133 : vector<1024x128xf32>
    %swap3A_135 = arith.constant 0 : index
    %swap3A_136 = arith.constant 0 : index
    %swap3A_137 = vector.load %arg15[%swap3A_135, %swap3A_136] : memref<1024x128xf32, #tpu.memory_space<vmem>>, vector<1024x128xf32>
    tpu.vector_store %arg15[%swap3A_135, %swap3A_136], %add3A_134 {strides = array<i32>} : memref<1024x128xf32, #tpu.memory_space<vmem>>, vector<1024x128xf32>,
    return
  }
  func.func @transform_0(%arg0: i32) -> (i32, i32, i32) {
    %c0_i32 = arith.constant 0 : i32
    %c0_i32_0 = arith.constant 0 : i32
    %c0_i32_1 = arith.constant 0 : i32
    return %c0_i32, %arg0, %c0_i32_0 : i32, i32, i32
  }
  func.func @transform_1(%arg0: i32) -> (i32, i32, i32) {
    %c0_i32 = arith.constant 0 : i32
    %c0_i32_0 = arith.constant 0 : i32
    %c0_i32_1 = arith.constant 0 : i32
    return %c0_i32, %arg0, %c0_i32_0 : i32, i32, i32
  }
  func.func @transform_2(%arg0: i32) -> (i32, i32) {
    %c0_i32 = arith.constant 0 : i32
    %c0_i32_0 = arith.constant 0 : i32
    return %arg0, %c0_i32 : i32, i32
  }
  func.func @transform_3(%arg0: i32) -> (i32, i32) {
    %c0_i32 = arith.constant 0 : i32
    %c0_i32_0 = arith.constant 0 : i32
    return %arg0, %c0_i32 : i32, i32
  }
  func.func @transform_4(%arg0: i32) -> (i32, i32) {
    %c0_i32 = arith.constant 0 : i32
    %c0_i32_0 = arith.constant 0 : i32
    return %arg0, %c0_i32 : i32, i32
  }
  func.func @transform_5(%arg0: i32) -> (i32, i32) {
    %c0_i32 = arith.constant 0 : i32
    %c0_i32_0 = arith.constant 0 : i32
    %c0_i32_1 = arith.constant 0 : i32
    return %c0_i32, %c0_i32_0 : i32, i32
  }
  func.func @transform_6(%arg0: i32) -> (i32, i32) {
    %c0_i32 = arith.constant 0 : i32
    %c0_i32_0 = arith.constant 0 : i32
    %c0_i32_1 = arith.constant 0 : i32
    return %c0_i32, %c0_i32_0 : i32, i32
  }
  func.func @transform_7(%arg0: i32) -> (i32, i32) {
    %c0_i32 = arith.constant 0 : i32
    %c0_i32_0 = arith.constant 0 : i32
    %c0_i32_1 = arith.constant 0 : i32
    return %c0_i32, %c0_i32_0 : i32, i32
  }
  func.func @transform_8(%arg0: i32) -> (i32, i32) {
    %c0_i32 = arith.constant 0 : i32
    %c0_i32_0 = arith.constant 0 : i32
    %c0_i32_1 = arith.constant 0 : i32
    return %c0_i32, %c0_i32_0 : i32, i32
  }
  func.func @transform_9(%arg0: i32) -> (i32, i32) {
    %c0_i32 = arith.constant 0 : i32
    %c0_i32_0 = arith.constant 0 : i32
    %c0_i32_1 = arith.constant 0 : i32
    return %c0_i32, %c0_i32_0 : i32, i32
  }
  func.func @transform_10(%arg0: i32) -> (i32, i32) {
    %c0_i32 = arith.constant 0 : i32
    %c0_i32_0 = arith.constant 0 : i32
    %c0_i32_1 = arith.constant 0 : i32
    return %c0_i32, %c0_i32_0 : i32, i32
  }
  func.func @transform_11(%arg0: i32) -> (i32, i32) {
    %c0_i32 = arith.constant 0 : i32
    %c0_i32_0 = arith.constant 0 : i32
    %c0_i32_1 = arith.constant 0 : i32
    return %c0_i32, %c0_i32_0 : i32, i32
  }
  func.func @transform_12(%arg0: i32) -> (i32, i32) {
    %c0_i32 = arith.constant 0 : i32
    %c0_i32_0 = arith.constant 0 : i32
    %c0_i32_1 = arith.constant 0 : i32
    return %c0_i32, %c0_i32_0 : i32, i32
  }
  func.func @transform_13(%arg0: i32) -> (i32, i32) {
    %c0_i32 = arith.constant 0 : i32
    %c0_i32_0 = arith.constant 0 : i32
    return %arg0, %c0_i32 : i32, i32
  }
  func.func @transform_14(%arg0: i32) -> (i32, i32) {
    %c0_i32 = arith.constant 0 : i32
    %c0_i32_0 = arith.constant 0 : i32
    return %arg0, %c0_i32 : i32, i32
  }
}

module attributes {stable_mosaic.version = 14 : i64} {
  func.func @_tab_body(%arg0: i32, %arg1: memref<1024x128xf32, #tpu.memory_space<vmem>>, %arg2: memref<1024x128xf32, #tpu.memory_space<vmem>>, %arg3: memref<128x128xf32, #tpu.memory_space<vmem>>, %arg4: memref<1x128xf32, #tpu.memory_space<vmem>>, %arg5: memref<128x128xf32, #tpu.memory_space<vmem>>, %arg6: memref<1x128xf32, #tpu.memory_space<vmem>>, %arg7: memref<128x128xf32, #tpu.memory_space<vmem>>, %arg8: memref<128x128xf32, #tpu.memory_space<vmem>>, %arg9: memref<1x128xf32, #tpu.memory_space<vmem>>, %arg10: memref<128x128xf32, #tpu.memory_space<vmem>>, %arg11: memref<1x128xf32, #tpu.memory_space<vmem>>, %arg12: memref<1024x128xf32, #tpu.memory_space<vmem>>, %arg13: memref<1024x128xf32, #tpu.memory_space<vmem>>) attributes {dimension_semantics = [#tpu.dimension_semantics<arbitrary>], iteration_bounds = array<i64: 10>, scalar_prefetch = 0 : i64, scratch_operands = 0 : i64, tpu.core_type = #tpu.core_type<tc>, window_params = [{transform_indices = @transform_0, window_bounds = array<i64: 1024, 128>}, {transform_indices = @transform_1, window_bounds = array<i64: 1024, 128>}, {pipeline_mode = #tpu.pipeline_mode<synchronous>, transform_indices = @transform_2, window_bounds = array<i64: 128, 128>}, {pipeline_mode = #tpu.pipeline_mode<synchronous>, transform_indices = @transform_3, window_bounds = array<i64: 1, 128>}, {pipeline_mode = #tpu.pipeline_mode<synchronous>, transform_indices = @transform_4, window_bounds = array<i64: 128, 128>}, {pipeline_mode = #tpu.pipeline_mode<synchronous>, transform_indices = @transform_5, window_bounds = array<i64: 1, 128>}, {pipeline_mode = #tpu.pipeline_mode<synchronous>, transform_indices = @transform_6, window_bounds = array<i64: 128, 128>}, {pipeline_mode = #tpu.pipeline_mode<synchronous>, transform_indices = @transform_7, window_bounds = array<i64: 128, 128>}, {pipeline_mode = #tpu.pipeline_mode<synchronous>, transform_indices = @transform_8, window_bounds = array<i64: 1, 128>}, {pipeline_mode = #tpu.pipeline_mode<synchronous>, transform_indices = @transform_9, window_bounds = array<i64: 128, 128>}, {pipeline_mode = #tpu.pipeline_mode<synchronous>, transform_indices = @transform_10, window_bounds = array<i64: 1, 128>}, {transform_indices = @transform_11, window_bounds = array<i64: 1024, 128>}, {transform_indices = @transform_12, window_bounds = array<i64: 1024, 128>}]} {
    %get3A = arith.constant 0 : index
    %get3A_0 = arith.constant 0 : index
    %get3A_1 = vector.load %arg1[%get3A, %get3A_0] : memref<1024x128xf32, #tpu.memory_space<vmem>>, vector<1024x128xf32>
    %get3A_2 = arith.constant 0 : index
    %get3A_3 = arith.constant 0 : index
    %get3A_4 = vector.load %arg2[%get3A_2, %get3A_3] : memref<1024x128xf32, #tpu.memory_space<vmem>>, vector<1024x128xf32>
    %get3A_5 = arith.constant 0 : index
    %get3A_6 = arith.constant 0 : index
    %get3A_7 = vector.load %arg3[%get3A_5, %get3A_6] : memref<128x128xf32, #tpu.memory_space<vmem>>, vector<128x128xf32>
    %dot_general3A = arith.constant dense<0.000000e+00> : vector<1024x128xf32>
    %dot_general3A_8 = tpu.matmul %get3A_1, %get3A_7, %dot_general3A {dimension_numbers = #tpu.dot_dimension_numbers<[1], [0], [0], [1], [0, 0, 1, 1], [], []>, transpose_lhs_hint = false} : vector<1024x128xf32>, vector<128x128xf32>, vector<1024x128xf32> -> vector<1024x128xf32>
    %get3A_9 = arith.constant 0 : index
    %get3A_10 = arith.constant 0 : index
    %get3A_11 = vector.load %arg4[%get3A_9, %get3A_10] : memref<1x128xf32, #tpu.memory_space<vmem>>, vector<1x128xf32>
    %add3A = vector.broadcast %get3A_11 : vector<1x128xf32> to vector<1024x128xf32>
    %add3A_12 = arith.addf %dot_general3A_8, %add3A : vector<1024x128xf32>
    %max3A = arith.constant 0.000000e+00 : f32
    %max3A_13 = vector.broadcast %max3A : f32 to vector<1024x128xf32>
    %max3A_14 = arith.maximumf %add3A_12, %max3A_13 : vector<1024x128xf32>
    %get3A_15 = arith.constant 0 : index
    %get3A_16 = arith.constant 0 : index
    %get3A_17 = vector.load %arg5[%get3A_15, %get3A_16] : memref<128x128xf32, #tpu.memory_space<vmem>>, vector<128x128xf32>
    %dot_general3A_18 = arith.constant dense<0.000000e+00> : vector<1024x128xf32>
    %dot_general3A_19 = tpu.matmul %max3A_14, %get3A_17, %dot_general3A_18 {dimension_numbers = #tpu.dot_dimension_numbers<[1], [0], [0], [1], [0, 0, 1, 1], [], []>, transpose_lhs_hint = false} : vector<1024x128xf32>, vector<128x128xf32>, vector<1024x128xf32> -> vector<1024x128xf32>
    %get3A_20 = arith.constant 0 : index
    %get3A_21 = arith.constant 0 : index
    %get3A_22 = vector.load %arg6[%get3A_20, %get3A_21] : memref<1x128xf32, #tpu.memory_space<vmem>>, vector<1x128xf32>
    %add3A_23 = vector.broadcast %get3A_22 : vector<1x128xf32> to vector<1024x128xf32>
    %add3A_24 = arith.addf %dot_general3A_19, %add3A_23 : vector<1024x128xf32>
    %swap3A = arith.constant 0 : index
    %swap3A_25 = arith.constant 0 : index
    %swap3A_26 = vector.load %arg12[%swap3A, %swap3A_25] : memref<1024x128xf32, #tpu.memory_space<vmem>>, vector<1024x128xf32>
    tpu.vector_store %arg12[%swap3A, %swap3A_25], %add3A_24 {strides = array<i32>} : memref<1024x128xf32, #tpu.memory_space<vmem>>, vector<1024x128xf32>,
    %get3A_27 = arith.constant 0 : index
    %get3A_28 = arith.constant 0 : index
    %get3A_29 = vector.load %arg7[%get3A_27, %get3A_28] : memref<128x128xf32, #tpu.memory_space<vmem>>, vector<128x128xf32>
    %dot_general3A_30 = arith.constant dense<0.000000e+00> : vector<1024x128xf32>
    %dot_general3A_31 = tpu.matmul %get3A_1, %get3A_29, %dot_general3A_30 {dimension_numbers = #tpu.dot_dimension_numbers<[1], [0], [0], [1], [0, 0, 1, 1], [], []>, transpose_lhs_hint = false} : vector<1024x128xf32>, vector<128x128xf32>, vector<1024x128xf32> -> vector<1024x128xf32>
    %get3A_32 = arith.constant 0 : index
    %get3A_33 = arith.constant 0 : index
    %get3A_34 = vector.load %arg8[%get3A_32, %get3A_33] : memref<128x128xf32, #tpu.memory_space<vmem>>, vector<128x128xf32>
    %dot_general3A_35 = arith.constant dense<0.000000e+00> : vector<1024x128xf32>
    %dot_general3A_36 = tpu.matmul %get3A_4, %get3A_34, %dot_general3A_35 {dimension_numbers = #tpu.dot_dimension_numbers<[1], [0], [0], [1], [0, 0, 1, 1], [], []>, transpose_lhs_hint = false} : vector<1024x128xf32>, vector<128x128xf32>, vector<1024x128xf32> -> vector<1024x128xf32>
    %add3A_37 = arith.addf %dot_general3A_31, %dot_general3A_36 : vector<1024x128xf32>
    %get3A_38 = arith.constant 0 : index
    %get3A_39 = arith.constant 0 : index
    %get3A_40 = vector.load %arg9[%get3A_38, %get3A_39] : memref<1x128xf32, #tpu.memory_space<vmem>>, vector<1x128xf32>
    %add3A_41 = vector.broadcast %get3A_40 : vector<1x128xf32> to vector<1024x128xf32>
    %add3A_42 = arith.addf %add3A_37, %add3A_41 : vector<1024x128xf32>
    %max3A_43 = arith.constant 0.000000e+00 : f32
    %max3A_44 = vector.broadcast %max3A_43 : f32 to vector<1024x128xf32>
    %max3A_45 = arith.maximumf %add3A_42, %max3A_44 : vector<1024x128xf32>
    %get3A_46 = arith.constant 0 : index
    %get3A_47 = arith.constant 0 : index
    %get3A_48 = vector.load %arg10[%get3A_46, %get3A_47] : memref<128x128xf32, #tpu.memory_space<vmem>>, vector<128x128xf32>
    %dot_general3A_49 = arith.constant dense<0.000000e+00> : vector<1024x128xf32>
    %dot_general3A_50 = tpu.matmul %max3A_45, %get3A_48, %dot_general3A_49 {dimension_numbers = #tpu.dot_dimension_numbers<[1], [0], [0], [1], [0, 0, 1, 1], [], []>, transpose_lhs_hint = false} : vector<1024x128xf32>, vector<128x128xf32>, vector<1024x128xf32> -> vector<1024x128xf32>
    %get3A_51 = arith.constant 0 : index
    %get3A_52 = arith.constant 0 : index
    %get3A_53 = vector.load %arg11[%get3A_51, %get3A_52] : memref<1x128xf32, #tpu.memory_space<vmem>>, vector<1x128xf32>
    %add3A_54 = vector.broadcast %get3A_53 : vector<1x128xf32> to vector<1024x128xf32>
    %add3A_55 = arith.addf %dot_general3A_50, %add3A_54 : vector<1024x128xf32>
    %swap3A_56 = arith.constant 0 : index
    %swap3A_57 = arith.constant 0 : index
    %swap3A_58 = vector.load %arg13[%swap3A_56, %swap3A_57] : memref<1024x128xf32, #tpu.memory_space<vmem>>, vector<1024x128xf32>
    tpu.vector_store %arg13[%swap3A_56, %swap3A_57], %add3A_55 {strides = array<i32>} : memref<1024x128xf32, #tpu.memory_space<vmem>>, vector<1024x128xf32>,
    return
  }
  func.func @transform_0(%arg0: i32) -> (i32, i32) {
    %c0_i32 = arith.constant 0 : i32
    %c0_i32_0 = arith.constant 0 : i32
    return %arg0, %c0_i32 : i32, i32
  }
  func.func @transform_1(%arg0: i32) -> (i32, i32) {
    %c0_i32 = arith.constant 0 : i32
    %c0_i32_0 = arith.constant 0 : i32
    return %arg0, %c0_i32 : i32, i32
  }
  func.func @transform_2(%arg0: i32) -> (i32, i32) {
    %c0_i32 = arith.constant 0 : i32
    %c0_i32_0 = arith.constant 0 : i32
    %c0_i32_1 = arith.constant 0 : i32
    return %c0_i32, %c0_i32_0 : i32, i32
  }
  func.func @transform_3(%arg0: i32) -> (i32, i32) {
    %c0_i32 = arith.constant 0 : i32
    %c0_i32_0 = arith.constant 0 : i32
    %c0_i32_1 = arith.constant 0 : i32
    return %c0_i32, %c0_i32_0 : i32, i32
  }
  func.func @transform_4(%arg0: i32) -> (i32, i32) {
    %c0_i32 = arith.constant 0 : i32
    %c0_i32_0 = arith.constant 0 : i32
    %c0_i32_1 = arith.constant 0 : i32
    return %c0_i32, %c0_i32_0 : i32, i32
  }
  func.func @transform_5(%arg0: i32) -> (i32, i32) {
    %c0_i32 = arith.constant 0 : i32
    %c0_i32_0 = arith.constant 0 : i32
    %c0_i32_1 = arith.constant 0 : i32
    return %c0_i32, %c0_i32_0 : i32, i32
  }
  func.func @transform_6(%arg0: i32) -> (i32, i32) {
    %c0_i32 = arith.constant 0 : i32
    %c0_i32_0 = arith.constant 0 : i32
    %c0_i32_1 = arith.constant 0 : i32
    return %c0_i32, %c0_i32_0 : i32, i32
  }
  func.func @transform_7(%arg0: i32) -> (i32, i32) {
    %c0_i32 = arith.constant 0 : i32
    %c0_i32_0 = arith.constant 0 : i32
    %c0_i32_1 = arith.constant 0 : i32
    return %c0_i32, %c0_i32_0 : i32, i32
  }
  func.func @transform_8(%arg0: i32) -> (i32, i32) {
    %c0_i32 = arith.constant 0 : i32
    %c0_i32_0 = arith.constant 0 : i32
    %c0_i32_1 = arith.constant 0 : i32
    return %c0_i32, %c0_i32_0 : i32, i32
  }
  func.func @transform_9(%arg0: i32) -> (i32, i32) {
    %c0_i32 = arith.constant 0 : i32
    %c0_i32_0 = arith.constant 0 : i32
    %c0_i32_1 = arith.constant 0 : i32
    return %c0_i32, %c0_i32_0 : i32, i32
  }
  func.func @transform_10(%arg0: i32) -> (i32, i32) {
    %c0_i32 = arith.constant 0 : i32
    %c0_i32_0 = arith.constant 0 : i32
    %c0_i32_1 = arith.constant 0 : i32
    return %c0_i32, %c0_i32_0 : i32, i32
  }
  func.func @transform_11(%arg0: i32) -> (i32, i32) {
    %c0_i32 = arith.constant 0 : i32
    %c0_i32_0 = arith.constant 0 : i32
    return %arg0, %c0_i32 : i32, i32
  }
  func.func @transform_12(%arg0: i32) -> (i32, i32) {
    %c0_i32 = arith.constant 0 : i32
    %c0_i32_0 = arith.constant 0 : i32
    return %arg0, %c0_i32 : i32, i32
  }
}

module attributes {stable_mosaic.version = 14 : i64} {
  func.func @_gru_body(%arg0: i32, %arg1: memref<2x1024x128xf32, #tpu.memory_space<vmem>>, %arg2: memref<2x1024x128xf32, #tpu.memory_space<vmem>>, %arg3: memref<1024x128xf32, #tpu.memory_space<vmem>>, %arg4: memref<1024x128xf32, #tpu.memory_space<vmem>>, %arg5: memref<1024x128xf32, #tpu.memory_space<vmem>>, %arg6: memref<128x384xf32, #tpu.memory_space<vmem>>, %arg7: memref<128x384xf32, #tpu.memory_space<vmem>>, %arg8: memref<1x384xf32, #tpu.memory_space<vmem>>, %arg9: memref<1x384xf32, #tpu.memory_space<vmem>>, %arg10: memref<128x384xf32, #tpu.memory_space<vmem>>, %arg11: memref<128x384xf32, #tpu.memory_space<vmem>>, %arg12: memref<1x384xf32, #tpu.memory_space<vmem>>, %arg13: memref<1x384xf32, #tpu.memory_space<vmem>>, %arg14: memref<1024x128xf32, #tpu.memory_space<vmem>>, %arg15: memref<1024x128xf32, #tpu.memory_space<vmem>>) attributes {dimension_semantics = [#tpu.dimension_semantics<arbitrary>], iteration_bounds = array<i64: 10>, scalar_prefetch = 0 : i64, scratch_operands = 0 : i64, tpu.core_type = #tpu.core_type<tc>, window_params = [{transform_indices = @transform_0, window_bounds = array<i64: 2, 1024, 128>}, {transform_indices = @transform_1, window_bounds = array<i64: 2, 1024, 128>}, {transform_indices = @transform_2, window_bounds = array<i64: 1024, 128>}, {transform_indices = @transform_3, window_bounds = array<i64: 1024, 128>}, {transform_indices = @transform_4, window_bounds = array<i64: 1024, 128>}, {pipeline_mode = #tpu.pipeline_mode<synchronous>, transform_indices = @transform_5, window_bounds = array<i64: 128, 384>}, {pipeline_mode = #tpu.pipeline_mode<synchronous>, transform_indices = @transform_6, window_bounds = array<i64: 128, 384>}, {pipeline_mode = #tpu.pipeline_mode<synchronous>, transform_indices = @transform_7, window_bounds = array<i64: 1, 384>}, {pipeline_mode = #tpu.pipeline_mode<synchronous>, transform_indices = @transform_8, window_bounds = array<i64: 1, 384>}, {pipeline_mode = #tpu.pipeline_mode<synchronous>, transform_indices = @transform_9, window_bounds = array<i64: 128, 384>}, {pipeline_mode = #tpu.pipeline_mode<synchronous>, transform_indices = @transform_10, window_bounds = array<i64: 128, 384>}, {pipeline_mode = #tpu.pipeline_mode<synchronous>, transform_indices = @transform_11, window_bounds = array<i64: 1, 384>}, {pipeline_mode = #tpu.pipeline_mode<synchronous>, transform_indices = @transform_12, window_bounds = array<i64: 1, 384>}, {transform_indices = @transform_13, window_bounds = array<i64: 1024, 128>}, {transform_indices = @transform_14, window_bounds = array<i64: 1024, 128>}]} {
    %get3A = arith.constant 0 : index
    %get3A_0 = arith.constant 0 : index
    %get3A_1 = arith.constant 0 : index
    %get3A_2 = vector.load %arg1[%get3A, %get3A_0, %get3A_1] : memref<2x1024x128xf32, #tpu.memory_space<vmem>>, vector<1x1024x128xf32>
    %get3A_3 = vector.shape_cast %get3A_2 : vector<1x1024x128xf32> to vector<1024x128xf32>
    %get3A_4 = arith.constant 1 : index
    %get3A_5 = arith.constant 0 : index
    %get3A_6 = arith.constant 0 : index
    %get3A_7 = vector.load %arg1[%get3A_4, %get3A_5, %get3A_6] : memref<2x1024x128xf32, #tpu.memory_space<vmem>>, vector<1x1024x128xf32>
    %get3A_8 = vector.shape_cast %get3A_7 : vector<1x1024x128xf32> to vector<1024x128xf32>
    %add3A = arith.addf %get3A_3, %get3A_8 : vector<1024x128xf32>
    %get3A_9 = arith.constant 0 : index
    %get3A_10 = arith.constant 0 : index
    %get3A_11 = arith.constant 0 : index
    %get3A_12 = vector.load %arg2[%get3A_9, %get3A_10, %get3A_11] : memref<2x1024x128xf32, #tpu.memory_space<vmem>>, vector<1x1024x128xf32>
    %get3A_13 = vector.shape_cast %get3A_12 : vector<1x1024x128xf32> to vector<1024x128xf32>
    %get3A_14 = arith.constant 1 : index
    %get3A_15 = arith.constant 0 : index
    %get3A_16 = arith.constant 0 : index
    %get3A_17 = vector.load %arg2[%get3A_14, %get3A_15, %get3A_16] : memref<2x1024x128xf32, #tpu.memory_space<vmem>>, vector<1x1024x128xf32>
    %get3A_18 = vector.shape_cast %get3A_17 : vector<1x1024x128xf32> to vector<1024x128xf32>
    %add3A_19 = arith.addf %get3A_13, %get3A_18 : vector<1024x128xf32>
    %get3A_20 = arith.constant 0 : index
    %get3A_21 = arith.constant 0 : index
    %get3A_22 = vector.load %arg3[%get3A_20, %get3A_21] : memref<1024x128xf32, #tpu.memory_space<vmem>>, vector<1024x128xf32>
    %get3A_23 = arith.constant 0 : index
    %get3A_24 = arith.constant 0 : index
    %get3A_25 = vector.load %arg4[%get3A_23, %get3A_24] : memref<1024x128xf32, #tpu.memory_space<vmem>>, vector<1024x128xf32>
    %get3A_26 = arith.constant 0 : index
    %get3A_27 = arith.constant 0 : index
    %get3A_28 = vector.load %arg5[%get3A_26, %get3A_27] : memref<1024x128xf32, #tpu.memory_space<vmem>>, vector<1024x128xf32>
    %get3A_29 = arith.constant 0 : index
    %get3A_30 = arith.constant 0 : index
    %get3A_31 = vector.load %arg6[%get3A_29, %get3A_30] : memref<128x384xf32, #tpu.memory_space<vmem>>, vector<128x384xf32>
    %dot_general3A = arith.constant dense<0.000000e+00> : vector<1024x384xf32>
    %dot_general3A_32 = tpu.matmul %add3A, %get3A_31, %dot_general3A {dimension_numbers = #tpu.dot_dimension_numbers<[1], [0], [0], [1], [0, 0, 1, 1], [], []>, transpose_lhs_hint = false} : vector<1024x128xf32>, vector<128x384xf32>, vector<1024x384xf32> -> vector<1024x384xf32>
    %get3A_33 = arith.constant 0 : index
    %get3A_34 = arith.constant 0 : index
    %get3A_35 = vector.load %arg8[%get3A_33, %get3A_34] : memref<1x384xf32, #tpu.memory_space<vmem>>, vector<1x384xf32>
    %add3A_36 = vector.broadcast %get3A_35 : vector<1x384xf32> to vector<1024x384xf32>
    %add3A_37 = arith.addf %dot_general3A_32, %add3A_36 : vector<1024x384xf32>
    %get3A_38 = arith.constant 0 : index
    %get3A_39 = arith.constant 0 : index
    %get3A_40 = vector.load %arg7[%get3A_38, %get3A_39] : memref<128x384xf32, #tpu.memory_space<vmem>>, vector<128x384xf32>
    %dot_general3A_41 = arith.constant dense<0.000000e+00> : vector<1024x384xf32>
    %dot_general3A_42 = tpu.matmul %get3A_22, %get3A_40, %dot_general3A_41 {dimension_numbers = #tpu.dot_dimension_numbers<[1], [0], [0], [1], [0, 0, 1, 1], [], []>, transpose_lhs_hint = false} : vector<1024x128xf32>, vector<128x384xf32>, vector<1024x384xf32> -> vector<1024x384xf32>
    %get3A_43 = arith.constant 0 : index
    %get3A_44 = arith.constant 0 : index
    %get3A_45 = vector.load %arg9[%get3A_43, %get3A_44] : memref<1x384xf32, #tpu.memory_space<vmem>>, vector<1x384xf32>
    %add3A_46 = vector.broadcast %get3A_45 : vector<1x384xf32> to vector<1024x384xf32>
    %add3A_47 = arith.addf %dot_general3A_42, %add3A_46 : vector<1024x384xf32>
    %slice3A = vector.extract_strided_slice %add3A_37 {offsets = [0, 0], sizes = [1024, 128], strides = [1, 1]} : vector<1024x384xf32> to vector<1024x128xf32>
    %slice3A_48 = vector.extract_strided_slice %add3A_37 {offsets = [0, 128], sizes = [1024, 128], strides = [1, 1]} : vector<1024x384xf32> to vector<1024x128xf32>
    %slice3A_49 = vector.extract_strided_slice %add3A_37 {offsets = [0, 256], sizes = [1024, 128], strides = [1, 1]} : vector<1024x384xf32> to vector<1024x128xf32>
    %slice3A_50 = vector.extract_strided_slice %add3A_47 {offsets = [0, 0], sizes = [1024, 128], strides = [1, 1]} : vector<1024x384xf32> to vector<1024x128xf32>
    %slice3A_51 = vector.extract_strided_slice %add3A_47 {offsets = [0, 128], sizes = [1024, 128], strides = [1, 1]} : vector<1024x384xf32> to vector<1024x128xf32>
    %slice3A_52 = vector.extract_strided_slice %add3A_47 {offsets = [0, 256], sizes = [1024, 128], strides = [1, 1]} : vector<1024x384xf32> to vector<1024x128xf32>
    %add3A_53 = arith.addf %slice3A, %slice3A_50 : vector<1024x128xf32>
    %logistic3A = arith.negf %add3A_53 : vector<1024x128xf32>
    %logistic3A_54 = math.exp %logistic3A : vector<1024x128xf32>
    %logistic3A_55 = arith.constant 1.000000e+00 : f32
    %logistic3A_56 = vector.broadcast %logistic3A_55 : f32 to vector<1024x128xf32>
    %logistic3A_57 = arith.addf %logistic3A_56, %logistic3A_54 : vector<1024x128xf32>
    %logistic3A_58 = arith.divf %logistic3A_56, %logistic3A_57 : vector<1024x128xf32>
    %add3A_59 = arith.addf %slice3A_48, %slice3A_51 : vector<1024x128xf32>
    %logistic3A_60 = arith.negf %add3A_59 : vector<1024x128xf32>
    %logistic3A_61 = math.exp %logistic3A_60 : vector<1024x128xf32>
    %logistic3A_62 = arith.constant 1.000000e+00 : f32
    %logistic3A_63 = vector.broadcast %logistic3A_62 : f32 to vector<1024x128xf32>
    %logistic3A_64 = arith.addf %logistic3A_63, %logistic3A_61 : vector<1024x128xf32>
    %logistic3A_65 = arith.divf %logistic3A_63, %logistic3A_64 : vector<1024x128xf32>
    %mul3A = arith.mulf %logistic3A_58, %slice3A_52 : vector<1024x128xf32>
    %add3A_66 = arith.addf %slice3A_49, %mul3A : vector<1024x128xf32>
    %tanh3A = math.tanh %add3A_66 : vector<1024x128xf32>
    %sub3A = arith.constant 1.000000e+00 : f32
    %sub3A_67 = vector.broadcast %sub3A : f32 to vector<1024x128xf32>
    %sub3A_68 = arith.subf %sub3A_67, %logistic3A_65 : vector<1024x128xf32>
    %mul3A_69 = arith.mulf %sub3A_68, %tanh3A : vector<1024x128xf32>
    %mul3A_70 = arith.mulf %logistic3A_65, %get3A_22 : vector<1024x128xf32>
    %add3A_71 = arith.addf %mul3A_69, %mul3A_70 : vector<1024x128xf32>
    %get3A_72 = arith.constant 0 : index
    %get3A_73 = arith.constant 0 : index
    %get3A_74 = vector.load %arg10[%get3A_72, %get3A_73] : memref<128x384xf32, #tpu.memory_space<vmem>>, vector<128x384xf32>
    %dot_general3A_75 = arith.constant dense<0.000000e+00> : vector<1024x384xf32>
    %dot_general3A_76 = tpu.matmul %add3A_19, %get3A_74, %dot_general3A_75 {dimension_numbers = #tpu.dot_dimension_numbers<[1], [0], [0], [1], [0, 0, 1, 1], [], []>, transpose_lhs_hint = false} : vector<1024x128xf32>, vector<128x384xf32>, vector<1024x384xf32> -> vector<1024x384xf32>
    %get3A_77 = arith.constant 0 : index
    %get3A_78 = arith.constant 0 : index
    %get3A_79 = vector.load %arg12[%get3A_77, %get3A_78] : memref<1x384xf32, #tpu.memory_space<vmem>>, vector<1x384xf32>
    %add3A_80 = vector.broadcast %get3A_79 : vector<1x384xf32> to vector<1024x384xf32>
    %add3A_81 = arith.addf %dot_general3A_76, %add3A_80 : vector<1024x384xf32>
    %get3A_82 = arith.constant 0 : index
    %get3A_83 = arith.constant 0 : index
    %get3A_84 = vector.load %arg11[%get3A_82, %get3A_83] : memref<128x384xf32, #tpu.memory_space<vmem>>, vector<128x384xf32>
    %dot_general3A_85 = arith.constant dense<0.000000e+00> : vector<1024x384xf32>
    %dot_general3A_86 = tpu.matmul %get3A_25, %get3A_84, %dot_general3A_85 {dimension_numbers = #tpu.dot_dimension_numbers<[1], [0], [0], [1], [0, 0, 1, 1], [], []>, transpose_lhs_hint = false} : vector<1024x128xf32>, vector<128x384xf32>, vector<1024x384xf32> -> vector<1024x384xf32>
    %get3A_87 = arith.constant 0 : index
    %get3A_88 = arith.constant 0 : index
    %get3A_89 = vector.load %arg13[%get3A_87, %get3A_88] : memref<1x384xf32, #tpu.memory_space<vmem>>, vector<1x384xf32>
    %add3A_90 = vector.broadcast %get3A_89 : vector<1x384xf32> to vector<1024x384xf32>
    %add3A_91 = arith.addf %dot_general3A_86, %add3A_90 : vector<1024x384xf32>
    %slice3A_92 = vector.extract_strided_slice %add3A_81 {offsets = [0, 0], sizes = [1024, 128], strides = [1, 1]} : vector<1024x384xf32> to vector<1024x128xf32>
    %slice3A_93 = vector.extract_strided_slice %add3A_81 {offsets = [0, 128], sizes = [1024, 128], strides = [1, 1]} : vector<1024x384xf32> to vector<1024x128xf32>
    %slice3A_94 = vector.extract_strided_slice %add3A_81 {offsets = [0, 256], sizes = [1024, 128], strides = [1, 1]} : vector<1024x384xf32> to vector<1024x128xf32>
    %slice3A_95 = vector.extract_strided_slice %add3A_91 {offsets = [0, 0], sizes = [1024, 128], strides = [1, 1]} : vector<1024x384xf32> to vector<1024x128xf32>
    %slice3A_96 = vector.extract_strided_slice %add3A_91 {offsets = [0, 128], sizes = [1024, 128], strides = [1, 1]} : vector<1024x384xf32> to vector<1024x128xf32>
    %slice3A_97 = vector.extract_strided_slice %add3A_91 {offsets = [0, 256], sizes = [1024, 128], strides = [1, 1]} : vector<1024x384xf32> to vector<1024x128xf32>
    %add3A_98 = arith.addf %slice3A_92, %slice3A_95 : vector<1024x128xf32>
    %logistic3A_99 = arith.negf %add3A_98 : vector<1024x128xf32>
    %logistic3A_100 = math.exp %logistic3A_99 : vector<1024x128xf32>
    %logistic3A_101 = arith.constant 1.000000e+00 : f32
    %logistic3A_102 = vector.broadcast %logistic3A_101 : f32 to vector<1024x128xf32>
    %logistic3A_103 = arith.addf %logistic3A_102, %logistic3A_100 : vector<1024x128xf32>
    %logistic3A_104 = arith.divf %logistic3A_102, %logistic3A_103 : vector<1024x128xf32>
    %add3A_105 = arith.addf %slice3A_93, %slice3A_96 : vector<1024x128xf32>
    %logistic3A_106 = arith.negf %add3A_105 : vector<1024x128xf32>
    %logistic3A_107 = math.exp %logistic3A_106 : vector<1024x128xf32>
    %logistic3A_108 = arith.constant 1.000000e+00 : f32
    %logistic3A_109 = vector.broadcast %logistic3A_108 : f32 to vector<1024x128xf32>
    %logistic3A_110 = arith.addf %logistic3A_109, %logistic3A_107 : vector<1024x128xf32>
    %logistic3A_111 = arith.divf %logistic3A_109, %logistic3A_110 : vector<1024x128xf32>
    %mul3A_112 = arith.mulf %logistic3A_104, %slice3A_97 : vector<1024x128xf32>
    %add3A_113 = arith.addf %slice3A_94, %mul3A_112 : vector<1024x128xf32>
    %tanh3A_114 = math.tanh %add3A_113 : vector<1024x128xf32>
    %sub3A_115 = arith.constant 1.000000e+00 : f32
    %sub3A_116 = vector.broadcast %sub3A_115 : f32 to vector<1024x128xf32>
    %sub3A_117 = arith.subf %sub3A_116, %logistic3A_111 : vector<1024x128xf32>
    %mul3A_118 = arith.mulf %sub3A_117, %tanh3A_114 : vector<1024x128xf32>
    %mul3A_119 = arith.mulf %logistic3A_111, %get3A_25 : vector<1024x128xf32>
    %add3A_120 = arith.addf %mul3A_118, %mul3A_119 : vector<1024x128xf32>
    %mul3A_121 = arith.mulf %get3A_28, %add3A_71 : vector<1024x128xf32>
    %sub3A_122 = arith.constant 1.000000e+00 : f32
    %sub3A_123 = vector.broadcast %sub3A_122 : f32 to vector<1024x128xf32>
    %sub3A_124 = arith.subf %sub3A_123, %get3A_28 : vector<1024x128xf32>
    %mul3A_125 = arith.mulf %sub3A_124, %get3A_22 : vector<1024x128xf32>
    %add3A_126 = arith.addf %mul3A_121, %mul3A_125 : vector<1024x128xf32>
    %swap3A = arith.constant 0 : index
    %swap3A_127 = arith.constant 0 : index
    %swap3A_128 = vector.load %arg14[%swap3A, %swap3A_127] : memref<1024x128xf32, #tpu.memory_space<vmem>>, vector<1024x128xf32>
    tpu.vector_store %arg14[%swap3A, %swap3A_127], %add3A_126 {strides = array<i32>} : memref<1024x128xf32, #tpu.memory_space<vmem>>, vector<1024x128xf32>,
    %mul3A_129 = arith.mulf %get3A_28, %add3A_120 : vector<1024x128xf32>
    %sub3A_130 = arith.constant 1.000000e+00 : f32
    %sub3A_131 = vector.broadcast %sub3A_130 : f32 to vector<1024x128xf32>
    %sub3A_132 = arith.subf %sub3A_131, %get3A_28 : vector<1024x128xf32>
    %mul3A_133 = arith.mulf %sub3A_132, %get3A_25 : vector<1024x128xf32>
    %add3A_134 = arith.addf %mul3A_129, %mul3A_133 : vector<1024x128xf32>
    %swap3A_135 = arith.constant 0 : index
    %swap3A_136 = arith.constant 0 : index
    %swap3A_137 = vector.load %arg15[%swap3A_135, %swap3A_136] : memref<1024x128xf32, #tpu.memory_space<vmem>>, vector<1024x128xf32>
    tpu.vector_store %arg15[%swap3A_135, %swap3A_136], %add3A_134 {strides = array<i32>} : memref<1024x128xf32, #tpu.memory_space<vmem>>, vector<1024x128xf32>,
    return
  }
  func.func @transform_0(%arg0: i32) -> (i32, i32, i32) {
    %c0_i32 = arith.constant 0 : i32
    %c0_i32_0 = arith.constant 0 : i32
    %c0_i32_1 = arith.constant 0 : i32
    return %c0_i32, %arg0, %c0_i32_0 : i32, i32, i32
  }
  func.func @transform_1(%arg0: i32) -> (i32, i32, i32) {
    %c0_i32 = arith.constant 0 : i32
    %c0_i32_0 = arith.constant 0 : i32
    %c0_i32_1 = arith.constant 0 : i32
    return %c0_i32, %arg0, %c0_i32_0 : i32, i32, i32
  }
  func.func @transform_2(%arg0: i32) -> (i32, i32) {
    %c0_i32 = arith.constant 0 : i32
    %c0_i32_0 = arith.constant 0 : i32
    return %arg0, %c0_i32 : i32, i32
  }
  func.func @transform_3(%arg0: i32) -> (i32, i32) {
    %c0_i32 = arith.constant 0 : i32
    %c0_i32_0 = arith.constant 0 : i32
    return %arg0, %c0_i32 : i32, i32
  }
  func.func @transform_4(%arg0: i32) -> (i32, i32) {
    %c0_i32 = arith.constant 0 : i32
    %c0_i32_0 = arith.constant 0 : i32
    return %arg0, %c0_i32 : i32, i32
  }
  func.func @transform_5(%arg0: i32) -> (i32, i32) {
    %c0_i32 = arith.constant 0 : i32
    %c0_i32_0 = arith.constant 0 : i32
    %c0_i32_1 = arith.constant 0 : i32
    return %c0_i32, %c0_i32_0 : i32, i32
  }
  func.func @transform_6(%arg0: i32) -> (i32, i32) {
    %c0_i32 = arith.constant 0 : i32
    %c0_i32_0 = arith.constant 0 : i32
    %c0_i32_1 = arith.constant 0 : i32
    return %c0_i32, %c0_i32_0 : i32, i32
  }
  func.func @transform_7(%arg0: i32) -> (i32, i32) {
    %c0_i32 = arith.constant 0 : i32
    %c0_i32_0 = arith.constant 0 : i32
    %c0_i32_1 = arith.constant 0 : i32
    return %c0_i32, %c0_i32_0 : i32, i32
  }
  func.func @transform_8(%arg0: i32) -> (i32, i32) {
    %c0_i32 = arith.constant 0 : i32
    %c0_i32_0 = arith.constant 0 : i32
    %c0_i32_1 = arith.constant 0 : i32
    return %c0_i32, %c0_i32_0 : i32, i32
  }
  func.func @transform_9(%arg0: i32) -> (i32, i32) {
    %c0_i32 = arith.constant 0 : i32
    %c0_i32_0 = arith.constant 0 : i32
    %c0_i32_1 = arith.constant 0 : i32
    return %c0_i32, %c0_i32_0 : i32, i32
  }
  func.func @transform_10(%arg0: i32) -> (i32, i32) {
    %c0_i32 = arith.constant 0 : i32
    %c0_i32_0 = arith.constant 0 : i32
    %c0_i32_1 = arith.constant 0 : i32
    return %c0_i32, %c0_i32_0 : i32, i32
  }
  func.func @transform_11(%arg0: i32) -> (i32, i32) {
    %c0_i32 = arith.constant 0 : i32
    %c0_i32_0 = arith.constant 0 : i32
    %c0_i32_1 = arith.constant 0 : i32
    return %c0_i32, %c0_i32_0 : i32, i32
  }
  func.func @transform_12(%arg0: i32) -> (i32, i32) {
    %c0_i32 = arith.constant 0 : i32
    %c0_i32_0 = arith.constant 0 : i32
    %c0_i32_1 = arith.constant 0 : i32
    return %c0_i32, %c0_i32_0 : i32, i32
  }
  func.func @transform_13(%arg0: i32) -> (i32, i32) {
    %c0_i32 = arith.constant 0 : i32
    %c0_i32_0 = arith.constant 0 : i32
    return %arg0, %c0_i32 : i32, i32
  }
  func.func @transform_14(%arg0: i32) -> (i32, i32) {
    %c0_i32 = arith.constant 0 : i32
    %c0_i32_0 = arith.constant 0 : i32
    return %arg0, %c0_i32 : i32, i32
  }
}

</mosaic_0001>

<sc_bundles>
// kernel: closed_call.52.cloned.1.call-start
scs
__scs_entry_jumppad:
0x0: {  	(pc) =	sbr.rel $0x88, $3  }
0x1: {  	(tag) =	ssettag $0x0;
	lr =	simm.s32 $0x1  }
0x2: {  	[smem:$0x3F7E] =	sst lr;
	_ =	strace $0xD0000000  }
0x3: {  	_ = 	snop  }
0x4: {  	_ = 	snop  }
0x5: {  	_ = 	snop  }
0x6: {  	_ = 	snop  }
0x7: {  	_ = 	snop  }
__scs_overlays_trampoline_lowered:
0x8: {  	[smem:$0x3F8D] =	sst s0  }
0x9: {  	[smem:$0x3F8E] =	sst s1  }
0xa: {  	[smem:$0x3F8F] =	sst s2  }
0xb: {  	[smem:$0x3F90] =	sst s3  }
0xc: {  	[smem:$0x3F91] =	sst s4  }
0xd: {  	[smem:$0x3F92] =	sst s5  }
0xe: {  	[smem:$0x3F93] =	sst s6  }
0xf: {  	[smem:$0x3F94] =	sst s7  }
0x10: {  	[smem:$0x3F95] =	sst s8  }
0x11: {  	[smem:$0x3F96] =	sst s9;
	s0 =	simm.s32 @!p0 $0x0  }
0x12: {  	s1 =	sld [smem:$0x3F7C];
	s0 =	simm.s32 @p0 $0x1  }
0x13: {  	[smem:$0x3F97] =	sst s0;
	s0 =	simm.s32 @!p1 $0x0  }
0x14: {  	s2 =	sld [smem:$0x3F7B];
	s0 =	simm.s32 @p1 $0x1  }
0x15: {  	[smem:$0x3F98] =	sst s0;
	s0 =	simm.s32 @!p2 $0x0  }
0x16: {  	s3 =	sld [smem:$0x3FDB];
	s0 =	simm.s32 @p2 $0x1  }
0x17: {  	s4 =	simm.s32 $0x1BF5;
	[smem:$0x3F9A] =	sst s0  }
0x18: {  	s0 =	sld [smem:$0x3F7D];
	_ =	swait.ge [sflag:s4], $0x0  }
0x19: {  	s7 =	sld [smem:$0x3F7E]  }
0x1a: {  	s8 =	sadd.s32 $0xFFFFE003, lr  }
0x1b: {  	s9 =	sadd.s32 $0xFFFFFEF7, lr;
	s5 =	simm.s32 $0xFFFFFFFF;
	p2 =	slt.u32 s8, $0xFFFFF086  }
0x1c: {  	p1 =	slt.u32 s9, $0xF7A;
	s5 =	simm.s32 @!p2 $0x0  }
0x1d: {  	s5 =	simm.s32 @p1 $0x1;
	p0 =	seq.s32 s7, s2  }
0x1e: {  	s7 =	smul.u32 @!p0 $0xF7A, s2;
	p2 =	seq.s32 @!p0 s5, $0x0  }
0x1f: {  	s9 =	smul.u32 $0xF7A, s1;
	s8 =	simm.s32 @!p0 $0x1BF5;
	p2 =	por !p2, p0  }
0x20: {  	[sflag:s8] =	ssyncset.s32 @!p0 $0xFFFFF086;
	s6 =	sadd.s32 @!p0 s3, s7;
	s7 =	simm.s32 @!p0 $0x108  }
0x21: {  	s3 =	sadd.s32 s3, s9;
	s6 =	sadd.s32 @!p0 $0x88, s6;
	s7 =	simm.s32 @p2 $0x1082  }
0x22: {  	[simem:s7], [sflag:s8] =	dma.local @!p0 [hbm:s6], $0xF7A  }
0x23: {  	s9 =	sor.u32 $0xD0000000, s2;
	s6 =	simm.s32 $0x108;
	_ =	swait.ge @!p0 [sflag:s8], $0x0  }
0x24: {  	s3 =	sadd.s32 $0x88, s3;
	s6 =	simm.s32 @!p1 $0x1082;
	[sflag:s4] =	ssyncset.s32 $0xFFFFF086  }
0x25: {  	[simem:s6], [sflag:s4] =	dma.local [hbm:s3], $0xF7A  }
0x26: {  	[smem:$0x3F7E] =	sst s1;
	(tag) =	ssettag s2;
	_ =	strace s9  }
0x27: {  	s1 =	sld [smem:$0x3F8E]  }
0x28: {  	s2 =	sld [smem:$0x3F8F]  }
0x29: {  	s4 =	sld [smem:$0x3F91]  }
0x2a: {  	p0 =	seq.s32 s5, $0x0;
	s5 =	sld [smem:$0x3F92]  }
0x2b: {  	s6 =	sld [smem:$0x3F93]  }
0x2c: {  	s7 =	sld [smem:$0x3F94]  }
0x2d: {  	s3 =	simm.s32 $0x108;
	s8 =	sld [smem:$0x3F95]  }
0x2e: {  	s3 =	simm.s32 @!p0 $0x1082;
	s9 =	sld [smem:$0x3F96]  }
0x2f: {  	lr =	sadd.s32 s0, s3;
	s0 =	sld [smem:$0x3F8D]  }
0x30: {  	s3 =	sld [smem:$0x3F90]  }
0x31: {  	[smem:$0x3F99] =	sst s10  }
0x32: {  	s10 =	sld [smem:$0x3F97];
	_ =	sdelay $0x3  }
0x33: {  	p0 =	seq.s32 s10, $0x1;
	s10 =	sld [smem:$0x3F99];
	_ =	sdelay $0x3  }
0x34: {  	[smem:$0x3F99] =	sst s10  }
0x35: {  	s10 =	sld [smem:$0x3F98];
	_ =	sdelay $0x3  }
0x36: {  	p1 =	seq.s32 s10, $0x1;
	s10 =	sld [smem:$0x3F99];
	_ =	sdelay $0x3  }
0x37: {  	[smem:$0x3F99] =	sst s10  }
0x38: {  	s10 =	sld [smem:$0x3F9A]  }
0x39: {  	_ = 	snop;
	(pc) =	sbr.ind lr, $3  }
0x3a: {  	_ = 	snop  }
0x3b: {  	_ = 	snop  }
0x3c: {  	p2 =	seq.s32 s10, $0x1;
	s10 =	sld [smem:$0x3F99]  }
0x3d: {  	_ =	shalt  }
0x3e: {  	_ =	shalt  }
0x3f: {  	_ =	shalt  }
0x40: {  	_ =	shalt  }
0x41: {  	_ =	shalt  }
0x42: {  	_ =	shalt  }
0x43: {  	_ =	shalt  }
0x44: {  	_ =	shalt  }
0x45: {  	_ =	shalt  }
0x46: {  	_ =	shalt  }
0x47: {  	_ =	shalt  }
0x48: {  	_ =	shalt  }
0x49: {  	_ =	shalt  }
0x4a: {  	_ =	shalt  }
0x4b: {  	_ =	shalt  }
0x4c: {  	_ =	shalt  }
0x4d: {  	_ =	shalt  }
0x4e: {  	_ =	shalt  }
0x4f: {  	_ =	shalt  }
0x50: {  	_ =	shalt  }
0x51: {  	_ =	shalt  }
0x52: {  	_ =	shalt  }
0x53: {  	_ =	shalt  }
0x54: {  	_ =	shalt  }
0x55: {  	_ =	shalt  }
0x56: {  	_ =	shalt  }
0x57: {  	_ =	shalt  }
0x58: {  	_ =	shalt  }
0x59: {  	_ =	shalt  }
0x5a: {  	_ =	shalt  }
0x5b: {  	_ =	shalt  }
0x5c: {  	_ =	shalt  }
0x5d: {  	_ =	shalt  }
0x5e: {  	_ =	shalt  }
0x5f: {  	_ =	shalt  }
0x60: {  	_ =	shalt  }
0x61: {  	_ =	shalt  }
0x62: {  	_ =	shalt  }
0x63: {  	_ =	shalt  }
0x64: {  	_ =	shalt  }
0x65: {  	_ =	shalt  }
0x66: {  	_ =	shalt  }
0x67: {  	_ =	shalt  }
0x68: {  	_ =	shalt  }
0x69: {  	_ =	shalt  }
0x6a: {  	_ =	shalt  }
0x6b: {  	_ =	shalt  }
0x6c: {  	_ =	shalt  }
0x6d: {  	_ =	shalt  }
0x6e: {  	_ =	shalt  }
0x6f: {  	_ =	shalt  }
0x70: {  	_ =	shalt  }
0x71: {  	_ =	shalt  }
0x72: {  	_ =	shalt  }
0x73: {  	_ =	shalt  }
0x74: {  	_ =	shalt  }
0x75: {  	_ =	shalt  }
0x76: {  	_ =	shalt  }
0x77: {  	_ =	shalt  }
0x78: {  	_ =	shalt  }
0x79: {  	_ =	shalt  }
0x7a: {  	_ =	shalt  }
0x7b: {  	_ =	shalt  }
0x7c: {  	_ =	shalt  }
0x7d: {  	_ =	shalt  }
0x7e: {  	_ =	shalt  }
0x7f: {  	_ =	shalt  }
0x80: {  	_ =	shalt  }
0x81: {  	_ =	shalt  }
0x82: {  	_ =	shalt  }
0x83: {  	_ =	shalt  }
0x84: {  	_ =	shalt  }
0x85: {  	_ =	shalt  }
0x86: {  	_ =	shalt  }
0x87: {  	_ =	shalt  }
.Lfunc_end0:
.L_simem_size_0:
called_computation.4_lowered:
.L_overlay_start_0:
0x88: {  	s2 =	sld [smem:$0x3FD9]  }
0x89: {  	s3 =	sld [smem:$0x3FFE];
	_ =	sdelay $0x1  }
0x8a: {  	s1 =	srdreg.scid  }
0x8b: {  	s0 =	sand.u32 $0x1, s1  }
0x8c: {  	s14 =	sshll.u32 s0, $0xA;
	s2 =	sadd.s32 s3, s2  }
0x8d: {  	s2 =	sadd.s32 s2, s14  }
0x8e: {  	[smem:$0x3FA5] =	sst s2  }
0x8f: {  	_ = 	snop  }
0x90: {  	s2 =	sld [smem:$0x3FD0];
	_ =	sdelay $0x2  }
0x91: {  	s15 =	simm.s32 $0xB;
	s4 =	simm.s32 $0x10  }
0x92: {  	[smem:s4], [sflag:s15] =	dma.local [hbm:s2], $0x1  }
0x93: {  	_ =	swait.eq [sflag:s15], $0x1  }
0x94: {  	[sflag:s15] =	ssyncset.done $0x0  }
0x95: {  	s16 =	sld [smem:$0x10];
	[sflag:s15] =	ssyncadd.s32 $0xFFFFFFFF  }
0x96: {  	s17 =	sld [smem:$0x11];
	(tm) =	ssettm $0x1  }
0x97: {  	s18 =	sld [smem:$0x3FFB];
	_ =	sdelay $0x3  }
0x98: {  	_ =	strace s18  }
0x99: {  	s4 =	sld [smem:$0x3FFC];
	_ =	sdelay $0x3  }
0x9a: {  	_ =	strace s4  }
0x9b: {  	s4 =	sld [smem:$0x3FFD];
	_ =	sdelay $0x3  }
0x9c: {  	_ =	strace s4  }
0x9d: {  	_ =	strace $0x8FFFFFFF  }
0x9e: {  	s19 =	sld [smem:$0x3FDB];
	_ =	sdelay $0x1  }
0x9f: {  	s5 =	simm.s32 $_scs_section_size  }
0xa0: {  	s6 =	simm.s32 $_size__tile_overlayer_lowered;
	s7 =	simm.s32 $_tile_overlayer_lowered  }
0xa1: {  	s22 =	simm.s32 $0x1BFF;
	s21 =	sshll.u32 s7, $0x1;
	s4 =	sadd.s32 s5, s19  }
0xa2: {  	s8 =	simm.s32 $0x0;
	s20 =	sshll.u32 s6, $0x1;
	s6 =	sadd.s32 s21, s4  }
0xa3: {  	[timem:s8], [sflag:s22] =	dma.local [hbm:s6], s20  }
0xa4: {  	_ =	swait.ge [sflag:s22], s20  }
0xa5: {  	s5 =	ssub.s32 $0x0, s20;
	[sflag:s22] =	ssyncset.done $0x0  }
0xa6: {  	[sflag:s22] =	ssyncadd.s32 s5;
	_ =	sdelay $0x1  }
0xa7: {  	s23 =	simm.s32 $0x1B8B  }
0xa8: {  	_ =	swait.ge [sflag:s23], $0x1  }
0xa9: {  	[sflag:s23] =	ssyncset.done $0x0  }
0xaa: {  	s25 =	simm.s32 $0x1B8E;
	s24 =	sld [smem:$0x3FFE];
	[sflag:s23] =	ssyncadd.s32 $0xFFFFFFFF  }
0xab: {  	s26 =	simm.s32 $execute0_lowered;
	[smem:$0x3FD2] =	sst s25  }
0xac: {  	s6 =	sshll.u32 s26, $0x1;
	_ =	strace $0x80000052;
	[dreg:$0x1] =	wrdreg $0xFFFFFFFF  }
0xad: {  	s28 =	simm.s32 $_size_execute0_lowered;
	s4 =	sadd.s32 s4, s6;
	[dreg:$0x0] =	wrdreg $0x0  }
0xae: {  	s6 =	sshll.u32 s28, $0x1;
	[dreg:$0x2] =	wrdreg s4  }
0xaf: {  	[dreg:$0x3] =	wrdreg s6  }
0xb0: {  	[dreg:$0x4] =	wrdreg $0xC0  }
0xb1: {  	_ =	task [dreg:s8], $0x5FFFF  }
0xb2: {  	[dreg:$0x1] =	wrdreg $0xFFFFFFFF  }
0xb3: {  	[dreg:$0x0] =	wrdreg $0x60  }
0xb4: {  	[dreg:$0x2] =	wrdreg s24  }
0xb5: {  	[dreg:$0x3] =	wrdreg s17  }
0xb6: {  	[dreg:$0x4] =	wrdreg s16  }
0xb7: {  	[dreg:$0x5] =	wrdreg $0xA2800  }
0xb8: {  	[dreg:$0x6] =	wrdreg $0x9  }
0xb9: {  	_ =	task.clear_ibuf [dreg:s8], $0x7FFFF;
	_ =	strace $0x90000052  }
0xba: {  	s29 =	simm.s32 $0x9;
	_ =	strace $0x80000054  }
0xbb: {  	_ =	swait.ge [sflag:s29], $0x1  }
0xbc: {  	[sflag:s29] =	ssyncadd.s32 $0xFFFFFFFF  }
0xbd: {  	_ =	strace $0x90000054  }
0xbe: {  	_ =	sfence  }
0xbf: {  	s30 =	sld [smem:$0x0];
	_ =	sdelay $0x2  }
0xc0: {  	s31 =	sshll.u32 s1, $0xD;
	s1 =	sshrl.u32 s1, $0x2  }
0xc1: {  	s3 =	sand.u32 $0x4000, s31;
	s1 =	sadd.s32 s1, s30  }
0xc2: {  	s0 =	sor.u32 s3, s0;
	s1 =	sshll.u32 s1, $0x11  }
0xc3: {  	s0 =	sor.u32 s1, s0  }
0xc4: {  	s0 =	sadd.s32 $0x8F2B, s0  }
0xc5: {  	[sflag:s0] =	ssyncadd.remote.s32 $0x1  }
0xc6: {  	_ =	sfence.sel $0xFFFF  }
0xc7: {  	[dreg:$0x0] =	wrdreg $0xFFFFFFFF;
	(pc) =	sbr.abs _section_cstart, $3  }
0xc8: {  	[dreg:$0x1] =	wrdreg $0xFFFFFFFF  }
0xc9: {  	_ =	task.clear_ibuf [dreg:s8], $0x2FFFF;
	_ =	strace $0x9FFFFFFF  }
0xca: {  	(tm) =	ssettm $0x7FFFFFFF  }
0xcb: {  	_ =	shalt  }
tec
execute0_lowered:
.L_overlay_start_1:
0x0: {  	(tag) =	ssettag $0x1  }
0x1: {  	s1 =	rddreg [dreg:$0x0]  }
0x2: {  	s0 =	rddreg [dreg:$0x1]  }
0x3: {  	s3 =	rddreg [dreg:$0x2]  }
0x4: {  	s2 =	srdreg.scid;
	s4 =	rddreg [dreg:$0x3]  }
0x5: {  	s20 =	stileid.u32;
	s5 =	simm.s32 $0x0;
	s28 =	simm.s32 $0x80  }
0x6: {  	s29 =	simm.s32 $0x180;
	s30 =	simm.s32 $0x100;
	s31 =	simm.s32 $0x280  }
0x7: {  	s2 =	sand.u32 $0x1, s2;
	s8 =	smul.u32 $0x14000, s20;
	[smem:$0x7FF] =	sst s5  }
0x8: {  	s6 =	sadd.s32 $0x1BE00, s1;
	s9 =	smul.u32 $0x50000, s20;
	s10 =	sadd.s32 $0x7C00, s1  }
0x9: {  	s11 =	sshll.u32 s20, $0x1;
	s26 =	sshll.u32 s20, $0x9;
	s7 =	smul.u32 $0x140000, s2  }
0xa: {  	_ =	strace $0x80000053;
	[dreg:$0x5] =	wrdreg s10;
	s21 =	ssub.s32 $0x2, s2  }
0xb: {  	s23 =	sor.u32 s2, s11;
	s2 =	sshll.u32 s2, $0x8;
	s22 =	sshrl.u32 s21, $0x1  }
0xc: {  	s9 =	sshrl.u32 s9, $0x2;
	s10 =	sxor.u32 $0x1F, s23;
	s23 =	sor.u32 s2, s26  }
0xd: {  	s26 =	simm.s32 $0x8280;
	s8 =	sadd.s32 s8, s7;
	s7 =	sadd.s32 $0x68400, s1  }
0xe: {  	s9 =	sadd.s32 s9, s4;
	[dreg:$0x6] =	wrdreg s10;
	s8 =	sshrl.u32 s8, $0x3  }
0xf: {  	s11 =	sadd.s32 $0x2000, s9;
	s12 =	sadd.s32 $0x4000, s9;
	s13 =	sadd.s32 $0x6000, s9  }
0x10: {  	s14 =	sadd.s32 $0x8000, s9;
	s15 =	sadd.s32 $0xA000, s9;
	s1 =	sadd.s32 s8, s1  }
.Ltmp0:
0x11: {  	s16 =	sadd.s32 $0xC000, s9;
	s24 =	sadd.s32 $0x90400, s1;
	(pc) =	sbr.rel .LBB2_1-.Ltmp0, $4  }
0x12: {  	s8 =	ssub.s32 s21, s22;
	s1 =	sadd.s32 $0xE0400, s1;
	[dreg:$0x7] =	wrdreg s24  }
0x13: {  	s17 =	sadd.s32 $0xE000, s9;
	s25 =	smax.u32 s8, $0x1;
	[dreg:$0x8] =	wrdreg s1  }
0x14: {  	s18 =	sadd.s32 $0x10000, s9;
	s19 =	sadd.s32 $0x12000, s9;
	[dreg:$0x9] =	wrdreg s25  }
0x15: {  	v0 =	vimm.f32 $0.0e+00;
	s24 =	simm.s32 $0x2;
	s25 =	simm.s32 $0x1;
	s1 =	simm.s32 $0x0  }
.LBB2_12:
0x16: {  	s2 =	sadd.s32 s0, s21;
	[sflag:s24] =	ssyncadd.s32 @p1 $0xFFFF8000  }
0x17: {  	[tilespmem:s28], [sflag:$0x2] =	stream.linear.gather [hbm4b:s2+s5], $0x100, $0x38;
	[tilespmem:$0x1E280] =	vst v63  }
0x18: {  	_ =	swait.ge [sflag:s24], $0x100  }
0x19: {  	[sflag:s24] =	ssyncset.done $0x0  }
0x1a: {  	s22 =	sadd.s32 s3, s21;
	[sflag:s24] =	ssyncadd.s32 $0xFFFFFF00  }
0x1b: {  	[tilespmem:s29], [sflag:$0x2] =	stream.linear.gather [hbm4b:s22+s5], $0x100, $0x38;
	[tilespmem:$0x1E280] =	vst v63  }
0x1c: {  	_ =	swait.ge [sflag:s24], $0x100  }
0x1d: {  	[sflag:s24] =	ssyncset.done $0x0  }
0x1e: {  	[sflag:s24] =	ssyncadd.s32 $0xFFFFFF00  }
0x1f: {  	[tilespmem:s31], [sflag:$0x1] =	stream.indirect.gather [hbm4b:s7+s30], $0x80, s28, s30, $0xb8;
	[tilespmem:$0x1E280] =	vst v63  }
0x20: {  	_ =	swait.ge [sflag:s25], $0x8000  }
0x21: {  	[sflag:s25] =	ssyncset.done $0x0  }
0x22: {  	[sflag:s25] =	ssyncadd.s32 $0xFFFF8000  }
0x23: {  	[spmem:s4] =	stream.indirect.scatter.add.f32 [tilespmem:s31], [sflag:$0x2], $0x80, s29, s30, $0xb8;
	[tilespmem:$0x1E280] =	vst v63  }
0x24: {  	_ =	swait.ge [sflag:s24], $0x8000  }
0x25: {  	[sflag:s24] =	ssyncset.done $0x0  }
0x26: {  	[sflag:s24] =	ssyncadd.s32 $0xFFFF8000  }
.LBB2_13:
0x27: {  	[bflag:$0x0] =	sbarrier.arrive $0xFFFF  }
0x28: {  	s2 =	rddreg [dreg:$0x8]  }
0x29: {  	[hbm:s2], [sflag:s10] =	dma.local [spmem:s20], $0x2800  }
0x2a: {  	_ =	swait.ge [sflag:s24], $0x2800  }
0x2b: {  	s1 =	sadd.s32 $0x1, s1;
	s22 =	rddreg [dreg:$0x9]  }
0x2c: {  	p0 =	sne.s32 s1, s22  }
.Ltmp1:
0x2d: {  	_ = 	snop;
	(pc) =	sbr.rel @!p0 .LBB2_14-.Ltmp1, $3  }
0x2e: {  	[sflag:s24] =	ssyncset.done $0x0  }
0x2f: {  	[sflag:s24] =	ssyncadd.s32 $0xFFFFD800  }
0x30: {  	[bflag:$0x0] =	sbarrier.arrive $0xFFFF;
	_ =	sdelay $0x1  }
.LBB2_1:
0x31: {  	s2 =	rddreg [dreg:$0x5]  }
0x32: {  	[tilespmem:s5], [sflag:$0x2] =	stream.linear.gather [hbm4b:s2+s5], $0x80, $0x38;
	[tilespmem:$0x1E280] =	vst v63  }
0x33: {  	_ =	swait.ge [sflag:s24], $0x80  }
0x34: {  	[sflag:s24] =	ssyncset.done $0x0  }
0x35: {  	s8 =	simm.s32 $0x200;
	s2 =	simm.s32 $0x0;
	[sflag:s24] =	ssyncadd.s32 $0xFFFFFF80  }
.LBB2_2:
0x36: {  	p0 =	sne.s32 s8, $0x7E00;
	[tilespmem:s2+$0x82F0] =	vst v0  }
0x37: {  	[tilespmem:s2+$0x8280] =	vst v0  }
0x38: {  	[tilespmem:s2+$0x8290] =	vst v0  }
.Ltmp2:
0x39: {  	[tilespmem:s2+$0x82A0] =	vst v0;
	(pc) =	sbr.rel @p0 .LBB2_2-.Ltmp2, $4  }
0x3a: {  	[tilespmem:s2+$0x82B0] =	vst v0  }
0x3b: {  	[tilespmem:s2+$0x82C0] =	vst v0  }
0x3c: {  	[tilespmem:s2+$0x82D0] =	vst v0  }
0x3d: {  	[tilespmem:s2+$0x82E0] =	vst v0;
	s2 =	sshra.s32 s8, $0x2;
	s8 =	sadd.s32 $0x200, s8  }
0x3e: {  	[tilespmem:s2+$0x82F0] =	vst v0  }
0x3f: {  	[tilespmem:s2+$0x8280] =	vst v0  }
0x40: {  	[tilespmem:s2+$0x8290] =	vst v0  }
0x41: {  	[tilespmem:s2+$0x82A0] =	vst v0  }
0x42: {  	[tilespmem:s2+$0x82B0] =	vst v0  }
0x43: {  	[tilespmem:s2+$0x82C0] =	vst v0  }
0x44: {  	[tilespmem:s2+$0x82D0] =	vst v0  }
0x45: {  	[tilespmem:s2+$0x82E0] =	vst v0  }
0x46: {  	v1 =	vld [tilespmem:$0x0];
	_ =	sdelay $0x4  }
0x47: {  	(v2sf) =	vpush v1, $0x0  }
0x48: {  	(v2sf) =	vpush v1, $0x1;
	_ =	sdelay $0xc  }
0x49: {  	[spmem:s9] =	stream.linear.scatter [tilespmem:s26], [sflag:$0x2], $0x2000, $0x38;
	[tilespmem:$0x1E280] =	vst v63  }
0x4a: {  	s10 =	spop (v2sf)  }
0x4b: {  	s21 =	spop (v2sf)  }
0x4c: {  	_ =	swait.ge [sflag:s24], $0x2000  }
0x4d: {  	[sflag:s24] =	ssyncset.done $0x0  }
0x4e: {  	[sflag:s24] =	ssyncadd.s32 $0xFFFFE000  }
0x4f: {  	[spmem:s11] =	stream.linear.scatter [tilespmem:s26], [sflag:$0x2], $0x2000, $0x38;
	[tilespmem:$0x1E280] =	vst v63  }
0x50: {  	_ =	swait.ge [sflag:s24], $0x2000  }
0x51: {  	[sflag:s24] =	ssyncset.done $0x0  }
0x52: {  	[sflag:s24] =	ssyncadd.s32 $0xFFFFE000  }
0x53: {  	[spmem:s12] =	stream.linear.scatter [tilespmem:s26], [sflag:$0x2], $0x2000, $0x38;
	[tilespmem:$0x1E280] =	vst v63  }
0x54: {  	_ =	swait.ge [sflag:s24], $0x2000  }
0x55: {  	[sflag:s24] =	ssyncset.done $0x0  }
0x56: {  	[sflag:s24] =	ssyncadd.s32 $0xFFFFE000  }
0x57: {  	[spmem:s13] =	stream.linear.scatter [tilespmem:s26], [sflag:$0x2], $0x2000, $0x38;
	[tilespmem:$0x1E280] =	vst v63  }
0x58: {  	_ =	swait.ge [sflag:s24], $0x2000  }
0x59: {  	[sflag:s24] =	ssyncset.done $0x0  }
0x5a: {  	[sflag:s24] =	ssyncadd.s32 $0xFFFFE000  }
0x5b: {  	[spmem:s14] =	stream.linear.scatter [tilespmem:s26], [sflag:$0x2], $0x2000, $0x38;
	[tilespmem:$0x1E280] =	vst v63  }
0x5c: {  	_ =	swait.ge [sflag:s24], $0x2000  }
0x5d: {  	[sflag:s24] =	ssyncset.done $0x0  }
0x5e: {  	[sflag:s24] =	ssyncadd.s32 $0xFFFFE000  }
0x5f: {  	[spmem:s15] =	stream.linear.scatter [tilespmem:s26], [sflag:$0x2], $0x2000, $0x38;
	[tilespmem:$0x1E280] =	vst v63  }
0x60: {  	_ =	swait.ge [sflag:s24], $0x2000  }
0x61: {  	[sflag:s24] =	ssyncset.done $0x0  }
0x62: {  	[sflag:s24] =	ssyncadd.s32 $0xFFFFE000  }
0x63: {  	[spmem:s16] =	stream.linear.scatter [tilespmem:s26], [sflag:$0x2], $0x2000, $0x38;
	[tilespmem:$0x1E280] =	vst v63  }
0x64: {  	_ =	swait.ge [sflag:s24], $0x2000  }
0x65: {  	[sflag:s24] =	ssyncset.done $0x0  }
0x66: {  	[sflag:s24] =	ssyncadd.s32 $0xFFFFE000  }
0x67: {  	[spmem:s17] =	stream.linear.scatter [tilespmem:s26], [sflag:$0x2], $0x2000, $0x38;
	[tilespmem:$0x1E280] =	vst v63  }
0x68: {  	_ =	swait.ge [sflag:s24], $0x2000  }
0x69: {  	s8 =	rddreg [dreg:$0x6];
	[sflag:s24] =	ssyncset.done $0x0  }
0x6a: {  	s2 =	sadd.s32 s8, s21;
	[sflag:s24] =	ssyncadd.s32 $0xFFFFE000  }
0x6b: {  	[spmem:s18] =	stream.linear.scatter [tilespmem:s26], [sflag:$0x2], $0x2000, $0x38;
	[tilespmem:$0x1E280] =	vst v63  }
0x6c: {  	s8 =	sand.u32 $0x1F, s2;
	s22 =	sshra.s32 s2, $0x1F;
	p1 =	slt.s32 s2, $0x1  }
0x6d: {  	p0 =	sne.s32 s8, $0x0;
	_ =	swait.ge [sflag:s24], $0x2000;
	s8 =	sshrl.u32 s22, $0x1B  }
0x6e: {  	[sflag:s24] =	ssyncset.done $0x0;
	s2 =	sadd.s32 s8, s2;
	p0 =	por !p1, !p0  }
0x6f: {  	s8 =	simm.s32 $0x1;
	[sflag:s24] =	ssyncadd.s32 $0xFFFFE000;
	p0 =	por !p0, !p0  }
0x70: {  	[spmem:s19] =	stream.linear.scatter [tilespmem:s26], [sflag:$0x2], $0x2000, $0x38;
	[tilespmem:$0x1E280] =	vst v63  }
0x71: {  	s2 =	sshra.s32 s2, $0x5;
	s8 =	simm.s32 @!p0 $0x0  }
0x72: {  	s8 =	ssub.s32 s2, s8  }
0x73: {  	p1 =	slt.s32 s8, $0x1  }
.Ltmp3:
0x74: {  	_ =	swait.ge [sflag:s24], $0x2000;
	(pc) =	sbr.rel @p1 .LBB2_8-.Ltmp3, $4  }
0x75: {  	[sflag:s24] =	ssyncset.done $0x0  }
0x76: {  	[sflag:s24] =	ssyncadd.s32 $0xFFFFE000  }
0x77: {  	[bflag:$0x0] =	sbarrier.arrive $0xFFFF  }
0x78: {  	s2 =	sadd.s32 s10, s23;
	p0 =	sne.s32 s8, $0x1;
	s8 =	sadd.s32 $0xFFFFFFFF, s8  }
.Ltmp4:
0x79: {  	(pc) =	sbr.rel @!p0 .LBB2_7-.Ltmp4, $3  }
0x7a: {  	_ =	sdelay $0x1  }
0x7b: {  	s20 =	sadd.s32 s10, s23  }
0x7c: {  	p2 =	por $0x0, $0x0;
	s21 =	sshrl.u32 s20, $0x3  }
0x7d: {  	s10 =	sadd.s32 s0, s21  }
0x7e: {  	[tilespmem:s28], [sflag:$0x2] =	stream.linear.gather [hbm4b:s10+s5], $0x100, $0x38;
	[tilespmem:$0x1E280] =	vst v63  }
0x7f: {  	_ =	swait.ge [sflag:s24], $0x100  }
0x80: {  	[sflag:s24] =	ssyncset.done $0x0  }
0x81: {  	s22 =	sadd.s32 s3, s21;
	[sflag:s24] =	ssyncadd.s32 $0xFFFFFF00  }
0x82: {  	[tilespmem:s29], [sflag:$0x2] =	stream.linear.gather [hbm4b:s22+s5], $0x100, $0x38;
	[tilespmem:$0x1E280] =	vst v63  }
0x83: {  	_ =	swait.ge [sflag:s24], $0x100  }
0x84: {  	[sflag:s24] =	ssyncset.done $0x0  }
0x85: {  	[sflag:s24] =	ssyncadd.s32 $0xFFFFFF00  }
0x86: {  	[tilespmem:s31], [sflag:$0x1] =	stream.indirect.gather [hbm4b:s6+s30], $0x80, s28, s30, $0xb8;
	[tilespmem:$0x1E280] =	vst v63  }
0x87: {  	p3 =	sne.s32 s8, $0x1;
	_ =	swait.ge [sflag:s25], $0x8000  }
.Ltmp5:
0x88: {  	[sflag:s25] =	ssyncset.done $0x0;
	(pc) =	sbr.rel @!p3 .LBB2_7-.Ltmp5, $4  }
0x89: {  	[sflag:s25] =	ssyncadd.s32 $0xFFFF8000  }
0x8a: {  	[spmem:s4] =	stream.indirect.scatter.add.f32 [tilespmem:s31], [sflag:$0x2], $0x80, s29, s30, $0xb8;
	[tilespmem:$0x1E280] =	vst v63  }
0x8b: {  	s20 =	sadd.s32 $0x2000, s20;
	p2 =	por $0x1, $0x1;
	_ =	swait.ge [sflag:s24], $0x8000  }
0x8c: {  	s10 =	sadd.s32 $0xFFFFFFFF, s8;
	s21 =	sshrl.u32 s20, $0x3;
	[sflag:s24] =	ssyncset.done $0x0  }
.LBB2_6:
0x8d: {  	p3 =	sne.s32 s10, $0x1;
	s22 =	sadd.s32 s0, s21;
	[sflag:s24] =	ssyncadd.s32 $0xFFFF8000  }
0x8e: {  	[tilespmem:s28], [sflag:$0x2] =	stream.linear.gather [hbm4b:s22+s5], $0x100, $0x38;
	[tilespmem:$0x1E280] =	vst v63  }
0x8f: {  	s10 =	sadd.s32 $0xFFFFFFFF, s10;
	_ =	swait.ge [sflag:s24], $0x100  }
0x90: {  	[sflag:s24] =	ssyncset.done $0x0  }
0x91: {  	s21 =	sadd.s32 s3, s21;
	[sflag:s24] =	ssyncadd.s32 $0xFFFFFF00  }
0x92: {  	[tilespmem:s29], [sflag:$0x2] =	stream.linear.gather [hbm4b:s21+s5], $0x100, $0x38;
	[tilespmem:$0x1E280] =	vst v63  }
0x93: {  	_ =	swait.ge [sflag:s24], $0x100  }
0x94: {  	[sflag:s24] =	ssyncset.done $0x0  }
0x95: {  	[sflag:s24] =	ssyncadd.s32 $0xFFFFFF00  }
0x96: {  	[tilespmem:s31], [sflag:$0x1] =	stream.indirect.gather [hbm4b:s6+s30], $0x80, s28, s30, $0xb8;
	[tilespmem:$0x1E280] =	vst v63  }
0x97: {  	_ =	swait.ge [sflag:s25], $0x8000  }
.Ltmp6:
0x98: {  	[sflag:s25] =	ssyncset.done $0x0;
	(pc) =	sbr.rel @p3 .LBB2_6-.Ltmp6, $4  }
0x99: {  	[sflag:s25] =	ssyncadd.s32 $0xFFFF8000  }
0x9a: {  	[spmem:s4] =	stream.indirect.scatter.add.f32 [tilespmem:s31], [sflag:$0x2], $0x80, s29, s30, $0xb8;
	[tilespmem:$0x1E280] =	vst v63  }
0x9b: {  	s20 =	sadd.s32 $0x2000, s20;
	_ =	swait.ge [sflag:s24], $0x8000  }
0x9c: {  	s21 =	sshrl.u32 s20, $0x3;
	[sflag:s24] =	ssyncset.done $0x0  }
.LBB2_7:
0x9d: {  	s10 =	sadd.s32 s0, s21;
	[sflag:s24] =	ssyncadd.s32 @p2 $0xFFFF8000  }
0x9e: {  	[tilespmem:s28], [sflag:$0x2] =	stream.linear.gather [hbm4b:s10+s5], $0x100, $0x38;
	[tilespmem:$0x1E280] =	vst v63  }
0x9f: {  	_ =	swait.ge [sflag:s24], $0x100  }
0xa0: {  	[sflag:s24] =	ssyncset.done $0x0  }
0xa1: {  	s22 =	sadd.s32 s3, s21;
	[sflag:s24] =	ssyncadd.s32 $0xFFFFFF00  }
0xa2: {  	[tilespmem:s29], [sflag:$0x2] =	stream.linear.gather [hbm4b:s22+s5], $0x100, $0x38;
	[tilespmem:$0x1E280] =	vst v63  }
0xa3: {  	_ =	swait.ge [sflag:s24], $0x100  }
0xa4: {  	[sflag:s24] =	ssyncset.done $0x0  }
0xa5: {  	[sflag:s24] =	ssyncadd.s32 $0xFFFFFF00  }
0xa6: {  	[tilespmem:s31], [sflag:$0x1] =	stream.indirect.gather [hbm4b:s6+s30], $0x80, s28, s30, $0xb8;
	[tilespmem:$0x1E280] =	vst v63  }
0xa7: {  	_ =	swait.ge [sflag:s25], $0x8000  }
0xa8: {  	[sflag:s25] =	ssyncset.done $0x0  }
0xa9: {  	[sflag:s25] =	ssyncadd.s32 $0xFFFF8000  }
0xaa: {  	[spmem:s4] =	stream.indirect.scatter.add.f32 [tilespmem:s31], [sflag:$0x2], $0x80, s29, s30, $0xb8;
	[tilespmem:$0x1E280] =	vst v63  }
0xab: {  	_ =	swait.ge [sflag:s24], $0x8000  }
0xac: {  	[sflag:s24] =	ssyncset.done $0x0  }
0xad: {  	[sflag:s24] =	ssyncadd.s32 $0xFFFF8000  }
.LBB2_8:
0xae: {  	s10 =	stileid.u32  }
0xaf: {  	[bflag:$0x0] =	sbarrier.arrive $0xFFFF;
	s10 =	sshll.u32 s10, $0x6  }
0xb0: {  	s20 =	sshrl.u32 s9, $0x3;
	s21 =	rddreg [dreg:$0x7];
	s10 =	sor.u32 $0x1C02, s10  }
0xb1: {  	[hbm:s21], [sflag:s10] =	dma.local [spmem:s20], $0x2800  }
0xb2: {  	_ =	swait.ge [sflag:s24], $0x2800  }
0xb3: {  	[sflag:s24] =	ssyncset.done $0x0  }
0xb4: {  	[sflag:s24] =	ssyncadd.s32 $0xFFFFD800  }
0xb5: {  	[bflag:$0x0] =	sbarrier.arrive $0xFFFF  }
0xb6: {  	[spmem:s9] =	stream.linear.scatter [tilespmem:s26], [sflag:$0x2], $0x2000, $0x38;
	[tilespmem:$0x1E280] =	vst v63  }
0xb7: {  	_ =	swait.ge [sflag:s24], $0x2000  }
0xb8: {  	[sflag:s24] =	ssyncset.done $0x0  }
0xb9: {  	[sflag:s24] =	ssyncadd.s32 $0xFFFFE000  }
0xba: {  	[spmem:s11] =	stream.linear.scatter [tilespmem:s26], [sflag:$0x2], $0x2000, $0x38;
	[tilespmem:$0x1E280] =	vst v63  }
0xbb: {  	_ =	swait.ge [sflag:s24], $0x2000  }
0xbc: {  	[sflag:s24] =	ssyncset.done $0x0  }
0xbd: {  	[sflag:s24] =	ssyncadd.s32 $0xFFFFE000  }
0xbe: {  	[spmem:s12] =	stream.linear.scatter [tilespmem:s26], [sflag:$0x2], $0x2000, $0x38;
	[tilespmem:$0x1E280] =	vst v63  }
0xbf: {  	_ =	swait.ge [sflag:s24], $0x2000  }
0xc0: {  	[sflag:s24] =	ssyncset.done $0x0  }
0xc1: {  	[sflag:s24] =	ssyncadd.s32 $0xFFFFE000  }
0xc2: {  	[spmem:s13] =	stream.linear.scatter [tilespmem:s26], [sflag:$0x2], $0x2000, $0x38;
	[tilespmem:$0x1E280] =	vst v63  }
0xc3: {  	_ =	swait.ge [sflag:s24], $0x2000  }
0xc4: {  	[sflag:s24] =	ssyncset.done $0x0  }
0xc5: {  	[sflag:s24] =	ssyncadd.s32 $0xFFFFE000  }
0xc6: {  	[spmem:s14] =	stream.linear.scatter [tilespmem:s26], [sflag:$0x2], $0x2000, $0x38;
	[tilespmem:$0x1E280] =	vst v63  }
0xc7: {  	_ =	swait.ge [sflag:s24], $0x2000  }
0xc8: {  	[sflag:s24] =	ssyncset.done $0x0  }
0xc9: {  	[sflag:s24] =	ssyncadd.s32 $0xFFFFE000  }
0xca: {  	[spmem:s15] =	stream.linear.scatter [tilespmem:s26], [sflag:$0x2], $0x2000, $0x38;
	[tilespmem:$0x1E280] =	vst v63  }
0xcb: {  	_ =	swait.ge [sflag:s24], $0x2000  }
0xcc: {  	[sflag:s24] =	ssyncset.done $0x0  }
0xcd: {  	[sflag:s24] =	ssyncadd.s32 $0xFFFFE000  }
0xce: {  	[spmem:s16] =	stream.linear.scatter [tilespmem:s26], [sflag:$0x2], $0x2000, $0x38;
	[tilespmem:$0x1E280] =	vst v63  }
0xcf: {  	_ =	swait.ge [sflag:s24], $0x2000  }
0xd0: {  	[sflag:s24] =	ssyncset.done $0x0  }
0xd1: {  	[sflag:s24] =	ssyncadd.s32 $0xFFFFE000  }
0xd2: {  	[spmem:s17] =	stream.linear.scatter [tilespmem:s26], [sflag:$0x2], $0x2000, $0x38;
	[tilespmem:$0x1E280] =	vst v63  }
0xd3: {  	_ =	swait.ge [sflag:s24], $0x2000  }
0xd4: {  	[sflag:s24] =	ssyncset.done $0x0  }
0xd5: {  	[sflag:s24] =	ssyncadd.s32 $0xFFFFE000  }
0xd6: {  	[spmem:s18] =	stream.linear.scatter [tilespmem:s26], [sflag:$0x2], $0x2000, $0x38;
	[tilespmem:$0x1E280] =	vst v63  }
0xd7: {  	_ =	swait.ge [sflag:s24], $0x2000  }
0xd8: {  	[sflag:s24] =	ssyncset.done $0x0  }
0xd9: {  	[sflag:s24] =	ssyncadd.s32 $0xFFFFE000  }
0xda: {  	[spmem:s19] =	stream.linear.scatter [tilespmem:s26], [sflag:$0x2], $0x2000, $0x38;
	[tilespmem:$0x1E280] =	vst v63  }
.Ltmp7:
0xdb: {  	_ =	swait.ge [sflag:s24], $0x2000;
	(pc) =	sbr.rel @p1 .LBB2_13-.Ltmp7, $3  }
0xdc: {  	[sflag:s24] =	ssyncset.done $0x0  }
0xdd: {  	[sflag:s24] =	ssyncadd.s32 $0xFFFFE000  }
0xde: {  	[bflag:$0x0] =	sbarrier.arrive $0xFFFF;
	_ =	sdelay $0x1  }
.Ltmp8:
0xdf: {  	(pc) =	sbr.rel @!p0 .LBB2_12-.Ltmp8, $2  }
0xe0: {  	_ =	sdelay $0x2  }
0xe1: {  	s21 =	sshrl.u32 s2, $0x3;
	p1 =	por $0x0, $0x0  }
0xe2: {  	s22 =	sadd.s32 s0, s21  }
0xe3: {  	[tilespmem:s28], [sflag:$0x2] =	stream.linear.gather [hbm4b:s22+s5], $0x100, $0x38;
	[tilespmem:$0x1E280] =	vst v63  }
0xe4: {  	_ =	swait.ge [sflag:s24], $0x100  }
0xe5: {  	[sflag:s24] =	ssyncset.done $0x0  }
0xe6: {  	s22 =	sadd.s32 s3, s21;
	[sflag:s24] =	ssyncadd.s32 $0xFFFFFF00  }
0xe7: {  	[tilespmem:s29], [sflag:$0x2] =	stream.linear.gather [hbm4b:s22+s5], $0x100, $0x38;
	[tilespmem:$0x1E280] =	vst v63  }
0xe8: {  	_ =	swait.ge [sflag:s24], $0x100  }
0xe9: {  	[sflag:s24] =	ssyncset.done $0x0  }
0xea: {  	[sflag:s24] =	ssyncadd.s32 $0xFFFFFF00  }
0xeb: {  	[tilespmem:s31], [sflag:$0x1] =	stream.indirect.gather [hbm4b:s7+s30], $0x80, s28, s30, $0xb8;
	[tilespmem:$0x1E280] =	vst v63  }
0xec: {  	p0 =	sne.s32 s8, $0x1;
	_ =	swait.ge [sflag:s25], $0x8000  }
.Ltmp9:
0xed: {  	[sflag:s25] =	ssyncset.done $0x0;
	(pc) =	sbr.rel @!p0 .LBB2_12-.Ltmp9, $4  }
0xee: {  	[sflag:s25] =	ssyncadd.s32 $0xFFFF8000  }
0xef: {  	[spmem:s4] =	stream.indirect.scatter.add.f32 [tilespmem:s31], [sflag:$0x2], $0x80, s29, s30, $0xb8;
	[tilespmem:$0x1E280] =	vst v63  }
0xf0: {  	s8 =	sadd.s32 $0xFFFFFFFF, s8;
	s2 =	sadd.s32 $0x2000, s2;
	_ =	swait.ge [sflag:s24], $0x8000  }
0xf1: {  	p1 =	por $0x1, $0x1;
	s21 =	sshrl.u32 s2, $0x3;
	[sflag:s24] =	ssyncset.done $0x0  }
.LBB2_11:
0xf2: {  	p0 =	sne.s32 s8, $0x1;
	s22 =	sadd.s32 s0, s21;
	[sflag:s24] =	ssyncadd.s32 $0xFFFF8000  }
0xf3: {  	[tilespmem:s28], [sflag:$0x2] =	stream.linear.gather [hbm4b:s22+s5], $0x100, $0x38;
	[tilespmem:$0x1E280] =	vst v63  }
0xf4: {  	s8 =	sadd.s32 $0xFFFFFFFF, s8;
	_ =	swait.ge [sflag:s24], $0x100  }
0xf5: {  	[sflag:s24] =	ssyncset.done $0x0  }
0xf6: {  	s21 =	sadd.s32 s3, s21;
	[sflag:s24] =	ssyncadd.s32 $0xFFFFFF00  }
0xf7: {  	[tilespmem:s29], [sflag:$0x2] =	stream.linear.gather [hbm4b:s21+s5], $0x100, $0x38;
	[tilespmem:$0x1E280] =	vst v63  }
0xf8: {  	_ =	swait.ge [sflag:s24], $0x100  }
0xf9: {  	[sflag:s24] =	ssyncset.done $0x0  }
0xfa: {  	[sflag:s24] =	ssyncadd.s32 $0xFFFFFF00  }
0xfb: {  	[tilespmem:s31], [sflag:$0x1] =	stream.indirect.gather [hbm4b:s7+s30], $0x80, s28, s30, $0xb8;
	[tilespmem:$0x1E280] =	vst v63  }
0xfc: {  	_ =	swait.ge [sflag:s25], $0x8000  }
.Ltmp10:
0xfd: {  	[sflag:s25] =	ssyncset.done $0x0;
	(pc) =	sbr.rel @p0 .LBB2_11-.Ltmp10, $4  }
0xfe: {  	[sflag:s25] =	ssyncadd.s32 $0xFFFF8000  }
0xff: {  	[spmem:s4] =	stream.indirect.scatter.add.f32 [tilespmem:s31], [sflag:$0x2], $0x80, s29, s30, $0xb8;
	[tilespmem:$0x1E280] =	vst v63  }
0x100: {  	s2 =	sadd.s32 $0x2000, s2;
	_ =	swait.ge [sflag:s24], $0x8000  }
0x101: {  	s21 =	sshrl.u32 s2, $0x3;
	[sflag:s24] =	ssyncset.done $0x0  }
.Ltmp11:
0x102: {  	_ = 	snop;
	(pc) =	sbr.rel .LBB2_12-.Ltmp11, $1  }
0x103: {  	_ =	sdelay $0x3  }
.LBB2_14:
0x104: {  	_ =	sfence.sel $0x180000  }
0x105: {  	[bflag:$0x0] =	sbarrier.arrive $0xFFFF  }
0x106: {  	_ =	strace $0x90000053  }
0x107: {  	s0 =	stileid.u32;
	[bflag:$0x2] =	sbarrier.arrive $0xFFFF  }
0x108: {  	p0 =	sne.s32 s0, $0x0;
	s0 =	rddreg [dreg:$0x4]  }
0x109: {  	s0 =	sadd.s32 @!p0 $0x100000, s0  }
0x10a: {  	[sflag:s0] =	ssyncadd.tile.s32 @!p0 $0x1;
	_ =	shalt  }
.Lfunc_end2:
_tile_overlayer_lowered:
.L_overlay_start_2:
0x10b: {  	(tag) =	ssettag $0x2  }
0x10c: {  	s0 =	rddreg [dreg:$0x0];
	s2 =	stileid.u32  }
0x10d: {  	s1 =	rddreg [dreg:$0x1];
	p0 =	sne.s32 s2, $0x0  }
0x10e: {  	s3 =	rddreg [dreg:$0x2];
	[bflag:$0x3] =	sbarrier.arrive $0xFFFF;
	s2 =	simm.s32 @!p0 $0x1C02  }
0x10f: {  	[timem:s3], [sflag:s2] =	dma.local @!p0 [hbm:s0], s1  }
0x110: {  	s0 =	simm.s32 @!p0 $0x2  }
0x111: {  	_ =	swait.ge @!p0 [sflag:s0], s1  }
0x112: {  	s1 =	ssub.s32 @!p0 $0x0, s1;
	[sflag:s0] =	ssyncset.done @!p0 $0x0  }
0x113: {  	[sflag:s0] =	ssyncadd.s32 @!p0 s1  }
0x114: {  	[bflag:$0x3] =	sbarrier.arrive $0xFFFF  }
0x115: {  	_ =	shalt  }

// kernel: closed_call.55.cloned.1.call-start
scs
__scs_entry_jumppad:
0x0: {  	(pc) =	sbr.rel $0x88, $3  }
0x1: {  	(tag) =	ssettag $0x0;
	lr =	simm.s32 $0x1  }
0x2: {  	[smem:$0x3F7E] =	sst lr;
	_ =	strace $0xD0000000  }
0x3: {  	_ = 	snop  }
0x4: {  	_ = 	snop  }
0x5: {  	_ = 	snop  }
0x6: {  	_ = 	snop  }
0x7: {  	_ = 	snop  }
__scs_overlays_trampoline_lowered:
0x8: {  	[smem:$0x3F8D] =	sst s0  }
0x9: {  	[smem:$0x3F8E] =	sst s1  }
0xa: {  	[smem:$0x3F8F] =	sst s2  }
0xb: {  	[smem:$0x3F90] =	sst s3  }
0xc: {  	[smem:$0x3F91] =	sst s4  }
0xd: {  	[smem:$0x3F92] =	sst s5  }
0xe: {  	[smem:$0x3F93] =	sst s6  }
0xf: {  	[smem:$0x3F94] =	sst s7  }
0x10: {  	[smem:$0x3F95] =	sst s8  }
0x11: {  	[smem:$0x3F96] =	sst s9;
	s0 =	simm.s32 @!p0 $0x0  }
0x12: {  	s1 =	sld [smem:$0x3F7C];
	s0 =	simm.s32 @p0 $0x1  }
0x13: {  	[smem:$0x3F97] =	sst s0;
	s0 =	simm.s32 @!p1 $0x0  }
0x14: {  	s2 =	sld [smem:$0x3F7B];
	s0 =	simm.s32 @p1 $0x1  }
0x15: {  	[smem:$0x3F98] =	sst s0;
	s0 =	simm.s32 @!p2 $0x0  }
0x16: {  	s3 =	sld [smem:$0x3FDB];
	s0 =	simm.s32 @p2 $0x1  }
0x17: {  	s4 =	simm.s32 $0x1BF5;
	[smem:$0x3F9A] =	sst s0  }
0x18: {  	s0 =	sld [smem:$0x3F7D];
	_ =	swait.ge [sflag:s4], $0x0  }
0x19: {  	s7 =	sld [smem:$0x3F7E]  }
0x1a: {  	s8 =	sadd.s32 $0xFFFFE003, lr  }
0x1b: {  	s9 =	sadd.s32 $0xFFFFFEF7, lr;
	s5 =	simm.s32 $0xFFFFFFFF;
	p2 =	slt.u32 s8, $0xFFFFF086  }
0x1c: {  	p1 =	slt.u32 s9, $0xF7A;
	s5 =	simm.s32 @!p2 $0x0  }
0x1d: {  	s5 =	simm.s32 @p1 $0x1;
	p0 =	seq.s32 s7, s2  }
0x1e: {  	s7 =	smul.u32 @!p0 $0xF7A, s2;
	p2 =	seq.s32 @!p0 s5, $0x0  }
0x1f: {  	s9 =	smul.u32 $0xF7A, s1;
	s8 =	simm.s32 @!p0 $0x1BF5;
	p2 =	por !p2, p0  }
0x20: {  	[sflag:s8] =	ssyncset.s32 @!p0 $0xFFFFF086;
	s6 =	sadd.s32 @!p0 s3, s7;
	s7 =	simm.s32 @!p0 $0x108  }
0x21: {  	s3 =	sadd.s32 s3, s9;
	s6 =	sadd.s32 @!p0 $0x88, s6;
	s7 =	simm.s32 @p2 $0x1082  }
0x22: {  	[simem:s7], [sflag:s8] =	dma.local @!p0 [hbm:s6], $0xF7A  }
0x23: {  	s9 =	sor.u32 $0xD0000000, s2;
	s6 =	simm.s32 $0x108;
	_ =	swait.ge @!p0 [sflag:s8], $0x0  }
0x24: {  	s3 =	sadd.s32 $0x88, s3;
	s6 =	simm.s32 @!p1 $0x1082;
	[sflag:s4] =	ssyncset.s32 $0xFFFFF086  }
0x25: {  	[simem:s6], [sflag:s4] =	dma.local [hbm:s3], $0xF7A  }
0x26: {  	[smem:$0x3F7E] =	sst s1;
	(tag) =	ssettag s2;
	_ =	strace s9  }
0x27: {  	s1 =	sld [smem:$0x3F8E]  }
0x28: {  	s2 =	sld [smem:$0x3F8F]  }
0x29: {  	s4 =	sld [smem:$0x3F91]  }
0x2a: {  	p0 =	seq.s32 s5, $0x0;
	s5 =	sld [smem:$0x3F92]  }
0x2b: {  	s6 =	sld [smem:$0x3F93]  }
0x2c: {  	s7 =	sld [smem:$0x3F94]  }
0x2d: {  	s3 =	simm.s32 $0x108;
	s8 =	sld [smem:$0x3F95]  }
0x2e: {  	s3 =	simm.s32 @!p0 $0x1082;
	s9 =	sld [smem:$0x3F96]  }
0x2f: {  	lr =	sadd.s32 s0, s3;
	s0 =	sld [smem:$0x3F8D]  }
0x30: {  	s3 =	sld [smem:$0x3F90]  }
0x31: {  	[smem:$0x3F99] =	sst s10  }
0x32: {  	s10 =	sld [smem:$0x3F97];
	_ =	sdelay $0x3  }
0x33: {  	p0 =	seq.s32 s10, $0x1;
	s10 =	sld [smem:$0x3F99];
	_ =	sdelay $0x3  }
0x34: {  	[smem:$0x3F99] =	sst s10  }
0x35: {  	s10 =	sld [smem:$0x3F98];
	_ =	sdelay $0x3  }
0x36: {  	p1 =	seq.s32 s10, $0x1;
	s10 =	sld [smem:$0x3F99];
	_ =	sdelay $0x3  }
0x37: {  	[smem:$0x3F99] =	sst s10  }
0x38: {  	s10 =	sld [smem:$0x3F9A]  }
0x39: {  	_ = 	snop;
	(pc) =	sbr.ind lr, $3  }
0x3a: {  	_ = 	snop  }
0x3b: {  	_ = 	snop  }
0x3c: {  	p2 =	seq.s32 s10, $0x1;
	s10 =	sld [smem:$0x3F99]  }
0x3d: {  	_ =	shalt  }
0x3e: {  	_ =	shalt  }
0x3f: {  	_ =	shalt  }
0x40: {  	_ =	shalt  }
0x41: {  	_ =	shalt  }
0x42: {  	_ =	shalt  }
0x43: {  	_ =	shalt  }
0x44: {  	_ =	shalt  }
0x45: {  	_ =	shalt  }
0x46: {  	_ =	shalt  }
0x47: {  	_ =	shalt  }
0x48: {  	_ =	shalt  }
0x49: {  	_ =	shalt  }
0x4a: {  	_ =	shalt  }
0x4b: {  	_ =	shalt  }
0x4c: {  	_ =	shalt  }
0x4d: {  	_ =	shalt  }
0x4e: {  	_ =	shalt  }
0x4f: {  	_ =	shalt  }
0x50: {  	_ =	shalt  }
0x51: {  	_ =	shalt  }
0x52: {  	_ =	shalt  }
0x53: {  	_ =	shalt  }
0x54: {  	_ =	shalt  }
0x55: {  	_ =	shalt  }
0x56: {  	_ =	shalt  }
0x57: {  	_ =	shalt  }
0x58: {  	_ =	shalt  }
0x59: {  	_ =	shalt  }
0x5a: {  	_ =	shalt  }
0x5b: {  	_ =	shalt  }
0x5c: {  	_ =	shalt  }
0x5d: {  	_ =	shalt  }
0x5e: {  	_ =	shalt  }
0x5f: {  	_ =	shalt  }
0x60: {  	_ =	shalt  }
0x61: {  	_ =	shalt  }
0x62: {  	_ =	shalt  }
0x63: {  	_ =	shalt  }
0x64: {  	_ =	shalt  }
0x65: {  	_ =	shalt  }
0x66: {  	_ =	shalt  }
0x67: {  	_ =	shalt  }
0x68: {  	_ =	shalt  }
0x69: {  	_ =	shalt  }
0x6a: {  	_ =	shalt  }
0x6b: {  	_ =	shalt  }
0x6c: {  	_ =	shalt  }
0x6d: {  	_ =	shalt  }
0x6e: {  	_ =	shalt  }
0x6f: {  	_ =	shalt  }
0x70: {  	_ =	shalt  }
0x71: {  	_ =	shalt  }
0x72: {  	_ =	shalt  }
0x73: {  	_ =	shalt  }
0x74: {  	_ =	shalt  }
0x75: {  	_ =	shalt  }
0x76: {  	_ =	shalt  }
0x77: {  	_ =	shalt  }
0x78: {  	_ =	shalt  }
0x79: {  	_ =	shalt  }
0x7a: {  	_ =	shalt  }
0x7b: {  	_ =	shalt  }
0x7c: {  	_ =	shalt  }
0x7d: {  	_ =	shalt  }
0x7e: {  	_ =	shalt  }
0x7f: {  	_ =	shalt  }
0x80: {  	_ =	shalt  }
0x81: {  	_ =	shalt  }
0x82: {  	_ =	shalt  }
0x83: {  	_ =	shalt  }
0x84: {  	_ =	shalt  }
0x85: {  	_ =	shalt  }
0x86: {  	_ =	shalt  }
0x87: {  	_ =	shalt  }
.Lfunc_end0:
.L_simem_size_0:
called_computation.5_lowered:
.L_overlay_start_0:
0x88: {  	s2 =	sld [smem:$0x3FD9]  }
0x89: {  	s3 =	sld [smem:$0x3FFE];
	_ =	sdelay $0x1  }
0x8a: {  	s1 =	srdreg.scid  }
0x8b: {  	s0 =	sand.u32 $0x1, s1  }
0x8c: {  	s14 =	sshll.u32 s0, $0xA;
	s2 =	sadd.s32 s3, s2  }
0x8d: {  	s2 =	sadd.s32 s2, s14  }
0x8e: {  	[smem:$0x3FA5] =	sst s2  }
0x8f: {  	_ = 	snop  }
0x90: {  	s2 =	sld [smem:$0x3FD0];
	_ =	sdelay $0x2  }
0x91: {  	s15 =	simm.s32 $0xB;
	s4 =	simm.s32 $0x10  }
0x92: {  	[smem:s4], [sflag:s15] =	dma.local [hbm:s2], $0x1  }
0x93: {  	_ =	swait.eq [sflag:s15], $0x1  }
0x94: {  	[sflag:s15] =	ssyncset.done $0x0  }
0x95: {  	s16 =	sld [smem:$0x10];
	[sflag:s15] =	ssyncadd.s32 $0xFFFFFFFF  }
0x96: {  	s17 =	sld [smem:$0x11];
	(tm) =	ssettm $0x1  }
0x97: {  	s18 =	sld [smem:$0x3FFB];
	_ =	sdelay $0x3  }
0x98: {  	_ =	strace s18  }
0x99: {  	s4 =	sld [smem:$0x3FFC];
	_ =	sdelay $0x3  }
0x9a: {  	_ =	strace s4  }
0x9b: {  	s4 =	sld [smem:$0x3FFD];
	_ =	sdelay $0x3  }
0x9c: {  	_ =	strace s4  }
0x9d: {  	_ =	strace $0x8FFFFFFF  }
0x9e: {  	s19 =	sld [smem:$0x3FDB];
	_ =	sdelay $0x1  }
0x9f: {  	s5 =	simm.s32 $_scs_section_size  }
0xa0: {  	s6 =	simm.s32 $_size__tile_overlayer_lowered;
	s7 =	simm.s32 $_tile_overlayer_lowered  }
0xa1: {  	s22 =	simm.s32 $0x1BFF;
	s21 =	sshll.u32 s7, $0x1;
	s4 =	sadd.s32 s5, s19  }
0xa2: {  	s8 =	simm.s32 $0x0;
	s20 =	sshll.u32 s6, $0x1;
	s6 =	sadd.s32 s21, s4  }
0xa3: {  	[timem:s8], [sflag:s22] =	dma.local [hbm:s6], s20  }
0xa4: {  	_ =	swait.ge [sflag:s22], s20  }
0xa5: {  	s5 =	ssub.s32 $0x0, s20;
	[sflag:s22] =	ssyncset.done $0x0  }
0xa6: {  	[sflag:s22] =	ssyncadd.s32 s5;
	_ =	sdelay $0x1  }
0xa7: {  	s23 =	simm.s32 $0x1B8B  }
0xa8: {  	_ =	swait.ge [sflag:s23], $0x1  }
0xa9: {  	[sflag:s23] =	ssyncset.done $0x0  }
0xaa: {  	s25 =	simm.s32 $0x1B8E;
	s24 =	sld [smem:$0x3FFE];
	[sflag:s23] =	ssyncadd.s32 $0xFFFFFFFF  }
0xab: {  	s26 =	simm.s32 $execute0_lowered;
	[smem:$0x3FD2] =	sst s25  }
0xac: {  	s6 =	sshll.u32 s26, $0x1;
	_ =	strace $0x80000055;
	[dreg:$0x1] =	wrdreg $0xFFFFFFFF  }
0xad: {  	s28 =	simm.s32 $_size_execute0_lowered;
	s4 =	sadd.s32 s4, s6;
	[dreg:$0x0] =	wrdreg $0x0  }
0xae: {  	s6 =	sshll.u32 s28, $0x1;
	[dreg:$0x2] =	wrdreg s4  }
0xaf: {  	[dreg:$0x3] =	wrdreg s6  }
0xb0: {  	[dreg:$0x4] =	wrdreg $0xC0  }
0xb1: {  	_ =	task [dreg:s8], $0x5FFFF  }
0xb2: {  	[dreg:$0x1] =	wrdreg $0xFFFFFFFF  }
0xb3: {  	[dreg:$0x0] =	wrdreg $0x60  }
0xb4: {  	[dreg:$0x2] =	wrdreg s24  }
0xb5: {  	[dreg:$0x3] =	wrdreg s17  }
0xb6: {  	[dreg:$0x4] =	wrdreg s16  }
0xb7: {  	[dreg:$0x5] =	wrdreg $0xA2800  }
0xb8: {  	[dreg:$0x6] =	wrdreg $0x9  }
0xb9: {  	_ =	task.clear_ibuf [dreg:s8], $0x7FFFF;
	_ =	strace $0x90000055  }
0xba: {  	s29 =	simm.s32 $0x9;
	_ =	strace $0x80000057  }
0xbb: {  	_ =	swait.ge [sflag:s29], $0x1  }
0xbc: {  	[sflag:s29] =	ssyncadd.s32 $0xFFFFFFFF  }
0xbd: {  	_ =	strace $0x90000057  }
0xbe: {  	_ =	sfence  }
0xbf: {  	s30 =	sld [smem:$0x0];
	_ =	sdelay $0x2  }
0xc0: {  	s31 =	sshll.u32 s1, $0xD;
	s1 =	sshrl.u32 s1, $0x2  }
0xc1: {  	s3 =	sand.u32 $0x4000, s31;
	s1 =	sadd.s32 s1, s30  }
0xc2: {  	s0 =	sor.u32 s3, s0;
	s1 =	sshll.u32 s1, $0x11  }
0xc3: {  	s0 =	sor.u32 s1, s0  }
0xc4: {  	s0 =	sadd.s32 $0x8F2B, s0  }
0xc5: {  	[sflag:s0] =	ssyncadd.remote.s32 $0x1  }
0xc6: {  	_ =	sfence.sel $0xFFFF  }
0xc7: {  	[dreg:$0x0] =	wrdreg $0xFFFFFFFF;
	(pc) =	sbr.abs _section_cstart, $3  }
0xc8: {  	[dreg:$0x1] =	wrdreg $0xFFFFFFFF  }
0xc9: {  	_ =	task.clear_ibuf [dreg:s8], $0x2FFFF;
	_ =	strace $0x9FFFFFFF  }
0xca: {  	(tm) =	ssettm $0x7FFFFFFF  }
0xcb: {  	_ =	shalt  }
tec
execute0_lowered:
.L_overlay_start_1:
0x0: {  	(tag) =	ssettag $0x1  }
0x1: {  	s1 =	rddreg [dreg:$0x0]  }
0x2: {  	s0 =	rddreg [dreg:$0x1]  }
0x3: {  	s3 =	rddreg [dreg:$0x2]  }
0x4: {  	s2 =	srdreg.scid;
	s4 =	rddreg [dreg:$0x3]  }
0x5: {  	s20 =	stileid.u32;
	s5 =	simm.s32 $0x0;
	s28 =	simm.s32 $0x80  }
0x6: {  	s29 =	simm.s32 $0x180;
	s30 =	simm.s32 $0x100;
	s31 =	simm.s32 $0x280  }
0x7: {  	s2 =	sand.u32 $0x1, s2;
	s8 =	smul.u32 $0x14000, s20;
	[smem:$0x7FF] =	sst s5  }
0x8: {  	s6 =	sadd.s32 $0x1BE00, s1;
	s9 =	smul.u32 $0x50000, s20;
	s10 =	sadd.s32 $0x7C00, s1  }
0x9: {  	s11 =	sshll.u32 s20, $0x1;
	s26 =	sshll.u32 s20, $0x9;
	s7 =	smul.u32 $0x140000, s2  }
0xa: {  	_ =	strace $0x80000056;
	[dreg:$0x5] =	wrdreg s10;
	s21 =	ssub.s32 $0x2, s2  }
0xb: {  	s23 =	sor.u32 s2, s11;
	s2 =	sshll.u32 s2, $0x8;
	s22 =	sshrl.u32 s21, $0x1  }
0xc: {  	s9 =	sshrl.u32 s9, $0x2;
	s10 =	sxor.u32 $0x1F, s23;
	s23 =	sor.u32 s2, s26  }
0xd: {  	s26 =	simm.s32 $0x8280;
	s8 =	sadd.s32 s8, s7;
	s7 =	sadd.s32 $0x68400, s1  }
0xe: {  	s9 =	sadd.s32 s9, s4;
	[dreg:$0x6] =	wrdreg s10;
	s8 =	sshrl.u32 s8, $0x3  }
0xf: {  	s11 =	sadd.s32 $0x2000, s9;
	s12 =	sadd.s32 $0x4000, s9;
	s13 =	sadd.s32 $0x6000, s9  }
0x10: {  	s14 =	sadd.s32 $0x8000, s9;
	s15 =	sadd.s32 $0xA000, s9;
	s1 =	sadd.s32 s8, s1  }
.Ltmp0:
0x11: {  	s16 =	sadd.s32 $0xC000, s9;
	s24 =	sadd.s32 $0x90400, s1;
	(pc) =	sbr.rel .LBB2_1-.Ltmp0, $4  }
0x12: {  	s8 =	ssub.s32 s21, s22;
	s1 =	sadd.s32 $0xE0400, s1;
	[dreg:$0x7] =	wrdreg s24  }
0x13: {  	s17 =	sadd.s32 $0xE000, s9;
	s25 =	smax.u32 s8, $0x1;
	[dreg:$0x8] =	wrdreg s1  }
0x14: {  	s18 =	sadd.s32 $0x10000, s9;
	s19 =	sadd.s32 $0x12000, s9;
	[dreg:$0x9] =	wrdreg s25  }
0x15: {  	v0 =	vimm.f32 $0.0e+00;
	s24 =	simm.s32 $0x2;
	s25 =	simm.s32 $0x1;
	s1 =	simm.s32 $0x0  }
.LBB2_12:
0x16: {  	s2 =	sadd.s32 s0, s21;
	[sflag:s24] =	ssyncadd.s32 @p1 $0xFFFF8000  }
0x17: {  	[tilespmem:s28], [sflag:$0x2] =	stream.linear.gather [hbm4b:s2+s5], $0x100, $0x38;
	[tilespmem:$0x1E280] =	vst v63  }
0x18: {  	_ =	swait.ge [sflag:s24], $0x100  }
0x19: {  	[sflag:s24] =	ssyncset.done $0x0  }
0x1a: {  	s22 =	sadd.s32 s3, s21;
	[sflag:s24] =	ssyncadd.s32 $0xFFFFFF00  }
0x1b: {  	[tilespmem:s29], [sflag:$0x2] =	stream.linear.gather [hbm4b:s22+s5], $0x100, $0x38;
	[tilespmem:$0x1E280] =	vst v63  }
0x1c: {  	_ =	swait.ge [sflag:s24], $0x100  }
0x1d: {  	[sflag:s24] =	ssyncset.done $0x0  }
0x1e: {  	[sflag:s24] =	ssyncadd.s32 $0xFFFFFF00  }
0x1f: {  	[tilespmem:s31], [sflag:$0x1] =	stream.indirect.gather [hbm4b:s7+s30], $0x80, s28, s30, $0xb8;
	[tilespmem:$0x1E280] =	vst v63  }
0x20: {  	_ =	swait.ge [sflag:s25], $0x8000  }
0x21: {  	[sflag:s25] =	ssyncset.done $0x0  }
0x22: {  	[sflag:s25] =	ssyncadd.s32 $0xFFFF8000  }
0x23: {  	[spmem:s4] =	stream.indirect.scatter.add.f32 [tilespmem:s31], [sflag:$0x2], $0x80, s29, s30, $0xb8;
	[tilespmem:$0x1E280] =	vst v63  }
0x24: {  	_ =	swait.ge [sflag:s24], $0x8000  }
0x25: {  	[sflag:s24] =	ssyncset.done $0x0  }
0x26: {  	[sflag:s24] =	ssyncadd.s32 $0xFFFF8000  }
.LBB2_13:
0x27: {  	[bflag:$0x0] =	sbarrier.arrive $0xFFFF  }
0x28: {  	s2 =	rddreg [dreg:$0x8]  }
0x29: {  	[hbm:s2], [sflag:s10] =	dma.local [spmem:s20], $0x2800  }
0x2a: {  	_ =	swait.ge [sflag:s24], $0x2800  }
0x2b: {  	s1 =	sadd.s32 $0x1, s1;
	s22 =	rddreg [dreg:$0x9]  }
0x2c: {  	p0 =	sne.s32 s1, s22  }
.Ltmp1:
0x2d: {  	_ = 	snop;
	(pc) =	sbr.rel @!p0 .LBB2_14-.Ltmp1, $3  }
0x2e: {  	[sflag:s24] =	ssyncset.done $0x0  }
0x2f: {  	[sflag:s24] =	ssyncadd.s32 $0xFFFFD800  }
0x30: {  	[bflag:$0x0] =	sbarrier.arrive $0xFFFF;
	_ =	sdelay $0x1  }
.LBB2_1:
0x31: {  	s2 =	rddreg [dreg:$0x5]  }
0x32: {  	[tilespmem:s5], [sflag:$0x2] =	stream.linear.gather [hbm4b:s2+s5], $0x80, $0x38;
	[tilespmem:$0x1E280] =	vst v63  }
0x33: {  	_ =	swait.ge [sflag:s24], $0x80  }
0x34: {  	[sflag:s24] =	ssyncset.done $0x0  }
0x35: {  	s8 =	simm.s32 $0x200;
	s2 =	simm.s32 $0x0;
	[sflag:s24] =	ssyncadd.s32 $0xFFFFFF80  }
.LBB2_2:
0x36: {  	p0 =	sne.s32 s8, $0x7E00;
	[tilespmem:s2+$0x82F0] =	vst v0  }
0x37: {  	[tilespmem:s2+$0x8280] =	vst v0  }
0x38: {  	[tilespmem:s2+$0x8290] =	vst v0  }
.Ltmp2:
0x39: {  	[tilespmem:s2+$0x82A0] =	vst v0;
	(pc) =	sbr.rel @p0 .LBB2_2-.Ltmp2, $4  }
0x3a: {  	[tilespmem:s2+$0x82B0] =	vst v0  }
0x3b: {  	[tilespmem:s2+$0x82C0] =	vst v0  }
0x3c: {  	[tilespmem:s2+$0x82D0] =	vst v0  }
0x3d: {  	[tilespmem:s2+$0x82E0] =	vst v0;
	s2 =	sshra.s32 s8, $0x2;
	s8 =	sadd.s32 $0x200, s8  }
0x3e: {  	[tilespmem:s2+$0x82F0] =	vst v0  }
0x3f: {  	[tilespmem:s2+$0x8280] =	vst v0  }
0x40: {  	[tilespmem:s2+$0x8290] =	vst v0  }
0x41: {  	[tilespmem:s2+$0x82A0] =	vst v0  }
0x42: {  	[tilespmem:s2+$0x82B0] =	vst v0  }
0x43: {  	[tilespmem:s2+$0x82C0] =	vst v0  }
0x44: {  	[tilespmem:s2+$0x82D0] =	vst v0  }
0x45: {  	[tilespmem:s2+$0x82E0] =	vst v0  }
0x46: {  	v1 =	vld [tilespmem:$0x0];
	_ =	sdelay $0x4  }
0x47: {  	(v2sf) =	vpush v1, $0x0  }
0x48: {  	(v2sf) =	vpush v1, $0x1;
	_ =	sdelay $0xc  }
0x49: {  	[spmem:s9] =	stream.linear.scatter [tilespmem:s26], [sflag:$0x2], $0x2000, $0x38;
	[tilespmem:$0x1E280] =	vst v63  }
0x4a: {  	s10 =	spop (v2sf)  }
0x4b: {  	s21 =	spop (v2sf)  }
0x4c: {  	_ =	swait.ge [sflag:s24], $0x2000  }
0x4d: {  	[sflag:s24] =	ssyncset.done $0x0  }
0x4e: {  	[sflag:s24] =	ssyncadd.s32 $0xFFFFE000  }
0x4f: {  	[spmem:s11] =	stream.linear.scatter [tilespmem:s26], [sflag:$0x2], $0x2000, $0x38;
	[tilespmem:$0x1E280] =	vst v63  }
0x50: {  	_ =	swait.ge [sflag:s24], $0x2000  }
0x51: {  	[sflag:s24] =	ssyncset.done $0x0  }
0x52: {  	[sflag:s24] =	ssyncadd.s32 $0xFFFFE000  }
0x53: {  	[spmem:s12] =	stream.linear.scatter [tilespmem:s26], [sflag:$0x2], $0x2000, $0x38;
	[tilespmem:$0x1E280] =	vst v63  }
0x54: {  	_ =	swait.ge [sflag:s24], $0x2000  }
0x55: {  	[sflag:s24] =	ssyncset.done $0x0  }
0x56: {  	[sflag:s24] =	ssyncadd.s32 $0xFFFFE000  }
0x57: {  	[spmem:s13] =	stream.linear.scatter [tilespmem:s26], [sflag:$0x2], $0x2000, $0x38;
	[tilespmem:$0x1E280] =	vst v63  }
0x58: {  	_ =	swait.ge [sflag:s24], $0x2000  }
0x59: {  	[sflag:s24] =	ssyncset.done $0x0  }
0x5a: {  	[sflag:s24] =	ssyncadd.s32 $0xFFFFE000  }
0x5b: {  	[spmem:s14] =	stream.linear.scatter [tilespmem:s26], [sflag:$0x2], $0x2000, $0x38;
	[tilespmem:$0x1E280] =	vst v63  }
0x5c: {  	_ =	swait.ge [sflag:s24], $0x2000  }
0x5d: {  	[sflag:s24] =	ssyncset.done $0x0  }
0x5e: {  	[sflag:s24] =	ssyncadd.s32 $0xFFFFE000  }
0x5f: {  	[spmem:s15] =	stream.linear.scatter [tilespmem:s26], [sflag:$0x2], $0x2000, $0x38;
	[tilespmem:$0x1E280] =	vst v63  }
0x60: {  	_ =	swait.ge [sflag:s24], $0x2000  }
0x61: {  	[sflag:s24] =	ssyncset.done $0x0  }
0x62: {  	[sflag:s24] =	ssyncadd.s32 $0xFFFFE000  }
0x63: {  	[spmem:s16] =	stream.linear.scatter [tilespmem:s26], [sflag:$0x2], $0x2000, $0x38;
	[tilespmem:$0x1E280] =	vst v63  }
0x64: {  	_ =	swait.ge [sflag:s24], $0x2000  }
0x65: {  	[sflag:s24] =	ssyncset.done $0x0  }
0x66: {  	[sflag:s24] =	ssyncadd.s32 $0xFFFFE000  }
0x67: {  	[spmem:s17] =	stream.linear.scatter [tilespmem:s26], [sflag:$0x2], $0x2000, $0x38;
	[tilespmem:$0x1E280] =	vst v63  }
0x68: {  	_ =	swait.ge [sflag:s24], $0x2000  }
0x69: {  	s8 =	rddreg [dreg:$0x6];
	[sflag:s24] =	ssyncset.done $0x0  }
0x6a: {  	s2 =	sadd.s32 s8, s21;
	[sflag:s24] =	ssyncadd.s32 $0xFFFFE000  }
0x6b: {  	[spmem:s18] =	stream.linear.scatter [tilespmem:s26], [sflag:$0x2], $0x2000, $0x38;
	[tilespmem:$0x1E280] =	vst v63  }
0x6c: {  	s8 =	sand.u32 $0x1F, s2;
	s22 =	sshra.s32 s2, $0x1F;
	p1 =	slt.s32 s2, $0x1  }
0x6d: {  	p0 =	sne.s32 s8, $0x0;
	_ =	swait.ge [sflag:s24], $0x2000;
	s8 =	sshrl.u32 s22, $0x1B  }
0x6e: {  	[sflag:s24] =	ssyncset.done $0x0;
	s2 =	sadd.s32 s8, s2;
	p0 =	por !p1, !p0  }
0x6f: {  	s8 =	simm.s32 $0x1;
	[sflag:s24] =	ssyncadd.s32 $0xFFFFE000;
	p0 =	por !p0, !p0  }
0x70: {  	[spmem:s19] =	stream.linear.scatter [tilespmem:s26], [sflag:$0x2], $0x2000, $0x38;
	[tilespmem:$0x1E280] =	vst v63  }
0x71: {  	s2 =	sshra.s32 s2, $0x5;
	s8 =	simm.s32 @!p0 $0x0  }
0x72: {  	s8 =	ssub.s32 s2, s8  }
0x73: {  	p1 =	slt.s32 s8, $0x1  }
.Ltmp3:
0x74: {  	_ =	swait.ge [sflag:s24], $0x2000;
	(pc) =	sbr.rel @p1 .LBB2_8-.Ltmp3, $4  }
0x75: {  	[sflag:s24] =	ssyncset.done $0x0  }
0x76: {  	[sflag:s24] =	ssyncadd.s32 $0xFFFFE000  }
0x77: {  	[bflag:$0x0] =	sbarrier.arrive $0xFFFF  }
0x78: {  	s2 =	sadd.s32 s10, s23;
	p0 =	sne.s32 s8, $0x1;
	s8 =	sadd.s32 $0xFFFFFFFF, s8  }
.Ltmp4:
0x79: {  	(pc) =	sbr.rel @!p0 .LBB2_7-.Ltmp4, $3  }
0x7a: {  	_ =	sdelay $0x1  }
0x7b: {  	s20 =	sadd.s32 s10, s23  }
0x7c: {  	p2 =	por $0x0, $0x0;
	s21 =	sshrl.u32 s20, $0x3  }
0x7d: {  	s10 =	sadd.s32 s0, s21  }
0x7e: {  	[tilespmem:s28], [sflag:$0x2] =	stream.linear.gather [hbm4b:s10+s5], $0x100, $0x38;
	[tilespmem:$0x1E280] =	vst v63  }
0x7f: {  	_ =	swait.ge [sflag:s24], $0x100  }
0x80: {  	[sflag:s24] =	ssyncset.done $0x0  }
0x81: {  	s22 =	sadd.s32 s3, s21;
	[sflag:s24] =	ssyncadd.s32 $0xFFFFFF00  }
0x82: {  	[tilespmem:s29], [sflag:$0x2] =	stream.linear.gather [hbm4b:s22+s5], $0x100, $0x38;
	[tilespmem:$0x1E280] =	vst v63  }
0x83: {  	_ =	swait.ge [sflag:s24], $0x100  }
0x84: {  	[sflag:s24] =	ssyncset.done $0x0  }
0x85: {  	[sflag:s24] =	ssyncadd.s32 $0xFFFFFF00  }
0x86: {  	[tilespmem:s31], [sflag:$0x1] =	stream.indirect.gather [hbm4b:s6+s30], $0x80, s28, s30, $0xb8;
	[tilespmem:$0x1E280] =	vst v63  }
0x87: {  	p3 =	sne.s32 s8, $0x1;
	_ =	swait.ge [sflag:s25], $0x8000  }
.Ltmp5:
0x88: {  	[sflag:s25] =	ssyncset.done $0x0;
	(pc) =	sbr.rel @!p3 .LBB2_7-.Ltmp5, $4  }
0x89: {  	[sflag:s25] =	ssyncadd.s32 $0xFFFF8000  }
0x8a: {  	[spmem:s4] =	stream.indirect.scatter.add.f32 [tilespmem:s31], [sflag:$0x2], $0x80, s29, s30, $0xb8;
	[tilespmem:$0x1E280] =	vst v63  }
0x8b: {  	s20 =	sadd.s32 $0x2000, s20;
	p2 =	por $0x1, $0x1;
	_ =	swait.ge [sflag:s24], $0x8000  }
0x8c: {  	s10 =	sadd.s32 $0xFFFFFFFF, s8;
	s21 =	sshrl.u32 s20, $0x3;
	[sflag:s24] =	ssyncset.done $0x0  }
.LBB2_6:
0x8d: {  	p3 =	sne.s32 s10, $0x1;
	s22 =	sadd.s32 s0, s21;
	[sflag:s24] =	ssyncadd.s32 $0xFFFF8000  }
0x8e: {  	[tilespmem:s28], [sflag:$0x2] =	stream.linear.gather [hbm4b:s22+s5], $0x100, $0x38;
	[tilespmem:$0x1E280] =	vst v63  }
0x8f: {  	s10 =	sadd.s32 $0xFFFFFFFF, s10;
	_ =	swait.ge [sflag:s24], $0x100  }
0x90: {  	[sflag:s24] =	ssyncset.done $0x0  }
0x91: {  	s21 =	sadd.s32 s3, s21;
	[sflag:s24] =	ssyncadd.s32 $0xFFFFFF00  }
0x92: {  	[tilespmem:s29], [sflag:$0x2] =	stream.linear.gather [hbm4b:s21+s5], $0x100, $0x38;
	[tilespmem:$0x1E280] =	vst v63  }
0x93: {  	_ =	swait.ge [sflag:s24], $0x100  }
0x94: {  	[sflag:s24] =	ssyncset.done $0x0  }
0x95: {  	[sflag:s24] =	ssyncadd.s32 $0xFFFFFF00  }
0x96: {  	[tilespmem:s31], [sflag:$0x1] =	stream.indirect.gather [hbm4b:s6+s30], $0x80, s28, s30, $0xb8;
	[tilespmem:$0x1E280] =	vst v63  }
0x97: {  	_ =	swait.ge [sflag:s25], $0x8000  }
.Ltmp6:
0x98: {  	[sflag:s25] =	ssyncset.done $0x0;
	(pc) =	sbr.rel @p3 .LBB2_6-.Ltmp6, $4  }
0x99: {  	[sflag:s25] =	ssyncadd.s32 $0xFFFF8000  }
0x9a: {  	[spmem:s4] =	stream.indirect.scatter.add.f32 [tilespmem:s31], [sflag:$0x2], $0x80, s29, s30, $0xb8;
	[tilespmem:$0x1E280] =	vst v63  }
0x9b: {  	s20 =	sadd.s32 $0x2000, s20;
	_ =	swait.ge [sflag:s24], $0x8000  }
0x9c: {  	s21 =	sshrl.u32 s20, $0x3;
	[sflag:s24] =	ssyncset.done $0x0  }
.LBB2_7:
0x9d: {  	s10 =	sadd.s32 s0, s21;
	[sflag:s24] =	ssyncadd.s32 @p2 $0xFFFF8000  }
0x9e: {  	[tilespmem:s28], [sflag:$0x2] =	stream.linear.gather [hbm4b:s10+s5], $0x100, $0x38;
	[tilespmem:$0x1E280] =	vst v63  }
0x9f: {  	_ =	swait.ge [sflag:s24], $0x100  }
0xa0: {  	[sflag:s24] =	ssyncset.done $0x0  }
0xa1: {  	s22 =	sadd.s32 s3, s21;
	[sflag:s24] =	ssyncadd.s32 $0xFFFFFF00  }
0xa2: {  	[tilespmem:s29], [sflag:$0x2] =	stream.linear.gather [hbm4b:s22+s5], $0x100, $0x38;
	[tilespmem:$0x1E280] =	vst v63  }
0xa3: {  	_ =	swait.ge [sflag:s24], $0x100  }
0xa4: {  	[sflag:s24] =	ssyncset.done $0x0  }
0xa5: {  	[sflag:s24] =	ssyncadd.s32 $0xFFFFFF00  }
0xa6: {  	[tilespmem:s31], [sflag:$0x1] =	stream.indirect.gather [hbm4b:s6+s30], $0x80, s28, s30, $0xb8;
	[tilespmem:$0x1E280] =	vst v63  }
0xa7: {  	_ =	swait.ge [sflag:s25], $0x8000  }
0xa8: {  	[sflag:s25] =	ssyncset.done $0x0  }
0xa9: {  	[sflag:s25] =	ssyncadd.s32 $0xFFFF8000  }
0xaa: {  	[spmem:s4] =	stream.indirect.scatter.add.f32 [tilespmem:s31], [sflag:$0x2], $0x80, s29, s30, $0xb8;
	[tilespmem:$0x1E280] =	vst v63  }
0xab: {  	_ =	swait.ge [sflag:s24], $0x8000  }
0xac: {  	[sflag:s24] =	ssyncset.done $0x0  }
0xad: {  	[sflag:s24] =	ssyncadd.s32 $0xFFFF8000  }
.LBB2_8:
0xae: {  	s10 =	stileid.u32  }
0xaf: {  	[bflag:$0x0] =	sbarrier.arrive $0xFFFF;
	s10 =	sshll.u32 s10, $0x6  }
0xb0: {  	s20 =	sshrl.u32 s9, $0x3;
	s21 =	rddreg [dreg:$0x7];
	s10 =	sor.u32 $0x1C02, s10  }
0xb1: {  	[hbm:s21], [sflag:s10] =	dma.local [spmem:s20], $0x2800  }
0xb2: {  	_ =	swait.ge [sflag:s24], $0x2800  }
0xb3: {  	[sflag:s24] =	ssyncset.done $0x0  }
0xb4: {  	[sflag:s24] =	ssyncadd.s32 $0xFFFFD800  }
0xb5: {  	[bflag:$0x0] =	sbarrier.arrive $0xFFFF  }
0xb6: {  	[spmem:s9] =	stream.linear.scatter [tilespmem:s26], [sflag:$0x2], $0x2000, $0x38;
	[tilespmem:$0x1E280] =	vst v63  }
0xb7: {  	_ =	swait.ge [sflag:s24], $0x2000  }
0xb8: {  	[sflag:s24] =	ssyncset.done $0x0  }
0xb9: {  	[sflag:s24] =	ssyncadd.s32 $0xFFFFE000  }
0xba: {  	[spmem:s11] =	stream.linear.scatter [tilespmem:s26], [sflag:$0x2], $0x2000, $0x38;
	[tilespmem:$0x1E280] =	vst v63  }
0xbb: {  	_ =	swait.ge [sflag:s24], $0x2000  }
0xbc: {  	[sflag:s24] =	ssyncset.done $0x0  }
0xbd: {  	[sflag:s24] =	ssyncadd.s32 $0xFFFFE000  }
0xbe: {  	[spmem:s12] =	stream.linear.scatter [tilespmem:s26], [sflag:$0x2], $0x2000, $0x38;
	[tilespmem:$0x1E280] =	vst v63  }
0xbf: {  	_ =	swait.ge [sflag:s24], $0x2000  }
0xc0: {  	[sflag:s24] =	ssyncset.done $0x0  }
0xc1: {  	[sflag:s24] =	ssyncadd.s32 $0xFFFFE000  }
0xc2: {  	[spmem:s13] =	stream.linear.scatter [tilespmem:s26], [sflag:$0x2], $0x2000, $0x38;
	[tilespmem:$0x1E280] =	vst v63  }
0xc3: {  	_ =	swait.ge [sflag:s24], $0x2000  }
0xc4: {  	[sflag:s24] =	ssyncset.done $0x0  }
0xc5: {  	[sflag:s24] =	ssyncadd.s32 $0xFFFFE000  }
0xc6: {  	[spmem:s14] =	stream.linear.scatter [tilespmem:s26], [sflag:$0x2], $0x2000, $0x38;
	[tilespmem:$0x1E280] =	vst v63  }
0xc7: {  	_ =	swait.ge [sflag:s24], $0x2000  }
0xc8: {  	[sflag:s24] =	ssyncset.done $0x0  }
0xc9: {  	[sflag:s24] =	ssyncadd.s32 $0xFFFFE000  }
0xca: {  	[spmem:s15] =	stream.linear.scatter [tilespmem:s26], [sflag:$0x2], $0x2000, $0x38;
	[tilespmem:$0x1E280] =	vst v63  }
0xcb: {  	_ =	swait.ge [sflag:s24], $0x2000  }
0xcc: {  	[sflag:s24] =	ssyncset.done $0x0  }
0xcd: {  	[sflag:s24] =	ssyncadd.s32 $0xFFFFE000  }
0xce: {  	[spmem:s16] =	stream.linear.scatter [tilespmem:s26], [sflag:$0x2], $0x2000, $0x38;
	[tilespmem:$0x1E280] =	vst v63  }
0xcf: {  	_ =	swait.ge [sflag:s24], $0x2000  }
0xd0: {  	[sflag:s24] =	ssyncset.done $0x0  }
0xd1: {  	[sflag:s24] =	ssyncadd.s32 $0xFFFFE000  }
0xd2: {  	[spmem:s17] =	stream.linear.scatter [tilespmem:s26], [sflag:$0x2], $0x2000, $0x38;
	[tilespmem:$0x1E280] =	vst v63  }
0xd3: {  	_ =	swait.ge [sflag:s24], $0x2000  }
0xd4: {  	[sflag:s24] =	ssyncset.done $0x0  }
0xd5: {  	[sflag:s24] =	ssyncadd.s32 $0xFFFFE000  }
0xd6: {  	[spmem:s18] =	stream.linear.scatter [tilespmem:s26], [sflag:$0x2], $0x2000, $0x38;
	[tilespmem:$0x1E280] =	vst v63  }
0xd7: {  	_ =	swait.ge [sflag:s24], $0x2000  }
0xd8: {  	[sflag:s24] =	ssyncset.done $0x0  }
0xd9: {  	[sflag:s24] =	ssyncadd.s32 $0xFFFFE000  }
0xda: {  	[spmem:s19] =	stream.linear.scatter [tilespmem:s26], [sflag:$0x2], $0x2000, $0x38;
	[tilespmem:$0x1E280] =	vst v63  }
.Ltmp7:
0xdb: {  	_ =	swait.ge [sflag:s24], $0x2000;
	(pc) =	sbr.rel @p1 .LBB2_13-.Ltmp7, $3  }
0xdc: {  	[sflag:s24] =	ssyncset.done $0x0  }
0xdd: {  	[sflag:s24] =	ssyncadd.s32 $0xFFFFE000  }
0xde: {  	[bflag:$0x0] =	sbarrier.arrive $0xFFFF;
	_ =	sdelay $0x1  }
.Ltmp8:
0xdf: {  	(pc) =	sbr.rel @!p0 .LBB2_12-.Ltmp8, $2  }
0xe0: {  	_ =	sdelay $0x2  }
0xe1: {  	s21 =	sshrl.u32 s2, $0x3;
	p1 =	por $0x0, $0x0  }
0xe2: {  	s22 =	sadd.s32 s0, s21  }
0xe3: {  	[tilespmem:s28], [sflag:$0x2] =	stream.linear.gather [hbm4b:s22+s5], $0x100, $0x38;
	[tilespmem:$0x1E280] =	vst v63  }
0xe4: {  	_ =	swait.ge [sflag:s24], $0x100  }
0xe5: {  	[sflag:s24] =	ssyncset.done $0x0  }
0xe6: {  	s22 =	sadd.s32 s3, s21;
	[sflag:s24] =	ssyncadd.s32 $0xFFFFFF00  }
0xe7: {  	[tilespmem:s29], [sflag:$0x2] =	stream.linear.gather [hbm4b:s22+s5], $0x100, $0x38;
	[tilespmem:$0x1E280] =	vst v63  }
0xe8: {  	_ =	swait.ge [sflag:s24], $0x100  }
0xe9: {  	[sflag:s24] =	ssyncset.done $0x0  }
0xea: {  	[sflag:s24] =	ssyncadd.s32 $0xFFFFFF00  }
0xeb: {  	[tilespmem:s31], [sflag:$0x1] =	stream.indirect.gather [hbm4b:s7+s30], $0x80, s28, s30, $0xb8;
	[tilespmem:$0x1E280] =	vst v63  }
0xec: {  	p0 =	sne.s32 s8, $0x1;
	_ =	swait.ge [sflag:s25], $0x8000  }
.Ltmp9:
0xed: {  	[sflag:s25] =	ssyncset.done $0x0;
	(pc) =	sbr.rel @!p0 .LBB2_12-.Ltmp9, $4  }
0xee: {  	[sflag:s25] =	ssyncadd.s32 $0xFFFF8000  }
0xef: {  	[spmem:s4] =	stream.indirect.scatter.add.f32 [tilespmem:s31], [sflag:$0x2], $0x80, s29, s30, $0xb8;
	[tilespmem:$0x1E280] =	vst v63  }
0xf0: {  	s8 =	sadd.s32 $0xFFFFFFFF, s8;
	s2 =	sadd.s32 $0x2000, s2;
	_ =	swait.ge [sflag:s24], $0x8000  }
0xf1: {  	p1 =	por $0x1, $0x1;
	s21 =	sshrl.u32 s2, $0x3;
	[sflag:s24] =	ssyncset.done $0x0  }
.LBB2_11:
0xf2: {  	p0 =	sne.s32 s8, $0x1;
	s22 =	sadd.s32 s0, s21;
	[sflag:s24] =	ssyncadd.s32 $0xFFFF8000  }
0xf3: {  	[tilespmem:s28], [sflag:$0x2] =	stream.linear.gather [hbm4b:s22+s5], $0x100, $0x38;
	[tilespmem:$0x1E280] =	vst v63  }
0xf4: {  	s8 =	sadd.s32 $0xFFFFFFFF, s8;
	_ =	swait.ge [sflag:s24], $0x100  }
0xf5: {  	[sflag:s24] =	ssyncset.done $0x0  }
0xf6: {  	s21 =	sadd.s32 s3, s21;
	[sflag:s24] =	ssyncadd.s32 $0xFFFFFF00  }
0xf7: {  	[tilespmem:s29], [sflag:$0x2] =	stream.linear.gather [hbm4b:s21+s5], $0x100, $0x38;
	[tilespmem:$0x1E280] =	vst v63  }
0xf8: {  	_ =	swait.ge [sflag:s24], $0x100  }
0xf9: {  	[sflag:s24] =	ssyncset.done $0x0  }
0xfa: {  	[sflag:s24] =	ssyncadd.s32 $0xFFFFFF00  }
0xfb: {  	[tilespmem:s31], [sflag:$0x1] =	stream.indirect.gather [hbm4b:s7+s30], $0x80, s28, s30, $0xb8;
	[tilespmem:$0x1E280] =	vst v63  }
0xfc: {  	_ =	swait.ge [sflag:s25], $0x8000  }
.Ltmp10:
0xfd: {  	[sflag:s25] =	ssyncset.done $0x0;
	(pc) =	sbr.rel @p0 .LBB2_11-.Ltmp10, $4  }
0xfe: {  	[sflag:s25] =	ssyncadd.s32 $0xFFFF8000  }
0xff: {  	[spmem:s4] =	stream.indirect.scatter.add.f32 [tilespmem:s31], [sflag:$0x2], $0x80, s29, s30, $0xb8;
	[tilespmem:$0x1E280] =	vst v63  }
0x100: {  	s2 =	sadd.s32 $0x2000, s2;
	_ =	swait.ge [sflag:s24], $0x8000  }
0x101: {  	s21 =	sshrl.u32 s2, $0x3;
	[sflag:s24] =	ssyncset.done $0x0  }
.Ltmp11:
0x102: {  	_ = 	snop;
	(pc) =	sbr.rel .LBB2_12-.Ltmp11, $1  }
0x103: {  	_ =	sdelay $0x3  }
.LBB2_14:
0x104: {  	_ =	sfence.sel $0x180000  }
0x105: {  	[bflag:$0x0] =	sbarrier.arrive $0xFFFF  }
0x106: {  	_ =	strace $0x90000056  }
0x107: {  	s0 =	stileid.u32;
	[bflag:$0x2] =	sbarrier.arrive $0xFFFF  }
0x108: {  	p0 =	sne.s32 s0, $0x0;
	s0 =	rddreg [dreg:$0x4]  }
0x109: {  	s0 =	sadd.s32 @!p0 $0x100000, s0  }
0x10a: {  	[sflag:s0] =	ssyncadd.tile.s32 @!p0 $0x1;
	_ =	shalt  }
.Lfunc_end2:
_tile_overlayer_lowered:
.L_overlay_start_2:
0x10b: {  	(tag) =	ssettag $0x2  }
0x10c: {  	s0 =	rddreg [dreg:$0x0];
	s2 =	stileid.u32  }
0x10d: {  	s1 =	rddreg [dreg:$0x1];
	p0 =	sne.s32 s2, $0x0  }
0x10e: {  	s3 =	rddreg [dreg:$0x2];
	[bflag:$0x3] =	sbarrier.arrive $0xFFFF;
	s2 =	simm.s32 @!p0 $0x1C02  }
0x10f: {  	[timem:s3], [sflag:s2] =	dma.local @!p0 [hbm:s0], s1  }
0x110: {  	s0 =	simm.s32 @!p0 $0x2  }
0x111: {  	_ =	swait.ge @!p0 [sflag:s0], s1  }
0x112: {  	s1 =	ssub.s32 @!p0 $0x0, s1;
	[sflag:s0] =	ssyncset.done @!p0 $0x0  }
0x113: {  	[sflag:s0] =	ssyncadd.s32 @!p0 s1  }
0x114: {  	[bflag:$0x3] =	sbarrier.arrive $0xFFFF  }
0x115: {  	_ =	shalt  }

// kernel: gather_offload_async_start.1
scs
__scs_entry_jumppad:
0x0: {  	(pc) =	sbr.rel $0x88, $3  }
0x1: {  	(tag) =	ssettag $0x0;
	lr =	simm.s32 $0x1  }
0x2: {  	[smem:$0x3F7E] =	sst lr;
	_ =	strace $0xD0000000  }
0x3: {  	_ = 	snop  }
0x4: {  	_ = 	snop  }
0x5: {  	_ = 	snop  }
0x6: {  	_ = 	snop  }
0x7: {  	_ = 	snop  }
__scs_overlays_trampoline_lowered:
0x8: {  	[smem:$0x3F8D] =	sst s0  }
0x9: {  	[smem:$0x3F8E] =	sst s1  }
0xa: {  	[smem:$0x3F8F] =	sst s2  }
0xb: {  	[smem:$0x3F90] =	sst s3  }
0xc: {  	[smem:$0x3F91] =	sst s4  }
0xd: {  	[smem:$0x3F92] =	sst s5  }
0xe: {  	[smem:$0x3F93] =	sst s6  }
0xf: {  	[smem:$0x3F94] =	sst s7  }
0x10: {  	[smem:$0x3F95] =	sst s8  }
0x11: {  	[smem:$0x3F96] =	sst s9;
	s0 =	simm.s32 @!p0 $0x0  }
0x12: {  	s1 =	sld [smem:$0x3F7C];
	s0 =	simm.s32 @p0 $0x1  }
0x13: {  	[smem:$0x3F97] =	sst s0;
	s0 =	simm.s32 @!p1 $0x0  }
0x14: {  	s2 =	sld [smem:$0x3F7B];
	s0 =	simm.s32 @p1 $0x1  }
0x15: {  	[smem:$0x3F98] =	sst s0;
	s0 =	simm.s32 @!p2 $0x0  }
0x16: {  	s3 =	sld [smem:$0x3FDB];
	s0 =	simm.s32 @p2 $0x1  }
0x17: {  	s4 =	simm.s32 $0x1BF5;
	[smem:$0x3F9A] =	sst s0  }
0x18: {  	s0 =	sld [smem:$0x3F7D];
	_ =	swait.ge [sflag:s4], $0x0  }
0x19: {  	s7 =	sld [smem:$0x3F7E]  }
0x1a: {  	s8 =	sadd.s32 $0xFFFFE003, lr  }
0x1b: {  	s9 =	sadd.s32 $0xFFFFFEF7, lr;
	s5 =	simm.s32 $0xFFFFFFFF;
	p2 =	slt.u32 s8, $0xFFFFF086  }
0x1c: {  	p1 =	slt.u32 s9, $0xF7A;
	s5 =	simm.s32 @!p2 $0x0  }
0x1d: {  	s5 =	simm.s32 @p1 $0x1;
	p0 =	seq.s32 s7, s2  }
0x1e: {  	s7 =	smul.u32 @!p0 $0xF7A, s2;
	p2 =	seq.s32 @!p0 s5, $0x0  }
0x1f: {  	s9 =	smul.u32 $0xF7A, s1;
	s8 =	simm.s32 @!p0 $0x1BF5;
	p2 =	por !p2, p0  }
0x20: {  	[sflag:s8] =	ssyncset.s32 @!p0 $0xFFFFF086;
	s6 =	sadd.s32 @!p0 s3, s7;
	s7 =	simm.s32 @!p0 $0x108  }
0x21: {  	s3 =	sadd.s32 s3, s9;
	s6 =	sadd.s32 @!p0 $0x88, s6;
	s7 =	simm.s32 @p2 $0x1082  }
0x22: {  	[simem:s7], [sflag:s8] =	dma.local @!p0 [hbm:s6], $0xF7A  }
0x23: {  	s9 =	sor.u32 $0xD0000000, s2;
	s6 =	simm.s32 $0x108;
	_ =	swait.ge @!p0 [sflag:s8], $0x0  }
0x24: {  	s3 =	sadd.s32 $0x88, s3;
	s6 =	simm.s32 @!p1 $0x1082;
	[sflag:s4] =	ssyncset.s32 $0xFFFFF086  }
0x25: {  	[simem:s6], [sflag:s4] =	dma.local [hbm:s3], $0xF7A  }
0x26: {  	[smem:$0x3F7E] =	sst s1;
	(tag) =	ssettag s2;
	_ =	strace s9  }
0x27: {  	s1 =	sld [smem:$0x3F8E]  }
0x28: {  	s2 =	sld [smem:$0x3F8F]  }
0x29: {  	s4 =	sld [smem:$0x3F91]  }
0x2a: {  	p0 =	seq.s32 s5, $0x0;
	s5 =	sld [smem:$0x3F92]  }
0x2b: {  	s6 =	sld [smem:$0x3F93]  }
0x2c: {  	s7 =	sld [smem:$0x3F94]  }
0x2d: {  	s3 =	simm.s32 $0x108;
	s8 =	sld [smem:$0x3F95]  }
0x2e: {  	s3 =	simm.s32 @!p0 $0x1082;
	s9 =	sld [smem:$0x3F96]  }
0x2f: {  	lr =	sadd.s32 s0, s3;
	s0 =	sld [smem:$0x3F8D]  }
0x30: {  	s3 =	sld [smem:$0x3F90]  }
0x31: {  	[smem:$0x3F99] =	sst s10  }
0x32: {  	s10 =	sld [smem:$0x3F97];
	_ =	sdelay $0x3  }
0x33: {  	p0 =	seq.s32 s10, $0x1;
	s10 =	sld [smem:$0x3F99];
	_ =	sdelay $0x3  }
0x34: {  	[smem:$0x3F99] =	sst s10  }
0x35: {  	s10 =	sld [smem:$0x3F98];
	_ =	sdelay $0x3  }
0x36: {  	p1 =	seq.s32 s10, $0x1;
	s10 =	sld [smem:$0x3F99];
	_ =	sdelay $0x3  }
0x37: {  	[smem:$0x3F99] =	sst s10  }
0x38: {  	s10 =	sld [smem:$0x3F9A]  }
0x39: {  	_ = 	snop;
	(pc) =	sbr.ind lr, $3  }
0x3a: {  	_ = 	snop  }
0x3b: {  	_ = 	snop  }
0x3c: {  	p2 =	seq.s32 s10, $0x1;
	s10 =	sld [smem:$0x3F99]  }
0x3d: {  	_ =	shalt  }
0x3e: {  	_ =	shalt  }
0x3f: {  	_ =	shalt  }
0x40: {  	_ =	shalt  }
0x41: {  	_ =	shalt  }
0x42: {  	_ =	shalt  }
0x43: {  	_ =	shalt  }
0x44: {  	_ =	shalt  }
0x45: {  	_ =	shalt  }
0x46: {  	_ =	shalt  }
0x47: {  	_ =	shalt  }
0x48: {  	_ =	shalt  }
0x49: {  	_ =	shalt  }
0x4a: {  	_ =	shalt  }
0x4b: {  	_ =	shalt  }
0x4c: {  	_ =	shalt  }
0x4d: {  	_ =	shalt  }
0x4e: {  	_ =	shalt  }
0x4f: {  	_ =	shalt  }
0x50: {  	_ =	shalt  }
0x51: {  	_ =	shalt  }
0x52: {  	_ =	shalt  }
0x53: {  	_ =	shalt  }
0x54: {  	_ =	shalt  }
0x55: {  	_ =	shalt  }
0x56: {  	_ =	shalt  }
0x57: {  	_ =	shalt  }
0x58: {  	_ =	shalt  }
0x59: {  	_ =	shalt  }
0x5a: {  	_ =	shalt  }
0x5b: {  	_ =	shalt  }
0x5c: {  	_ =	shalt  }
0x5d: {  	_ =	shalt  }
0x5e: {  	_ =	shalt  }
0x5f: {  	_ =	shalt  }
0x60: {  	_ =	shalt  }
0x61: {  	_ =	shalt  }
0x62: {  	_ =	shalt  }
0x63: {  	_ =	shalt  }
0x64: {  	_ =	shalt  }
0x65: {  	_ =	shalt  }
0x66: {  	_ =	shalt  }
0x67: {  	_ =	shalt  }
0x68: {  	_ =	shalt  }
0x69: {  	_ =	shalt  }
0x6a: {  	_ =	shalt  }
0x6b: {  	_ =	shalt  }
0x6c: {  	_ =	shalt  }
0x6d: {  	_ =	shalt  }
0x6e: {  	_ =	shalt  }
0x6f: {  	_ =	shalt  }
0x70: {  	_ =	shalt  }
0x71: {  	_ =	shalt  }
0x72: {  	_ =	shalt  }
0x73: {  	_ =	shalt  }
0x74: {  	_ =	shalt  }
0x75: {  	_ =	shalt  }
0x76: {  	_ =	shalt  }
0x77: {  	_ =	shalt  }
0x78: {  	_ =	shalt  }
0x79: {  	_ =	shalt  }
0x7a: {  	_ =	shalt  }
0x7b: {  	_ =	shalt  }
0x7c: {  	_ =	shalt  }
0x7d: {  	_ =	shalt  }
0x7e: {  	_ =	shalt  }
0x7f: {  	_ =	shalt  }
0x80: {  	_ =	shalt  }
0x81: {  	_ =	shalt  }
0x82: {  	_ =	shalt  }
0x83: {  	_ =	shalt  }
0x84: {  	_ =	shalt  }
0x85: {  	_ =	shalt  }
0x86: {  	_ =	shalt  }
0x87: {  	_ =	shalt  }
.Lfunc_end0:
.L_simem_size_0:
called_computation.2_lowered:
.L_overlay_start_0:
0x88: {  	s2 =	sld [smem:$0x3FD9]  }
0x89: {  	s3 =	sld [smem:$0x3FFE];
	_ =	sdelay $0x1  }
0x8a: {  	s1 =	srdreg.scid  }
0x8b: {  	s0 =	sand.u32 $0x1, s1  }
0x8c: {  	s15 =	sshll.u32 s0, $0xA;
	s2 =	sadd.s32 s3, s2  }
0x8d: {  	s2 =	sadd.s32 s2, s15  }
0x8e: {  	[smem:$0x3FA5] =	sst s2  }
0x8f: {  	_ = 	snop  }
0x90: {  	s2 =	sld [smem:$0x3FD0];
	_ =	sdelay $0x2  }
0x91: {  	s16 =	simm.s32 $0xB;
	s4 =	simm.s32 $0x10  }
0x92: {  	[smem:s4], [sflag:s16] =	dma.local [hbm:s2], $0x1  }
0x93: {  	_ =	swait.eq [sflag:s16], $0x1  }
0x94: {  	[sflag:s16] =	ssyncset.done $0x0  }
0x95: {  	[sflag:s16] =	ssyncadd.s32 $0xFFFFFFFF  }
0x96: {  	s17 =	sld [smem:$0x10];
	(tm) =	ssettm $0x1  }
0x97: {  	s18 =	sld [smem:$0x3FFB];
	_ =	sdelay $0x3  }
0x98: {  	_ =	strace s18  }
0x99: {  	s2 =	sld [smem:$0x3FFC];
	_ =	sdelay $0x3  }
0x9a: {  	_ =	strace s2  }
0x9b: {  	s2 =	sld [smem:$0x3FFD];
	_ =	sdelay $0x3  }
0x9c: {  	_ =	strace s2  }
0x9d: {  	_ =	strace $0x8FFFFFFF  }
0x9e: {  	s19 =	sld [smem:$0x3FDB];
	_ =	sdelay $0x1  }
0x9f: {  	s20 =	simm.s32 $_scs_section_size  }
0xa0: {  	s5 =	simm.s32 $_size__tile_overlayer_lowered;
	s6 =	simm.s32 $_tile_overlayer_lowered  }
0xa1: {  	s7 =	simm.s32 $0x1BFF;
	s21 =	sshll.u32 s6, $0x1;
	s4 =	sadd.s32 s20, s19  }
0xa2: {  	s22 =	simm.s32 $0x0;
	s5 =	sshll.u32 s5, $0x1;
	s6 =	sadd.s32 s21, s4  }
0xa3: {  	[timem:s22], [sflag:s7] =	dma.local [hbm:s6], s5  }
0xa4: {  	_ =	swait.ge [sflag:s7], s5  }
0xa5: {  	s5 =	ssub.s32 $0x0, s5;
	[sflag:s7] =	ssyncset.done $0x0  }
0xa6: {  	[sflag:s7] =	ssyncadd.s32 s5;
	_ =	sdelay $0x1  }
0xa7: {  	s23 =	simm.s32 $0x1B8B  }
0xa8: {  	_ =	swait.ge [sflag:s23], $0x1  }
0xa9: {  	[sflag:s23] =	ssyncset.done $0x0  }
0xaa: {  	[sflag:s23] =	ssyncadd.s32 $0xFFFFFFFF  }
0xab: {  	s5 =	sld [smem:$0x0]  }
0xac: {  	s6 =	sand.u32 $0xFFFFFFFE, s1  }
0xad: {  	p0 =	sne.s32 s1, s6  }
0xae: {  	s6 =	sshll.u32 @p0 s6, $0xE  }
0xaf: {  	s6 =	sadd.s32 @p0 $0x11B8D, s6;
	s7 =	sshll.u32 @p0 s5, $0x11  }
0xb0: {  	s6 =	sor.u32 @p0 s7, s6  }
0xb1: {  	[sflag:s6] =	ssyncadd.remote.s32 @p0 $0x1;
	_ =	sdelay $0x1  }
0xb2: {  	s6 =	simm.s32 @p0 $0x1B8D  }
0xb3: {  	_ =	swait.eq @p0 [sflag:s6], $0x1  }
0xb4: {  	[sflag:s6] =	ssyncadd.s32 @p0 $0xFFFFFFFF  }
0xb5: {  	s7 =	sshll.u32 @!p0 s1, $0xE  }
0xb6: {  	s7 =	sor.u32 @!p0 $0x4000, s7;
	s6 =	simm.s32 @!p0 $0x1B8D  }
0xb7: {  	s5 =	sshll.u32 @!p0 s5, $0x11;
	s7 =	sadd.s32 @!p0 $0x11B8D, s7;
	_ =	swait.eq @!p0 [sflag:s6], $0x1  }
0xb8: {  	s5 =	sor.u32 @!p0 s5, s7;
	[sflag:s6] =	ssyncadd.s32 @!p0 $0xFFFFFFFF  }
0xb9: {  	s25 =	simm.s32 $0x1B8E;
	s24 =	sld [smem:$0x3FFE];
	[sflag:s5] =	ssyncadd.remote.s32 @!p0 $0x1  }
0xba: {  	s26 =	simm.s32 $execute0_lowered;
	[smem:$0x3FD2] =	sst s25  }
0xbb: {  	s6 =	sshll.u32 s26, $0x1;
	_ =	strace $0x8000004F;
	[dreg:$0x1] =	wrdreg $0xFFFFFFFF  }
0xbc: {  	s28 =	simm.s32 $_size_execute0_lowered;
	s4 =	sadd.s32 s4, s6;
	[dreg:$0x0] =	wrdreg $0x0  }
0xbd: {  	s6 =	sshll.u32 s28, $0x1;
	[dreg:$0x2] =	wrdreg s4  }
0xbe: {  	[dreg:$0x3] =	wrdreg s6  }
0xbf: {  	[dreg:$0x4] =	wrdreg $0xC0  }
0xc0: {  	_ =	task [dreg:s22], $0x5FFFF  }
0xc1: {  	[dreg:$0x1] =	wrdreg $0xFFFFFFFF  }
0xc2: {  	[dreg:$0x0] =	wrdreg $0x60  }
0xc3: {  	[dreg:$0x2] =	wrdreg s24  }
0xc4: {  	[dreg:$0x3] =	wrdreg s17  }
0xc5: {  	[dreg:$0x4] =	wrdreg $0x9  }
0xc6: {  	_ =	task.clear_ibuf [dreg:s22], $0x5FFFF;
	_ =	strace $0x9000004F  }
0xc7: {  	s29 =	simm.s32 $0x9;
	_ =	strace $0x80000051  }
0xc8: {  	_ =	swait.ge [sflag:s29], $0x1  }
0xc9: {  	[sflag:s29] =	ssyncadd.s32 $0xFFFFFFFF  }
0xca: {  	_ =	strace $0x90000051  }
0xcb: {  	_ =	sfence  }
0xcc: {  	s30 =	sld [smem:$0x0];
	_ =	sdelay $0x2  }
0xcd: {  	s31 =	sshll.u32 s1, $0xD;
	s1 =	sshrl.u32 s1, $0x2  }
0xce: {  	s4 =	sand.u32 $0x4000, s31;
	s1 =	sadd.s32 s1, s30  }
0xcf: {  	s0 =	sor.u32 s4, s0;
	s1 =	sshll.u32 s1, $0x11  }
0xd0: {  	s0 =	sor.u32 s1, s0  }
0xd1: {  	s0 =	sadd.s32 $0x8F2B, s0  }
0xd2: {  	[sflag:s0] =	ssyncadd.remote.s32 $0x1  }
0xd3: {  	_ =	sfence.sel $0xFFFF  }
0xd4: {  	[dreg:$0x0] =	wrdreg $0xFFFFFFFF;
	(pc) =	sbr.abs _section_cstart, $3  }
0xd5: {  	[dreg:$0x1] =	wrdreg $0xFFFFFFFF  }
0xd6: {  	_ =	task.clear_ibuf [dreg:s22], $0x2FFFF;
	_ =	strace $0x9FFFFFFF  }
0xd7: {  	(tm) =	ssettm $0x7FFFFFFF  }
tec
execute0_lowered:
.L_overlay_start_1:
0x0: {  	(tag) =	ssettag $0x1  }
0x1: {  	s8 =	rddreg [dreg:$0x0]  }
0x2: {  	s2 =	rddreg [dreg:$0x1]  }
0x3: {  	s0 =	rddreg [dreg:$0x2];
	s1 =	stileid.u32  }
0x4: {  	s3 =	srdreg.scid;
	_ =	strace $0x80000050;
	s4 =	simm.s32 $0x1  }
0x5: {  	s7 =	simm.s32 $0x1;
	s9 =	simm.s32 $0x1;
	s10 =	simm.s32 $0x3  }
0x6: {  	s13 =	simm.s32 $0x0;
	s5 =	sand.u32 $0x1, s3;
	s6 =	sshll.u32 s1, $0x1  }
0x7: {  	s12 =	simm.s32 $0x0;
	s3 =	sadd.s32 $0x11C00, s8;
	s5 =	sor.u32 s6, s5  }
.Ltmp0:
0x8: {  	[sflag:s4] =	ssyncpa.u1 $0x0;
	p0 =	slt.u32 s5, $0x9;
	(pc) =	sbr.rel .LBB2_1-.Ltmp0, $4  }
0x9: {  	s6 =	simm.s32 $0x2;
	s7 =	simm.s32 @!p0 $0x0;
	p0 =	sne.s32 s5, $0x8  }
0xa: {  	[sflag:s6] =	ssyncpa.u1 $0x0;
	s5 =	smul.u32 $0x1F40, s5;
	s9 =	simm.s32 @!p0 $0x0  }
0xb: {  	s8 =	sadd.s32 $0x26200, s8;
	[sflag:s10] =	ssyncpa.u1 $0x0;
	s7 =	sadd.s32 s9, s7  }
0xc: {  	vm0 =	vmmov $0xffff;
	s10 =	simm.s32 $0x0;
	s11 =	smov.u32 s5;
	s9 =	sadd.s32 $0x1, s7  }
.LBB2_4:
0xd: {  	v2 =	vnsel vm1, $0x0, v2  }
0xe: {  	vm1 =	vgt.s32 v0, $0x0;
	v2 =	vmin.u32 v2, $0x4E1FF  }
0xf: {  	v0 =	vnsel vm1, $0x0, v0  }
0x10: {  	v0 =	vmin.u32 v0, $0x4E1FF  }
0x11: {  	[tilespmem:s18], [sflag:$0x1] =	stream.indirect_vreg.gather [hbm4b:s3+s10], $0x1, v1, vm0, $0x4038;
	[tilespmem:$0x7D00] =	vst v63  }
0x12: {  	(ifvalue) =	ssetifvalue $0x7FFFFFFF  }
0x13: {  	[tilespmem:s15], [sflag:$0x1] =	stream.indirect_vreg.gather [hbm4b:s3+s10], $0x1, v2, vm0, $0x4038;
	[tilespmem:$0x7D00] =	vst v63  }
0x14: {  	s29 =	sadd.s32 $0x10, s15;
	(ifvalue) =	ssetifvalue $0x7FFFFFFF  }
0x15: {  	[tilespmem:s29], [sflag:$0x1] =	stream.indirect_vreg.gather [hbm4b:s3+s10], $0x1, v0, vm0, $0x4038;
	[tilespmem:$0x7D00] =	vst v63  }
0x16: {  	_ =	swait.ge [sflag:s4], $0x1F40  }
0x17: {  	s30 =	sshrl.u32 s13, $0x3;
	[sflag:s4] =	ssyncset.done $0x0  }
0x18: {  	s31 =	sand.u32 $0x7, s13;
	s15 =	sadd.s32 s2, s30;
	[sflag:s4] =	ssyncadd.s32 $0xFFFFE0C0  }
0x19: {  	[hbm4b:s15+s31] =	stream.linear.scatter [tilespmem:s14], [sflag:$0x3], $0x1F40, $0x38;
	[tilespmem:$0x7D00] =	vst v63  }
.LBB2_5:
0x1a: {  	s15 =	sadd.s32 $0x3E800, s11  }
0x1b: {  	p1 =	sgt.s32 s15, $0x4E1FF  }
0x1c: {  	s15 =	smov.u32 @p1 s5;
	p1 =	sne.s32 s12, s9  }
.Ltmp1:
0x1d: {  	p0 =	slt.u32 s12, $0x2;
	(pc) =	sbr.rel @!p1 .LBB2_6-.Ltmp1, $4  }
0x1e: {  	s14 =	simm.s32 @!p0 $0x3  }
0x1f: {  	_ =	swait.ge @!p0 [sflag:s14], $0x1F40  }
0x20: {  	s16 =	sadd.s32 $0x1, s12;
	s13 =	smov.u32 s11;
	[sflag:s14] =	ssyncset.done @!p0 $0x0  }
0x21: {  	s12 =	smov.u32 s16;
	s11 =	smov.u32 s15;
	[sflag:s14] =	ssyncadd.s32 @!p0 $0xFFFFE0C0  }
.LBB2_1:
0x22: {  	p0 =	sge.u32 s12, s7  }
0x23: {  	s14 =	sxor.u32 @!p0 $0x1, s12  }
0x24: {  	s14 =	smul.u32 @!p0 $0x7D00, s14  }
0x25: {  	s31 =	sadd.s32 $0xFFFFFFFF, s12;
	s15 =	sshrl.u32 @!p0 s11, $0x3  }
0x26: {  	s16 =	sand.u32 @!p0 $0x7, s11;
	s15 =	sadd.s32 @!p0 s8, s15;
	s14 =	sshra.s32 @!p0 s14, $0x2  }
0x27: {  	[tilespmem:s14], [sflag:$0x2] =	stream.linear.gather @!p0 [hbm4b:s15+s16], $0x1F40, $0x38;
	[tilespmem:$0x7D00] =	vst v63  }
0x28: {  	p0 =	sge.u32 s31, s7  }
.Ltmp2:
0x29: {  	_ = 	snop;
	(pc) =	sbr.rel @p0 .LBB2_5-.Ltmp2, $1  }
0x2a: {  	_ =	sdelay $0x3  }
0x2b: {  	s14 =	sand.u32 $0x1, s12  }
0x2c: {  	_ =	swait.ge [sflag:s6], $0x1F40;
	p0 =	seq.s32 s14, $0x1;
	s14 =	simm.s32 $0x1F40  }
0x2d: {  	[sflag:s6] =	ssyncset.done $0x0;
	s14 =	simm.s32 @!p0 $0x0  }
0x2e: {  	[sflag:s6] =	ssyncadd.s32 $0xFFFFE0C0;
	(ifvalue) =	ssetifvalue $0x7FFFFFFF;
	v0 =	vld.msk [tilespmem:s14+$0x0 ss:$0x1], $0xffff;
	_ =	sdelay $0x4  }
0x2f: {  	s15 =	sadd.s32 $0x10, s14;
	vm1 =	vgt.s32 v0, $0x0  }
0x30: {  	v2 =	vld.msk [tilespmem:s15+$0x0 ss:$0x1], $0xffff;
	v1 =	vnsel vm1, $0x0, v0  }
0x31: {  	v1 =	vmin.u32 v1, $0x4E1FF;
	_ =	sdelay $0x2  }
0x32: {  	s17 =	simm.s32 $0x20;
	s14 =	sadd.s32 $0x3E80, s14;
	s16 =	sadd.s32 $0x10, s15  }
0x33: {  	s15 =	sadd.s32 $0x10, s14;
	s18 =	smov.u32 s14;
	v0 =	vld.msk [tilespmem:s16+$0x0 ss:$0x1], $0xffff;
	vm1 =	vgt.s32 v2, $0x0;
	(ifvalue) =	ssetifvalue $0x7FFFFFFF  }
.LBB2_3:
0x34: {  	[tilespmem:s18], [sflag:$0x1] =	stream.indirect_vreg.gather [hbm4b:s3+s10], $0x1, v1, vm0, $0x4038;
	[tilespmem:$0x7D00] =	vst v63  }
0x35: {  	s17 =	sadd.s32 $0x10, s17  }
0x36: {  	v2 =	vnsel vm1, $0x0, v2;
	p0 =	slt.u32 s17, $0x1F30  }
.Ltmp3:
0x37: {  	s18 =	smov.u32 s15;
	v1 =	vmin.u32 v2, $0x4E1FF;
	(pc) =	sbr.rel @p0 .LBB2_3-.Ltmp3, $3  }
0x38: {  	_ =	sdelay $0x1  }
0x39: {  	s16 =	sadd.s32 $0x10, s16  }
0x3a: {  	vm1 =	vgt.s32 v0, $0x0;
	s15 =	sadd.s32 $0x10, s15;
	v2 =	vmov v0;
	(ifvalue) =	ssetifvalue $0x7FFFFFFF;
	v0 =	vld.msk [tilespmem:s16+$0x0 ss:$0x1], $0xffff  }
.Ltmp4:
0x3b: {  	_ = 	snop;
	(pc) =	sbr.rel .LBB2_4-.Ltmp4, $1  }
0x3c: {  	_ =	sdelay $0x3  }
.LBB2_6:
0x3d: {  	_ =	sfence.sel $0x180000  }
0x3e: {  	s2 =	simm.s32 $0x2;
	[bflag:$0x0] =	sbarrier.arrive $0xFFFF  }
0x3f: {  	s30 =	simm.s32 $0x3;
	[sflag:s2] =	ssyncpa.u1 $0x1  }
0x40: {  	s31 =	simm.s32 $0x1;
	[sflag:s30] =	ssyncpa.u1 $0x1  }
0x41: {  	[sflag:s31] =	ssyncpa.u1 $0x1  }
0x42: {  	p0 =	sne.s32 s1, $0x0;
	_ =	strace $0x90000050  }
0x43: {  	s0 =	sadd.s32 @!p0 $0x100000, s0;
	[bflag:$0x2] =	sbarrier.arrive $0xFFFF  }
0x44: {  	[sflag:s0] =	ssyncadd.tile.s32 @!p0 $0x1;
	_ =	shalt  }
.Lfunc_end2:
_tile_overlayer_lowered:
.L_overlay_start_2:
0x45: {  	(tag) =	ssettag $0x2  }
0x46: {  	s0 =	rddreg [dreg:$0x0];
	s2 =	stileid.u32  }
0x47: {  	s1 =	rddreg [dreg:$0x1];
	p0 =	sne.s32 s2, $0x0  }
0x48: {  	s3 =	rddreg [dreg:$0x2];
	[bflag:$0x3] =	sbarrier.arrive $0xFFFF;
	s2 =	simm.s32 @!p0 $0x1C01  }
0x49: {  	[timem:s3], [sflag:s2] =	dma.local @!p0 [hbm:s0], s1  }
0x4a: {  	s0 =	simm.s32 @!p0 $0x1  }
0x4b: {  	_ =	swait.ge @!p0 [sflag:s0], s1  }
0x4c: {  	s1 =	ssub.s32 @!p0 $0x0, s1;
	[sflag:s0] =	ssyncset.done @!p0 $0x0  }
0x4d: {  	[sflag:s0] =	ssyncadd.s32 @!p0 s1  }
0x4e: {  	[bflag:$0x3] =	sbarrier.arrive $0xFFFF  }
0x4f: {  	_ =	shalt  }

// kernel: gather_offload_async_start.2
scs
__scs_entry_jumppad:
0x0: {  	(pc) =	sbr.rel $0x88, $3  }
0x1: {  	(tag) =	ssettag $0x0;
	lr =	simm.s32 $0x1  }
0x2: {  	[smem:$0x3F7E] =	sst lr;
	_ =	strace $0xD0000000  }
0x3: {  	_ = 	snop  }
0x4: {  	_ = 	snop  }
0x5: {  	_ = 	snop  }
0x6: {  	_ = 	snop  }
0x7: {  	_ = 	snop  }
__scs_overlays_trampoline_lowered:
0x8: {  	[smem:$0x3F8D] =	sst s0  }
0x9: {  	[smem:$0x3F8E] =	sst s1  }
0xa: {  	[smem:$0x3F8F] =	sst s2  }
0xb: {  	[smem:$0x3F90] =	sst s3  }
0xc: {  	[smem:$0x3F91] =	sst s4  }
0xd: {  	[smem:$0x3F92] =	sst s5  }
0xe: {  	[smem:$0x3F93] =	sst s6  }
0xf: {  	[smem:$0x3F94] =	sst s7  }
0x10: {  	[smem:$0x3F95] =	sst s8  }
0x11: {  	[smem:$0x3F96] =	sst s9;
	s0 =	simm.s32 @!p0 $0x0  }
0x12: {  	s1 =	sld [smem:$0x3F7C];
	s0 =	simm.s32 @p0 $0x1  }
0x13: {  	[smem:$0x3F97] =	sst s0;
	s0 =	simm.s32 @!p1 $0x0  }
0x14: {  	s2 =	sld [smem:$0x3F7B];
	s0 =	simm.s32 @p1 $0x1  }
0x15: {  	[smem:$0x3F98] =	sst s0;
	s0 =	simm.s32 @!p2 $0x0  }
0x16: {  	s3 =	sld [smem:$0x3FDB];
	s0 =	simm.s32 @p2 $0x1  }
0x17: {  	s4 =	simm.s32 $0x1BF5;
	[smem:$0x3F9A] =	sst s0  }
0x18: {  	s0 =	sld [smem:$0x3F7D];
	_ =	swait.ge [sflag:s4], $0x0  }
0x19: {  	s7 =	sld [smem:$0x3F7E]  }
0x1a: {  	s8 =	sadd.s32 $0xFFFFE003, lr  }
0x1b: {  	s9 =	sadd.s32 $0xFFFFFEF7, lr;
	s5 =	simm.s32 $0xFFFFFFFF;
	p2 =	slt.u32 s8, $0xFFFFF086  }
0x1c: {  	p1 =	slt.u32 s9, $0xF7A;
	s5 =	simm.s32 @!p2 $0x0  }
0x1d: {  	s5 =	simm.s32 @p1 $0x1;
	p0 =	seq.s32 s7, s2  }
0x1e: {  	s7 =	smul.u32 @!p0 $0xF7A, s2;
	p2 =	seq.s32 @!p0 s5, $0x0  }
0x1f: {  	s9 =	smul.u32 $0xF7A, s1;
	s8 =	simm.s32 @!p0 $0x1BF5;
	p2 =	por !p2, p0  }
0x20: {  	[sflag:s8] =	ssyncset.s32 @!p0 $0xFFFFF086;
	s6 =	sadd.s32 @!p0 s3, s7;
	s7 =	simm.s32 @!p0 $0x108  }
0x21: {  	s3 =	sadd.s32 s3, s9;
	s6 =	sadd.s32 @!p0 $0x88, s6;
	s7 =	simm.s32 @p2 $0x1082  }
0x22: {  	[simem:s7], [sflag:s8] =	dma.local @!p0 [hbm:s6], $0xF7A  }
0x23: {  	s9 =	sor.u32 $0xD0000000, s2;
	s6 =	simm.s32 $0x108;
	_ =	swait.ge @!p0 [sflag:s8], $0x0  }
0x24: {  	s3 =	sadd.s32 $0x88, s3;
	s6 =	simm.s32 @!p1 $0x1082;
	[sflag:s4] =	ssyncset.s32 $0xFFFFF086  }
0x25: {  	[simem:s6], [sflag:s4] =	dma.local [hbm:s3], $0xF7A  }
0x26: {  	[smem:$0x3F7E] =	sst s1;
	(tag) =	ssettag s2;
	_ =	strace s9  }
0x27: {  	s1 =	sld [smem:$0x3F8E]  }
0x28: {  	s2 =	sld [smem:$0x3F8F]  }
0x29: {  	s4 =	sld [smem:$0x3F91]  }
0x2a: {  	p0 =	seq.s32 s5, $0x0;
	s5 =	sld [smem:$0x3F92]  }
0x2b: {  	s6 =	sld [smem:$0x3F93]  }
0x2c: {  	s7 =	sld [smem:$0x3F94]  }
0x2d: {  	s3 =	simm.s32 $0x108;
	s8 =	sld [smem:$0x3F95]  }
0x2e: {  	s3 =	simm.s32 @!p0 $0x1082;
	s9 =	sld [smem:$0x3F96]  }
0x2f: {  	lr =	sadd.s32 s0, s3;
	s0 =	sld [smem:$0x3F8D]  }
0x30: {  	s3 =	sld [smem:$0x3F90]  }
0x31: {  	[smem:$0x3F99] =	sst s10  }
0x32: {  	s10 =	sld [smem:$0x3F97];
	_ =	sdelay $0x3  }
0x33: {  	p0 =	seq.s32 s10, $0x1;
	s10 =	sld [smem:$0x3F99];
	_ =	sdelay $0x3  }
0x34: {  	[smem:$0x3F99] =	sst s10  }
0x35: {  	s10 =	sld [smem:$0x3F98];
	_ =	sdelay $0x3  }
0x36: {  	p1 =	seq.s32 s10, $0x1;
	s10 =	sld [smem:$0x3F99];
	_ =	sdelay $0x3  }
0x37: {  	[smem:$0x3F99] =	sst s10  }
0x38: {  	s10 =	sld [smem:$0x3F9A]  }
0x39: {  	_ = 	snop;
	(pc) =	sbr.ind lr, $3  }
0x3a: {  	_ = 	snop  }
0x3b: {  	_ = 	snop  }
0x3c: {  	p2 =	seq.s32 s10, $0x1;
	s10 =	sld [smem:$0x3F99]  }
0x3d: {  	_ =	shalt  }
0x3e: {  	_ =	shalt  }
0x3f: {  	_ =	shalt  }
0x40: {  	_ =	shalt  }
0x41: {  	_ =	shalt  }
0x42: {  	_ =	shalt  }
0x43: {  	_ =	shalt  }
0x44: {  	_ =	shalt  }
0x45: {  	_ =	shalt  }
0x46: {  	_ =	shalt  }
0x47: {  	_ =	shalt  }
0x48: {  	_ =	shalt  }
0x49: {  	_ =	shalt  }
0x4a: {  	_ =	shalt  }
0x4b: {  	_ =	shalt  }
0x4c: {  	_ =	shalt  }
0x4d: {  	_ =	shalt  }
0x4e: {  	_ =	shalt  }
0x4f: {  	_ =	shalt  }
0x50: {  	_ =	shalt  }
0x51: {  	_ =	shalt  }
0x52: {  	_ =	shalt  }
0x53: {  	_ =	shalt  }
0x54: {  	_ =	shalt  }
0x55: {  	_ =	shalt  }
0x56: {  	_ =	shalt  }
0x57: {  	_ =	shalt  }
0x58: {  	_ =	shalt  }
0x59: {  	_ =	shalt  }
0x5a: {  	_ =	shalt  }
0x5b: {  	_ =	shalt  }
0x5c: {  	_ =	shalt  }
0x5d: {  	_ =	shalt  }
0x5e: {  	_ =	shalt  }
0x5f: {  	_ =	shalt  }
0x60: {  	_ =	shalt  }
0x61: {  	_ =	shalt  }
0x62: {  	_ =	shalt  }
0x63: {  	_ =	shalt  }
0x64: {  	_ =	shalt  }
0x65: {  	_ =	shalt  }
0x66: {  	_ =	shalt  }
0x67: {  	_ =	shalt  }
0x68: {  	_ =	shalt  }
0x69: {  	_ =	shalt  }
0x6a: {  	_ =	shalt  }
0x6b: {  	_ =	shalt  }
0x6c: {  	_ =	shalt  }
0x6d: {  	_ =	shalt  }
0x6e: {  	_ =	shalt  }
0x6f: {  	_ =	shalt  }
0x70: {  	_ =	shalt  }
0x71: {  	_ =	shalt  }
0x72: {  	_ =	shalt  }
0x73: {  	_ =	shalt  }
0x74: {  	_ =	shalt  }
0x75: {  	_ =	shalt  }
0x76: {  	_ =	shalt  }
0x77: {  	_ =	shalt  }
0x78: {  	_ =	shalt  }
0x79: {  	_ =	shalt  }
0x7a: {  	_ =	shalt  }
0x7b: {  	_ =	shalt  }
0x7c: {  	_ =	shalt  }
0x7d: {  	_ =	shalt  }
0x7e: {  	_ =	shalt  }
0x7f: {  	_ =	shalt  }
0x80: {  	_ =	shalt  }
0x81: {  	_ =	shalt  }
0x82: {  	_ =	shalt  }
0x83: {  	_ =	shalt  }
0x84: {  	_ =	shalt  }
0x85: {  	_ =	shalt  }
0x86: {  	_ =	shalt  }
0x87: {  	_ =	shalt  }
.Lfunc_end0:
.L_simem_size_0:
called_computation.3_lowered:
.L_overlay_start_0:
0x88: {  	s2 =	sld [smem:$0x3FD9]  }
0x89: {  	s3 =	sld [smem:$0x3FFE];
	_ =	sdelay $0x1  }
0x8a: {  	s1 =	srdreg.scid  }
0x8b: {  	s0 =	sand.u32 $0x1, s1  }
0x8c: {  	s16 =	sshll.u32 s0, $0xA;
	s2 =	sadd.s32 s3, s2  }
0x8d: {  	s2 =	sadd.s32 s2, s16  }
0x8e: {  	[smem:$0x3FA5] =	sst s2  }
0x8f: {  	_ = 	snop  }
0x90: {  	(tm) =	ssettm $0x1  }
0x91: {  	s17 =	sld [smem:$0x3FFB];
	_ =	sdelay $0x3  }
0x92: {  	_ =	strace s17  }
0x93: {  	s2 =	sld [smem:$0x3FFC];
	_ =	sdelay $0x3  }
0x94: {  	_ =	strace s2  }
0x95: {  	s2 =	sld [smem:$0x3FFD];
	_ =	sdelay $0x3  }
0x96: {  	_ =	strace s2  }
0x97: {  	_ =	strace $0x8FFFFFFF  }
0x98: {  	s18 =	sld [smem:$0x3FDB];
	_ =	sdelay $0x1  }
0x99: {  	s19 =	simm.s32 $_scs_section_size  }
0x9a: {  	s4 =	simm.s32 $_size__tile_overlayer_lowered;
	s5 =	simm.s32 $_tile_overlayer_lowered  }
0x9b: {  	s22 =	simm.s32 $0x1BFF;
	s21 =	sshll.u32 s5, $0x1;
	s2 =	sadd.s32 s19, s18  }
0x9c: {  	s6 =	simm.s32 $0x0;
	s20 =	sshll.u32 s4, $0x1;
	s4 =	sadd.s32 s21, s2  }
0x9d: {  	[timem:s6], [sflag:s22] =	dma.local [hbm:s4], s20  }
0x9e: {  	_ =	swait.ge [sflag:s22], s20  }
0x9f: {  	s3 =	ssub.s32 $0x0, s20;
	[sflag:s22] =	ssyncset.done $0x0  }
0xa0: {  	[sflag:s22] =	ssyncadd.s32 s3;
	_ =	sdelay $0x1  }
0xa1: {  	s23 =	simm.s32 $0x1B8B  }
0xa2: {  	_ =	swait.ge [sflag:s23], $0x1  }
0xa3: {  	[sflag:s23] =	ssyncset.done $0x0  }
0xa4: {  	s25 =	simm.s32 $0x1B8E;
	s24 =	sld [smem:$0x3FFE];
	[sflag:s23] =	ssyncadd.s32 $0xFFFFFFFF  }
0xa5: {  	s26 =	simm.s32 $execute0_lowered;
	[smem:$0x3FD2] =	sst s25  }
0xa6: {  	s4 =	sshll.u32 s26, $0x1;
	_ =	strace $0x8000004C;
	[dreg:$0x1] =	wrdreg $0xFFFFFFFF  }
0xa7: {  	s28 =	simm.s32 $_size_execute0_lowered;
	s2 =	sadd.s32 s2, s4;
	[dreg:$0x0] =	wrdreg $0x0  }
0xa8: {  	s4 =	sshll.u32 s28, $0x1;
	[dreg:$0x2] =	wrdreg s2  }
0xa9: {  	[dreg:$0x3] =	wrdreg s4  }
0xaa: {  	[dreg:$0x4] =	wrdreg $0xC0  }
0xab: {  	_ =	task [dreg:s6], $0x5FFFF  }
0xac: {  	[dreg:$0x1] =	wrdreg $0xFFFFFFFF  }
0xad: {  	[dreg:$0x0] =	wrdreg $0x60  }
0xae: {  	[dreg:$0x2] =	wrdreg s24  }
0xaf: {  	[dreg:$0x3] =	wrdreg $0xA  }
0xb0: {  	_ =	task.clear_ibuf [dreg:s6], $0x4FFFF;
	_ =	strace $0x9000004C  }
0xb1: {  	s29 =	simm.s32 $0xA;
	_ =	strace $0x8000004E  }
0xb2: {  	_ =	swait.ge [sflag:s29], $0x1  }
0xb3: {  	[sflag:s29] =	ssyncadd.s32 $0xFFFFFFFF  }
0xb4: {  	_ =	strace $0x9000004E  }
0xb5: {  	_ =	sfence  }
0xb6: {  	s30 =	sld [smem:$0x0];
	_ =	sdelay $0x2  }
0xb7: {  	s31 =	sshll.u32 s1, $0xD;
	s1 =	sshrl.u32 s1, $0x2  }
0xb8: {  	s3 =	sand.u32 $0x4000, s31;
	s1 =	sadd.s32 s1, s30  }
0xb9: {  	s0 =	sor.u32 s3, s0;
	s1 =	sshll.u32 s1, $0x11  }
0xba: {  	s0 =	sor.u32 s1, s0  }
0xbb: {  	s0 =	sadd.s32 $0x8F2B, s0  }
0xbc: {  	[sflag:s0] =	ssyncadd.remote.s32 $0x1  }
0xbd: {  	_ =	sfence.sel $0xFFFF  }
0xbe: {  	[dreg:$0x0] =	wrdreg $0xFFFFFFFF;
	(pc) =	sbr.abs _section_cstart, $3  }
0xbf: {  	[dreg:$0x1] =	wrdreg $0xFFFFFFFF  }
0xc0: {  	_ =	task.clear_ibuf [dreg:s6], $0x2FFFF;
	_ =	strace $0x9FFFFFFF  }
0xc1: {  	(tm) =	ssettm $0x7FFFFFFF  }
tec
execute0_lowered:
.L_overlay_start_1:
0x0: {  	(tag) =	ssettag $0x1  }
0x1: {  	s8 =	rddreg [dreg:$0x0]  }
0x2: {  	s0 =	rddreg [dreg:$0x1];
	_ =	strace $0x8000004D;
	s1 =	stileid.u32  }
0x3: {  	s3 =	srdreg.scid;
	s4 =	simm.s32 $0x1;
	s7 =	simm.s32 $0x1  }
0x4: {  	s9 =	simm.s32 $0x1;
	s10 =	simm.s32 $0x3;
	s13 =	simm.s32 $0x0  }
0x5: {  	s12 =	simm.s32 $0x0;
	s5 =	sand.u32 $0x1, s3;
	s6 =	sshll.u32 s1, $0x1  }
0x6: {  	s2 =	sadd.s32 $0x7E00, s8;
	s3 =	sadd.s32 $0x26200, s8;
	s5 =	sor.u32 s6, s5  }
.Ltmp0:
0x7: {  	[sflag:s4] =	ssyncpa.u1 $0x0;
	p0 =	slt.u32 s5, $0x9;
	(pc) =	sbr.rel .LBB2_1-.Ltmp0, $4  }
0x8: {  	s6 =	simm.s32 $0x2;
	s7 =	simm.s32 @!p0 $0x0;
	p0 =	sne.s32 s5, $0x8  }
0x9: {  	[sflag:s6] =	ssyncpa.u1 $0x0;
	s5 =	smul.u32 $0x1F40, s5;
	s9 =	simm.s32 @!p0 $0x0  }
0xa: {  	s8 =	sadd.s32 $0x1BE00, s8;
	[sflag:s10] =	ssyncpa.u1 $0x0;
	s7 =	sadd.s32 s9, s7  }
0xb: {  	vm0 =	vmmov $0xffff;
	s10 =	simm.s32 $0x0;
	s11 =	smov.u32 s5;
	s9 =	sadd.s32 $0x1, s7  }
.LBB2_4:
0xc: {  	v2 =	vnsel vm1, $0x0, v2  }
0xd: {  	vm1 =	vgt.s32 v0, $0x0;
	v2 =	vmin.u32 v2, $0x4E1FF  }
0xe: {  	v0 =	vnsel vm1, $0x0, v0  }
0xf: {  	v0 =	vmin.u32 v0, $0x4E1FF  }
0x10: {  	[tilespmem:s18], [sflag:$0x1] =	stream.indirect_vreg.gather [hbm4b:s2+s10], $0x1, v1, vm0, $0x4038;
	[tilespmem:$0x7D00] =	vst v63  }
0x11: {  	(ifvalue) =	ssetifvalue $0x7FFFFFFF  }
0x12: {  	[tilespmem:s15], [sflag:$0x1] =	stream.indirect_vreg.gather [hbm4b:s2+s10], $0x1, v2, vm0, $0x4038;
	[tilespmem:$0x7D00] =	vst v63  }
0x13: {  	s29 =	sadd.s32 $0x10, s15;
	(ifvalue) =	ssetifvalue $0x7FFFFFFF  }
0x14: {  	[tilespmem:s29], [sflag:$0x1] =	stream.indirect_vreg.gather [hbm4b:s2+s10], $0x1, v0, vm0, $0x4038;
	[tilespmem:$0x7D00] =	vst v63  }
0x15: {  	_ =	swait.ge [sflag:s4], $0x1F40  }
0x16: {  	s30 =	sshrl.u32 s13, $0x3;
	[sflag:s4] =	ssyncset.done $0x0  }
0x17: {  	s31 =	sand.u32 $0x7, s13;
	s15 =	sadd.s32 s8, s30;
	[sflag:s4] =	ssyncadd.s32 $0xFFFFE0C0  }
0x18: {  	[hbm4b:s15+s31] =	stream.linear.scatter [tilespmem:s14], [sflag:$0x3], $0x1F40, $0x38;
	[tilespmem:$0x7D00] =	vst v63  }
.LBB2_5:
0x19: {  	s15 =	sadd.s32 $0x3E800, s11  }
0x1a: {  	p1 =	sgt.s32 s15, $0x4E1FF  }
0x1b: {  	s15 =	smov.u32 @p1 s5;
	p1 =	sne.s32 s12, s9  }
.Ltmp1:
0x1c: {  	p0 =	slt.u32 s12, $0x2;
	(pc) =	sbr.rel @!p1 .LBB2_6-.Ltmp1, $4  }
0x1d: {  	s14 =	simm.s32 @!p0 $0x3  }
0x1e: {  	_ =	swait.ge @!p0 [sflag:s14], $0x1F40  }
0x1f: {  	s16 =	sadd.s32 $0x1, s12;
	s13 =	smov.u32 s11;
	[sflag:s14] =	ssyncset.done @!p0 $0x0  }
0x20: {  	s12 =	smov.u32 s16;
	s11 =	smov.u32 s15;
	[sflag:s14] =	ssyncadd.s32 @!p0 $0xFFFFE0C0  }
.LBB2_1:
0x21: {  	p0 =	sge.u32 s12, s7  }
0x22: {  	s14 =	sxor.u32 @!p0 $0x1, s12  }
0x23: {  	s14 =	smul.u32 @!p0 $0x7D00, s14  }
0x24: {  	s31 =	sadd.s32 $0xFFFFFFFF, s12;
	s15 =	sshrl.u32 @!p0 s11, $0x3  }
0x25: {  	s16 =	sand.u32 @!p0 $0x7, s11;
	s15 =	sadd.s32 @!p0 s3, s15;
	s14 =	sshra.s32 @!p0 s14, $0x2  }
0x26: {  	[tilespmem:s14], [sflag:$0x2] =	stream.linear.gather @!p0 [hbm4b:s15+s16], $0x1F40, $0x38;
	[tilespmem:$0x7D00] =	vst v63  }
0x27: {  	p0 =	sge.u32 s31, s7  }
.Ltmp2:
0x28: {  	_ = 	snop;
	(pc) =	sbr.rel @p0 .LBB2_5-.Ltmp2, $1  }
0x29: {  	_ =	sdelay $0x3  }
0x2a: {  	s14 =	sand.u32 $0x1, s12  }
0x2b: {  	_ =	swait.ge [sflag:s6], $0x1F40;
	p0 =	seq.s32 s14, $0x1;
	s14 =	simm.s32 $0x1F40  }
0x2c: {  	[sflag:s6] =	ssyncset.done $0x0;
	s14 =	simm.s32 @!p0 $0x0  }
0x2d: {  	[sflag:s6] =	ssyncadd.s32 $0xFFFFE0C0;
	(ifvalue) =	ssetifvalue $0x7FFFFFFF;
	v0 =	vld.msk [tilespmem:s14+$0x0 ss:$0x1], $0xffff;
	_ =	sdelay $0x4  }
0x2e: {  	s15 =	sadd.s32 $0x10, s14;
	vm1 =	vgt.s32 v0, $0x0  }
0x2f: {  	v2 =	vld.msk [tilespmem:s15+$0x0 ss:$0x1], $0xffff;
	v1 =	vnsel vm1, $0x0, v0  }
0x30: {  	v1 =	vmin.u32 v1, $0x4E1FF;
	_ =	sdelay $0x2  }
0x31: {  	s17 =	simm.s32 $0x20;
	s14 =	sadd.s32 $0x3E80, s14;
	s16 =	sadd.s32 $0x10, s15  }
0x32: {  	s15 =	sadd.s32 $0x10, s14;
	s18 =	smov.u32 s14;
	v0 =	vld.msk [tilespmem:s16+$0x0 ss:$0x1], $0xffff;
	vm1 =	vgt.s32 v2, $0x0;
	(ifvalue) =	ssetifvalue $0x7FFFFFFF  }
.LBB2_3:
0x33: {  	[tilespmem:s18], [sflag:$0x1] =	stream.indirect_vreg.gather [hbm4b:s2+s10], $0x1, v1, vm0, $0x4038;
	[tilespmem:$0x7D00] =	vst v63  }
0x34: {  	s17 =	sadd.s32 $0x10, s17  }
0x35: {  	v2 =	vnsel vm1, $0x0, v2;
	p0 =	slt.u32 s17, $0x1F30  }
.Ltmp3:
0x36: {  	s18 =	smov.u32 s15;
	v1 =	vmin.u32 v2, $0x4E1FF;
	(pc) =	sbr.rel @p0 .LBB2_3-.Ltmp3, $3  }
0x37: {  	_ =	sdelay $0x1  }
0x38: {  	s16 =	sadd.s32 $0x10, s16  }
0x39: {  	vm1 =	vgt.s32 v0, $0x0;
	s15 =	sadd.s32 $0x10, s15;
	v2 =	vmov v0;
	(ifvalue) =	ssetifvalue $0x7FFFFFFF;
	v0 =	vld.msk [tilespmem:s16+$0x0 ss:$0x1], $0xffff  }
.Ltmp4:
0x3a: {  	_ = 	snop;
	(pc) =	sbr.rel .LBB2_4-.Ltmp4, $1  }
0x3b: {  	_ =	sdelay $0x3  }
.LBB2_6:
0x3c: {  	_ =	sfence.sel $0x180000  }
0x3d: {  	s2 =	simm.s32 $0x2;
	[bflag:$0x0] =	sbarrier.arrive $0xFFFF  }
0x3e: {  	s30 =	simm.s32 $0x3;
	[sflag:s2] =	ssyncpa.u1 $0x1  }
0x3f: {  	s31 =	simm.s32 $0x1;
	[sflag:s30] =	ssyncpa.u1 $0x1  }
0x40: {  	[sflag:s31] =	ssyncpa.u1 $0x1  }
0x41: {  	p0 =	sne.s32 s1, $0x0;
	_ =	strace $0x9000004D  }
0x42: {  	s0 =	sadd.s32 @!p0 $0x100000, s0;
	[bflag:$0x2] =	sbarrier.arrive $0xFFFF  }
0x43: {  	[sflag:s0] =	ssyncadd.tile.s32 @!p0 $0x1;
	_ =	shalt  }
.Lfunc_end2:
_tile_overlayer_lowered:
.L_overlay_start_2:
0x44: {  	(tag) =	ssettag $0x2  }
0x45: {  	s0 =	rddreg [dreg:$0x0];
	s2 =	stileid.u32  }
0x46: {  	s1 =	rddreg [dreg:$0x1];
	p0 =	sne.s32 s2, $0x0  }
0x47: {  	s3 =	rddreg [dreg:$0x2];
	[bflag:$0x3] =	sbarrier.arrive $0xFFFF;
	s2 =	simm.s32 @!p0 $0x1C01  }
0x48: {  	[timem:s3], [sflag:s2] =	dma.local @!p0 [hbm:s0], s1  }
0x49: {  	s0 =	simm.s32 @!p0 $0x1  }
0x4a: {  	_ =	swait.ge @!p0 [sflag:s0], s1  }
0x4b: {  	s1 =	ssub.s32 @!p0 $0x0, s1;
	[sflag:s0] =	ssyncset.done @!p0 $0x0  }
0x4c: {  	[sflag:s0] =	ssyncadd.s32 @!p0 s1  }
0x4d: {  	[bflag:$0x3] =	sbarrier.arrive $0xFFFF  }
0x4e: {  	_ =	shalt  }

// kernel: gather_offload_async_start
scs
__scs_entry_jumppad:
0x0: {  	(pc) =	sbr.rel $0x88, $3  }
0x1: {  	(tag) =	ssettag $0x0;
	lr =	simm.s32 $0x1  }
0x2: {  	[smem:$0x3F7E] =	sst lr;
	_ =	strace $0xD0000000  }
0x3: {  	_ = 	snop  }
0x4: {  	_ = 	snop  }
0x5: {  	_ = 	snop  }
0x6: {  	_ = 	snop  }
0x7: {  	_ = 	snop  }
__scs_overlays_trampoline_lowered:
0x8: {  	[smem:$0x3F8D] =	sst s0  }
0x9: {  	[smem:$0x3F8E] =	sst s1  }
0xa: {  	[smem:$0x3F8F] =	sst s2  }
0xb: {  	[smem:$0x3F90] =	sst s3  }
0xc: {  	[smem:$0x3F91] =	sst s4  }
0xd: {  	[smem:$0x3F92] =	sst s5  }
0xe: {  	[smem:$0x3F93] =	sst s6  }
0xf: {  	[smem:$0x3F94] =	sst s7  }
0x10: {  	[smem:$0x3F95] =	sst s8  }
0x11: {  	[smem:$0x3F96] =	sst s9;
	s0 =	simm.s32 @!p0 $0x0  }
0x12: {  	s1 =	sld [smem:$0x3F7C];
	s0 =	simm.s32 @p0 $0x1  }
0x13: {  	[smem:$0x3F97] =	sst s0;
	s0 =	simm.s32 @!p1 $0x0  }
0x14: {  	s2 =	sld [smem:$0x3F7B];
	s0 =	simm.s32 @p1 $0x1  }
0x15: {  	[smem:$0x3F98] =	sst s0;
	s0 =	simm.s32 @!p2 $0x0  }
0x16: {  	s3 =	sld [smem:$0x3FDB];
	s0 =	simm.s32 @p2 $0x1  }
0x17: {  	s4 =	simm.s32 $0x1BF5;
	[smem:$0x3F9A] =	sst s0  }
0x18: {  	s0 =	sld [smem:$0x3F7D];
	_ =	swait.ge [sflag:s4], $0x0  }
0x19: {  	s7 =	sld [smem:$0x3F7E]  }
0x1a: {  	s8 =	sadd.s32 $0xFFFFE003, lr  }
0x1b: {  	s9 =	sadd.s32 $0xFFFFFEF7, lr;
	s5 =	simm.s32 $0xFFFFFFFF;
	p2 =	slt.u32 s8, $0xFFFFF086  }
0x1c: {  	p1 =	slt.u32 s9, $0xF7A;
	s5 =	simm.s32 @!p2 $0x0  }
0x1d: {  	s5 =	simm.s32 @p1 $0x1;
	p0 =	seq.s32 s7, s2  }
0x1e: {  	s7 =	smul.u32 @!p0 $0xF7A, s2;
	p2 =	seq.s32 @!p0 s5, $0x0  }
0x1f: {  	s9 =	smul.u32 $0xF7A, s1;
	s8 =	simm.s32 @!p0 $0x1BF5;
	p2 =	por !p2, p0  }
0x20: {  	[sflag:s8] =	ssyncset.s32 @!p0 $0xFFFFF086;
	s6 =	sadd.s32 @!p0 s3, s7;
	s7 =	simm.s32 @!p0 $0x108  }
0x21: {  	s3 =	sadd.s32 s3, s9;
	s6 =	sadd.s32 @!p0 $0x88, s6;
	s7 =	simm.s32 @p2 $0x1082  }
0x22: {  	[simem:s7], [sflag:s8] =	dma.local @!p0 [hbm:s6], $0xF7A  }
0x23: {  	s9 =	sor.u32 $0xD0000000, s2;
	s6 =	simm.s32 $0x108;
	_ =	swait.ge @!p0 [sflag:s8], $0x0  }
0x24: {  	s3 =	sadd.s32 $0x88, s3;
	s6 =	simm.s32 @!p1 $0x1082;
	[sflag:s4] =	ssyncset.s32 $0xFFFFF086  }
0x25: {  	[simem:s6], [sflag:s4] =	dma.local [hbm:s3], $0xF7A  }
0x26: {  	[smem:$0x3F7E] =	sst s1;
	(tag) =	ssettag s2;
	_ =	strace s9  }
0x27: {  	s1 =	sld [smem:$0x3F8E]  }
0x28: {  	s2 =	sld [smem:$0x3F8F]  }
0x29: {  	s4 =	sld [smem:$0x3F91]  }
0x2a: {  	p0 =	seq.s32 s5, $0x0;
	s5 =	sld [smem:$0x3F92]  }
0x2b: {  	s6 =	sld [smem:$0x3F93]  }
0x2c: {  	s7 =	sld [smem:$0x3F94]  }
0x2d: {  	s3 =	simm.s32 $0x108;
	s8 =	sld [smem:$0x3F95]  }
0x2e: {  	s3 =	simm.s32 @!p0 $0x1082;
	s9 =	sld [smem:$0x3F96]  }
0x2f: {  	lr =	sadd.s32 s0, s3;
	s0 =	sld [smem:$0x3F8D]  }
0x30: {  	s3 =	sld [smem:$0x3F90]  }
0x31: {  	[smem:$0x3F99] =	sst s10  }
0x32: {  	s10 =	sld [smem:$0x3F97];
	_ =	sdelay $0x3  }
0x33: {  	p0 =	seq.s32 s10, $0x1;
	s10 =	sld [smem:$0x3F99];
	_ =	sdelay $0x3  }
0x34: {  	[smem:$0x3F99] =	sst s10  }
0x35: {  	s10 =	sld [smem:$0x3F98];
	_ =	sdelay $0x3  }
0x36: {  	p1 =	seq.s32 s10, $0x1;
	s10 =	sld [smem:$0x3F99];
	_ =	sdelay $0x3  }
0x37: {  	[smem:$0x3F99] =	sst s10  }
0x38: {  	s10 =	sld [smem:$0x3F9A]  }
0x39: {  	_ = 	snop;
	(pc) =	sbr.ind lr, $3  }
0x3a: {  	_ = 	snop  }
0x3b: {  	_ = 	snop  }
0x3c: {  	p2 =	seq.s32 s10, $0x1;
	s10 =	sld [smem:$0x3F99]  }
0x3d: {  	_ =	shalt  }
0x3e: {  	_ =	shalt  }
0x3f: {  	_ =	shalt  }
0x40: {  	_ =	shalt  }
0x41: {  	_ =	shalt  }
0x42: {  	_ =	shalt  }
0x43: {  	_ =	shalt  }
0x44: {  	_ =	shalt  }
0x45: {  	_ =	shalt  }
0x46: {  	_ =	shalt  }
0x47: {  	_ =	shalt  }
0x48: {  	_ =	shalt  }
0x49: {  	_ =	shalt  }
0x4a: {  	_ =	shalt  }
0x4b: {  	_ =	shalt  }
0x4c: {  	_ =	shalt  }
0x4d: {  	_ =	shalt  }
0x4e: {  	_ =	shalt  }
0x4f: {  	_ =	shalt  }
0x50: {  	_ =	shalt  }
0x51: {  	_ =	shalt  }
0x52: {  	_ =	shalt  }
0x53: {  	_ =	shalt  }
0x54: {  	_ =	shalt  }
0x55: {  	_ =	shalt  }
0x56: {  	_ =	shalt  }
0x57: {  	_ =	shalt  }
0x58: {  	_ =	shalt  }
0x59: {  	_ =	shalt  }
0x5a: {  	_ =	shalt  }
0x5b: {  	_ =	shalt  }
0x5c: {  	_ =	shalt  }
0x5d: {  	_ =	shalt  }
0x5e: {  	_ =	shalt  }
0x5f: {  	_ =	shalt  }
0x60: {  	_ =	shalt  }
0x61: {  	_ =	shalt  }
0x62: {  	_ =	shalt  }
0x63: {  	_ =	shalt  }
0x64: {  	_ =	shalt  }
0x65: {  	_ =	shalt  }
0x66: {  	_ =	shalt  }
0x67: {  	_ =	shalt  }
0x68: {  	_ =	shalt  }
0x69: {  	_ =	shalt  }
0x6a: {  	_ =	shalt  }
0x6b: {  	_ =	shalt  }
0x6c: {  	_ =	shalt  }
0x6d: {  	_ =	shalt  }
0x6e: {  	_ =	shalt  }
0x6f: {  	_ =	shalt  }
0x70: {  	_ =	shalt  }
0x71: {  	_ =	shalt  }
0x72: {  	_ =	shalt  }
0x73: {  	_ =	shalt  }
0x74: {  	_ =	shalt  }
0x75: {  	_ =	shalt  }
0x76: {  	_ =	shalt  }
0x77: {  	_ =	shalt  }
0x78: {  	_ =	shalt  }
0x79: {  	_ =	shalt  }
0x7a: {  	_ =	shalt  }
0x7b: {  	_ =	shalt  }
0x7c: {  	_ =	shalt  }
0x7d: {  	_ =	shalt  }
0x7e: {  	_ =	shalt  }
0x7f: {  	_ =	shalt  }
0x80: {  	_ =	shalt  }
0x81: {  	_ =	shalt  }
0x82: {  	_ =	shalt  }
0x83: {  	_ =	shalt  }
0x84: {  	_ =	shalt  }
0x85: {  	_ =	shalt  }
0x86: {  	_ =	shalt  }
0x87: {  	_ =	shalt  }
.Lfunc_end0:
.L_simem_size_0:
called_computation.1_lowered:
.L_overlay_start_0:
0x88: {  	s2 =	sld [smem:$0x3FD9]  }
0x89: {  	s3 =	sld [smem:$0x3FFE];
	_ =	sdelay $0x1  }
0x8a: {  	s1 =	srdreg.scid  }
0x8b: {  	s0 =	sand.u32 $0x1, s1  }
0x8c: {  	s14 =	sshll.u32 s0, $0xA;
	s2 =	sadd.s32 s3, s2  }
0x8d: {  	s2 =	sadd.s32 s2, s14  }
0x8e: {  	[smem:$0x3FA5] =	sst s2  }
0x8f: {  	_ = 	snop  }
0x90: {  	s2 =	sld [smem:$0x3FD0];
	_ =	sdelay $0x2  }
0x91: {  	s15 =	simm.s32 $0xB;
	s4 =	simm.s32 $0x10  }
0x92: {  	[smem:s4], [sflag:s15] =	dma.local [hbm:s2], $0x1  }
0x93: {  	_ =	swait.eq [sflag:s15], $0x1  }
0x94: {  	[sflag:s15] =	ssyncset.done $0x0  }
0x95: {  	[sflag:s15] =	ssyncadd.s32 $0xFFFFFFFF  }
0x96: {  	s16 =	sld [smem:$0x11];
	(tm) =	ssettm $0x1  }
0x97: {  	s17 =	sld [smem:$0x3FFB];
	_ =	sdelay $0x3  }
0x98: {  	_ =	strace s17  }
0x99: {  	s3 =	sld [smem:$0x3FFC];
	_ =	sdelay $0x3  }
0x9a: {  	_ =	strace s3  }
0x9b: {  	s3 =	sld [smem:$0x3FFD];
	_ =	sdelay $0x3  }
0x9c: {  	_ =	strace s3  }
0x9d: {  	_ =	strace $0x8FFFFFFF  }
0x9e: {  	s18 =	sld [smem:$0x3FDB];
	_ =	sdelay $0x1  }
0x9f: {  	s19 =	simm.s32 $_scs_section_size  }
0xa0: {  	s5 =	simm.s32 $_size__tile_overlayer_lowered;
	s6 =	simm.s32 $_tile_overlayer_lowered  }
0xa1: {  	s22 =	simm.s32 $0x1BFF;
	s21 =	sshll.u32 s6, $0x1;
	s3 =	sadd.s32 s19, s18  }
0xa2: {  	s7 =	simm.s32 $0x0;
	s20 =	sshll.u32 s5, $0x1;
	s5 =	sadd.s32 s21, s3  }
0xa3: {  	[timem:s7], [sflag:s22] =	dma.local [hbm:s5], s20  }
0xa4: {  	_ =	swait.ge [sflag:s22], s20  }
0xa5: {  	s4 =	ssub.s32 $0x0, s20;
	[sflag:s22] =	ssyncset.done $0x0  }
0xa6: {  	[sflag:s22] =	ssyncadd.s32 s4;
	_ =	sdelay $0x1  }
0xa7: {  	s23 =	simm.s32 $0x1B8B  }
0xa8: {  	_ =	swait.ge [sflag:s23], $0x1  }
0xa9: {  	[sflag:s23] =	ssyncset.done $0x0  }
0xaa: {  	s25 =	simm.s32 $0x1B8E;
	s24 =	sld [smem:$0x3FFE];
	[sflag:s23] =	ssyncadd.s32 $0xFFFFFFFF  }
0xab: {  	s26 =	simm.s32 $execute0_lowered;
	[smem:$0x3FD2] =	sst s25  }
0xac: {  	s5 =	sshll.u32 s26, $0x1;
	_ =	strace $0x80000049;
	[dreg:$0x1] =	wrdreg $0xFFFFFFFF  }
0xad: {  	s28 =	simm.s32 $_size_execute0_lowered;
	s3 =	sadd.s32 s3, s5;
	[dreg:$0x0] =	wrdreg $0x0  }
0xae: {  	s5 =	sshll.u32 s28, $0x1;
	[dreg:$0x2] =	wrdreg s3  }
0xaf: {  	[dreg:$0x3] =	wrdreg s5  }
0xb0: {  	[dreg:$0x4] =	wrdreg $0xC0  }
0xb1: {  	_ =	task [dreg:s7], $0x5FFFF  }
0xb2: {  	[dreg:$0x1] =	wrdreg $0xFFFFFFFF  }
0xb3: {  	[dreg:$0x0] =	wrdreg $0x60  }
0xb4: {  	[dreg:$0x2] =	wrdreg s24  }
0xb5: {  	[dreg:$0x3] =	wrdreg s16  }
0xb6: {  	[dreg:$0x4] =	wrdreg $0x9  }
0xb7: {  	_ =	task.clear_ibuf [dreg:s7], $0x5FFFF;
	_ =	strace $0x90000049  }
0xb8: {  	s29 =	simm.s32 $0x9;
	_ =	strace $0x8000004B  }
0xb9: {  	_ =	swait.ge [sflag:s29], $0x1  }
0xba: {  	[sflag:s29] =	ssyncadd.s32 $0xFFFFFFFF  }
0xbb: {  	_ =	strace $0x9000004B  }
0xbc: {  	_ =	sfence  }
0xbd: {  	s30 =	sld [smem:$0x0];
	_ =	sdelay $0x2  }
0xbe: {  	s31 =	sshll.u32 s1, $0xD;
	s1 =	sshrl.u32 s1, $0x2  }
0xbf: {  	s3 =	sand.u32 $0x4000, s31;
	s1 =	sadd.s32 s1, s30  }
0xc0: {  	s0 =	sor.u32 s3, s0;
	s1 =	sshll.u32 s1, $0x11  }
0xc1: {  	s0 =	sor.u32 s1, s0  }
0xc2: {  	s0 =	sadd.s32 $0x8F2B, s0  }
0xc3: {  	[sflag:s0] =	ssyncadd.remote.s32 $0x1  }
0xc4: {  	_ =	sfence.sel $0xFFFF  }
0xc5: {  	[dreg:$0x0] =	wrdreg $0xFFFFFFFF;
	(pc) =	sbr.abs _section_cstart, $3  }
0xc6: {  	[dreg:$0x1] =	wrdreg $0xFFFFFFFF  }
0xc7: {  	_ =	task.clear_ibuf [dreg:s7], $0x2FFFF;
	_ =	strace $0x9FFFFFFF  }
0xc8: {  	(tm) =	ssettm $0x7FFFFFFF  }
0xc9: {  	_ =	shalt  }
tec
execute0_lowered:
.L_overlay_start_1:
0x0: {  	(tag) =	ssettag $0x1  }
0x1: {  	s8 =	rddreg [dreg:$0x0]  }
0x2: {  	s2 =	rddreg [dreg:$0x1]  }
0x3: {  	s0 =	rddreg [dreg:$0x2];
	s1 =	stileid.u32  }
0x4: {  	s3 =	srdreg.scid;
	_ =	strace $0x8000004A;
	s4 =	simm.s32 $0x1  }
0x5: {  	s7 =	simm.s32 $0x1;
	s9 =	simm.s32 $0x1;
	s10 =	simm.s32 $0x3  }
0x6: {  	s13 =	simm.s32 $0x0;
	s5 =	sand.u32 $0x1, s3;
	s6 =	sshll.u32 s1, $0x1  }
0x7: {  	s12 =	simm.s32 $0x0;
	s3 =	sadd.s32 $0x1C400, s8;
	s5 =	sor.u32 s6, s5  }
.Ltmp0:
0x8: {  	[sflag:s4] =	ssyncpa.u1 $0x0;
	p0 =	slt.u32 s5, $0x9;
	(pc) =	sbr.rel .LBB2_1-.Ltmp0, $4  }
0x9: {  	s6 =	simm.s32 $0x2;
	s7 =	simm.s32 @!p0 $0x0;
	p0 =	sne.s32 s5, $0x8  }
0xa: {  	[sflag:s6] =	ssyncpa.u1 $0x0;
	s5 =	smul.u32 $0x1F40, s5;
	s9 =	simm.s32 @!p0 $0x0  }
0xb: {  	s8 =	sadd.s32 $0x26200, s8;
	[sflag:s10] =	ssyncpa.u1 $0x0;
	s7 =	sadd.s32 s9, s7  }
0xc: {  	vm0 =	vmmov $0xffff;
	s10 =	simm.s32 $0x0;
	s11 =	smov.u32 s5;
	s9 =	sadd.s32 $0x1, s7  }
.LBB2_4:
0xd: {  	v2 =	vnsel vm1, $0x0, v2  }
0xe: {  	vm1 =	vgt.s32 v0, $0x0;
	v2 =	vmin.u32 v2, $0x4E1FF  }
0xf: {  	v0 =	vnsel vm1, $0x0, v0  }
0x10: {  	v0 =	vmin.u32 v0, $0x4E1FF  }
0x11: {  	[tilespmem:s18], [sflag:$0x1] =	stream.indirect_vreg.gather [hbm4b:s3+s10], $0x1, v1, vm0, $0x4038;
	[tilespmem:$0x7D00] =	vst v63  }
0x12: {  	(ifvalue) =	ssetifvalue $0x7FFFFFFF  }
0x13: {  	[tilespmem:s15], [sflag:$0x1] =	stream.indirect_vreg.gather [hbm4b:s3+s10], $0x1, v2, vm0, $0x4038;
	[tilespmem:$0x7D00] =	vst v63  }
0x14: {  	s29 =	sadd.s32 $0x10, s15;
	(ifvalue) =	ssetifvalue $0x7FFFFFFF  }
0x15: {  	[tilespmem:s29], [sflag:$0x1] =	stream.indirect_vreg.gather [hbm4b:s3+s10], $0x1, v0, vm0, $0x4038;
	[tilespmem:$0x7D00] =	vst v63  }
0x16: {  	_ =	swait.ge [sflag:s4], $0x1F40  }
0x17: {  	s30 =	sshrl.u32 s13, $0x3;
	[sflag:s4] =	ssyncset.done $0x0  }
0x18: {  	s31 =	sand.u32 $0x7, s13;
	s15 =	sadd.s32 s2, s30;
	[sflag:s4] =	ssyncadd.s32 $0xFFFFE0C0  }
0x19: {  	[hbm4b:s15+s31] =	stream.linear.scatter [tilespmem:s14], [sflag:$0x3], $0x1F40, $0x38;
	[tilespmem:$0x7D00] =	vst v63  }
.LBB2_5:
0x1a: {  	s15 =	sadd.s32 $0x3E800, s11  }
0x1b: {  	p1 =	sgt.s32 s15, $0x4E1FF  }
0x1c: {  	s15 =	smov.u32 @p1 s5;
	p1 =	sne.s32 s12, s9  }
.Ltmp1:
0x1d: {  	p0 =	slt.u32 s12, $0x2;
	(pc) =	sbr.rel @!p1 .LBB2_6-.Ltmp1, $4  }
0x1e: {  	s14 =	simm.s32 @!p0 $0x3  }
0x1f: {  	_ =	swait.ge @!p0 [sflag:s14], $0x1F40  }
0x20: {  	s16 =	sadd.s32 $0x1, s12;
	s13 =	smov.u32 s11;
	[sflag:s14] =	ssyncset.done @!p0 $0x0  }
0x21: {  	s12 =	smov.u32 s16;
	s11 =	smov.u32 s15;
	[sflag:s14] =	ssyncadd.s32 @!p0 $0xFFFFE0C0  }
.LBB2_1:
0x22: {  	p0 =	sge.u32 s12, s7  }
0x23: {  	s14 =	sxor.u32 @!p0 $0x1, s12  }
0x24: {  	s14 =	smul.u32 @!p0 $0x7D00, s14  }
0x25: {  	s31 =	sadd.s32 $0xFFFFFFFF, s12;
	s15 =	sshrl.u32 @!p0 s11, $0x3  }
0x26: {  	s16 =	sand.u32 @!p0 $0x7, s11;
	s15 =	sadd.s32 @!p0 s8, s15;
	s14 =	sshra.s32 @!p0 s14, $0x2  }
0x27: {  	[tilespmem:s14], [sflag:$0x2] =	stream.linear.gather @!p0 [hbm4b:s15+s16], $0x1F40, $0x38;
	[tilespmem:$0x7D00] =	vst v63  }
0x28: {  	p0 =	sge.u32 s31, s7  }
.Ltmp2:
0x29: {  	_ = 	snop;
	(pc) =	sbr.rel @p0 .LBB2_5-.Ltmp2, $1  }
0x2a: {  	_ =	sdelay $0x3  }
0x2b: {  	s14 =	sand.u32 $0x1, s12  }
0x2c: {  	_ =	swait.ge [sflag:s6], $0x1F40;
	p0 =	seq.s32 s14, $0x1;
	s14 =	simm.s32 $0x1F40  }
0x2d: {  	[sflag:s6] =	ssyncset.done $0x0;
	s14 =	simm.s32 @!p0 $0x0  }
0x2e: {  	[sflag:s6] =	ssyncadd.s32 $0xFFFFE0C0;
	(ifvalue) =	ssetifvalue $0x7FFFFFFF;
	v0 =	vld.msk [tilespmem:s14+$0x0 ss:$0x1], $0xffff;
	_ =	sdelay $0x4  }
0x2f: {  	s15 =	sadd.s32 $0x10, s14;
	vm1 =	vgt.s32 v0, $0x0  }
0x30: {  	v2 =	vld.msk [tilespmem:s15+$0x0 ss:$0x1], $0xffff;
	v1 =	vnsel vm1, $0x0, v0  }
0x31: {  	v1 =	vmin.u32 v1, $0x4E1FF;
	_ =	sdelay $0x2  }
0x32: {  	s17 =	simm.s32 $0x20;
	s14 =	sadd.s32 $0x3E80, s14;
	s16 =	sadd.s32 $0x10, s15  }
0x33: {  	s15 =	sadd.s32 $0x10, s14;
	s18 =	smov.u32 s14;
	v0 =	vld.msk [tilespmem:s16+$0x0 ss:$0x1], $0xffff;
	vm1 =	vgt.s32 v2, $0x0;
	(ifvalue) =	ssetifvalue $0x7FFFFFFF  }
.LBB2_3:
0x34: {  	[tilespmem:s18], [sflag:$0x1] =	stream.indirect_vreg.gather [hbm4b:s3+s10], $0x1, v1, vm0, $0x4038;
	[tilespmem:$0x7D00] =	vst v63  }
0x35: {  	s17 =	sadd.s32 $0x10, s17  }
0x36: {  	v2 =	vnsel vm1, $0x0, v2;
	p0 =	slt.u32 s17, $0x1F30  }
.Ltmp3:
0x37: {  	s18 =	smov.u32 s15;
	v1 =	vmin.u32 v2, $0x4E1FF;
	(pc) =	sbr.rel @p0 .LBB2_3-.Ltmp3, $3  }
0x38: {  	_ =	sdelay $0x1  }
0x39: {  	s16 =	sadd.s32 $0x10, s16  }
0x3a: {  	vm1 =	vgt.s32 v0, $0x0;
	s15 =	sadd.s32 $0x10, s15;
	v2 =	vmov v0;
	(ifvalue) =	ssetifvalue $0x7FFFFFFF;
	v0 =	vld.msk [tilespmem:s16+$0x0 ss:$0x1], $0xffff  }
.Ltmp4:
0x3b: {  	_ = 	snop;
	(pc) =	sbr.rel .LBB2_4-.Ltmp4, $1  }
0x3c: {  	_ =	sdelay $0x3  }
.LBB2_6:
0x3d: {  	_ =	sfence.sel $0x180000  }
0x3e: {  	s2 =	simm.s32 $0x2;
	[bflag:$0x0] =	sbarrier.arrive $0xFFFF  }
0x3f: {  	s30 =	simm.s32 $0x3;
	[sflag:s2] =	ssyncpa.u1 $0x1  }
0x40: {  	s31 =	simm.s32 $0x1;
	[sflag:s30] =	ssyncpa.u1 $0x1  }
0x41: {  	[sflag:s31] =	ssyncpa.u1 $0x1  }
0x42: {  	p0 =	sne.s32 s1, $0x0;
	_ =	strace $0x9000004A  }
0x43: {  	s0 =	sadd.s32 @!p0 $0x100000, s0;
	[bflag:$0x2] =	sbarrier.arrive $0xFFFF  }
0x44: {  	[sflag:s0] =	ssyncadd.tile.s32 @!p0 $0x1;
	_ =	shalt  }
.Lfunc_end2:
_tile_overlayer_lowered:
.L_overlay_start_2:
0x45: {  	(tag) =	ssettag $0x2  }
0x46: {  	s0 =	rddreg [dreg:$0x0];
	s2 =	stileid.u32  }
0x47: {  	s1 =	rddreg [dreg:$0x1];
	p0 =	sne.s32 s2, $0x0  }
0x48: {  	s3 =	rddreg [dreg:$0x2];
	[bflag:$0x3] =	sbarrier.arrive $0xFFFF;
	s2 =	simm.s32 @!p0 $0x1C01  }
0x49: {  	[timem:s3], [sflag:s2] =	dma.local @!p0 [hbm:s0], s1  }
0x4a: {  	s0 =	simm.s32 @!p0 $0x1  }
0x4b: {  	_ =	swait.ge @!p0 [sflag:s0], s1  }
0x4c: {  	s1 =	ssub.s32 @!p0 $0x0, s1;
	[sflag:s0] =	ssyncset.done @!p0 $0x0  }
0x4d: {  	[sflag:s0] =	ssyncadd.s32 @!p0 s1  }
0x4e: {  	[bflag:$0x3] =	sbarrier.arrive $0xFFFF  }
0x4f: {  	_ =	shalt  }

// kernel: scatter_offload_async_start
scs
__scs_entry_jumppad:
0x0: {  	(pc) =	sbr.rel $0x88, $3  }
0x1: {  	(tag) =	ssettag $0x0;
	lr =	simm.s32 $0x1  }
0x2: {  	[smem:$0x3F7E] =	sst lr;
	_ =	strace $0xD0000000  }
0x3: {  	_ = 	snop  }
0x4: {  	_ = 	snop  }
0x5: {  	_ = 	snop  }
0x6: {  	_ = 	snop  }
0x7: {  	_ = 	snop  }
__scs_overlays_trampoline_lowered:
0x8: {  	[smem:$0x3F8D] =	sst s0  }
0x9: {  	[smem:$0x3F8E] =	sst s1  }
0xa: {  	[smem:$0x3F8F] =	sst s2  }
0xb: {  	[smem:$0x3F90] =	sst s3  }
0xc: {  	[smem:$0x3F91] =	sst s4  }
0xd: {  	[smem:$0x3F92] =	sst s5  }
0xe: {  	[smem:$0x3F93] =	sst s6  }
0xf: {  	[smem:$0x3F94] =	sst s7  }
0x10: {  	[smem:$0x3F95] =	sst s8  }
0x11: {  	[smem:$0x3F96] =	sst s9;
	s0 =	simm.s32 @!p0 $0x0  }
0x12: {  	s1 =	sld [smem:$0x3F7C];
	s0 =	simm.s32 @p0 $0x1  }
0x13: {  	[smem:$0x3F97] =	sst s0;
	s0 =	simm.s32 @!p1 $0x0  }
0x14: {  	s2 =	sld [smem:$0x3F7B];
	s0 =	simm.s32 @p1 $0x1  }
0x15: {  	[smem:$0x3F98] =	sst s0;
	s0 =	simm.s32 @!p2 $0x0  }
0x16: {  	s3 =	sld [smem:$0x3FDB];
	s0 =	simm.s32 @p2 $0x1  }
0x17: {  	s4 =	simm.s32 $0x1BF5;
	[smem:$0x3F9A] =	sst s0  }
0x18: {  	s0 =	sld [smem:$0x3F7D];
	_ =	swait.ge [sflag:s4], $0x0  }
0x19: {  	s7 =	sld [smem:$0x3F7E]  }
0x1a: {  	s8 =	sadd.s32 $0xFFFFE003, lr  }
0x1b: {  	s9 =	sadd.s32 $0xFFFFFEF7, lr;
	s5 =	simm.s32 $0xFFFFFFFF;
	p2 =	slt.u32 s8, $0xFFFFF086  }
0x1c: {  	p1 =	slt.u32 s9, $0xF7A;
	s5 =	simm.s32 @!p2 $0x0  }
0x1d: {  	s5 =	simm.s32 @p1 $0x1;
	p0 =	seq.s32 s7, s2  }
0x1e: {  	s7 =	smul.u32 @!p0 $0xF7A, s2;
	p2 =	seq.s32 @!p0 s5, $0x0  }
0x1f: {  	s9 =	smul.u32 $0xF7A, s1;
	s8 =	simm.s32 @!p0 $0x1BF5;
	p2 =	por !p2, p0  }
0x20: {  	[sflag:s8] =	ssyncset.s32 @!p0 $0xFFFFF086;
	s6 =	sadd.s32 @!p0 s3, s7;
	s7 =	simm.s32 @!p0 $0x108  }
0x21: {  	s3 =	sadd.s32 s3, s9;
	s6 =	sadd.s32 @!p0 $0x88, s6;
	s7 =	simm.s32 @p2 $0x1082  }
0x22: {  	[simem:s7], [sflag:s8] =	dma.local @!p0 [hbm:s6], $0xF7A  }
0x23: {  	s9 =	sor.u32 $0xD0000000, s2;
	s6 =	simm.s32 $0x108;
	_ =	swait.ge @!p0 [sflag:s8], $0x0  }
0x24: {  	s3 =	sadd.s32 $0x88, s3;
	s6 =	simm.s32 @!p1 $0x1082;
	[sflag:s4] =	ssyncset.s32 $0xFFFFF086  }
0x25: {  	[simem:s6], [sflag:s4] =	dma.local [hbm:s3], $0xF7A  }
0x26: {  	[smem:$0x3F7E] =	sst s1;
	(tag) =	ssettag s2;
	_ =	strace s9  }
0x27: {  	s1 =	sld [smem:$0x3F8E]  }
0x28: {  	s2 =	sld [smem:$0x3F8F]  }
0x29: {  	s4 =	sld [smem:$0x3F91]  }
0x2a: {  	p0 =	seq.s32 s5, $0x0;
	s5 =	sld [smem:$0x3F92]  }
0x2b: {  	s6 =	sld [smem:$0x3F93]  }
0x2c: {  	s7 =	sld [smem:$0x3F94]  }
0x2d: {  	s3 =	simm.s32 $0x108;
	s8 =	sld [smem:$0x3F95]  }
0x2e: {  	s3 =	simm.s32 @!p0 $0x1082;
	s9 =	sld [smem:$0x3F96]  }
0x2f: {  	lr =	sadd.s32 s0, s3;
	s0 =	sld [smem:$0x3F8D]  }
0x30: {  	s3 =	sld [smem:$0x3F90]  }
0x31: {  	[smem:$0x3F99] =	sst s10  }
0x32: {  	s10 =	sld [smem:$0x3F97];
	_ =	sdelay $0x3  }
0x33: {  	p0 =	seq.s32 s10, $0x1;
	s10 =	sld [smem:$0x3F99];
	_ =	sdelay $0x3  }
0x34: {  	[smem:$0x3F99] =	sst s10  }
0x35: {  	s10 =	sld [smem:$0x3F98];
	_ =	sdelay $0x3  }
0x36: {  	p1 =	seq.s32 s10, $0x1;
	s10 =	sld [smem:$0x3F99];
	_ =	sdelay $0x3  }
0x37: {  	[smem:$0x3F99] =	sst s10  }
0x38: {  	s10 =	sld [smem:$0x3F9A]  }
0x39: {  	_ = 	snop;
	(pc) =	sbr.ind lr, $3  }
0x3a: {  	_ = 	snop  }
0x3b: {  	_ = 	snop  }
0x3c: {  	p2 =	seq.s32 s10, $0x1;
	s10 =	sld [smem:$0x3F99]  }
0x3d: {  	_ =	shalt  }
0x3e: {  	_ =	shalt  }
0x3f: {  	_ =	shalt  }
0x40: {  	_ =	shalt  }
0x41: {  	_ =	shalt  }
0x42: {  	_ =	shalt  }
0x43: {  	_ =	shalt  }
0x44: {  	_ =	shalt  }
0x45: {  	_ =	shalt  }
0x46: {  	_ =	shalt  }
0x47: {  	_ =	shalt  }
0x48: {  	_ =	shalt  }
0x49: {  	_ =	shalt  }
0x4a: {  	_ =	shalt  }
0x4b: {  	_ =	shalt  }
0x4c: {  	_ =	shalt  }
0x4d: {  	_ =	shalt  }
0x4e: {  	_ =	shalt  }
0x4f: {  	_ =	shalt  }
0x50: {  	_ =	shalt  }
0x51: {  	_ =	shalt  }
0x52: {  	_ =	shalt  }
0x53: {  	_ =	shalt  }
0x54: {  	_ =	shalt  }
0x55: {  	_ =	shalt  }
0x56: {  	_ =	shalt  }
0x57: {  	_ =	shalt  }
0x58: {  	_ =	shalt  }
0x59: {  	_ =	shalt  }
0x5a: {  	_ =	shalt  }
0x5b: {  	_ =	shalt  }
0x5c: {  	_ =	shalt  }
0x5d: {  	_ =	shalt  }
0x5e: {  	_ =	shalt  }
0x5f: {  	_ =	shalt  }
0x60: {  	_ =	shalt  }
0x61: {  	_ =	shalt  }
0x62: {  	_ =	shalt  }
0x63: {  	_ =	shalt  }
0x64: {  	_ =	shalt  }
0x65: {  	_ =	shalt  }
0x66: {  	_ =	shalt  }
0x67: {  	_ =	shalt  }
0x68: {  	_ =	shalt  }
0x69: {  	_ =	shalt  }
0x6a: {  	_ =	shalt  }
0x6b: {  	_ =	shalt  }
0x6c: {  	_ =	shalt  }
0x6d: {  	_ =	shalt  }
0x6e: {  	_ =	shalt  }
0x6f: {  	_ =	shalt  }
0x70: {  	_ =	shalt  }
0x71: {  	_ =	shalt  }
0x72: {  	_ =	shalt  }
0x73: {  	_ =	shalt  }
0x74: {  	_ =	shalt  }
0x75: {  	_ =	shalt  }
0x76: {  	_ =	shalt  }
0x77: {  	_ =	shalt  }
0x78: {  	_ =	shalt  }
0x79: {  	_ =	shalt  }
0x7a: {  	_ =	shalt  }
0x7b: {  	_ =	shalt  }
0x7c: {  	_ =	shalt  }
0x7d: {  	_ =	shalt  }
0x7e: {  	_ =	shalt  }
0x7f: {  	_ =	shalt  }
0x80: {  	_ =	shalt  }
0x81: {  	_ =	shalt  }
0x82: {  	_ =	shalt  }
0x83: {  	_ =	shalt  }
0x84: {  	_ =	shalt  }
0x85: {  	_ =	shalt  }
0x86: {  	_ =	shalt  }
0x87: {  	_ =	shalt  }
.Lfunc_end0:
.L_simem_size_0:
called_computation_lowered:
.L_overlay_start_0:
0x88: {  	s0 =	sld [smem:$0x3FD9]  }
0x89: {  	s1 =	sld [smem:$0x3FFE];
	_ =	sdelay $0x3  }
0x8a: {  	s0 =	sadd.s32 s1, s0  }
0x8b: {  	[smem:$0x3FA5] =	sst s0  }
0x8c: {  	_ = 	snop  }
0x8d: {  	s0 =	sld [smem:$0x3FD0];
	_ =	sdelay $0x2  }
0x8e: {  	s13 =	simm.s32 $0xB;
	s2 =	simm.s32 $0x10  }
0x8f: {  	[smem:s2], [sflag:s13] =	dma.local [hbm:s0], $0x1  }
0x90: {  	_ =	swait.eq [sflag:s13], $0x1  }
0x91: {  	[sflag:s13] =	ssyncset.done $0x0  }
0x92: {  	s14 =	sld [smem:$0x10];
	[sflag:s13] =	ssyncadd.s32 $0xFFFFFFFF  }
0x93: {  	s15 =	sld [smem:$0x11];
	(tm) =	ssettm $0x1  }
0x94: {  	s16 =	sld [smem:$0x3FFB];
	_ =	sdelay $0x3  }
0x95: {  	_ =	strace s16  }
0x96: {  	s2 =	sld [smem:$0x3FFC];
	_ =	sdelay $0x3  }
0x97: {  	_ =	strace s2  }
0x98: {  	s2 =	sld [smem:$0x3FFD];
	_ =	sdelay $0x3  }
0x99: {  	_ =	strace s2  }
0x9a: {  	_ =	strace $0x8FFFFFFF  }
0x9b: {  	s17 =	sld [smem:$0x3FDB];
	_ =	sdelay $0x1  }
0x9c: {  	s3 =	simm.s32 $_scs_section_size  }
0x9d: {  	s4 =	simm.s32 $_size__tile_overlayer_lowered;
	s5 =	simm.s32 $_tile_overlayer_lowered  }
0x9e: {  	s20 =	simm.s32 $0x1BFF;
	s19 =	sshll.u32 s5, $0x1;
	s2 =	sadd.s32 s3, s17  }
0x9f: {  	s6 =	simm.s32 $0x0;
	s18 =	sshll.u32 s4, $0x1;
	s4 =	sadd.s32 s19, s2  }
0xa0: {  	[timem:s6], [sflag:s20] =	dma.local [hbm:s4], s18  }
0xa1: {  	_ =	swait.ge [sflag:s20], s18  }
0xa2: {  	s3 =	ssub.s32 $0x0, s18;
	[sflag:s20] =	ssyncset.done $0x0  }
0xa3: {  	[sflag:s20] =	ssyncadd.s32 s3;
	_ =	sdelay $0x1  }
0xa4: {  	s21 =	simm.s32 $0x1B8B  }
0xa5: {  	_ =	swait.ge [sflag:s21], $0x1  }
0xa6: {  	[sflag:s21] =	ssyncset.done $0x0  }
0xa7: {  	s23 =	simm.s32 $0x1B8E;
	s22 =	sld [smem:$0x3FFE];
	[sflag:s21] =	ssyncadd.s32 $0xFFFFFFFF  }
0xa8: {  	s24 =	simm.s32 $execute0_lowered;
	[smem:$0x3FD2] =	sst s23  }
0xa9: {  	s4 =	sshll.u32 s24, $0x1;
	_ =	strace $0x80000046;
	[dreg:$0x1] =	wrdreg $0xFFFFFFFF  }
0xaa: {  	s25 =	simm.s32 $_size_execute0_lowered;
	s2 =	sadd.s32 s2, s4;
	[dreg:$0x0] =	wrdreg $0x0  }
0xab: {  	s4 =	sshll.u32 s25, $0x1;
	[dreg:$0x2] =	wrdreg s2  }
0xac: {  	[dreg:$0x3] =	wrdreg s4  }
0xad: {  	[dreg:$0x4] =	wrdreg $0xC0  }
0xae: {  	_ =	task [dreg:s6], $0x5FFFF  }
0xaf: {  	[dreg:$0x1] =	wrdreg $0xFFFFFFFF  }
0xb0: {  	[dreg:$0x0] =	wrdreg $0x60  }
0xb1: {  	[dreg:$0x2] =	wrdreg s22  }
0xb2: {  	[dreg:$0x3] =	wrdreg s15  }
0xb3: {  	[dreg:$0x4] =	wrdreg s14  }
0xb4: {  	[dreg:$0x5] =	wrdreg $0x9  }
0xb5: {  	_ =	task.clear_ibuf [dreg:s6], $0x6FFFF;
	_ =	strace $0x90000046  }
0xb6: {  	s26 =	simm.s32 $0x9;
	_ =	strace $0x80000048  }
0xb7: {  	_ =	swait.ge [sflag:s26], $0x1  }
0xb8: {  	[sflag:s26] =	ssyncadd.s32 $0xFFFFFFFF  }
0xb9: {  	_ =	strace $0x90000048  }
0xba: {  	_ =	sfence  }
0xbb: {  	s28 =	sld [smem:$0x0];
	_ =	sdelay $0x1  }
0xbc: {  	s29 =	srdreg.scid  }
0xbd: {  	s30 =	sshll.u32 s29, $0xD;
	s31 =	sshrl.u32 s29, $0x2  }
0xbe: {  	s1 =	sand.u32 $0x1, s29;
	s2 =	sand.u32 $0x4000, s30;
	s0 =	sadd.s32 s31, s28  }
0xbf: {  	s1 =	sor.u32 s2, s1;
	s0 =	sshll.u32 s0, $0x11  }
0xc0: {  	s0 =	sor.u32 s0, s1  }
0xc1: {  	s0 =	sadd.s32 $0x8F2B, s0  }
0xc2: {  	[sflag:s0] =	ssyncadd.remote.s32 $0x1  }
0xc3: {  	_ =	sfence.sel $0xFFFF  }
0xc4: {  	[dreg:$0x0] =	wrdreg $0xFFFFFFFF;
	(pc) =	sbr.abs _section_cstart, $3  }
0xc5: {  	[dreg:$0x1] =	wrdreg $0xFFFFFFFF  }
0xc6: {  	_ =	task.clear_ibuf [dreg:s6], $0x2FFFF;
	_ =	strace $0x9FFFFFFF  }
0xc7: {  	(tm) =	ssettm $0x7FFFFFFF  }
tec
execute0_lowered:
.L_overlay_start_1:
0x0: {  	(tag) =	ssettag $0x1  }
0x1: {  	s1 =	rddreg [dreg:$0x0]  }
0x2: {  	s2 =	rddreg [dreg:$0x1]  }
0x3: {  	s3 =	rddreg [dreg:$0x2]  }
0x4: {  	s0 =	rddreg [dreg:$0x3];
	_ =	strace $0x80000047  }
0x5: {  	s5 =	stileid.u32;
	s6 =	simm.s32 $0x3E;
	s1 =	sadd.s32 $0x3EC00, s1  }
0x6: {  	p0 =	sne.s32 s5, $0x0;
	[sflag:s6] =	ssyncpa.u1 $0x0;
	s29 =	smin.u32 s5, $0x8  }
0x7: {  	s30 =	sshll.u32 s5, $0x1;
	s4 =	simm.s32 @!p0 $0x1C3E;
	s7 =	simm.s32 @!p0 $0x0  }
0x8: {  	[spmem:s7], [sflag:s4] =	dma.local @!p0 [hbm:s1], $0x10  }
0x9: {  	s4 =	sadd.s32 s29, s30  }
0xa: {  	p1 =	slt.u32 s5, $0x8;
	s5 =	simm.s32 $0x5DC0;
	s4 =	smul.u32 $0x1F40, s4  }
0xb: {  	s5 =	simm.s32 @!p1 $0x3E80  }
0xc: {  	s5 =	sadd.s32 s5, s4  }
0xd: {  	s5 =	smin.u32 s5, $0x4E200  }
0xe: {  	s8 =	ssub.s32 s5, s4  }
0xf: {  	p1 =	sgt.s32 s8, $0x0  }
0x10: {  	s8 =	simm.s32 @!p1 $0x0  }
0x11: {  	s7 =	simm.s32 @!p0 $0x3E;
	s31 =	smulhi.u32 $0x10624DD3, s8  }
0x12: {  	_ =	swait.ge @!p0 [sflag:s7], $0x10  }
0x13: {  	[sflag:s7] =	ssyncset.done @!p0 $0x0;
	s9 =	sshrl.u32 s31, $0x9  }
0x14: {  	[sflag:s7] =	ssyncadd.s32 @!p0 $0xFFFFFFF0;
	s10 =	smul.u32 $0x1F40, s9  }
.Ltmp0:
0x15: {  	s11 =	simm.s32 $0x0;
	[bflag:$0x0] =	sbarrier.arrive $0xFFFF;
	(pc) =	sbr.rel .LBB2_1-.Ltmp0, $4  }
0x16: {  	s7 =	simm.s32 $0x2;
	[sflag:s6] =	ssyncpa.u1 $0x1;
	s6 =	simm.s32 $0x1  }
0x17: {  	[sflag:s6] =	ssyncpa.u1 $0x0;
	p1 =	sne.s32 s8, s10;
	s8 =	simm.s32 $0x1  }
0x18: {  	(ifvalue) =	ssetifvalue $0x80;
	[sflag:s7] =	ssyncpa.u1 $0x0;
	s8 =	simm.s32 @!p1 $0x0  }
0x19: {  	vm0 =	vmmov $0xffff;
	s10 =	smov.u32 s4;
	s8 =	sadd.s32 s8, s9;
	s9 =	simm.s32 $0x0  }
.LBB2_5:
0x1a: {  	p2 =	sne.s32 s11, s8  }
.Ltmp1:
0x1b: {  	_ = 	snop;
	(pc) =	sbr.rel @!p2 .LBB2_6-.Ltmp1, $4  }
0x1c: {  	_ = 	snop  }
0x1d: {  	s12 =	sadd.s32 $0x1F40, s10  }
0x1e: {  	s10 =	smov.u32 s4;
	s13 =	sadd.s32 $0x1, s11;
	p1 =	slt.s32 s12, s5  }
0x1f: {  	s11 =	smov.u32 s13;
	s10 =	smov.u32 @p1 s12  }
.LBB2_1:
0x20: {  	p1 =	sge.u32 s11, s8  }
0x21: {  	s12 =	sxor.u32 @!p1 $0xFFFFFFFF, s11  }
0x22: {  	s12 =	sand.u32 @!p1 $0x1, s12  }
0x23: {  	s12 =	smul.u32 @!p1 $0x1F40, s12  }
0x24: {  	s13 =	sshrl.u32 @!p1 s10, $0x3  }
0x25: {  	s16 =	sand.u32 @!p1 $0x7, s10;
	s14 =	sadd.s32 @!p1 s2, s13;
	s15 =	sor.u32 @!p1 $0x8, s12  }
0x26: {  	[tilespmem:s15], [sflag:$0x2] =	stream.linear.gather @!p1 [hbm4b:s14+s16], $0x1F40, $0x38;
	[tilespmem:$0x7D08] =	vst v63  }
0x27: {  	s13 =	sadd.s32 @!p1 s3, s13;
	s12 =	sadd.s32 @!p1 $0x3E88, s12  }
0x28: {  	[tilespmem:s12], [sflag:$0x2] =	stream.linear.gather @!p1 [hbm4b:s13+s16], $0x1F40, $0x38;
	[tilespmem:$0x7D08] =	vst v63  }
0x29: {  	p1 =	seq.s32 s11, $0x0  }
.Ltmp2:
0x2a: {  	_ = 	snop;
	(pc) =	sbr.rel @p1 .LBB2_5-.Ltmp2, $1  }
0x2b: {  	_ =	sdelay $0x3  }
0x2c: {  	s12 =	sand.u32 $0x1, s11  }
0x2d: {  	_ =	swait.ge [sflag:s7], $0x3E80;
	p1 =	seq.s32 s12, $0x1;
	s12 =	simm.s32 $0x1F40  }
0x2e: {  	[sflag:s7] =	ssyncset.done $0x0;
	s12 =	simm.s32 @!p1 $0x0  }
0x2f: {  	[sflag:s7] =	ssyncadd.s32 $0xFFFFC180;
	s14 =	sor.u32 $0x8, s12  }
0x30: {  	v0 =	vld.msk [tilespmem:s14+$0x0 ss:$0x1], $0xffff;
	_ =	sdelay $0x4  }
0x31: {  	v0 =	vmin.u32 v0, $0x80;
	_ =	sdelay $0x3  }
0x32: {  	s13 =	simm.s32 $0x0;
	s12 =	sadd.s32 $0x3E88, s12;
	s14 =	sadd.s32 $0x10, s14  }
0x33: {  	[spmem:s9] =	stream.indirect_vreg.scatter.add.s32 [tilespmem:s12], [sflag:$0x1], $0x1, v0, vm0, $0x4038;
	[tilespmem:$0x7D08] =	vst v63  }
.LBB2_3:
0x34: {  	v0 =	vld.msk [tilespmem:s14+$0x0 ss:$0x1], $0xffff;
	s13 =	sadd.s32 $0x10, s13  }
0x35: {  	p1 =	slt.u32 s13, $0x1F30;
	_ =	sdelay $0x4  }
0x36: {  	v0 =	vmin.u32 v0, $0x80  }
.Ltmp3:
0x37: {  	(pc) =	sbr.rel @p1 .LBB2_3-.Ltmp3, $3  }
0x38: {  	_ =	sdelay $0x1  }
0x39: {  	s14 =	sadd.s32 $0x10, s14;
	s12 =	sadd.s32 $0x10, s12  }
0x3a: {  	[spmem:s9] =	stream.indirect_vreg.scatter.add.s32 [tilespmem:s12], [sflag:$0x1], $0x1, v0, vm0, $0x4038;
	[tilespmem:$0x7D08] =	vst v63  }
.Ltmp4:
0x3b: {  	(pc) =	sbr.rel .LBB2_5-.Ltmp4, $4  }
0x3c: {  	_ = 	snop  }
0x3d: {  	_ =	swait.ge [sflag:s6], $0x1F40  }
0x3e: {  	[sflag:s6] =	ssyncset.done $0x0  }
0x3f: {  	[sflag:s6] =	ssyncadd.s32 $0xFFFFE0C0  }
.LBB2_6:
0x40: {  	_ =	sfence.sel $0x180000  }
0x41: {  	s2 =	simm.s32 $0x2;
	[bflag:$0x0] =	sbarrier.arrive $0xFFFF  }
0x42: {  	s30 =	simm.s32 $0x1;
	[sflag:s2] =	ssyncpa.u1 $0x1  }
0x43: {  	[sflag:s30] =	ssyncpa.u1 $0x1  }
0x44: {  	_ =	sfence.stream.spmem  }
0x45: {  	s31 =	simm.s32 $0x3D;
	[bflag:$0x0] =	sbarrier.arrive $0xFFFF  }
0x46: {  	s2 =	simm.s32 @p0 $0x3D;
	[sflag:s31] =	ssyncpa.u1 $0x0  }
0x47: {  	[sflag:s2] =	ssyncpa.u1 @p0 $0x1  }
0x48: {  	[bflag:$0x0] =	sbarrier.arrive @p0 $0xFFFF  }
0x49: {  	_ =	strace @p0 $0x90000047  }
0x4a: {  	s3 =	simm.s32 @!p0 $0x1C3D;
	s2 =	simm.s32 @!p0 $0x0;
	[bflag:$0x2] =	sbarrier.arrive @p0 $0xFFFF  }
0x4b: {  	[hbm:s1], [sflag:s3] =	dma.local @!p0 [spmem:s2], $0x10  }
0x4c: {  	s1 =	simm.s32 @!p0 $0x3D  }
0x4d: {  	_ =	swait.ge @!p0 [sflag:s1], $0x10  }
0x4e: {  	[sflag:s1] =	ssyncset.done @!p0 $0x0  }
0x4f: {  	[sflag:s1] =	ssyncadd.s32 @!p0 $0xFFFFFFF0  }
0x50: {  	[sflag:s1] =	ssyncpa.u1 @!p0 $0x1  }
0x51: {  	[bflag:$0x0] =	sbarrier.arrive @!p0 $0xFFFF  }
0x52: {  	_ =	strace @!p0 $0x90000047  }
0x53: {  	s0 =	sadd.s32 @!p0 $0x100000, s0;
	[bflag:$0x2] =	sbarrier.arrive @!p0 $0xFFFF  }
0x54: {  	[sflag:s0] =	ssyncadd.tile.s32 @!p0 $0x1;
	_ =	shalt  }
.Lfunc_end2:
_tile_overlayer_lowered:
.L_overlay_start_2:
0x55: {  	(tag) =	ssettag $0x2  }
0x56: {  	s0 =	rddreg [dreg:$0x0];
	s2 =	stileid.u32  }
0x57: {  	s1 =	rddreg [dreg:$0x1];
	p0 =	sne.s32 s2, $0x0  }
0x58: {  	s3 =	rddreg [dreg:$0x2];
	[bflag:$0x3] =	sbarrier.arrive $0xFFFF;
	s2 =	simm.s32 @!p0 $0x1C01  }
0x59: {  	[timem:s3], [sflag:s2] =	dma.local @!p0 [hbm:s0], s1  }
0x5a: {  	s0 =	simm.s32 @!p0 $0x1  }
0x5b: {  	_ =	swait.ge @!p0 [sflag:s0], s1  }
0x5c: {  	s1 =	ssub.s32 @!p0 $0x0, s1;
	[sflag:s0] =	ssyncset.done @!p0 $0x0  }
0x5d: {  	[sflag:s0] =	ssyncadd.s32 @!p0 s1  }
0x5e: {  	[bflag:$0x3] =	sbarrier.arrive $0xFFFF  }
0x5f: {  	_ =	shalt  }

</sc_bundles>
